<compile_context>
chip_gen: v7x
topology: tpu7x:2x2x1
jax: 0.10.2.dev20260603
libtpu: 0.0.44.dev20260713+nightly
codegen_flags: <defaults>
</compile_context>

<pallas_src>
import functools

import jax
import jax.numpy as jnp
from jax import lax
from jax.experimental import pallas as pl
from jax.experimental.pallas import tpu as pltpu
from jax.experimental.pallas import tpu_sc as plsc

_NC = 2
_NS = 16
_NW = _NC * _NS
_LANES = 16


def _make_dispatch(rows, h, tpw):
    mesh = plsc.VectorSubcoreMesh(core_axis_name="c", subcore_axis_name="s")

    @functools.partial(
        pl.kernel,
        out_type=jax.ShapeDtypeStruct((rows, h), jnp.float32),
        mesh=mesh,
        scratch_types=[
            pltpu.VMEM((tpw,), jnp.int32),
            pltpu.VMEM((tpw,), jnp.int32),
            pltpu.VMEM((tpw, h), jnp.float32),
            pltpu.SemaphoreType.DMA,
            pltpu.SemaphoreType.DMA,
            pltpu.SemaphoreType.DMA,
        ],
    )
    def dispatch(x_hbm, idx0_hbm, idx1_hbm, xs_hbm,
                 idx0_v, idx1_v, buf, semg, sem0, sem1):
        wid = lax.axis_index("s") * _NC + lax.axis_index("c")
        base = wid * tpw
        pltpu.sync_copy(idx0_hbm.at[wid], idx0_v)
        pltpu.sync_copy(idx1_hbm.at[wid], idx1_v)
        pltpu.async_copy(x_hbm.at[pl.ds(base, tpw)], buf, semg).wait()
        cp0 = pltpu.async_copy(buf, xs_hbm.at[idx0_v], sem0)
        cp1 = pltpu.async_copy(buf, xs_hbm.at[idx1_v], sem1)
        cp0.wait()
        cp1.wait()

    return dispatch


def _make_combine(t_all, h, tpw, ncht, ct):
    mesh = plsc.VectorSubcoreMesh(core_axis_name="c", subcore_axis_name="s")

    @functools.partial(
        pl.kernel,
        out_type=jax.ShapeDtypeStruct((t_all, h), jnp.float32),
        mesh=mesh,
        scratch_types=(
            [pltpu.VMEM((ct,), jnp.int32) for _ in range(2 * ncht)]
            + [pltpu.VMEM((ct, h), jnp.float32) for _ in range(2 * ncht)]
            + [pltpu.VMEM((ct, _LANES), jnp.float32) for _ in range(2 * ncht)]
            + [pltpu.SemaphoreType.DMA for _ in range(2 * ncht)]
            + [pltpu.SemaphoreType.DMA]
        ),
    )
    def combine(ys_hbm, idx0_hbm, idx1_hbm, rw0_hbm, rw1_hbm, out_hbm, *sc):
        idxs = sc[:2 * ncht]
        bufs = sc[2 * ncht:4 * ncht]
        rwbufs = sc[4 * ncht:6 * ncht]
        gsems = sc[6 * ncht:8 * ncht]
        ssem = sc[8 * ncht]
        wid = lax.axis_index("s") * _NC + lax.axis_index("c")
        nsl = h // _LANES
        for c in range(ncht):
            sl_c = pl.ds(c * ct, ct)
            pltpu.sync_copy(idx0_hbm.at[wid, sl_c], idxs[2 * c])
            pltpu.sync_copy(idx1_hbm.at[wid, sl_c], idxs[2 * c + 1])
            pltpu.sync_copy(rw0_hbm.at[wid, sl_c], rwbufs[2 * c])
            pltpu.sync_copy(rw1_hbm.at[wid, sl_c], rwbufs[2 * c + 1])
        cps = [pltpu.async_copy(ys_hbm.at[idxs[j]], bufs[j], gsems[j])
               for j in range(2 * ncht)]
        sts = []
        for c in range(ncht):
            r0_v, r1_v = bufs[2 * c], bufs[2 * c + 1]
            w0_v, w1_v = rwbufs[2 * c], rwbufs[2 * c + 1]
            cps[2 * c].wait()
            cps[2 * c + 1].wait()

            def row_fma(i, _, r0_v=r0_v, r1_v=r1_v, w0_v=w0_v, w1_v=w1_v):
                w0 = w0_v[i]
                w1 = w1_v[i]
                for s in range(nsl):
                    sl = pl.ds(s * _LANES, _LANES)
                    r0_v[i, sl] = r0_v[i, sl] * w0 + r1_v[i, sl] * w1
                return 0

            lax.fori_loop(0, ct, row_fma, 0)
            sts.append(pltpu.async_copy(
                r0_v, out_hbm.at[pl.ds(wid * tpw + c * ct, ct)], ssem))
        for st in sts:
            st.wait()

    return combine


def _make_routing(e, blk, rs_rows, rs_cols):

    def body(sel_ref, idx0_ref, idx1_ref, meta_ref):
        selr = sel_ref[...]
        ii = lax.broadcasted_iota(jnp.int32, (rs_cols, rs_cols), 0)
        jj = lax.broadcasted_iota(jnp.int32, (rs_cols, rs_cols), 1)
        tri_incl = (ii <= jj).astype(jnp.bfloat16)
        i2 = lax.broadcasted_iota(jnp.int32, (rs_rows, rs_rows), 0)
        j2 = lax.broadcasted_iota(jnp.int32, (rs_rows, rs_rows), 1)
        tri_excl = (j2 < i2).astype(jnp.bfloat16)

        pos = jnp.zeros((rs_rows, rs_cols), jnp.float32)
        po = jnp.int32(0)
        po_blk = []
        for ei in range(e):
            m = selr == ei
            mf = m.astype(jnp.bfloat16)
            pc = lax.dot_general(mf, tri_incl, (((1,), (0,)), ((), ())),
                                 preferred_element_type=jnp.float32)
            rs = pc[:, rs_cols - 1:rs_cols]
            ro = lax.dot_general(tri_excl, rs.astype(jnp.bfloat16),
                                 (((1,), (0,)), ((), ())),
                                 preferred_element_type=jnp.float32)
            rank = pc + ro - 1.0
            pos = jnp.where(m, rank + po.astype(jnp.float32), pos)
            cnt = jnp.sum(m.astype(jnp.int32))
            po_blk.append(po // blk)
            po = po + ((cnt + blk - 1) // blk) * blk
        nvalid = po // blk
        hc = rs_cols // 2
        sj = lax.broadcasted_iota(jnp.int32, (rs_cols, hc), 0)
        sp = lax.broadcasted_iota(jnp.int32, (rs_cols, hc), 1)
        s0 = (sj == 2 * sp).astype(jnp.float32)
        s1 = (sj == 2 * sp + 1).astype(jnp.float32)
        idx0_ref[...] = lax.dot_general(
            pos, s0, (((1,), (0,)), ((), ())),
            precision=lax.Precision.HIGHEST,
            preferred_element_type=jnp.float32).astype(jnp.int32)
        idx1_ref[...] = lax.dot_general(
            pos, s1, (((1,), (0,)), ((), ())),
            precision=lax.Precision.HIGHEST,
            preferred_element_type=jnp.float32).astype(jnp.int32)

        lane = lax.broadcasted_iota(jnp.int32, (1, 128), 1)
        bev = jnp.full((1, 128), -1, jnp.int32)
        be_last = jnp.int32(-1)
        for ei in range(e):
            bev = bev + (lane >= po_blk[ei]).astype(jnp.int32)
            be_last = be_last + (nvalid - 1 >= po_blk[ei]).astype(jnp.int32)
        bev = jnp.minimum(bev, be_last)
        bov = jnp.minimum(lane, nvalid - 1)
        bvv = (lane < nvalid).astype(jnp.int32)
        zrow = jnp.zeros((1, 128), jnp.int32)
        meta_ref[...] = jnp.concatenate(
            [bev, bov, bvv] + [zrow] * 5, axis=0)

    def call(sel_r, interpret=False):
        hc = rs_cols // 2
        return pl.pallas_call(
            body,
            grid=(1,),
            in_specs=[pl.BlockSpec((rs_rows, rs_cols), lambda i: (0, 0))],
            out_specs=[
                pl.BlockSpec((rs_rows, hc), lambda i: (0, 0)),
                pl.BlockSpec((rs_rows, hc), lambda i: (0, 0)),
                pl.BlockSpec((8, 128), lambda i: (0, 0)),
            ],
            out_shape=[
                jax.ShapeDtypeStruct((rs_rows, hc), jnp.int32),
                jax.ShapeDtypeStruct((rs_rows, hc), jnp.int32),
                jax.ShapeDtypeStruct((8, 128), jnp.int32),
            ],
            interpret=interpret,
        )(sel_r)

    return call


def _gmm_body(be_ref, bo_ref, bv_ref, xs_ref, gw_ref, uw_ref, dw_ref,
              ys_ref):
    b = pl.program_id(0)

    @pl.when(bv_ref[b] == 1)
    def _():
        xb = xs_ref[...]
        g = lax.dot_general(xb, gw_ref[0], (((1,), (1,)), ((), ())),
                            preferred_element_type=jnp.float32)
        u = lax.dot_general(xb, uw_ref[0], (((1,), (1,)), ((), ())),
                            preferred_element_type=jnp.float32)
        hact = (g * jax.nn.sigmoid(g)) * u
        ys_ref[...] = lax.dot_general(hact, dw_ref[0],
                                      (((1,), (0,)), ((), ())),
                                      preferred_element_type=jnp.float32)


def _grouped_ffn(be, bo, bv, xs, gw, uw, dw, blk, nb, rows):
    e, i_dim, h = gw.shape
    grid_spec = pltpu.PrefetchScalarGridSpec(
        num_scalar_prefetch=3,
        grid=(nb,),
        in_specs=[
            pl.BlockSpec((blk, h), lambda b, be, bo, bv: (bo[b], 0)),
            pl.BlockSpec((1, i_dim, h), lambda b, be, bo, bv: (be[b], 0, 0)),
            pl.BlockSpec((1, i_dim, h), lambda b, be, bo, bv: (be[b], 0, 0)),
            pl.BlockSpec((1, i_dim, h), lambda b, be, bo, bv: (be[b], 0, 0)),
        ],
        out_specs=pl.BlockSpec((blk, h), lambda b, be, bo, bv: (bo[b], 0)),
    )
    return pl.pallas_call(
        _gmm_body,
        grid_spec=grid_spec,
        out_shape=jax.ShapeDtypeStruct((rows, h), jnp.float32),
    )(be, bo, bv, xs, gw, uw, dw)


def kernel(gathered_experts_out_buf, x, output_sample, input_sample,
           selected_experts, routing_weights, num_select_experts,
           selected_experts_middle, routing_weights_middle, block_size,
           num_experts, num_experts_per_tok, use_grouped_topk,
           num_expert_group, topk_group, gate_weights, up_weights,
           down_weights):
    t_all, h = x.shape
    e, i_dim, _ = gate_weights.shape
    k = selected_experts.shape[1]
    r = t_all * k

    blk = 256
    nb = r // blk + e
    rows = nb * blk

    rs_cols = 128
    rs_rows = r // rs_cols
    sel_r = selected_experts.astype(jnp.int32).reshape(rs_rows, rs_cols)
    routing = _make_routing(e, blk, rs_rows, rs_cols)
    idx0, idx1, meta = routing(sel_r)
    be, bo, bv = meta[0], meta[1], meta[2]

    tpw = t_all // _NW
    dispatch = _make_dispatch(rows, h, tpw)
    xs = dispatch(x, idx0, idx1)

    ys = _grouped_ffn(be, bo, bv, xs, gate_weights, up_weights,
                      down_weights, blk, nb, rows)

    ncht = 2
    ct = tpw // ncht
    rwb = jnp.broadcast_to(routing_weights.astype(jnp.float32)[:, :, None],
                           (t_all, k, _LANES))
    rw0 = rwb[:, 0].reshape(_NW, tpw, _LANES)
    rw1 = rwb[:, 1].reshape(_NW, tpw, _LANES)
    combine = _make_combine(t_all, h, tpw, ncht, ct)
    return combine(ys, idx0, idx1, rw0, rw1)

# --- scband reference (transcript-rebuilt; emitter-appended) ---
"""Pipeline reference for scband-soph-deepseek-v3-fused-mo-e-79224966742832 (READ-ONLY COPY).

The authoritative reference and input builder live on the scoring server;
editing this copy changes nothing except your own understanding.
"""

import jax, jax.numpy as jnp
import numpy as np

T = 2048
K = 2
E = 8
H = 768
I = 512


def setup_inputs(seed: int = 0) -> dict:
    key = jax.random.key(seed)
    ks = jax.random.split(key, 10)
    inp = {}
    inp["gathered_experts_out_buf"] = jnp.zeros((T * K, H), jnp.float32)
    inp["x"] = jax.random.normal(ks[0], (T, H), jnp.float32)
    inp["output_sample"] = jnp.zeros((T, H), jnp.float32)
    inp["input_sample"] = jnp.zeros((T * K, H), jnp.float32)
    inp["selected_experts"] = jax.random.randint(ks[1], (T, K), 0, E)
    rw = jax.random.uniform(ks[2], (T, K), jnp.float32)
    inp["routing_weights"] = rw / jnp.sum(rw, axis=-1, keepdims=True)
    inp["num_select_experts"] = K
    inp["selected_experts_middle"] = jax.random.randint(ks[3], (T, K), 0, E)
    rwm = jax.random.uniform(ks[4], (T, K), jnp.float32)
    inp["routing_weights_middle"] = rwm / jnp.sum(rwm, axis=-1, keepdims=True)
    inp["block_size"] = 128
    inp["num_experts"] = E
    inp["num_experts_per_tok"] = K
    inp["use_grouped_topk"] = 0
    inp["num_expert_group"] = 4
    inp["topk_group"] = 2
    # Dequantized expert weights (scales folded in). down_weights stored
    # pre-transposed to [E, intermediate, hidden] as in process_weights_after_loading.
    inp["gate_weights"] = jax.random.normal(ks[5], (E, I, H), jnp.float32) * 0.02
    inp["up_weights"] = jax.random.normal(ks[6], (E, I, H), jnp.float32) * 0.02
    inp["down_weights"] = jax.random.normal(ks[7], (E, I, H), jnp.float32) * 0.02
    return inp


def reference(gathered_experts_out_buf, x, output_sample, input_sample,
              selected_experts, routing_weights, num_select_experts,
              selected_experts_middle, routing_weights_middle, block_size,
              num_experts, num_experts_per_tok, use_grouped_topk,
              num_expert_group, topk_group, gate_weights, up_weights,
              down_weights):
    # Fused MoE expert computation: each token's hidden state is processed by
    # its top-k selected experts (SwiGLU FFN) and combined with routing weights.
    En = gate_weights.shape[0]
    onehot = jax.nn.one_hot(selected_experts, En, dtype=x.dtype)  # [T, K, E]
    combine = jnp.einsum('tke,tk->te', onehot, routing_weights)   # [T, E]
    out = jnp.zeros_like(x)
    for e in range(En):
        g = x @ gate_weights[e].T            # [T, I]
        u = x @ up_weights[e].T              # [T, I]
        h = jax.nn.silu(g) * u               # SwiGLU activation
        y = h @ down_weights[e]              # [T, H] (down stored [I, H])
        out = out + combine[:, e:e + 1] * y
    return out

if __name__ == "__main__":
    import jax
    _d = setup_inputs()
    print(jax.jit(kernel)(*tuple(_d.values())))

</pallas_src>

<mosaic_0001>
#map = affine_map<(d0, d1) -> (0, 0)>
module attributes {stable_mosaic.version = 14 : i64} {
  func.func @dispatch(%arg0: i32, %arg1: i32, %arg2: memref<2048x768xf32, #tpu.memory_space<hbm>>, %arg3: memref<32x64xi32, #tpu.memory_space<hbm>>, %arg4: memref<32x64xi32, #tpu.memory_space<hbm>>, %arg5: memref<6144x768xf32, #tpu.memory_space<hbm>>, %arg6: memref<64xi32, #tpu.memory_space<vmem>>, %arg7: memref<64xi32, #tpu.memory_space<vmem>>, %arg8: memref<64x768xf32, #tpu.memory_space<vmem>>, %arg9: memref<!tpu.dma_semaphore, #tpu.memory_space<semaphore_mem>>, %arg10: memref<!tpu.dma_semaphore, #tpu.memory_space<semaphore_mem>>, %arg11: memref<!tpu.dma_semaphore, #tpu.memory_space<semaphore_mem>>) attributes {dimension_semantics = [#tpu.dimension_semantics<core_parallel>, #tpu.dimension_semantics<subcore_parallel>], iteration_bounds = array<i64: 2, 16>, scalar_prefetch = 0 : i64, scratch_operands = 6 : i64, tpu.core_type = #tpu.core_type<sc_vector_subcore>, window_params = [{transform_indices = #map}, {transform_indices = #map}, {transform_indices = #map}, {transform_indices = #map}]} {
    %mul3A = arith.constant 2 : i32
    %mul3A_0 = arith.muli %arg1, %mul3A : i32
    %add3A = arith.addi %mul3A_0, %arg0 : i32
    %mul3A_1 = arith.constant 64 : i32
    %mul3A_2 = arith.muli %add3A, %mul3A_1 : i32
    "tpu.region"() ({
      %run_scoped3A = tpu.sem_alloc : memref<!tpu.dma_semaphore, #tpu.memory_space<semaphore_mem>>
      %dma_start3A_21 = arith.constant 0 : i32
      %dma_start3A_22 = tpu.memref_slice %arg3[%add3A, %dma_start3A_21] : memref<32x64xi32, #tpu.memory_space<hbm>> -> memref<1x64xi32, #tpu.memory_space<hbm>>
      %dma_start3A_23 = tpu.memref_squeeze %dma_start3A_22 : memref<1x64xi32, #tpu.memory_space<hbm>> -> memref<64xi32, #tpu.memory_space<hbm>>
      %dma_start3A_24 = arith.constant 0 : i32
      %dma_start3A_25 = tpu.memref_slice %arg3[%add3A, %dma_start3A_24] : memref<32x64xi32, #tpu.memory_space<hbm>> -> memref<1x64xi32, #tpu.memory_space<hbm>>
      %dma_start3A_26 = tpu.memref_squeeze %dma_start3A_25 : memref<1x64xi32, #tpu.memory_space<hbm>> -> memref<64xi32, #tpu.memory_space<hbm>>
      tpu.enqueue_dma source(%dma_start3A_26 : memref<64xi32, #tpu.memory_space<hbm>>) target(%arg6 : memref<64xi32, #tpu.memory_space<vmem>>) target_semaphore(%run_scoped3A : memref<!tpu.dma_semaphore, #tpu.memory_space<semaphore_mem>>)
      %dma_wait3A_27 = arith.constant 0 : i32
      %dma_wait3A_28 = tpu.memref_slice %arg3[%add3A, %dma_wait3A_27] : memref<32x64xi32, #tpu.memory_space<hbm>> -> memref<1x64xi32, #tpu.memory_space<hbm>>
      %dma_wait3A_29 = tpu.memref_squeeze %dma_wait3A_28 : memref<1x64xi32, #tpu.memory_space<hbm>> -> memref<64xi32, #tpu.memory_space<hbm>>
      %dma_wait3A_30 = arith.constant 0 : i32
      %dma_wait3A_31 = tpu.memref_slice %arg3[%add3A, %dma_wait3A_30] : memref<32x64xi32, #tpu.memory_space<hbm>> -> memref<1x64xi32, #tpu.memory_space<hbm>>
      %dma_wait3A_32 = tpu.memref_squeeze %dma_wait3A_31 : memref<1x64xi32, #tpu.memory_space<hbm>> -> memref<64xi32, #tpu.memory_space<hbm>>
      tpu.wait_dma2 semaphore(%run_scoped3A : memref<!tpu.dma_semaphore, #tpu.memory_space<semaphore_mem>>) src(%dma_wait3A_32 : memref<64xi32, #tpu.memory_space<hbm>>) dst(%arg6 : memref<64xi32, #tpu.memory_space<vmem>>)
      tpu.yield
    }) : () -> ()
    "tpu.region"() ({
      %run_scoped3A = tpu.sem_alloc : memref<!tpu.dma_semaphore, #tpu.memory_space<semaphore_mem>>
      %dma_start3A_21 = arith.constant 0 : i32
      %dma_start3A_22 = tpu.memref_slice %arg4[%add3A, %dma_start3A_21] : memref<32x64xi32, #tpu.memory_space<hbm>> -> memref<1x64xi32, #tpu.memory_space<hbm>>
      %dma_start3A_23 = tpu.memref_squeeze %dma_start3A_22 : memref<1x64xi32, #tpu.memory_space<hbm>> -> memref<64xi32, #tpu.memory_space<hbm>>
      %dma_start3A_24 = arith.constant 0 : i32
      %dma_start3A_25 = tpu.memref_slice %arg4[%add3A, %dma_start3A_24] : memref<32x64xi32, #tpu.memory_space<hbm>> -> memref<1x64xi32, #tpu.memory_space<hbm>>
      %dma_start3A_26 = tpu.memref_squeeze %dma_start3A_25 : memref<1x64xi32, #tpu.memory_space<hbm>> -> memref<64xi32, #tpu.memory_space<hbm>>
      tpu.enqueue_dma source(%dma_start3A_26 : memref<64xi32, #tpu.memory_space<hbm>>) target(%arg7 : memref<64xi32, #tpu.memory_space<vmem>>) target_semaphore(%run_scoped3A : memref<!tpu.dma_semaphore, #tpu.memory_space<semaphore_mem>>)
      %dma_wait3A_27 = arith.constant 0 : i32
      %dma_wait3A_28 = tpu.memref_slice %arg4[%add3A, %dma_wait3A_27] : memref<32x64xi32, #tpu.memory_space<hbm>> -> memref<1x64xi32, #tpu.memory_space<hbm>>
      %dma_wait3A_29 = tpu.memref_squeeze %dma_wait3A_28 : memref<1x64xi32, #tpu.memory_space<hbm>> -> memref<64xi32, #tpu.memory_space<hbm>>
      %dma_wait3A_30 = arith.constant 0 : i32
      %dma_wait3A_31 = tpu.memref_slice %arg4[%add3A, %dma_wait3A_30] : memref<32x64xi32, #tpu.memory_space<hbm>> -> memref<1x64xi32, #tpu.memory_space<hbm>>
      %dma_wait3A_32 = tpu.memref_squeeze %dma_wait3A_31 : memref<1x64xi32, #tpu.memory_space<hbm>> -> memref<64xi32, #tpu.memory_space<hbm>>
      tpu.wait_dma2 semaphore(%run_scoped3A : memref<!tpu.dma_semaphore, #tpu.memory_space<semaphore_mem>>) src(%dma_wait3A_32 : memref<64xi32, #tpu.memory_space<hbm>>) dst(%arg7 : memref<64xi32, #tpu.memory_space<vmem>>)
      tpu.yield
    }) : () -> ()
    %dma_start3A = arith.constant 0 : i32
    %dma_start3A_3 = tpu.memref_slice %arg2[%mul3A_2, %dma_start3A] : memref<2048x768xf32, #tpu.memory_space<hbm>> -> memref<64x768xf32, #tpu.memory_space<hbm>>
    %dma_start3A_4 = arith.constant 0 : i32
    %dma_start3A_5 = tpu.memref_slice %arg2[%mul3A_2, %dma_start3A_4] : memref<2048x768xf32, #tpu.memory_space<hbm>> -> memref<64x768xf32, #tpu.memory_space<hbm>>
    tpu.enqueue_dma source(%dma_start3A_5 : memref<64x768xf32, #tpu.memory_space<hbm>>) target(%arg8 : memref<64x768xf32, #tpu.memory_space<vmem>>) target_semaphore(%arg9 : memref<!tpu.dma_semaphore, #tpu.memory_space<semaphore_mem>>)
    %dma_wait3A = arith.constant 0 : i32
    %dma_wait3A_6 = tpu.memref_slice %arg2[%mul3A_2, %dma_wait3A] : memref<2048x768xf32, #tpu.memory_space<hbm>> -> memref<64x768xf32, #tpu.memory_space<hbm>>
    %dma_wait3A_7 = arith.constant 0 : i32
    %dma_wait3A_8 = tpu.memref_slice %arg2[%mul3A_2, %dma_wait3A_7] : memref<2048x768xf32, #tpu.memory_space<hbm>> -> memref<64x768xf32, #tpu.memory_space<hbm>>
    tpu.wait_dma2 semaphore(%arg9 : memref<!tpu.dma_semaphore, #tpu.memory_space<semaphore_mem>>) src(%dma_wait3A_8 : memref<64x768xf32, #tpu.memory_space<hbm>>) dst(%arg8 : memref<64x768xf32, #tpu.memory_space<vmem>>)
    %dma_start3A_9 = arith.constant 0 : i32
    %dma_start3A_10 = arith.constant 0 : i32
    %dma_start3A_11 = tpu.memref_slice %arg5[%dma_start3A_9, %dma_start3A_10] : memref<6144x768xf32, #tpu.memory_space<hbm>> -> memref<6144x768xf32, #tpu.memory_space<hbm>>
    tpu.enqueue_indirect_dma source(%arg8 : memref<64x768xf32, #tpu.memory_space<vmem>>) target(%dma_start3A_11 : memref<6144x768xf32, #tpu.memory_space<hbm>>) offsets(%arg6 : memref<64xi32, #tpu.memory_space<vmem>>) semaphore(%arg10 : memref<!tpu.dma_semaphore, #tpu.memory_space<semaphore_mem>>)
    %dma_start3A_12 = arith.constant 0 : i32
    %dma_start3A_13 = arith.constant 0 : i32
    %dma_start3A_14 = tpu.memref_slice %arg5[%dma_start3A_12, %dma_start3A_13] : memref<6144x768xf32, #tpu.memory_space<hbm>> -> memref<6144x768xf32, #tpu.memory_space<hbm>>
    tpu.enqueue_indirect_dma source(%arg8 : memref<64x768xf32, #tpu.memory_space<vmem>>) target(%dma_start3A_14 : memref<6144x768xf32, #tpu.memory_space<hbm>>) offsets(%arg7 : memref<64xi32, #tpu.memory_space<vmem>>) semaphore(%arg11 : memref<!tpu.dma_semaphore, #tpu.memory_space<semaphore_mem>>)
    %dma_wait3A_15 = arith.constant 0 : i32
    %dma_wait3A_16 = arith.constant 0 : i32
    %dma_wait3A_17 = tpu.memref_slice %arg5[%dma_wait3A_15, %dma_wait3A_16] : memref<6144x768xf32, #tpu.memory_space<hbm>> -> memref<6144x768xf32, #tpu.memory_space<hbm>>
    tpu.wait_indirect_dma semaphore(%arg10 : memref<!tpu.dma_semaphore, #tpu.memory_space<semaphore_mem>>) src(%arg8 : memref<64x768xf32, #tpu.memory_space<vmem>>) dst(%dma_wait3A_17 : memref<6144x768xf32, #tpu.memory_space<hbm>>)
    %dma_wait3A_18 = arith.constant 0 : i32
    %dma_wait3A_19 = arith.constant 0 : i32
    %dma_wait3A_20 = tpu.memref_slice %arg5[%dma_wait3A_18, %dma_wait3A_19] : memref<6144x768xf32, #tpu.memory_space<hbm>> -> memref<6144x768xf32, #tpu.memory_space<hbm>>
    tpu.wait_indirect_dma semaphore(%arg11 : memref<!tpu.dma_semaphore, #tpu.memory_space<semaphore_mem>>) src(%arg8 : memref<64x768xf32, #tpu.memory_space<vmem>>) dst(%dma_wait3A_20 : memref<6144x768xf32, #tpu.memory_space<hbm>>)
    return
  }
}

#map = affine_map<(d0, d1) -> (0, 0)>
#map1 = affine_map<(d0, d1) -> (0, 0, 0)>
module attributes {stable_mosaic.version = 14 : i64} {
  func.func @combine(%arg0: i32, %arg1: i32, %arg2: memref<6144x768xf32, #tpu.memory_space<hbm>>, %arg3: memref<32x64xi32, #tpu.memory_space<hbm>>, %arg4: memref<32x64xi32, #tpu.memory_space<hbm>>, %arg5: memref<32x64x16xf32, #tpu.memory_space<hbm>>, %arg6: memref<32x64x16xf32, #tpu.memory_space<hbm>>, %arg7: memref<2048x768xf32, #tpu.memory_space<hbm>>, %arg8: memref<32xi32, #tpu.memory_space<vmem>>, %arg9: memref<32xi32, #tpu.memory_space<vmem>>, %arg10: memref<32xi32, #tpu.memory_space<vmem>>, %arg11: memref<32xi32, #tpu.memory_space<vmem>>, %arg12: memref<32x768xf32, #tpu.memory_space<vmem>>, %arg13: memref<32x768xf32, #tpu.memory_space<vmem>>, %arg14: memref<32x768xf32, #tpu.memory_space<vmem>>, %arg15: memref<32x768xf32, #tpu.memory_space<vmem>>, %arg16: memref<32x16xf32, #tpu.memory_space<vmem>>, %arg17: memref<32x16xf32, #tpu.memory_space<vmem>>, %arg18: memref<32x16xf32, #tpu.memory_space<vmem>>, %arg19: memref<32x16xf32, #tpu.memory_space<vmem>>, %arg20: memref<!tpu.dma_semaphore, #tpu.memory_space<semaphore_mem>>, %arg21: memref<!tpu.dma_semaphore, #tpu.memory_space<semaphore_mem>>, %arg22: memref<!tpu.dma_semaphore, #tpu.memory_space<semaphore_mem>>, %arg23: memref<!tpu.dma_semaphore, #tpu.memory_space<semaphore_mem>>, %arg24: memref<!tpu.dma_semaphore, #tpu.memory_space<semaphore_mem>>) attributes {dimension_semantics = [#tpu.dimension_semantics<core_parallel>, #tpu.dimension_semantics<subcore_parallel>], iteration_bounds = array<i64: 2, 16>, scalar_prefetch = 0 : i64, scratch_operands = 17 : i64, tpu.core_type = #tpu.core_type<sc_vector_subcore>, window_params = [{transform_indices = #map}, {transform_indices = #map}, {transform_indices = #map}, {transform_indices = #map1}, {transform_indices = #map1}, {transform_indices = #map}]} {
    %mul3A = arith.constant 2 : i32
    %mul3A_0 = arith.muli %arg1, %mul3A : i32
    %add3A = arith.addi %mul3A_0, %arg0 : i32
    "tpu.region"() ({
      %run_scoped3A = tpu.sem_alloc : memref<!tpu.dma_semaphore, #tpu.memory_space<semaphore_mem>>
      %dma_start3A_60 = arith.constant 0 : i32
      %dma_start3A_61 = tpu.memref_slice %arg3[%add3A, %dma_start3A_60] : memref<32x64xi32, #tpu.memory_space<hbm>> -> memref<1x32xi32, #tpu.memory_space<hbm>>
      %dma_start3A_62 = tpu.memref_squeeze %dma_start3A_61 : memref<1x32xi32, #tpu.memory_space<hbm>> -> memref<32xi32, #tpu.memory_space<hbm>>
      %dma_start3A_63 = arith.constant 0 : i32
      %dma_start3A_64 = tpu.memref_slice %arg3[%add3A, %dma_start3A_63] : memref<32x64xi32, #tpu.memory_space<hbm>> -> memref<1x32xi32, #tpu.memory_space<hbm>>
      %dma_start3A_65 = tpu.memref_squeeze %dma_start3A_64 : memref<1x32xi32, #tpu.memory_space<hbm>> -> memref<32xi32, #tpu.memory_space<hbm>>
      tpu.enqueue_dma source(%dma_start3A_65 : memref<32xi32, #tpu.memory_space<hbm>>) target(%arg8 : memref<32xi32, #tpu.memory_space<vmem>>) target_semaphore(%run_scoped3A : memref<!tpu.dma_semaphore, #tpu.memory_space<semaphore_mem>>)
      %dma_wait3A_66 = arith.constant 0 : i32
      %dma_wait3A_67 = tpu.memref_slice %arg3[%add3A, %dma_wait3A_66] : memref<32x64xi32, #tpu.memory_space<hbm>> -> memref<1x32xi32, #tpu.memory_space<hbm>>
      %dma_wait3A_68 = tpu.memref_squeeze %dma_wait3A_67 : memref<1x32xi32, #tpu.memory_space<hbm>> -> memref<32xi32, #tpu.memory_space<hbm>>
      %dma_wait3A_69 = arith.constant 0 : i32
      %dma_wait3A_70 = tpu.memref_slice %arg3[%add3A, %dma_wait3A_69] : memref<32x64xi32, #tpu.memory_space<hbm>> -> memref<1x32xi32, #tpu.memory_space<hbm>>
      %dma_wait3A_71 = tpu.memref_squeeze %dma_wait3A_70 : memref<1x32xi32, #tpu.memory_space<hbm>> -> memref<32xi32, #tpu.memory_space<hbm>>
      tpu.wait_dma2 semaphore(%run_scoped3A : memref<!tpu.dma_semaphore, #tpu.memory_space<semaphore_mem>>) src(%dma_wait3A_71 : memref<32xi32, #tpu.memory_space<hbm>>) dst(%arg8 : memref<32xi32, #tpu.memory_space<vmem>>)
      tpu.yield
    }) : () -> ()
    "tpu.region"() ({
      %run_scoped3A = tpu.sem_alloc : memref<!tpu.dma_semaphore, #tpu.memory_space<semaphore_mem>>
      %dma_start3A_60 = arith.constant 0 : i32
      %dma_start3A_61 = tpu.memref_slice %arg4[%add3A, %dma_start3A_60] : memref<32x64xi32, #tpu.memory_space<hbm>> -> memref<1x32xi32, #tpu.memory_space<hbm>>
      %dma_start3A_62 = tpu.memref_squeeze %dma_start3A_61 : memref<1x32xi32, #tpu.memory_space<hbm>> -> memref<32xi32, #tpu.memory_space<hbm>>
      %dma_start3A_63 = arith.constant 0 : i32
      %dma_start3A_64 = tpu.memref_slice %arg4[%add3A, %dma_start3A_63] : memref<32x64xi32, #tpu.memory_space<hbm>> -> memref<1x32xi32, #tpu.memory_space<hbm>>
      %dma_start3A_65 = tpu.memref_squeeze %dma_start3A_64 : memref<1x32xi32, #tpu.memory_space<hbm>> -> memref<32xi32, #tpu.memory_space<hbm>>
      tpu.enqueue_dma source(%dma_start3A_65 : memref<32xi32, #tpu.memory_space<hbm>>) target(%arg9 : memref<32xi32, #tpu.memory_space<vmem>>) target_semaphore(%run_scoped3A : memref<!tpu.dma_semaphore, #tpu.memory_space<semaphore_mem>>)
      %dma_wait3A_66 = arith.constant 0 : i32
      %dma_wait3A_67 = tpu.memref_slice %arg4[%add3A, %dma_wait3A_66] : memref<32x64xi32, #tpu.memory_space<hbm>> -> memref<1x32xi32, #tpu.memory_space<hbm>>
      %dma_wait3A_68 = tpu.memref_squeeze %dma_wait3A_67 : memref<1x32xi32, #tpu.memory_space<hbm>> -> memref<32xi32, #tpu.memory_space<hbm>>
      %dma_wait3A_69 = arith.constant 0 : i32
      %dma_wait3A_70 = tpu.memref_slice %arg4[%add3A, %dma_wait3A_69] : memref<32x64xi32, #tpu.memory_space<hbm>> -> memref<1x32xi32, #tpu.memory_space<hbm>>
      %dma_wait3A_71 = tpu.memref_squeeze %dma_wait3A_70 : memref<1x32xi32, #tpu.memory_space<hbm>> -> memref<32xi32, #tpu.memory_space<hbm>>
      tpu.wait_dma2 semaphore(%run_scoped3A : memref<!tpu.dma_semaphore, #tpu.memory_space<semaphore_mem>>) src(%dma_wait3A_71 : memref<32xi32, #tpu.memory_space<hbm>>) dst(%arg9 : memref<32xi32, #tpu.memory_space<vmem>>)
      tpu.yield
    }) : () -> ()
    "tpu.region"() ({
      %run_scoped3A = tpu.sem_alloc : memref<!tpu.dma_semaphore, #tpu.memory_space<semaphore_mem>>
      %dma_start3A_60 = arith.constant 0 : i32
      %dma_start3A_61 = arith.constant 0 : i32
      %dma_start3A_62 = tpu.memref_slice %arg5[%add3A, %dma_start3A_60, %dma_start3A_61] : memref<32x64x16xf32, #tpu.memory_space<hbm>> -> memref<1x32x16xf32, #tpu.memory_space<hbm>>
      %dma_start3A_63 = tpu.memref_squeeze %dma_start3A_62 : memref<1x32x16xf32, #tpu.memory_space<hbm>> -> memref<32x16xf32, #tpu.memory_space<hbm>>
      %dma_start3A_64 = arith.constant 0 : i32
      %dma_start3A_65 = arith.constant 0 : i32
      %dma_start3A_66 = tpu.memref_slice %arg5[%add3A, %dma_start3A_64, %dma_start3A_65] : memref<32x64x16xf32, #tpu.memory_space<hbm>> -> memref<1x32x16xf32, #tpu.memory_space<hbm>>
      %dma_start3A_67 = tpu.memref_squeeze %dma_start3A_66 : memref<1x32x16xf32, #tpu.memory_space<hbm>> -> memref<32x16xf32, #tpu.memory_space<hbm>>
      tpu.enqueue_dma source(%dma_start3A_67 : memref<32x16xf32, #tpu.memory_space<hbm>>) target(%arg16 : memref<32x16xf32, #tpu.memory_space<vmem>>) target_semaphore(%run_scoped3A : memref<!tpu.dma_semaphore, #tpu.memory_space<semaphore_mem>>)
      %dma_wait3A_68 = arith.constant 0 : i32
      %dma_wait3A_69 = arith.constant 0 : i32
      %dma_wait3A_70 = tpu.memref_slice %arg5[%add3A, %dma_wait3A_68, %dma_wait3A_69] : memref<32x64x16xf32, #tpu.memory_space<hbm>> -> memref<1x32x16xf32, #tpu.memory_space<hbm>>
      %dma_wait3A_71 = tpu.memref_squeeze %dma_wait3A_70 : memref<1x32x16xf32, #tpu.memory_space<hbm>> -> memref<32x16xf32, #tpu.memory_space<hbm>>
      %dma_wait3A_72 = arith.constant 0 : i32
      %dma_wait3A_73 = arith.constant 0 : i32
      %dma_wait3A_74 = tpu.memref_slice %arg5[%add3A, %dma_wait3A_72, %dma_wait3A_73] : memref<32x64x16xf32, #tpu.memory_space<hbm>> -> memref<1x32x16xf32, #tpu.memory_space<hbm>>
      %dma_wait3A_75 = tpu.memref_squeeze %dma_wait3A_74 : memref<1x32x16xf32, #tpu.memory_space<hbm>> -> memref<32x16xf32, #tpu.memory_space<hbm>>
      tpu.wait_dma2 semaphore(%run_scoped3A : memref<!tpu.dma_semaphore, #tpu.memory_space<semaphore_mem>>) src(%dma_wait3A_75 : memref<32x16xf32, #tpu.memory_space<hbm>>) dst(%arg16 : memref<32x16xf32, #tpu.memory_space<vmem>>)
      tpu.yield
    }) : () -> ()
    "tpu.region"() ({
      %run_scoped3A = tpu.sem_alloc : memref<!tpu.dma_semaphore, #tpu.memory_space<semaphore_mem>>
      %dma_start3A_60 = arith.constant 0 : i32
      %dma_start3A_61 = arith.constant 0 : i32
      %dma_start3A_62 = tpu.memref_slice %arg6[%add3A, %dma_start3A_60, %dma_start3A_61] : memref<32x64x16xf32, #tpu.memory_space<hbm>> -> memref<1x32x16xf32, #tpu.memory_space<hbm>>
      %dma_start3A_63 = tpu.memref_squeeze %dma_start3A_62 : memref<1x32x16xf32, #tpu.memory_space<hbm>> -> memref<32x16xf32, #tpu.memory_space<hbm>>
      %dma_start3A_64 = arith.constant 0 : i32
      %dma_start3A_65 = arith.constant 0 : i32
      %dma_start3A_66 = tpu.memref_slice %arg6[%add3A, %dma_start3A_64, %dma_start3A_65] : memref<32x64x16xf32, #tpu.memory_space<hbm>> -> memref<1x32x16xf32, #tpu.memory_space<hbm>>
      %dma_start3A_67 = tpu.memref_squeeze %dma_start3A_66 : memref<1x32x16xf32, #tpu.memory_space<hbm>> -> memref<32x16xf32, #tpu.memory_space<hbm>>
      tpu.enqueue_dma source(%dma_start3A_67 : memref<32x16xf32, #tpu.memory_space<hbm>>) target(%arg17 : memref<32x16xf32, #tpu.memory_space<vmem>>) target_semaphore(%run_scoped3A : memref<!tpu.dma_semaphore, #tpu.memory_space<semaphore_mem>>)
      %dma_wait3A_68 = arith.constant 0 : i32
      %dma_wait3A_69 = arith.constant 0 : i32
      %dma_wait3A_70 = tpu.memref_slice %arg6[%add3A, %dma_wait3A_68, %dma_wait3A_69] : memref<32x64x16xf32, #tpu.memory_space<hbm>> -> memref<1x32x16xf32, #tpu.memory_space<hbm>>
      %dma_wait3A_71 = tpu.memref_squeeze %dma_wait3A_70 : memref<1x32x16xf32, #tpu.memory_space<hbm>> -> memref<32x16xf32, #tpu.memory_space<hbm>>
      %dma_wait3A_72 = arith.constant 0 : i32
      %dma_wait3A_73 = arith.constant 0 : i32
      %dma_wait3A_74 = tpu.memref_slice %arg6[%add3A, %dma_wait3A_72, %dma_wait3A_73] : memref<32x64x16xf32, #tpu.memory_space<hbm>> -> memref<1x32x16xf32, #tpu.memory_space<hbm>>
      %dma_wait3A_75 = tpu.memref_squeeze %dma_wait3A_74 : memref<1x32x16xf32, #tpu.memory_space<hbm>> -> memref<32x16xf32, #tpu.memory_space<hbm>>
      tpu.wait_dma2 semaphore(%run_scoped3A : memref<!tpu.dma_semaphore, #tpu.memory_space<semaphore_mem>>) src(%dma_wait3A_75 : memref<32x16xf32, #tpu.memory_space<hbm>>) dst(%arg17 : memref<32x16xf32, #tpu.memory_space<vmem>>)
      tpu.yield
    }) : () -> ()
    "tpu.region"() ({
      %run_scoped3A = tpu.sem_alloc : memref<!tpu.dma_semaphore, #tpu.memory_space<semaphore_mem>>
      %dma_start3A_60 = arith.constant 32 : i32
      %dma_start3A_61 = tpu.memref_slice %arg3[%add3A, %dma_start3A_60] : memref<32x64xi32, #tpu.memory_space<hbm>> -> memref<1x32xi32, #tpu.memory_space<hbm>>
      %dma_start3A_62 = tpu.memref_squeeze %dma_start3A_61 : memref<1x32xi32, #tpu.memory_space<hbm>> -> memref<32xi32, #tpu.memory_space<hbm>>
      %dma_start3A_63 = arith.constant 32 : i32
      %dma_start3A_64 = tpu.memref_slice %arg3[%add3A, %dma_start3A_63] : memref<32x64xi32, #tpu.memory_space<hbm>> -> memref<1x32xi32, #tpu.memory_space<hbm>>
      %dma_start3A_65 = tpu.memref_squeeze %dma_start3A_64 : memref<1x32xi32, #tpu.memory_space<hbm>> -> memref<32xi32, #tpu.memory_space<hbm>>
      tpu.enqueue_dma source(%dma_start3A_65 : memref<32xi32, #tpu.memory_space<hbm>>) target(%arg10 : memref<32xi32, #tpu.memory_space<vmem>>) target_semaphore(%run_scoped3A : memref<!tpu.dma_semaphore, #tpu.memory_space<semaphore_mem>>)
      %dma_wait3A_66 = arith.constant 32 : i32
      %dma_wait3A_67 = tpu.memref_slice %arg3[%add3A, %dma_wait3A_66] : memref<32x64xi32, #tpu.memory_space<hbm>> -> memref<1x32xi32, #tpu.memory_space<hbm>>
      %dma_wait3A_68 = tpu.memref_squeeze %dma_wait3A_67 : memref<1x32xi32, #tpu.memory_space<hbm>> -> memref<32xi32, #tpu.memory_space<hbm>>
      %dma_wait3A_69 = arith.constant 32 : i32
      %dma_wait3A_70 = tpu.memref_slice %arg3[%add3A, %dma_wait3A_69] : memref<32x64xi32, #tpu.memory_space<hbm>> -> memref<1x32xi32, #tpu.memory_space<hbm>>
      %dma_wait3A_71 = tpu.memref_squeeze %dma_wait3A_70 : memref<1x32xi32, #tpu.memory_space<hbm>> -> memref<32xi32, #tpu.memory_space<hbm>>
      tpu.wait_dma2 semaphore(%run_scoped3A : memref<!tpu.dma_semaphore, #tpu.memory_space<semaphore_mem>>) src(%dma_wait3A_71 : memref<32xi32, #tpu.memory_space<hbm>>) dst(%arg10 : memref<32xi32, #tpu.memory_space<vmem>>)
      tpu.yield
    }) : () -> ()
    "tpu.region"() ({
      %run_scoped3A = tpu.sem_alloc : memref<!tpu.dma_semaphore, #tpu.memory_space<semaphore_mem>>
      %dma_start3A_60 = arith.constant 32 : i32
      %dma_start3A_61 = tpu.memref_slice %arg4[%add3A, %dma_start3A_60] : memref<32x64xi32, #tpu.memory_space<hbm>> -> memref<1x32xi32, #tpu.memory_space<hbm>>
      %dma_start3A_62 = tpu.memref_squeeze %dma_start3A_61 : memref<1x32xi32, #tpu.memory_space<hbm>> -> memref<32xi32, #tpu.memory_space<hbm>>
      %dma_start3A_63 = arith.constant 32 : i32
      %dma_start3A_64 = tpu.memref_slice %arg4[%add3A, %dma_start3A_63] : memref<32x64xi32, #tpu.memory_space<hbm>> -> memref<1x32xi32, #tpu.memory_space<hbm>>
      %dma_start3A_65 = tpu.memref_squeeze %dma_start3A_64 : memref<1x32xi32, #tpu.memory_space<hbm>> -> memref<32xi32, #tpu.memory_space<hbm>>
      tpu.enqueue_dma source(%dma_start3A_65 : memref<32xi32, #tpu.memory_space<hbm>>) target(%arg11 : memref<32xi32, #tpu.memory_space<vmem>>) target_semaphore(%run_scoped3A : memref<!tpu.dma_semaphore, #tpu.memory_space<semaphore_mem>>)
      %dma_wait3A_66 = arith.constant 32 : i32
      %dma_wait3A_67 = tpu.memref_slice %arg4[%add3A, %dma_wait3A_66] : memref<32x64xi32, #tpu.memory_space<hbm>> -> memref<1x32xi32, #tpu.memory_space<hbm>>
      %dma_wait3A_68 = tpu.memref_squeeze %dma_wait3A_67 : memref<1x32xi32, #tpu.memory_space<hbm>> -> memref<32xi32, #tpu.memory_space<hbm>>
      %dma_wait3A_69 = arith.constant 32 : i32
      %dma_wait3A_70 = tpu.memref_slice %arg4[%add3A, %dma_wait3A_69] : memref<32x64xi32, #tpu.memory_space<hbm>> -> memref<1x32xi32, #tpu.memory_space<hbm>>
      %dma_wait3A_71 = tpu.memref_squeeze %dma_wait3A_70 : memref<1x32xi32, #tpu.memory_space<hbm>> -> memref<32xi32, #tpu.memory_space<hbm>>
      tpu.wait_dma2 semaphore(%run_scoped3A : memref<!tpu.dma_semaphore, #tpu.memory_space<semaphore_mem>>) src(%dma_wait3A_71 : memref<32xi32, #tpu.memory_space<hbm>>) dst(%arg11 : memref<32xi32, #tpu.memory_space<vmem>>)
      tpu.yield
    }) : () -> ()
    "tpu.region"() ({
      %run_scoped3A = tpu.sem_alloc : memref<!tpu.dma_semaphore, #tpu.memory_space<semaphore_mem>>
      %dma_start3A_60 = arith.constant 32 : i32
      %dma_start3A_61 = arith.constant 0 : i32
      %dma_start3A_62 = tpu.memref_slice %arg5[%add3A, %dma_start3A_60, %dma_start3A_61] : memref<32x64x16xf32, #tpu.memory_space<hbm>> -> memref<1x32x16xf32, #tpu.memory_space<hbm>>
      %dma_start3A_63 = tpu.memref_squeeze %dma_start3A_62 : memref<1x32x16xf32, #tpu.memory_space<hbm>> -> memref<32x16xf32, #tpu.memory_space<hbm>>
      %dma_start3A_64 = arith.constant 32 : i32
      %dma_start3A_65 = arith.constant 0 : i32
      %dma_start3A_66 = tpu.memref_slice %arg5[%add3A, %dma_start3A_64, %dma_start3A_65] : memref<32x64x16xf32, #tpu.memory_space<hbm>> -> memref<1x32x16xf32, #tpu.memory_space<hbm>>
      %dma_start3A_67 = tpu.memref_squeeze %dma_start3A_66 : memref<1x32x16xf32, #tpu.memory_space<hbm>> -> memref<32x16xf32, #tpu.memory_space<hbm>>
      tpu.enqueue_dma source(%dma_start3A_67 : memref<32x16xf32, #tpu.memory_space<hbm>>) target(%arg18 : memref<32x16xf32, #tpu.memory_space<vmem>>) target_semaphore(%run_scoped3A : memref<!tpu.dma_semaphore, #tpu.memory_space<semaphore_mem>>)
      %dma_wait3A_68 = arith.constant 32 : i32
      %dma_wait3A_69 = arith.constant 0 : i32
      %dma_wait3A_70 = tpu.memref_slice %arg5[%add3A, %dma_wait3A_68, %dma_wait3A_69] : memref<32x64x16xf32, #tpu.memory_space<hbm>> -> memref<1x32x16xf32, #tpu.memory_space<hbm>>
      %dma_wait3A_71 = tpu.memref_squeeze %dma_wait3A_70 : memref<1x32x16xf32, #tpu.memory_space<hbm>> -> memref<32x16xf32, #tpu.memory_space<hbm>>
      %dma_wait3A_72 = arith.constant 32 : i32
      %dma_wait3A_73 = arith.constant 0 : i32
      %dma_wait3A_74 = tpu.memref_slice %arg5[%add3A, %dma_wait3A_72, %dma_wait3A_73] : memref<32x64x16xf32, #tpu.memory_space<hbm>> -> memref<1x32x16xf32, #tpu.memory_space<hbm>>
      %dma_wait3A_75 = tpu.memref_squeeze %dma_wait3A_74 : memref<1x32x16xf32, #tpu.memory_space<hbm>> -> memref<32x16xf32, #tpu.memory_space<hbm>>
      tpu.wait_dma2 semaphore(%run_scoped3A : memref<!tpu.dma_semaphore, #tpu.memory_space<semaphore_mem>>) src(%dma_wait3A_75 : memref<32x16xf32, #tpu.memory_space<hbm>>) dst(%arg18 : memref<32x16xf32, #tpu.memory_space<vmem>>)
      tpu.yield
    }) : () -> ()
    "tpu.region"() ({
      %run_scoped3A = tpu.sem_alloc : memref<!tpu.dma_semaphore, #tpu.memory_space<semaphore_mem>>
      %dma_start3A_60 = arith.constant 32 : i32
      %dma_start3A_61 = arith.constant 0 : i32
      %dma_start3A_62 = tpu.memref_slice %arg6[%add3A, %dma_start3A_60, %dma_start3A_61] : memref<32x64x16xf32, #tpu.memory_space<hbm>> -> memref<1x32x16xf32, #tpu.memory_space<hbm>>
      %dma_start3A_63 = tpu.memref_squeeze %dma_start3A_62 : memref<1x32x16xf32, #tpu.memory_space<hbm>> -> memref<32x16xf32, #tpu.memory_space<hbm>>
      %dma_start3A_64 = arith.constant 32 : i32
      %dma_start3A_65 = arith.constant 0 : i32
      %dma_start3A_66 = tpu.memref_slice %arg6[%add3A, %dma_start3A_64, %dma_start3A_65] : memref<32x64x16xf32, #tpu.memory_space<hbm>> -> memref<1x32x16xf32, #tpu.memory_space<hbm>>
      %dma_start3A_67 = tpu.memref_squeeze %dma_start3A_66 : memref<1x32x16xf32, #tpu.memory_space<hbm>> -> memref<32x16xf32, #tpu.memory_space<hbm>>
      tpu.enqueue_dma source(%dma_start3A_67 : memref<32x16xf32, #tpu.memory_space<hbm>>) target(%arg19 : memref<32x16xf32, #tpu.memory_space<vmem>>) target_semaphore(%run_scoped3A : memref<!tpu.dma_semaphore, #tpu.memory_space<semaphore_mem>>)
      %dma_wait3A_68 = arith.constant 32 : i32
      %dma_wait3A_69 = arith.constant 0 : i32
      %dma_wait3A_70 = tpu.memref_slice %arg6[%add3A, %dma_wait3A_68, %dma_wait3A_69] : memref<32x64x16xf32, #tpu.memory_space<hbm>> -> memref<1x32x16xf32, #tpu.memory_space<hbm>>
      %dma_wait3A_71 = tpu.memref_squeeze %dma_wait3A_70 : memref<1x32x16xf32, #tpu.memory_space<hbm>> -> memref<32x16xf32, #tpu.memory_space<hbm>>
      %dma_wait3A_72 = arith.constant 32 : i32
      %dma_wait3A_73 = arith.constant 0 : i32
      %dma_wait3A_74 = tpu.memref_slice %arg6[%add3A, %dma_wait3A_72, %dma_wait3A_73] : memref<32x64x16xf32, #tpu.memory_space<hbm>> -> memref<1x32x16xf32, #tpu.memory_space<hbm>>
      %dma_wait3A_75 = tpu.memref_squeeze %dma_wait3A_74 : memref<1x32x16xf32, #tpu.memory_space<hbm>> -> memref<32x16xf32, #tpu.memory_space<hbm>>
      tpu.wait_dma2 semaphore(%run_scoped3A : memref<!tpu.dma_semaphore, #tpu.memory_space<semaphore_mem>>) src(%dma_wait3A_75 : memref<32x16xf32, #tpu.memory_space<hbm>>) dst(%arg19 : memref<32x16xf32, #tpu.memory_space<vmem>>)
      tpu.yield
    }) : () -> ()
    %dma_start3A = arith.constant 0 : i32
    %dma_start3A_1 = arith.constant 0 : i32
    %dma_start3A_2 = tpu.memref_slice %arg2[%dma_start3A, %dma_start3A_1] : memref<6144x768xf32, #tpu.memory_space<hbm>> -> memref<6144x768xf32, #tpu.memory_space<hbm>>
    tpu.enqueue_indirect_dma source(%dma_start3A_2 : memref<6144x768xf32, #tpu.memory_space<hbm>>) target(%arg12 : memref<32x768xf32, #tpu.memory_space<vmem>>) offsets(%arg8 : memref<32xi32, #tpu.memory_space<vmem>>) semaphore(%arg20 : memref<!tpu.dma_semaphore, #tpu.memory_space<semaphore_mem>>)
    %dma_start3A_3 = arith.constant 0 : i32
    %dma_start3A_4 = arith.constant 0 : i32
    %dma_start3A_5 = tpu.memref_slice %arg2[%dma_start3A_3, %dma_start3A_4] : memref<6144x768xf32, #tpu.memory_space<hbm>> -> memref<6144x768xf32, #tpu.memory_space<hbm>>
    tpu.enqueue_indirect_dma source(%dma_start3A_5 : memref<6144x768xf32, #tpu.memory_space<hbm>>) target(%arg13 : memref<32x768xf32, #tpu.memory_space<vmem>>) offsets(%arg9 : memref<32xi32, #tpu.memory_space<vmem>>) semaphore(%arg21 : memref<!tpu.dma_semaphore, #tpu.memory_space<semaphore_mem>>)
    %dma_start3A_6 = arith.constant 0 : i32
    %dma_start3A_7 = arith.constant 0 : i32
    %dma_start3A_8 = tpu.memref_slice %arg2[%dma_start3A_6, %dma_start3A_7] : memref<6144x768xf32, #tpu.memory_space<hbm>> -> memref<6144x768xf32, #tpu.memory_space<hbm>>
    tpu.enqueue_indirect_dma source(%dma_start3A_8 : memref<6144x768xf32, #tpu.memory_space<hbm>>) target(%arg14 : memref<32x768xf32, #tpu.memory_space<vmem>>) offsets(%arg10 : memref<32xi32, #tpu.memory_space<vmem>>) semaphore(%arg22 : memref<!tpu.dma_semaphore, #tpu.memory_space<semaphore_mem>>)
    %dma_start3A_9 = arith.constant 0 : i32
    %dma_start3A_10 = arith.constant 0 : i32
    %dma_start3A_11 = tpu.memref_slice %arg2[%dma_start3A_9, %dma_start3A_10] : memref<6144x768xf32, #tpu.memory_space<hbm>> -> memref<6144x768xf32, #tpu.memory_space<hbm>>
    tpu.enqueue_indirect_dma source(%dma_start3A_11 : memref<6144x768xf32, #tpu.memory_space<hbm>>) target(%arg15 : memref<32x768xf32, #tpu.memory_space<vmem>>) offsets(%arg11 : memref<32xi32, #tpu.memory_space<vmem>>) semaphore(%arg23 : memref<!tpu.dma_semaphore, #tpu.memory_space<semaphore_mem>>)
    %dma_wait3A = arith.constant 0 : i32
    %dma_wait3A_12 = arith.constant 0 : i32
    %dma_wait3A_13 = tpu.memref_slice %arg2[%dma_wait3A, %dma_wait3A_12] : memref<6144x768xf32, #tpu.memory_space<hbm>> -> memref<6144x768xf32, #tpu.memory_space<hbm>>
    tpu.wait_indirect_dma semaphore(%arg20 : memref<!tpu.dma_semaphore, #tpu.memory_space<semaphore_mem>>) src(%dma_wait3A_13 : memref<6144x768xf32, #tpu.memory_space<hbm>>) dst(%arg12 : memref<32x768xf32, #tpu.memory_space<vmem>>)
    %dma_wait3A_14 = arith.constant 0 : i32
    %dma_wait3A_15 = arith.constant 0 : i32
    %dma_wait3A_16 = tpu.memref_slice %arg2[%dma_wait3A_14, %dma_wait3A_15] : memref<6144x768xf32, #tpu.memory_space<hbm>> -> memref<6144x768xf32, #tpu.memory_space<hbm>>
    tpu.wait_indirect_dma semaphore(%arg21 : memref<!tpu.dma_semaphore, #tpu.memory_space<semaphore_mem>>) src(%dma_wait3A_16 : memref<6144x768xf32, #tpu.memory_space<hbm>>) dst(%arg13 : memref<32x768xf32, #tpu.memory_space<vmem>>)
    %scan3A = arith.constant 0 : i32
    %scan3A_17 = arith.constant 0 : i32
    %scan3A_18 = arith.constant 32 : i32
    %scan3A_19 = arith.addi %scan3A_17, %scan3A_18 : i32
    %scan3A_20 = arith.constant 1 : i32
    %scan3A_21 = scf.for %scan3A_60 = %scan3A_17 to %scan3A_19 step %scan3A_20 iter_args(%scan3A_61 = %scan3A) -> (i32)  : i32 {
      %get3A = arith.index_cast %scan3A_60 : i32 to index
      %get3A_62 = arith.constant 0 : index
      %get3A_63 = tpu.vector_load %arg16[%get3A, %get3A_62] {strides = array<i32>} : memref<32x16xf32, #tpu.memory_space<vmem>>, vector<1x16xf32>,
      %get3A_64 = vector.shape_cast %get3A_63 : vector<1x16xf32> to vector<16xf32>
      %get3A_65 = arith.index_cast %scan3A_60 : i32 to index
      %get3A_66 = arith.constant 0 : index
      %get3A_67 = tpu.vector_load %arg17[%get3A_65, %get3A_66] {strides = array<i32>} : memref<32x16xf32, #tpu.memory_space<vmem>>, vector<1x16xf32>,
      %get3A_68 = vector.shape_cast %get3A_67 : vector<1x16xf32> to vector<16xf32>
      %get3A_69 = arith.index_cast %scan3A_60 : i32 to index
      %get3A_70 = arith.constant 0 : index
      %get3A_71 = tpu.vector_load %arg12[%get3A_69, %get3A_70] {strides = array<i32>} : memref<32x768xf32, #tpu.memory_space<vmem>>, vector<1x16xf32>,
      %get3A_72 = vector.shape_cast %get3A_71 : vector<1x16xf32> to vector<16xf32>
      %mul3A_73 = arith.mulf %get3A_72, %get3A_64 : vector<16xf32>
      %get3A_74 = arith.index_cast %scan3A_60 : i32 to index
      %get3A_75 = arith.constant 0 : index
      %get3A_76 = tpu.vector_load %arg13[%get3A_74, %get3A_75] {strides = array<i32>} : memref<32x768xf32, #tpu.memory_space<vmem>>, vector<1x16xf32>,
      %get3A_77 = vector.shape_cast %get3A_76 : vector<1x16xf32> to vector<16xf32>
      %mul3A_78 = arith.mulf %get3A_77, %get3A_68 : vector<16xf32>
      %add3A_79 = arith.addf %mul3A_73, %mul3A_78 : vector<16xf32>
      %swap3A = arith.index_cast %scan3A_60 : i32 to index
      %swap3A_80 = arith.constant 0 : index
      %swap3A_81 = tpu.vector_load %arg12[%swap3A, %swap3A_80] {strides = array<i32>} : memref<32x768xf32, #tpu.memory_space<vmem>>, vector<1x16xf32>,
      %swap3A_82 = vector.shape_cast %swap3A_81 : vector<1x16xf32> to vector<16xf32>
      %swap3A_83 = vector.shape_cast %add3A_79 : vector<16xf32> to vector<1x16xf32>
      tpu.vector_store %arg12[%swap3A, %swap3A_80], %swap3A_83 {strides = array<i32>} : memref<32x768xf32, #tpu.memory_space<vmem>>, vector<1x16xf32>,
      %get3A_84 = arith.index_cast %scan3A_60 : i32 to index
      %get3A_85 = arith.constant 16 : index
      %get3A_86 = tpu.vector_load %arg12[%get3A_84, %get3A_85] {strides = array<i32>} : memref<32x768xf32, #tpu.memory_space<vmem>>, vector<1x16xf32>,
      %get3A_87 = vector.shape_cast %get3A_86 : vector<1x16xf32> to vector<16xf32>
      %mul3A_88 = arith.mulf %get3A_87, %get3A_64 : vector<16xf32>
      %get3A_89 = arith.index_cast %scan3A_60 : i32 to index
      %get3A_90 = arith.constant 16 : index
      %get3A_91 = tpu.vector_load %arg13[%get3A_89, %get3A_90] {strides = array<i32>} : memref<32x768xf32, #tpu.memory_space<vmem>>, vector<1x16xf32>,
      %get3A_92 = vector.shape_cast %get3A_91 : vector<1x16xf32> to vector<16xf32>
      %mul3A_93 = arith.mulf %get3A_92, %get3A_68 : vector<16xf32>
      %add3A_94 = arith.addf %mul3A_88, %mul3A_93 : vector<16xf32>
      %swap3A_95 = arith.index_cast %scan3A_60 : i32 to index
      %swap3A_96 = arith.constant 16 : index
      %swap3A_97 = tpu.vector_load %arg12[%swap3A_95, %swap3A_96] {strides = array<i32>} : memref<32x768xf32, #tpu.memory_space<vmem>>, vector<1x16xf32>,
      %swap3A_98 = vector.shape_cast %swap3A_97 : vector<1x16xf32> to vector<16xf32>
      %swap3A_99 = vector.shape_cast %add3A_94 : vector<16xf32> to vector<1x16xf32>
      tpu.vector_store %arg12[%swap3A_95, %swap3A_96], %swap3A_99 {strides = array<i32>} : memref<32x768xf32, #tpu.memory_space<vmem>>, vector<1x16xf32>,
      %get3A_100 = arith.index_cast %scan3A_60 : i32 to index
      %get3A_101 = arith.constant 32 : index
      %get3A_102 = tpu.vector_load %arg12[%get3A_100, %get3A_101] {strides = array<i32>} : memref<32x768xf32, #tpu.memory_space<vmem>>, vector<1x16xf32>,
      %get3A_103 = vector.shape_cast %get3A_102 : vector<1x16xf32> to vector<16xf32>
      %mul3A_104 = arith.mulf %get3A_103, %get3A_64 : vector<16xf32>
      %get3A_105 = arith.index_cast %scan3A_60 : i32 to index
      %get3A_106 = arith.constant 32 : index
      %get3A_107 = tpu.vector_load %arg13[%get3A_105, %get3A_106] {strides = array<i32>} : memref<32x768xf32, #tpu.memory_space<vmem>>, vector<1x16xf32>,
      %get3A_108 = vector.shape_cast %get3A_107 : vector<1x16xf32> to vector<16xf32>
      %mul3A_109 = arith.mulf %get3A_108, %get3A_68 : vector<16xf32>
      %add3A_110 = arith.addf %mul3A_104, %mul3A_109 : vector<16xf32>
      %swap3A_111 = arith.index_cast %scan3A_60 : i32 to index
      %swap3A_112 = arith.constant 32 : index
      %swap3A_113 = tpu.vector_load %arg12[%swap3A_111, %swap3A_112] {strides = array<i32>} : memref<32x768xf32, #tpu.memory_space<vmem>>, vector<1x16xf32>,
      %swap3A_114 = vector.shape_cast %swap3A_113 : vector<1x16xf32> to vector<16xf32>
      %swap3A_115 = vector.shape_cast %add3A_110 : vector<16xf32> to vector<1x16xf32>
      tpu.vector_store %arg12[%swap3A_111, %swap3A_112], %swap3A_115 {strides = array<i32>} : memref<32x768xf32, #tpu.memory_space<vmem>>, vector<1x16xf32>,
      %get3A_116 = arith.index_cast %scan3A_60 : i32 to index
      %get3A_117 = arith.constant 48 : index
      %get3A_118 = tpu.vector_load %arg12[%get3A_116, %get3A_117] {strides = array<i32>} : memref<32x768xf32, #tpu.memory_space<vmem>>, vector<1x16xf32>,
      %get3A_119 = vector.shape_cast %get3A_118 : vector<1x16xf32> to vector<16xf32>
      %mul3A_120 = arith.mulf %get3A_119, %get3A_64 : vector<16xf32>
      %get3A_121 = arith.index_cast %scan3A_60 : i32 to index
      %get3A_122 = arith.constant 48 : index
      %get3A_123 = tpu.vector_load %arg13[%get3A_121, %get3A_122] {strides = array<i32>} : memref<32x768xf32, #tpu.memory_space<vmem>>, vector<1x16xf32>,
      %get3A_124 = vector.shape_cast %get3A_123 : vector<1x16xf32> to vector<16xf32>
      %mul3A_125 = arith.mulf %get3A_124, %get3A_68 : vector<16xf32>
      %add3A_126 = arith.addf %mul3A_120, %mul3A_125 : vector<16xf32>
      %swap3A_127 = arith.index_cast %scan3A_60 : i32 to index
      %swap3A_128 = arith.constant 48 : index
      %swap3A_129 = tpu.vector_load %arg12[%swap3A_127, %swap3A_128] {strides = array<i32>} : memref<32x768xf32, #tpu.memory_space<vmem>>, vector<1x16xf32>,
      %swap3A_130 = vector.shape_cast %swap3A_129 : vector<1x16xf32> to vector<16xf32>
      %swap3A_131 = vector.shape_cast %add3A_126 : vector<16xf32> to vector<1x16xf32>
      tpu.vector_store %arg12[%swap3A_127, %swap3A_128], %swap3A_131 {strides = array<i32>} : memref<32x768xf32, #tpu.memory_space<vmem>>, vector<1x16xf32>,
      %get3A_132 = arith.index_cast %scan3A_60 : i32 to index
      %get3A_133 = arith.constant 64 : index
      %get3A_134 = tpu.vector_load %arg12[%get3A_132, %get3A_133] {strides = array<i32>} : memref<32x768xf32, #tpu.memory_space<vmem>>, vector<1x16xf32>,
      %get3A_135 = vector.shape_cast %get3A_134 : vector<1x16xf32> to vector<16xf32>
      %mul3A_136 = arith.mulf %get3A_135, %get3A_64 : vector<16xf32>
      %get3A_137 = arith.index_cast %scan3A_60 : i32 to index
      %get3A_138 = arith.constant 64 : index
      %get3A_139 = tpu.vector_load %arg13[%get3A_137, %get3A_138] {strides = array<i32>} : memref<32x768xf32, #tpu.memory_space<vmem>>, vector<1x16xf32>,
      %get3A_140 = vector.shape_cast %get3A_139 : vector<1x16xf32> to vector<16xf32>
      %mul3A_141 = arith.mulf %get3A_140, %get3A_68 : vector<16xf32>
      %add3A_142 = arith.addf %mul3A_136, %mul3A_141 : vector<16xf32>
      %swap3A_143 = arith.index_cast %scan3A_60 : i32 to index
      %swap3A_144 = arith.constant 64 : index
      %swap3A_145 = tpu.vector_load %arg12[%swap3A_143, %swap3A_144] {strides = array<i32>} : memref<32x768xf32, #tpu.memory_space<vmem>>, vector<1x16xf32>,
      %swap3A_146 = vector.shape_cast %swap3A_145 : vector<1x16xf32> to vector<16xf32>
      %swap3A_147 = vector.shape_cast %add3A_142 : vector<16xf32> to vector<1x16xf32>
      tpu.vector_store %arg12[%swap3A_143, %swap3A_144], %swap3A_147 {strides = array<i32>} : memref<32x768xf32, #tpu.memory_space<vmem>>, vector<1x16xf32>,
      %get3A_148 = arith.index_cast %scan3A_60 : i32 to index
      %get3A_149 = arith.constant 80 : index
      %get3A_150 = tpu.vector_load %arg12[%get3A_148, %get3A_149] {strides = array<i32>} : memref<32x768xf32, #tpu.memory_space<vmem>>, vector<1x16xf32>,
      %get3A_151 = vector.shape_cast %get3A_150 : vector<1x16xf32> to vector<16xf32>
      %mul3A_152 = arith.mulf %get3A_151, %get3A_64 : vector<16xf32>
      %get3A_153 = arith.index_cast %scan3A_60 : i32 to index
      %get3A_154 = arith.constant 80 : index
      %get3A_155 = tpu.vector_load %arg13[%get3A_153, %get3A_154] {strides = array<i32>} : memref<32x768xf32, #tpu.memory_space<vmem>>, vector<1x16xf32>,
      %get3A_156 = vector.shape_cast %get3A_155 : vector<1x16xf32> to vector<16xf32>
      %mul3A_157 = arith.mulf %get3A_156, %get3A_68 : vector<16xf32>
      %add3A_158 = arith.addf %mul3A_152, %mul3A_157 : vector<16xf32>
      %swap3A_159 = arith.index_cast %scan3A_60 : i32 to index
      %swap3A_160 = arith.constant 80 : index
      %swap3A_161 = tpu.vector_load %arg12[%swap3A_159, %swap3A_160] {strides = array<i32>} : memref<32x768xf32, #tpu.memory_space<vmem>>, vector<1x16xf32>,
      %swap3A_162 = vector.shape_cast %swap3A_161 : vector<1x16xf32> to vector<16xf32>
      %swap3A_163 = vector.shape_cast %add3A_158 : vector<16xf32> to vector<1x16xf32>
      tpu.vector_store %arg12[%swap3A_159, %swap3A_160], %swap3A_163 {strides = array<i32>} : memref<32x768xf32, #tpu.memory_space<vmem>>, vector<1x16xf32>,
      %get3A_164 = arith.index_cast %scan3A_60 : i32 to index
      %get3A_165 = arith.constant 96 : index
      %get3A_166 = tpu.vector_load %arg12[%get3A_164, %get3A_165] {strides = array<i32>} : memref<32x768xf32, #tpu.memory_space<vmem>>, vector<1x16xf32>,
      %get3A_167 = vector.shape_cast %get3A_166 : vector<1x16xf32> to vector<16xf32>
      %mul3A_168 = arith.mulf %get3A_167, %get3A_64 : vector<16xf32>
      %get3A_169 = arith.index_cast %scan3A_60 : i32 to index
      %get3A_170 = arith.constant 96 : index
      %get3A_171 = tpu.vector_load %arg13[%get3A_169, %get3A_170] {strides = array<i32>} : memref<32x768xf32, #tpu.memory_space<vmem>>, vector<1x16xf32>,
      %get3A_172 = vector.shape_cast %get3A_171 : vector<1x16xf32> to vector<16xf32>
      %mul3A_173 = arith.mulf %get3A_172, %get3A_68 : vector<16xf32>
      %add3A_174 = arith.addf %mul3A_168, %mul3A_173 : vector<16xf32>
      %swap3A_175 = arith.index_cast %scan3A_60 : i32 to index
      %swap3A_176 = arith.constant 96 : index
      %swap3A_177 = tpu.vector_load %arg12[%swap3A_175, %swap3A_176] {strides = array<i32>} : memref<32x768xf32, #tpu.memory_space<vmem>>, vector<1x16xf32>,
      %swap3A_178 = vector.shape_cast %swap3A_177 : vector<1x16xf32> to vector<16xf32>
      %swap3A_179 = vector.shape_cast %add3A_174 : vector<16xf32> to vector<1x16xf32>
      tpu.vector_store %arg12[%swap3A_175, %swap3A_176], %swap3A_179 {strides = array<i32>} : memref<32x768xf32, #tpu.memory_space<vmem>>, vector<1x16xf32>,
      %get3A_180 = arith.index_cast %scan3A_60 : i32 to index
      %get3A_181 = arith.constant 112 : index
      %get3A_182 = tpu.vector_load %arg12[%get3A_180, %get3A_181] {strides = array<i32>} : memref<32x768xf32, #tpu.memory_space<vmem>>, vector<1x16xf32>,
      %get3A_183 = vector.shape_cast %get3A_182 : vector<1x16xf32> to vector<16xf32>
      %mul3A_184 = arith.mulf %get3A_183, %get3A_64 : vector<16xf32>
      %get3A_185 = arith.index_cast %scan3A_60 : i32 to index
      %get3A_186 = arith.constant 112 : index
      %get3A_187 = tpu.vector_load %arg13[%get3A_185, %get3A_186] {strides = array<i32>} : memref<32x768xf32, #tpu.memory_space<vmem>>, vector<1x16xf32>,
      %get3A_188 = vector.shape_cast %get3A_187 : vector<1x16xf32> to vector<16xf32>
      %mul3A_189 = arith.mulf %get3A_188, %get3A_68 : vector<16xf32>
      %add3A_190 = arith.addf %mul3A_184, %mul3A_189 : vector<16xf32>
      %swap3A_191 = arith.index_cast %scan3A_60 : i32 to index
      %swap3A_192 = arith.constant 112 : index
      %swap3A_193 = tpu.vector_load %arg12[%swap3A_191, %swap3A_192] {strides = array<i32>} : memref<32x768xf32, #tpu.memory_space<vmem>>, vector<1x16xf32>,
      %swap3A_194 = vector.shape_cast %swap3A_193 : vector<1x16xf32> to vector<16xf32>
      %swap3A_195 = vector.shape_cast %add3A_190 : vector<16xf32> to vector<1x16xf32>
      tpu.vector_store %arg12[%swap3A_191, %swap3A_192], %swap3A_195 {strides = array<i32>} : memref<32x768xf32, #tpu.memory_space<vmem>>, vector<1x16xf32>,
      %get3A_196 = arith.index_cast %scan3A_60 : i32 to index
      %get3A_197 = arith.constant 128 : index
      %get3A_198 = tpu.vector_load %arg12[%get3A_196, %get3A_197] {strides = array<i32>} : memref<32x768xf32, #tpu.memory_space<vmem>>, vector<1x16xf32>,
      %get3A_199 = vector.shape_cast %get3A_198 : vector<1x16xf32> to vector<16xf32>
      %mul3A_200 = arith.mulf %get3A_199, %get3A_64 : vector<16xf32>
      %get3A_201 = arith.index_cast %scan3A_60 : i32 to index
      %get3A_202 = arith.constant 128 : index
      %get3A_203 = tpu.vector_load %arg13[%get3A_201, %get3A_202] {strides = array<i32>} : memref<32x768xf32, #tpu.memory_space<vmem>>, vector<1x16xf32>,
      %get3A_204 = vector.shape_cast %get3A_203 : vector<1x16xf32> to vector<16xf32>
      %mul3A_205 = arith.mulf %get3A_204, %get3A_68 : vector<16xf32>
      %add3A_206 = arith.addf %mul3A_200, %mul3A_205 : vector<16xf32>
      %swap3A_207 = arith.index_cast %scan3A_60 : i32 to index
      %swap3A_208 = arith.constant 128 : index
      %swap3A_209 = tpu.vector_load %arg12[%swap3A_207, %swap3A_208] {strides = array<i32>} : memref<32x768xf32, #tpu.memory_space<vmem>>, vector<1x16xf32>,
      %swap3A_210 = vector.shape_cast %swap3A_209 : vector<1x16xf32> to vector<16xf32>
      %swap3A_211 = vector.shape_cast %add3A_206 : vector<16xf32> to vector<1x16xf32>
      tpu.vector_store %arg12[%swap3A_207, %swap3A_208], %swap3A_211 {strides = array<i32>} : memref<32x768xf32, #tpu.memory_space<vmem>>, vector<1x16xf32>,
      %get3A_212 = arith.index_cast %scan3A_60 : i32 to index
      %get3A_213 = arith.constant 144 : index
      %get3A_214 = tpu.vector_load %arg12[%get3A_212, %get3A_213] {strides = array<i32>} : memref<32x768xf32, #tpu.memory_space<vmem>>, vector<1x16xf32>,
      %get3A_215 = vector.shape_cast %get3A_214 : vector<1x16xf32> to vector<16xf32>
      %mul3A_216 = arith.mulf %get3A_215, %get3A_64 : vector<16xf32>
      %get3A_217 = arith.index_cast %scan3A_60 : i32 to index
      %get3A_218 = arith.constant 144 : index
      %get3A_219 = tpu.vector_load %arg13[%get3A_217, %get3A_218] {strides = array<i32>} : memref<32x768xf32, #tpu.memory_space<vmem>>, vector<1x16xf32>,
      %get3A_220 = vector.shape_cast %get3A_219 : vector<1x16xf32> to vector<16xf32>
      %mul3A_221 = arith.mulf %get3A_220, %get3A_68 : vector<16xf32>
      %add3A_222 = arith.addf %mul3A_216, %mul3A_221 : vector<16xf32>
      %swap3A_223 = arith.index_cast %scan3A_60 : i32 to index
      %swap3A_224 = arith.constant 144 : index
      %swap3A_225 = tpu.vector_load %arg12[%swap3A_223, %swap3A_224] {strides = array<i32>} : memref<32x768xf32, #tpu.memory_space<vmem>>, vector<1x16xf32>,
      %swap3A_226 = vector.shape_cast %swap3A_225 : vector<1x16xf32> to vector<16xf32>
      %swap3A_227 = vector.shape_cast %add3A_222 : vector<16xf32> to vector<1x16xf32>
      tpu.vector_store %arg12[%swap3A_223, %swap3A_224], %swap3A_227 {strides = array<i32>} : memref<32x768xf32, #tpu.memory_space<vmem>>, vector<1x16xf32>,
      %get3A_228 = arith.index_cast %scan3A_60 : i32 to index
      %get3A_229 = arith.constant 160 : index
      %get3A_230 = tpu.vector_load %arg12[%get3A_228, %get3A_229] {strides = array<i32>} : memref<32x768xf32, #tpu.memory_space<vmem>>, vector<1x16xf32>,
      %get3A_231 = vector.shape_cast %get3A_230 : vector<1x16xf32> to vector<16xf32>
      %mul3A_232 = arith.mulf %get3A_231, %get3A_64 : vector<16xf32>
      %get3A_233 = arith.index_cast %scan3A_60 : i32 to index
      %get3A_234 = arith.constant 160 : index
      %get3A_235 = tpu.vector_load %arg13[%get3A_233, %get3A_234] {strides = array<i32>} : memref<32x768xf32, #tpu.memory_space<vmem>>, vector<1x16xf32>,
      %get3A_236 = vector.shape_cast %get3A_235 : vector<1x16xf32> to vector<16xf32>
      %mul3A_237 = arith.mulf %get3A_236, %get3A_68 : vector<16xf32>
      %add3A_238 = arith.addf %mul3A_232, %mul3A_237 : vector<16xf32>
      %swap3A_239 = arith.index_cast %scan3A_60 : i32 to index
      %swap3A_240 = arith.constant 160 : index
      %swap3A_241 = tpu.vector_load %arg12[%swap3A_239, %swap3A_240] {strides = array<i32>} : memref<32x768xf32, #tpu.memory_space<vmem>>, vector<1x16xf32>,
      %swap3A_242 = vector.shape_cast %swap3A_241 : vector<1x16xf32> to vector<16xf32>
      %swap3A_243 = vector.shape_cast %add3A_238 : vector<16xf32> to vector<1x16xf32>
      tpu.vector_store %arg12[%swap3A_239, %swap3A_240], %swap3A_243 {strides = array<i32>} : memref<32x768xf32, #tpu.memory_space<vmem>>, vector<1x16xf32>,
      %get3A_244 = arith.index_cast %scan3A_60 : i32 to index
      %get3A_245 = arith.constant 176 : index
      %get3A_246 = tpu.vector_load %arg12[%get3A_244, %get3A_245] {strides = array<i32>} : memref<32x768xf32, #tpu.memory_space<vmem>>, vector<1x16xf32>,
      %get3A_247 = vector.shape_cast %get3A_246 : vector<1x16xf32> to vector<16xf32>
      %mul3A_248 = arith.mulf %get3A_247, %get3A_64 : vector<16xf32>
      %get3A_249 = arith.index_cast %scan3A_60 : i32 to index
      %get3A_250 = arith.constant 176 : index
      %get3A_251 = tpu.vector_load %arg13[%get3A_249, %get3A_250] {strides = array<i32>} : memref<32x768xf32, #tpu.memory_space<vmem>>, vector<1x16xf32>,
      %get3A_252 = vector.shape_cast %get3A_251 : vector<1x16xf32> to vector<16xf32>
      %mul3A_253 = arith.mulf %get3A_252, %get3A_68 : vector<16xf32>
      %add3A_254 = arith.addf %mul3A_248, %mul3A_253 : vector<16xf32>
      %swap3A_255 = arith.index_cast %scan3A_60 : i32 to index
      %swap3A_256 = arith.constant 176 : index
      %swap3A_257 = tpu.vector_load %arg12[%swap3A_255, %swap3A_256] {strides = array<i32>} : memref<32x768xf32, #tpu.memory_space<vmem>>, vector<1x16xf32>,
      %swap3A_258 = vector.shape_cast %swap3A_257 : vector<1x16xf32> to vector<16xf32>
      %swap3A_259 = vector.shape_cast %add3A_254 : vector<16xf32> to vector<1x16xf32>
      tpu.vector_store %arg12[%swap3A_255, %swap3A_256], %swap3A_259 {strides = array<i32>} : memref<32x768xf32, #tpu.memory_space<vmem>>, vector<1x16xf32>,
      %get3A_260 = arith.index_cast %scan3A_60 : i32 to index
      %get3A_261 = arith.constant 192 : index
      %get3A_262 = tpu.vector_load %arg12[%get3A_260, %get3A_261] {strides = array<i32>} : memref<32x768xf32, #tpu.memory_space<vmem>>, vector<1x16xf32>,
      %get3A_263 = vector.shape_cast %get3A_262 : vector<1x16xf32> to vector<16xf32>
      %mul3A_264 = arith.mulf %get3A_263, %get3A_64 : vector<16xf32>
      %get3A_265 = arith.index_cast %scan3A_60 : i32 to index
      %get3A_266 = arith.constant 192 : index
      %get3A_267 = tpu.vector_load %arg13[%get3A_265, %get3A_266] {strides = array<i32>} : memref<32x768xf32, #tpu.memory_space<vmem>>, vector<1x16xf32>,
      %get3A_268 = vector.shape_cast %get3A_267 : vector<1x16xf32> to vector<16xf32>
      %mul3A_269 = arith.mulf %get3A_268, %get3A_68 : vector<16xf32>
      %add3A_270 = arith.addf %mul3A_264, %mul3A_269 : vector<16xf32>
      %swap3A_271 = arith.index_cast %scan3A_60 : i32 to index
      %swap3A_272 = arith.constant 192 : index
      %swap3A_273 = tpu.vector_load %arg12[%swap3A_271, %swap3A_272] {strides = array<i32>} : memref<32x768xf32, #tpu.memory_space<vmem>>, vector<1x16xf32>,
      %swap3A_274 = vector.shape_cast %swap3A_273 : vector<1x16xf32> to vector<16xf32>
      %swap3A_275 = vector.shape_cast %add3A_270 : vector<16xf32> to vector<1x16xf32>
      tpu.vector_store %arg12[%swap3A_271, %swap3A_272], %swap3A_275 {strides = array<i32>} : memref<32x768xf32, #tpu.memory_space<vmem>>, vector<1x16xf32>,
      %get3A_276 = arith.index_cast %scan3A_60 : i32 to index
      %get3A_277 = arith.constant 208 : index
      %get3A_278 = tpu.vector_load %arg12[%get3A_276, %get3A_277] {strides = array<i32>} : memref<32x768xf32, #tpu.memory_space<vmem>>, vector<1x16xf32>,
      %get3A_279 = vector.shape_cast %get3A_278 : vector<1x16xf32> to vector<16xf32>
      %mul3A_280 = arith.mulf %get3A_279, %get3A_64 : vector<16xf32>
      %get3A_281 = arith.index_cast %scan3A_60 : i32 to index
      %get3A_282 = arith.constant 208 : index
      %get3A_283 = tpu.vector_load %arg13[%get3A_281, %get3A_282] {strides = array<i32>} : memref<32x768xf32, #tpu.memory_space<vmem>>, vector<1x16xf32>,
      %get3A_284 = vector.shape_cast %get3A_283 : vector<1x16xf32> to vector<16xf32>
      %mul3A_285 = arith.mulf %get3A_284, %get3A_68 : vector<16xf32>
      %add3A_286 = arith.addf %mul3A_280, %mul3A_285 : vector<16xf32>
      %swap3A_287 = arith.index_cast %scan3A_60 : i32 to index
      %swap3A_288 = arith.constant 208 : index
      %swap3A_289 = tpu.vector_load %arg12[%swap3A_287, %swap3A_288] {strides = array<i32>} : memref<32x768xf32, #tpu.memory_space<vmem>>, vector<1x16xf32>,
      %swap3A_290 = vector.shape_cast %swap3A_289 : vector<1x16xf32> to vector<16xf32>
      %swap3A_291 = vector.shape_cast %add3A_286 : vector<16xf32> to vector<1x16xf32>
      tpu.vector_store %arg12[%swap3A_287, %swap3A_288], %swap3A_291 {strides = array<i32>} : memref<32x768xf32, #tpu.memory_space<vmem>>, vector<1x16xf32>,
      %get3A_292 = arith.index_cast %scan3A_60 : i32 to index
      %get3A_293 = arith.constant 224 : index
      %get3A_294 = tpu.vector_load %arg12[%get3A_292, %get3A_293] {strides = array<i32>} : memref<32x768xf32, #tpu.memory_space<vmem>>, vector<1x16xf32>,
      %get3A_295 = vector.shape_cast %get3A_294 : vector<1x16xf32> to vector<16xf32>
      %mul3A_296 = arith.mulf %get3A_295, %get3A_64 : vector<16xf32>
      %get3A_297 = arith.index_cast %scan3A_60 : i32 to index
      %get3A_298 = arith.constant 224 : index
      %get3A_299 = tpu.vector_load %arg13[%get3A_297, %get3A_298] {strides = array<i32>} : memref<32x768xf32, #tpu.memory_space<vmem>>, vector<1x16xf32>,
      %get3A_300 = vector.shape_cast %get3A_299 : vector<1x16xf32> to vector<16xf32>
      %mul3A_301 = arith.mulf %get3A_300, %get3A_68 : vector<16xf32>
      %add3A_302 = arith.addf %mul3A_296, %mul3A_301 : vector<16xf32>
      %swap3A_303 = arith.index_cast %scan3A_60 : i32 to index
      %swap3A_304 = arith.constant 224 : index
      %swap3A_305 = tpu.vector_load %arg12[%swap3A_303, %swap3A_304] {strides = array<i32>} : memref<32x768xf32, #tpu.memory_space<vmem>>, vector<1x16xf32>,
      %swap3A_306 = vector.shape_cast %swap3A_305 : vector<1x16xf32> to vector<16xf32>
      %swap3A_307 = vector.shape_cast %add3A_302 : vector<16xf32> to vector<1x16xf32>
      tpu.vector_store %arg12[%swap3A_303, %swap3A_304], %swap3A_307 {strides = array<i32>} : memref<32x768xf32, #tpu.memory_space<vmem>>, vector<1x16xf32>,
      %get3A_308 = arith.index_cast %scan3A_60 : i32 to index
      %get3A_309 = arith.constant 240 : index
      %get3A_310 = tpu.vector_load %arg12[%get3A_308, %get3A_309] {strides = array<i32>} : memref<32x768xf32, #tpu.memory_space<vmem>>, vector<1x16xf32>,
      %get3A_311 = vector.shape_cast %get3A_310 : vector<1x16xf32> to vector<16xf32>
      %mul3A_312 = arith.mulf %get3A_311, %get3A_64 : vector<16xf32>
      %get3A_313 = arith.index_cast %scan3A_60 : i32 to index
      %get3A_314 = arith.constant 240 : index
      %get3A_315 = tpu.vector_load %arg13[%get3A_313, %get3A_314] {strides = array<i32>} : memref<32x768xf32, #tpu.memory_space<vmem>>, vector<1x16xf32>,
      %get3A_316 = vector.shape_cast %get3A_315 : vector<1x16xf32> to vector<16xf32>
      %mul3A_317 = arith.mulf %get3A_316, %get3A_68 : vector<16xf32>
      %add3A_318 = arith.addf %mul3A_312, %mul3A_317 : vector<16xf32>
      %swap3A_319 = arith.index_cast %scan3A_60 : i32 to index
      %swap3A_320 = arith.constant 240 : index
      %swap3A_321 = tpu.vector_load %arg12[%swap3A_319, %swap3A_320] {strides = array<i32>} : memref<32x768xf32, #tpu.memory_space<vmem>>, vector<1x16xf32>,
      %swap3A_322 = vector.shape_cast %swap3A_321 : vector<1x16xf32> to vector<16xf32>
      %swap3A_323 = vector.shape_cast %add3A_318 : vector<16xf32> to vector<1x16xf32>
      tpu.vector_store %arg12[%swap3A_319, %swap3A_320], %swap3A_323 {strides = array<i32>} : memref<32x768xf32, #tpu.memory_space<vmem>>, vector<1x16xf32>,
      %get3A_324 = arith.index_cast %scan3A_60 : i32 to index
      %get3A_325 = arith.constant 256 : index
      %get3A_326 = tpu.vector_load %arg12[%get3A_324, %get3A_325] {strides = array<i32>} : memref<32x768xf32, #tpu.memory_space<vmem>>, vector<1x16xf32>,
      %get3A_327 = vector.shape_cast %get3A_326 : vector<1x16xf32> to vector<16xf32>
      %mul3A_328 = arith.mulf %get3A_327, %get3A_64 : vector<16xf32>
      %get3A_329 = arith.index_cast %scan3A_60 : i32 to index
      %get3A_330 = arith.constant 256 : index
      %get3A_331 = tpu.vector_load %arg13[%get3A_329, %get3A_330] {strides = array<i32>} : memref<32x768xf32, #tpu.memory_space<vmem>>, vector<1x16xf32>,
      %get3A_332 = vector.shape_cast %get3A_331 : vector<1x16xf32> to vector<16xf32>
      %mul3A_333 = arith.mulf %get3A_332, %get3A_68 : vector<16xf32>
      %add3A_334 = arith.addf %mul3A_328, %mul3A_333 : vector<16xf32>
      %swap3A_335 = arith.index_cast %scan3A_60 : i32 to index
      %swap3A_336 = arith.constant 256 : index
      %swap3A_337 = tpu.vector_load %arg12[%swap3A_335, %swap3A_336] {strides = array<i32>} : memref<32x768xf32, #tpu.memory_space<vmem>>, vector<1x16xf32>,
      %swap3A_338 = vector.shape_cast %swap3A_337 : vector<1x16xf32> to vector<16xf32>
      %swap3A_339 = vector.shape_cast %add3A_334 : vector<16xf32> to vector<1x16xf32>
      tpu.vector_store %arg12[%swap3A_335, %swap3A_336], %swap3A_339 {strides = array<i32>} : memref<32x768xf32, #tpu.memory_space<vmem>>, vector<1x16xf32>,
      %get3A_340 = arith.index_cast %scan3A_60 : i32 to index
      %get3A_341 = arith.constant 272 : index
      %get3A_342 = tpu.vector_load %arg12[%get3A_340, %get3A_341] {strides = array<i32>} : memref<32x768xf32, #tpu.memory_space<vmem>>, vector<1x16xf32>,
      %get3A_343 = vector.shape_cast %get3A_342 : vector<1x16xf32> to vector<16xf32>
      %mul3A_344 = arith.mulf %get3A_343, %get3A_64 : vector<16xf32>
      %get3A_345 = arith.index_cast %scan3A_60 : i32 to index
      %get3A_346 = arith.constant 272 : index
      %get3A_347 = tpu.vector_load %arg13[%get3A_345, %get3A_346] {strides = array<i32>} : memref<32x768xf32, #tpu.memory_space<vmem>>, vector<1x16xf32>,
      %get3A_348 = vector.shape_cast %get3A_347 : vector<1x16xf32> to vector<16xf32>
      %mul3A_349 = arith.mulf %get3A_348, %get3A_68 : vector<16xf32>
      %add3A_350 = arith.addf %mul3A_344, %mul3A_349 : vector<16xf32>
      %swap3A_351 = arith.index_cast %scan3A_60 : i32 to index
      %swap3A_352 = arith.constant 272 : index
      %swap3A_353 = tpu.vector_load %arg12[%swap3A_351, %swap3A_352] {strides = array<i32>} : memref<32x768xf32, #tpu.memory_space<vmem>>, vector<1x16xf32>,
      %swap3A_354 = vector.shape_cast %swap3A_353 : vector<1x16xf32> to vector<16xf32>
      %swap3A_355 = vector.shape_cast %add3A_350 : vector<16xf32> to vector<1x16xf32>
      tpu.vector_store %arg12[%swap3A_351, %swap3A_352], %swap3A_355 {strides = array<i32>} : memref<32x768xf32, #tpu.memory_space<vmem>>, vector<1x16xf32>,
      %get3A_356 = arith.index_cast %scan3A_60 : i32 to index
      %get3A_357 = arith.constant 288 : index
      %get3A_358 = tpu.vector_load %arg12[%get3A_356, %get3A_357] {strides = array<i32>} : memref<32x768xf32, #tpu.memory_space<vmem>>, vector<1x16xf32>,
      %get3A_359 = vector.shape_cast %get3A_358 : vector<1x16xf32> to vector<16xf32>
      %mul3A_360 = arith.mulf %get3A_359, %get3A_64 : vector<16xf32>
      %get3A_361 = arith.index_cast %scan3A_60 : i32 to index
      %get3A_362 = arith.constant 288 : index
      %get3A_363 = tpu.vector_load %arg13[%get3A_361, %get3A_362] {strides = array<i32>} : memref<32x768xf32, #tpu.memory_space<vmem>>, vector<1x16xf32>,
      %get3A_364 = vector.shape_cast %get3A_363 : vector<1x16xf32> to vector<16xf32>
      %mul3A_365 = arith.mulf %get3A_364, %get3A_68 : vector<16xf32>
      %add3A_366 = arith.addf %mul3A_360, %mul3A_365 : vector<16xf32>
      %swap3A_367 = arith.index_cast %scan3A_60 : i32 to index
      %swap3A_368 = arith.constant 288 : index
      %swap3A_369 = tpu.vector_load %arg12[%swap3A_367, %swap3A_368] {strides = array<i32>} : memref<32x768xf32, #tpu.memory_space<vmem>>, vector<1x16xf32>,
      %swap3A_370 = vector.shape_cast %swap3A_369 : vector<1x16xf32> to vector<16xf32>
      %swap3A_371 = vector.shape_cast %add3A_366 : vector<16xf32> to vector<1x16xf32>
      tpu.vector_store %arg12[%swap3A_367, %swap3A_368], %swap3A_371 {strides = array<i32>} : memref<32x768xf32, #tpu.memory_space<vmem>>, vector<1x16xf32>,
      %get3A_372 = arith.index_cast %scan3A_60 : i32 to index
      %get3A_373 = arith.constant 304 : index
      %get3A_374 = tpu.vector_load %arg12[%get3A_372, %get3A_373] {strides = array<i32>} : memref<32x768xf32, #tpu.memory_space<vmem>>, vector<1x16xf32>,
      %get3A_375 = vector.shape_cast %get3A_374 : vector<1x16xf32> to vector<16xf32>
      %mul3A_376 = arith.mulf %get3A_375, %get3A_64 : vector<16xf32>
      %get3A_377 = arith.index_cast %scan3A_60 : i32 to index
      %get3A_378 = arith.constant 304 : index
      %get3A_379 = tpu.vector_load %arg13[%get3A_377, %get3A_378] {strides = array<i32>} : memref<32x768xf32, #tpu.memory_space<vmem>>, vector<1x16xf32>,
      %get3A_380 = vector.shape_cast %get3A_379 : vector<1x16xf32> to vector<16xf32>
      %mul3A_381 = arith.mulf %get3A_380, %get3A_68 : vector<16xf32>
      %add3A_382 = arith.addf %mul3A_376, %mul3A_381 : vector<16xf32>
      %swap3A_383 = arith.index_cast %scan3A_60 : i32 to index
      %swap3A_384 = arith.constant 304 : index
      %swap3A_385 = tpu.vector_load %arg12[%swap3A_383, %swap3A_384] {strides = array<i32>} : memref<32x768xf32, #tpu.memory_space<vmem>>, vector<1x16xf32>,
      %swap3A_386 = vector.shape_cast %swap3A_385 : vector<1x16xf32> to vector<16xf32>
      %swap3A_387 = vector.shape_cast %add3A_382 : vector<16xf32> to vector<1x16xf32>
      tpu.vector_store %arg12[%swap3A_383, %swap3A_384], %swap3A_387 {strides = array<i32>} : memref<32x768xf32, #tpu.memory_space<vmem>>, vector<1x16xf32>,
      %get3A_388 = arith.index_cast %scan3A_60 : i32 to index
      %get3A_389 = arith.constant 320 : index
      %get3A_390 = tpu.vector_load %arg12[%get3A_388, %get3A_389] {strides = array<i32>} : memref<32x768xf32, #tpu.memory_space<vmem>>, vector<1x16xf32>,
      %get3A_391 = vector.shape_cast %get3A_390 : vector<1x16xf32> to vector<16xf32>
      %mul3A_392 = arith.mulf %get3A_391, %get3A_64 : vector<16xf32>
      %get3A_393 = arith.index_cast %scan3A_60 : i32 to index
      %get3A_394 = arith.constant 320 : index
      %get3A_395 = tpu.vector_load %arg13[%get3A_393, %get3A_394] {strides = array<i32>} : memref<32x768xf32, #tpu.memory_space<vmem>>, vector<1x16xf32>,
      %get3A_396 = vector.shape_cast %get3A_395 : vector<1x16xf32> to vector<16xf32>
      %mul3A_397 = arith.mulf %get3A_396, %get3A_68 : vector<16xf32>
      %add3A_398 = arith.addf %mul3A_392, %mul3A_397 : vector<16xf32>
      %swap3A_399 = arith.index_cast %scan3A_60 : i32 to index
      %swap3A_400 = arith.constant 320 : index
      %swap3A_401 = tpu.vector_load %arg12[%swap3A_399, %swap3A_400] {strides = array<i32>} : memref<32x768xf32, #tpu.memory_space<vmem>>, vector<1x16xf32>,
      %swap3A_402 = vector.shape_cast %swap3A_401 : vector<1x16xf32> to vector<16xf32>
      %swap3A_403 = vector.shape_cast %add3A_398 : vector<16xf32> to vector<1x16xf32>
      tpu.vector_store %arg12[%swap3A_399, %swap3A_400], %swap3A_403 {strides = array<i32>} : memref<32x768xf32, #tpu.memory_space<vmem>>, vector<1x16xf32>,
      %get3A_404 = arith.index_cast %scan3A_60 : i32 to index
      %get3A_405 = arith.constant 336 : index
      %get3A_406 = tpu.vector_load %arg12[%get3A_404, %get3A_405] {strides = array<i32>} : memref<32x768xf32, #tpu.memory_space<vmem>>, vector<1x16xf32>,
      %get3A_407 = vector.shape_cast %get3A_406 : vector<1x16xf32> to vector<16xf32>
      %mul3A_408 = arith.mulf %get3A_407, %get3A_64 : vector<16xf32>
      %get3A_409 = arith.index_cast %scan3A_60 : i32 to index
      %get3A_410 = arith.constant 336 : index
      %get3A_411 = tpu.vector_load %arg13[%get3A_409, %get3A_410] {strides = array<i32>} : memref<32x768xf32, #tpu.memory_space<vmem>>, vector<1x16xf32>,
      %get3A_412 = vector.shape_cast %get3A_411 : vector<1x16xf32> to vector<16xf32>
      %mul3A_413 = arith.mulf %get3A_412, %get3A_68 : vector<16xf32>
      %add3A_414 = arith.addf %mul3A_408, %mul3A_413 : vector<16xf32>
      %swap3A_415 = arith.index_cast %scan3A_60 : i32 to index
      %swap3A_416 = arith.constant 336 : index
      %swap3A_417 = tpu.vector_load %arg12[%swap3A_415, %swap3A_416] {strides = array<i32>} : memref<32x768xf32, #tpu.memory_space<vmem>>, vector<1x16xf32>,
      %swap3A_418 = vector.shape_cast %swap3A_417 : vector<1x16xf32> to vector<16xf32>
      %swap3A_419 = vector.shape_cast %add3A_414 : vector<16xf32> to vector<1x16xf32>
      tpu.vector_store %arg12[%swap3A_415, %swap3A_416], %swap3A_419 {strides = array<i32>} : memref<32x768xf32, #tpu.memory_space<vmem>>, vector<1x16xf32>,
      %get3A_420 = arith.index_cast %scan3A_60 : i32 to index
      %get3A_421 = arith.constant 352 : index
      %get3A_422 = tpu.vector_load %arg12[%get3A_420, %get3A_421] {strides = array<i32>} : memref<32x768xf32, #tpu.memory_space<vmem>>, vector<1x16xf32>,
      %get3A_423 = vector.shape_cast %get3A_422 : vector<1x16xf32> to vector<16xf32>
      %mul3A_424 = arith.mulf %get3A_423, %get3A_64 : vector<16xf32>
      %get3A_425 = arith.index_cast %scan3A_60 : i32 to index
      %get3A_426 = arith.constant 352 : index
      %get3A_427 = tpu.vector_load %arg13[%get3A_425, %get3A_426] {strides = array<i32>} : memref<32x768xf32, #tpu.memory_space<vmem>>, vector<1x16xf32>,
      %get3A_428 = vector.shape_cast %get3A_427 : vector<1x16xf32> to vector<16xf32>
      %mul3A_429 = arith.mulf %get3A_428, %get3A_68 : vector<16xf32>
      %add3A_430 = arith.addf %mul3A_424, %mul3A_429 : vector<16xf32>
      %swap3A_431 = arith.index_cast %scan3A_60 : i32 to index
      %swap3A_432 = arith.constant 352 : index
      %swap3A_433 = tpu.vector_load %arg12[%swap3A_431, %swap3A_432] {strides = array<i32>} : memref<32x768xf32, #tpu.memory_space<vmem>>, vector<1x16xf32>,
      %swap3A_434 = vector.shape_cast %swap3A_433 : vector<1x16xf32> to vector<16xf32>
      %swap3A_435 = vector.shape_cast %add3A_430 : vector<16xf32> to vector<1x16xf32>
      tpu.vector_store %arg12[%swap3A_431, %swap3A_432], %swap3A_435 {strides = array<i32>} : memref<32x768xf32, #tpu.memory_space<vmem>>, vector<1x16xf32>,
      %get3A_436 = arith.index_cast %scan3A_60 : i32 to index
      %get3A_437 = arith.constant 368 : index
      %get3A_438 = tpu.vector_load %arg12[%get3A_436, %get3A_437] {strides = array<i32>} : memref<32x768xf32, #tpu.memory_space<vmem>>, vector<1x16xf32>,
      %get3A_439 = vector.shape_cast %get3A_438 : vector<1x16xf32> to vector<16xf32>
      %mul3A_440 = arith.mulf %get3A_439, %get3A_64 : vector<16xf32>
      %get3A_441 = arith.index_cast %scan3A_60 : i32 to index
      %get3A_442 = arith.constant 368 : index
      %get3A_443 = tpu.vector_load %arg13[%get3A_441, %get3A_442] {strides = array<i32>} : memref<32x768xf32, #tpu.memory_space<vmem>>, vector<1x16xf32>,
      %get3A_444 = vector.shape_cast %get3A_443 : vector<1x16xf32> to vector<16xf32>
      %mul3A_445 = arith.mulf %get3A_444, %get3A_68 : vector<16xf32>
      %add3A_446 = arith.addf %mul3A_440, %mul3A_445 : vector<16xf32>
      %swap3A_447 = arith.index_cast %scan3A_60 : i32 to index
      %swap3A_448 = arith.constant 368 : index
      %swap3A_449 = tpu.vector_load %arg12[%swap3A_447, %swap3A_448] {strides = array<i32>} : memref<32x768xf32, #tpu.memory_space<vmem>>, vector<1x16xf32>,
      %swap3A_450 = vector.shape_cast %swap3A_449 : vector<1x16xf32> to vector<16xf32>
      %swap3A_451 = vector.shape_cast %add3A_446 : vector<16xf32> to vector<1x16xf32>
      tpu.vector_store %arg12[%swap3A_447, %swap3A_448], %swap3A_451 {strides = array<i32>} : memref<32x768xf32, #tpu.memory_space<vmem>>, vector<1x16xf32>,
      %get3A_452 = arith.index_cast %scan3A_60 : i32 to index
      %get3A_453 = arith.constant 384 : index
      %get3A_454 = tpu.vector_load %arg12[%get3A_452, %get3A_453] {strides = array<i32>} : memref<32x768xf32, #tpu.memory_space<vmem>>, vector<1x16xf32>,
      %get3A_455 = vector.shape_cast %get3A_454 : vector<1x16xf32> to vector<16xf32>
      %mul3A_456 = arith.mulf %get3A_455, %get3A_64 : vector<16xf32>
      %get3A_457 = arith.index_cast %scan3A_60 : i32 to index
      %get3A_458 = arith.constant 384 : index
      %get3A_459 = tpu.vector_load %arg13[%get3A_457, %get3A_458] {strides = array<i32>} : memref<32x768xf32, #tpu.memory_space<vmem>>, vector<1x16xf32>,
      %get3A_460 = vector.shape_cast %get3A_459 : vector<1x16xf32> to vector<16xf32>
      %mul3A_461 = arith.mulf %get3A_460, %get3A_68 : vector<16xf32>
      %add3A_462 = arith.addf %mul3A_456, %mul3A_461 : vector<16xf32>
      %swap3A_463 = arith.index_cast %scan3A_60 : i32 to index
      %swap3A_464 = arith.constant 384 : index
      %swap3A_465 = tpu.vector_load %arg12[%swap3A_463, %swap3A_464] {strides = array<i32>} : memref<32x768xf32, #tpu.memory_space<vmem>>, vector<1x16xf32>,
      %swap3A_466 = vector.shape_cast %swap3A_465 : vector<1x16xf32> to vector<16xf32>
      %swap3A_467 = vector.shape_cast %add3A_462 : vector<16xf32> to vector<1x16xf32>
      tpu.vector_store %arg12[%swap3A_463, %swap3A_464], %swap3A_467 {strides = array<i32>} : memref<32x768xf32, #tpu.memory_space<vmem>>, vector<1x16xf32>,
      %get3A_468 = arith.index_cast %scan3A_60 : i32 to index
      %get3A_469 = arith.constant 400 : index
      %get3A_470 = tpu.vector_load %arg12[%get3A_468, %get3A_469] {strides = array<i32>} : memref<32x768xf32, #tpu.memory_space<vmem>>, vector<1x16xf32>,
      %get3A_471 = vector.shape_cast %get3A_470 : vector<1x16xf32> to vector<16xf32>
      %mul3A_472 = arith.mulf %get3A_471, %get3A_64 : vector<16xf32>
      %get3A_473 = arith.index_cast %scan3A_60 : i32 to index
      %get3A_474 = arith.constant 400 : index
      %get3A_475 = tpu.vector_load %arg13[%get3A_473, %get3A_474] {strides = array<i32>} : memref<32x768xf32, #tpu.memory_space<vmem>>, vector<1x16xf32>,
      %get3A_476 = vector.shape_cast %get3A_475 : vector<1x16xf32> to vector<16xf32>
      %mul3A_477 = arith.mulf %get3A_476, %get3A_68 : vector<16xf32>
      %add3A_478 = arith.addf %mul3A_472, %mul3A_477 : vector<16xf32>
      %swap3A_479 = arith.index_cast %scan3A_60 : i32 to index
      %swap3A_480 = arith.constant 400 : index
      %swap3A_481 = tpu.vector_load %arg12[%swap3A_479, %swap3A_480] {strides = array<i32>} : memref<32x768xf32, #tpu.memory_space<vmem>>, vector<1x16xf32>,
      %swap3A_482 = vector.shape_cast %swap3A_481 : vector<1x16xf32> to vector<16xf32>
      %swap3A_483 = vector.shape_cast %add3A_478 : vector<16xf32> to vector<1x16xf32>
      tpu.vector_store %arg12[%swap3A_479, %swap3A_480], %swap3A_483 {strides = array<i32>} : memref<32x768xf32, #tpu.memory_space<vmem>>, vector<1x16xf32>,
      %get3A_484 = arith.index_cast %scan3A_60 : i32 to index
      %get3A_485 = arith.constant 416 : index
      %get3A_486 = tpu.vector_load %arg12[%get3A_484, %get3A_485] {strides = array<i32>} : memref<32x768xf32, #tpu.memory_space<vmem>>, vector<1x16xf32>,
      %get3A_487 = vector.shape_cast %get3A_486 : vector<1x16xf32> to vector<16xf32>
      %mul3A_488 = arith.mulf %get3A_487, %get3A_64 : vector<16xf32>
      %get3A_489 = arith.index_cast %scan3A_60 : i32 to index
      %get3A_490 = arith.constant 416 : index
      %get3A_491 = tpu.vector_load %arg13[%get3A_489, %get3A_490] {strides = array<i32>} : memref<32x768xf32, #tpu.memory_space<vmem>>, vector<1x16xf32>,
      %get3A_492 = vector.shape_cast %get3A_491 : vector<1x16xf32> to vector<16xf32>
      %mul3A_493 = arith.mulf %get3A_492, %get3A_68 : vector<16xf32>
      %add3A_494 = arith.addf %mul3A_488, %mul3A_493 : vector<16xf32>
      %swap3A_495 = arith.index_cast %scan3A_60 : i32 to index
      %swap3A_496 = arith.constant 416 : index
      %swap3A_497 = tpu.vector_load %arg12[%swap3A_495, %swap3A_496] {strides = array<i32>} : memref<32x768xf32, #tpu.memory_space<vmem>>, vector<1x16xf32>,
      %swap3A_498 = vector.shape_cast %swap3A_497 : vector<1x16xf32> to vector<16xf32>
      %swap3A_499 = vector.shape_cast %add3A_494 : vector<16xf32> to vector<1x16xf32>
      tpu.vector_store %arg12[%swap3A_495, %swap3A_496], %swap3A_499 {strides = array<i32>} : memref<32x768xf32, #tpu.memory_space<vmem>>, vector<1x16xf32>,
      %get3A_500 = arith.index_cast %scan3A_60 : i32 to index
      %get3A_501 = arith.constant 432 : index
      %get3A_502 = tpu.vector_load %arg12[%get3A_500, %get3A_501] {strides = array<i32>} : memref<32x768xf32, #tpu.memory_space<vmem>>, vector<1x16xf32>,
      %get3A_503 = vector.shape_cast %get3A_502 : vector<1x16xf32> to vector<16xf32>
      %mul3A_504 = arith.mulf %get3A_503, %get3A_64 : vector<16xf32>
      %get3A_505 = arith.index_cast %scan3A_60 : i32 to index
      %get3A_506 = arith.constant 432 : index
      %get3A_507 = tpu.vector_load %arg13[%get3A_505, %get3A_506] {strides = array<i32>} : memref<32x768xf32, #tpu.memory_space<vmem>>, vector<1x16xf32>,
      %get3A_508 = vector.shape_cast %get3A_507 : vector<1x16xf32> to vector<16xf32>
      %mul3A_509 = arith.mulf %get3A_508, %get3A_68 : vector<16xf32>
      %add3A_510 = arith.addf %mul3A_504, %mul3A_509 : vector<16xf32>
      %swap3A_511 = arith.index_cast %scan3A_60 : i32 to index
      %swap3A_512 = arith.constant 432 : index
      %swap3A_513 = tpu.vector_load %arg12[%swap3A_511, %swap3A_512] {strides = array<i32>} : memref<32x768xf32, #tpu.memory_space<vmem>>, vector<1x16xf32>,
      %swap3A_514 = vector.shape_cast %swap3A_513 : vector<1x16xf32> to vector<16xf32>
      %swap3A_515 = vector.shape_cast %add3A_510 : vector<16xf32> to vector<1x16xf32>
      tpu.vector_store %arg12[%swap3A_511, %swap3A_512], %swap3A_515 {strides = array<i32>} : memref<32x768xf32, #tpu.memory_space<vmem>>, vector<1x16xf32>,
      %get3A_516 = arith.index_cast %scan3A_60 : i32 to index
      %get3A_517 = arith.constant 448 : index
      %get3A_518 = tpu.vector_load %arg12[%get3A_516, %get3A_517] {strides = array<i32>} : memref<32x768xf32, #tpu.memory_space<vmem>>, vector<1x16xf32>,
      %get3A_519 = vector.shape_cast %get3A_518 : vector<1x16xf32> to vector<16xf32>
      %mul3A_520 = arith.mulf %get3A_519, %get3A_64 : vector<16xf32>
      %get3A_521 = arith.index_cast %scan3A_60 : i32 to index
      %get3A_522 = arith.constant 448 : index
      %get3A_523 = tpu.vector_load %arg13[%get3A_521, %get3A_522] {strides = array<i32>} : memref<32x768xf32, #tpu.memory_space<vmem>>, vector<1x16xf32>,
      %get3A_524 = vector.shape_cast %get3A_523 : vector<1x16xf32> to vector<16xf32>
      %mul3A_525 = arith.mulf %get3A_524, %get3A_68 : vector<16xf32>
      %add3A_526 = arith.addf %mul3A_520, %mul3A_525 : vector<16xf32>
      %swap3A_527 = arith.index_cast %scan3A_60 : i32 to index
      %swap3A_528 = arith.constant 448 : index
      %swap3A_529 = tpu.vector_load %arg12[%swap3A_527, %swap3A_528] {strides = array<i32>} : memref<32x768xf32, #tpu.memory_space<vmem>>, vector<1x16xf32>,
      %swap3A_530 = vector.shape_cast %swap3A_529 : vector<1x16xf32> to vector<16xf32>
      %swap3A_531 = vector.shape_cast %add3A_526 : vector<16xf32> to vector<1x16xf32>
      tpu.vector_store %arg12[%swap3A_527, %swap3A_528], %swap3A_531 {strides = array<i32>} : memref<32x768xf32, #tpu.memory_space<vmem>>, vector<1x16xf32>,
      %get3A_532 = arith.index_cast %scan3A_60 : i32 to index
      %get3A_533 = arith.constant 464 : index
      %get3A_534 = tpu.vector_load %arg12[%get3A_532, %get3A_533] {strides = array<i32>} : memref<32x768xf32, #tpu.memory_space<vmem>>, vector<1x16xf32>,
      %get3A_535 = vector.shape_cast %get3A_534 : vector<1x16xf32> to vector<16xf32>
      %mul3A_536 = arith.mulf %get3A_535, %get3A_64 : vector<16xf32>
      %get3A_537 = arith.index_cast %scan3A_60 : i32 to index
      %get3A_538 = arith.constant 464 : index
      %get3A_539 = tpu.vector_load %arg13[%get3A_537, %get3A_538] {strides = array<i32>} : memref<32x768xf32, #tpu.memory_space<vmem>>, vector<1x16xf32>,
      %get3A_540 = vector.shape_cast %get3A_539 : vector<1x16xf32> to vector<16xf32>
      %mul3A_541 = arith.mulf %get3A_540, %get3A_68 : vector<16xf32>
      %add3A_542 = arith.addf %mul3A_536, %mul3A_541 : vector<16xf32>
      %swap3A_543 = arith.index_cast %scan3A_60 : i32 to index
      %swap3A_544 = arith.constant 464 : index
      %swap3A_545 = tpu.vector_load %arg12[%swap3A_543, %swap3A_544] {strides = array<i32>} : memref<32x768xf32, #tpu.memory_space<vmem>>, vector<1x16xf32>,
      %swap3A_546 = vector.shape_cast %swap3A_545 : vector<1x16xf32> to vector<16xf32>
      %swap3A_547 = vector.shape_cast %add3A_542 : vector<16xf32> to vector<1x16xf32>
      tpu.vector_store %arg12[%swap3A_543, %swap3A_544], %swap3A_547 {strides = array<i32>} : memref<32x768xf32, #tpu.memory_space<vmem>>, vector<1x16xf32>,
      %get3A_548 = arith.index_cast %scan3A_60 : i32 to index
      %get3A_549 = arith.constant 480 : index
      %get3A_550 = tpu.vector_load %arg12[%get3A_548, %get3A_549] {strides = array<i32>} : memref<32x768xf32, #tpu.memory_space<vmem>>, vector<1x16xf32>,
      %get3A_551 = vector.shape_cast %get3A_550 : vector<1x16xf32> to vector<16xf32>
      %mul3A_552 = arith.mulf %get3A_551, %get3A_64 : vector<16xf32>
      %get3A_553 = arith.index_cast %scan3A_60 : i32 to index
      %get3A_554 = arith.constant 480 : index
      %get3A_555 = tpu.vector_load %arg13[%get3A_553, %get3A_554] {strides = array<i32>} : memref<32x768xf32, #tpu.memory_space<vmem>>, vector<1x16xf32>,
      %get3A_556 = vector.shape_cast %get3A_555 : vector<1x16xf32> to vector<16xf32>
      %mul3A_557 = arith.mulf %get3A_556, %get3A_68 : vector<16xf32>
      %add3A_558 = arith.addf %mul3A_552, %mul3A_557 : vector<16xf32>
      %swap3A_559 = arith.index_cast %scan3A_60 : i32 to index
      %swap3A_560 = arith.constant 480 : index
      %swap3A_561 = tpu.vector_load %arg12[%swap3A_559, %swap3A_560] {strides = array<i32>} : memref<32x768xf32, #tpu.memory_space<vmem>>, vector<1x16xf32>,
      %swap3A_562 = vector.shape_cast %swap3A_561 : vector<1x16xf32> to vector<16xf32>
      %swap3A_563 = vector.shape_cast %add3A_558 : vector<16xf32> to vector<1x16xf32>
      tpu.vector_store %arg12[%swap3A_559, %swap3A_560], %swap3A_563 {strides = array<i32>} : memref<32x768xf32, #tpu.memory_space<vmem>>, vector<1x16xf32>,
      %get3A_564 = arith.index_cast %scan3A_60 : i32 to index
      %get3A_565 = arith.constant 496 : index
      %get3A_566 = tpu.vector_load %arg12[%get3A_564, %get3A_565] {strides = array<i32>} : memref<32x768xf32, #tpu.memory_space<vmem>>, vector<1x16xf32>,
      %get3A_567 = vector.shape_cast %get3A_566 : vector<1x16xf32> to vector<16xf32>
      %mul3A_568 = arith.mulf %get3A_567, %get3A_64 : vector<16xf32>
      %get3A_569 = arith.index_cast %scan3A_60 : i32 to index
      %get3A_570 = arith.constant 496 : index
      %get3A_571 = tpu.vector_load %arg13[%get3A_569, %get3A_570] {strides = array<i32>} : memref<32x768xf32, #tpu.memory_space<vmem>>, vector<1x16xf32>,
      %get3A_572 = vector.shape_cast %get3A_571 : vector<1x16xf32> to vector<16xf32>
      %mul3A_573 = arith.mulf %get3A_572, %get3A_68 : vector<16xf32>
      %add3A_574 = arith.addf %mul3A_568, %mul3A_573 : vector<16xf32>
      %swap3A_575 = arith.index_cast %scan3A_60 : i32 to index
      %swap3A_576 = arith.constant 496 : index
      %swap3A_577 = tpu.vector_load %arg12[%swap3A_575, %swap3A_576] {strides = array<i32>} : memref<32x768xf32, #tpu.memory_space<vmem>>, vector<1x16xf32>,
      %swap3A_578 = vector.shape_cast %swap3A_577 : vector<1x16xf32> to vector<16xf32>
      %swap3A_579 = vector.shape_cast %add3A_574 : vector<16xf32> to vector<1x16xf32>
      tpu.vector_store %arg12[%swap3A_575, %swap3A_576], %swap3A_579 {strides = array<i32>} : memref<32x768xf32, #tpu.memory_space<vmem>>, vector<1x16xf32>,
      %get3A_580 = arith.index_cast %scan3A_60 : i32 to index
      %get3A_581 = arith.constant 512 : index
      %get3A_582 = tpu.vector_load %arg12[%get3A_580, %get3A_581] {strides = array<i32>} : memref<32x768xf32, #tpu.memory_space<vmem>>, vector<1x16xf32>,
      %get3A_583 = vector.shape_cast %get3A_582 : vector<1x16xf32> to vector<16xf32>
      %mul3A_584 = arith.mulf %get3A_583, %get3A_64 : vector<16xf32>
      %get3A_585 = arith.index_cast %scan3A_60 : i32 to index
      %get3A_586 = arith.constant 512 : index
      %get3A_587 = tpu.vector_load %arg13[%get3A_585, %get3A_586] {strides = array<i32>} : memref<32x768xf32, #tpu.memory_space<vmem>>, vector<1x16xf32>,
      %get3A_588 = vector.shape_cast %get3A_587 : vector<1x16xf32> to vector<16xf32>
      %mul3A_589 = arith.mulf %get3A_588, %get3A_68 : vector<16xf32>
      %add3A_590 = arith.addf %mul3A_584, %mul3A_589 : vector<16xf32>
      %swap3A_591 = arith.index_cast %scan3A_60 : i32 to index
      %swap3A_592 = arith.constant 512 : index
      %swap3A_593 = tpu.vector_load %arg12[%swap3A_591, %swap3A_592] {strides = array<i32>} : memref<32x768xf32, #tpu.memory_space<vmem>>, vector<1x16xf32>,
      %swap3A_594 = vector.shape_cast %swap3A_593 : vector<1x16xf32> to vector<16xf32>
      %swap3A_595 = vector.shape_cast %add3A_590 : vector<16xf32> to vector<1x16xf32>
      tpu.vector_store %arg12[%swap3A_591, %swap3A_592], %swap3A_595 {strides = array<i32>} : memref<32x768xf32, #tpu.memory_space<vmem>>, vector<1x16xf32>,
      %get3A_596 = arith.index_cast %scan3A_60 : i32 to index
      %get3A_597 = arith.constant 528 : index
      %get3A_598 = tpu.vector_load %arg12[%get3A_596, %get3A_597] {strides = array<i32>} : memref<32x768xf32, #tpu.memory_space<vmem>>, vector<1x16xf32>,
      %get3A_599 = vector.shape_cast %get3A_598 : vector<1x16xf32> to vector<16xf32>
      %mul3A_600 = arith.mulf %get3A_599, %get3A_64 : vector<16xf32>
      %get3A_601 = arith.index_cast %scan3A_60 : i32 to index
      %get3A_602 = arith.constant 528 : index
      %get3A_603 = tpu.vector_load %arg13[%get3A_601, %get3A_602] {strides = array<i32>} : memref<32x768xf32, #tpu.memory_space<vmem>>, vector<1x16xf32>,
      %get3A_604 = vector.shape_cast %get3A_603 : vector<1x16xf32> to vector<16xf32>
      %mul3A_605 = arith.mulf %get3A_604, %get3A_68 : vector<16xf32>
      %add3A_606 = arith.addf %mul3A_600, %mul3A_605 : vector<16xf32>
      %swap3A_607 = arith.index_cast %scan3A_60 : i32 to index
      %swap3A_608 = arith.constant 528 : index
      %swap3A_609 = tpu.vector_load %arg12[%swap3A_607, %swap3A_608] {strides = array<i32>} : memref<32x768xf32, #tpu.memory_space<vmem>>, vector<1x16xf32>,
      %swap3A_610 = vector.shape_cast %swap3A_609 : vector<1x16xf32> to vector<16xf32>
      %swap3A_611 = vector.shape_cast %add3A_606 : vector<16xf32> to vector<1x16xf32>
      tpu.vector_store %arg12[%swap3A_607, %swap3A_608], %swap3A_611 {strides = array<i32>} : memref<32x768xf32, #tpu.memory_space<vmem>>, vector<1x16xf32>,
      %get3A_612 = arith.index_cast %scan3A_60 : i32 to index
      %get3A_613 = arith.constant 544 : index
      %get3A_614 = tpu.vector_load %arg12[%get3A_612, %get3A_613] {strides = array<i32>} : memref<32x768xf32, #tpu.memory_space<vmem>>, vector<1x16xf32>,
      %get3A_615 = vector.shape_cast %get3A_614 : vector<1x16xf32> to vector<16xf32>
      %mul3A_616 = arith.mulf %get3A_615, %get3A_64 : vector<16xf32>
      %get3A_617 = arith.index_cast %scan3A_60 : i32 to index
      %get3A_618 = arith.constant 544 : index
      %get3A_619 = tpu.vector_load %arg13[%get3A_617, %get3A_618] {strides = array<i32>} : memref<32x768xf32, #tpu.memory_space<vmem>>, vector<1x16xf32>,
      %get3A_620 = vector.shape_cast %get3A_619 : vector<1x16xf32> to vector<16xf32>
      %mul3A_621 = arith.mulf %get3A_620, %get3A_68 : vector<16xf32>
      %add3A_622 = arith.addf %mul3A_616, %mul3A_621 : vector<16xf32>
      %swap3A_623 = arith.index_cast %scan3A_60 : i32 to index
      %swap3A_624 = arith.constant 544 : index
      %swap3A_625 = tpu.vector_load %arg12[%swap3A_623, %swap3A_624] {strides = array<i32>} : memref<32x768xf32, #tpu.memory_space<vmem>>, vector<1x16xf32>,
      %swap3A_626 = vector.shape_cast %swap3A_625 : vector<1x16xf32> to vector<16xf32>
      %swap3A_627 = vector.shape_cast %add3A_622 : vector<16xf32> to vector<1x16xf32>
      tpu.vector_store %arg12[%swap3A_623, %swap3A_624], %swap3A_627 {strides = array<i32>} : memref<32x768xf32, #tpu.memory_space<vmem>>, vector<1x16xf32>,
      %get3A_628 = arith.index_cast %scan3A_60 : i32 to index
      %get3A_629 = arith.constant 560 : index
      %get3A_630 = tpu.vector_load %arg12[%get3A_628, %get3A_629] {strides = array<i32>} : memref<32x768xf32, #tpu.memory_space<vmem>>, vector<1x16xf32>,
      %get3A_631 = vector.shape_cast %get3A_630 : vector<1x16xf32> to vector<16xf32>
      %mul3A_632 = arith.mulf %get3A_631, %get3A_64 : vector<16xf32>
      %get3A_633 = arith.index_cast %scan3A_60 : i32 to index
      %get3A_634 = arith.constant 560 : index
      %get3A_635 = tpu.vector_load %arg13[%get3A_633, %get3A_634] {strides = array<i32>} : memref<32x768xf32, #tpu.memory_space<vmem>>, vector<1x16xf32>,
      %get3A_636 = vector.shape_cast %get3A_635 : vector<1x16xf32> to vector<16xf32>
      %mul3A_637 = arith.mulf %get3A_636, %get3A_68 : vector<16xf32>
      %add3A_638 = arith.addf %mul3A_632, %mul3A_637 : vector<16xf32>
      %swap3A_639 = arith.index_cast %scan3A_60 : i32 to index
      %swap3A_640 = arith.constant 560 : index
      %swap3A_641 = tpu.vector_load %arg12[%swap3A_639, %swap3A_640] {strides = array<i32>} : memref<32x768xf32, #tpu.memory_space<vmem>>, vector<1x16xf32>,
      %swap3A_642 = vector.shape_cast %swap3A_641 : vector<1x16xf32> to vector<16xf32>
      %swap3A_643 = vector.shape_cast %add3A_638 : vector<16xf32> to vector<1x16xf32>
      tpu.vector_store %arg12[%swap3A_639, %swap3A_640], %swap3A_643 {strides = array<i32>} : memref<32x768xf32, #tpu.memory_space<vmem>>, vector<1x16xf32>,
      %get3A_644 = arith.index_cast %scan3A_60 : i32 to index
      %get3A_645 = arith.constant 576 : index
      %get3A_646 = tpu.vector_load %arg12[%get3A_644, %get3A_645] {strides = array<i32>} : memref<32x768xf32, #tpu.memory_space<vmem>>, vector<1x16xf32>,
      %get3A_647 = vector.shape_cast %get3A_646 : vector<1x16xf32> to vector<16xf32>
      %mul3A_648 = arith.mulf %get3A_647, %get3A_64 : vector<16xf32>
      %get3A_649 = arith.index_cast %scan3A_60 : i32 to index
      %get3A_650 = arith.constant 576 : index
      %get3A_651 = tpu.vector_load %arg13[%get3A_649, %get3A_650] {strides = array<i32>} : memref<32x768xf32, #tpu.memory_space<vmem>>, vector<1x16xf32>,
      %get3A_652 = vector.shape_cast %get3A_651 : vector<1x16xf32> to vector<16xf32>
      %mul3A_653 = arith.mulf %get3A_652, %get3A_68 : vector<16xf32>
      %add3A_654 = arith.addf %mul3A_648, %mul3A_653 : vector<16xf32>
      %swap3A_655 = arith.index_cast %scan3A_60 : i32 to index
      %swap3A_656 = arith.constant 576 : index
      %swap3A_657 = tpu.vector_load %arg12[%swap3A_655, %swap3A_656] {strides = array<i32>} : memref<32x768xf32, #tpu.memory_space<vmem>>, vector<1x16xf32>,
      %swap3A_658 = vector.shape_cast %swap3A_657 : vector<1x16xf32> to vector<16xf32>
      %swap3A_659 = vector.shape_cast %add3A_654 : vector<16xf32> to vector<1x16xf32>
      tpu.vector_store %arg12[%swap3A_655, %swap3A_656], %swap3A_659 {strides = array<i32>} : memref<32x768xf32, #tpu.memory_space<vmem>>, vector<1x16xf32>,
      %get3A_660 = arith.index_cast %scan3A_60 : i32 to index
      %get3A_661 = arith.constant 592 : index
      %get3A_662 = tpu.vector_load %arg12[%get3A_660, %get3A_661] {strides = array<i32>} : memref<32x768xf32, #tpu.memory_space<vmem>>, vector<1x16xf32>,
      %get3A_663 = vector.shape_cast %get3A_662 : vector<1x16xf32> to vector<16xf32>
      %mul3A_664 = arith.mulf %get3A_663, %get3A_64 : vector<16xf32>
      %get3A_665 = arith.index_cast %scan3A_60 : i32 to index
      %get3A_666 = arith.constant 592 : index
      %get3A_667 = tpu.vector_load %arg13[%get3A_665, %get3A_666] {strides = array<i32>} : memref<32x768xf32, #tpu.memory_space<vmem>>, vector<1x16xf32>,
      %get3A_668 = vector.shape_cast %get3A_667 : vector<1x16xf32> to vector<16xf32>
      %mul3A_669 = arith.mulf %get3A_668, %get3A_68 : vector<16xf32>
      %add3A_670 = arith.addf %mul3A_664, %mul3A_669 : vector<16xf32>
      %swap3A_671 = arith.index_cast %scan3A_60 : i32 to index
      %swap3A_672 = arith.constant 592 : index
      %swap3A_673 = tpu.vector_load %arg12[%swap3A_671, %swap3A_672] {strides = array<i32>} : memref<32x768xf32, #tpu.memory_space<vmem>>, vector<1x16xf32>,
      %swap3A_674 = vector.shape_cast %swap3A_673 : vector<1x16xf32> to vector<16xf32>
      %swap3A_675 = vector.shape_cast %add3A_670 : vector<16xf32> to vector<1x16xf32>
      tpu.vector_store %arg12[%swap3A_671, %swap3A_672], %swap3A_675 {strides = array<i32>} : memref<32x768xf32, #tpu.memory_space<vmem>>, vector<1x16xf32>,
      %get3A_676 = arith.index_cast %scan3A_60 : i32 to index
      %get3A_677 = arith.constant 608 : index
      %get3A_678 = tpu.vector_load %arg12[%get3A_676, %get3A_677] {strides = array<i32>} : memref<32x768xf32, #tpu.memory_space<vmem>>, vector<1x16xf32>,
      %get3A_679 = vector.shape_cast %get3A_678 : vector<1x16xf32> to vector<16xf32>
      %mul3A_680 = arith.mulf %get3A_679, %get3A_64 : vector<16xf32>
      %get3A_681 = arith.index_cast %scan3A_60 : i32 to index
      %get3A_682 = arith.constant 608 : index
      %get3A_683 = tpu.vector_load %arg13[%get3A_681, %get3A_682] {strides = array<i32>} : memref<32x768xf32, #tpu.memory_space<vmem>>, vector<1x16xf32>,
      %get3A_684 = vector.shape_cast %get3A_683 : vector<1x16xf32> to vector<16xf32>
      %mul3A_685 = arith.mulf %get3A_684, %get3A_68 : vector<16xf32>
      %add3A_686 = arith.addf %mul3A_680, %mul3A_685 : vector<16xf32>
      %swap3A_687 = arith.index_cast %scan3A_60 : i32 to index
      %swap3A_688 = arith.constant 608 : index
      %swap3A_689 = tpu.vector_load %arg12[%swap3A_687, %swap3A_688] {strides = array<i32>} : memref<32x768xf32, #tpu.memory_space<vmem>>, vector<1x16xf32>,
      %swap3A_690 = vector.shape_cast %swap3A_689 : vector<1x16xf32> to vector<16xf32>
      %swap3A_691 = vector.shape_cast %add3A_686 : vector<16xf32> to vector<1x16xf32>
      tpu.vector_store %arg12[%swap3A_687, %swap3A_688], %swap3A_691 {strides = array<i32>} : memref<32x768xf32, #tpu.memory_space<vmem>>, vector<1x16xf32>,
      %get3A_692 = arith.index_cast %scan3A_60 : i32 to index
      %get3A_693 = arith.constant 624 : index
      %get3A_694 = tpu.vector_load %arg12[%get3A_692, %get3A_693] {strides = array<i32>} : memref<32x768xf32, #tpu.memory_space<vmem>>, vector<1x16xf32>,
      %get3A_695 = vector.shape_cast %get3A_694 : vector<1x16xf32> to vector<16xf32>
      %mul3A_696 = arith.mulf %get3A_695, %get3A_64 : vector<16xf32>
      %get3A_697 = arith.index_cast %scan3A_60 : i32 to index
      %get3A_698 = arith.constant 624 : index
      %get3A_699 = tpu.vector_load %arg13[%get3A_697, %get3A_698] {strides = array<i32>} : memref<32x768xf32, #tpu.memory_space<vmem>>, vector<1x16xf32>,
      %get3A_700 = vector.shape_cast %get3A_699 : vector<1x16xf32> to vector<16xf32>
      %mul3A_701 = arith.mulf %get3A_700, %get3A_68 : vector<16xf32>
      %add3A_702 = arith.addf %mul3A_696, %mul3A_701 : vector<16xf32>
      %swap3A_703 = arith.index_cast %scan3A_60 : i32 to index
      %swap3A_704 = arith.constant 624 : index
      %swap3A_705 = tpu.vector_load %arg12[%swap3A_703, %swap3A_704] {strides = array<i32>} : memref<32x768xf32, #tpu.memory_space<vmem>>, vector<1x16xf32>,
      %swap3A_706 = vector.shape_cast %swap3A_705 : vector<1x16xf32> to vector<16xf32>
      %swap3A_707 = vector.shape_cast %add3A_702 : vector<16xf32> to vector<1x16xf32>
      tpu.vector_store %arg12[%swap3A_703, %swap3A_704], %swap3A_707 {strides = array<i32>} : memref<32x768xf32, #tpu.memory_space<vmem>>, vector<1x16xf32>,
      %get3A_708 = arith.index_cast %scan3A_60 : i32 to index
      %get3A_709 = arith.constant 640 : index
      %get3A_710 = tpu.vector_load %arg12[%get3A_708, %get3A_709] {strides = array<i32>} : memref<32x768xf32, #tpu.memory_space<vmem>>, vector<1x16xf32>,
      %get3A_711 = vector.shape_cast %get3A_710 : vector<1x16xf32> to vector<16xf32>
      %mul3A_712 = arith.mulf %get3A_711, %get3A_64 : vector<16xf32>
      %get3A_713 = arith.index_cast %scan3A_60 : i32 to index
      %get3A_714 = arith.constant 640 : index
      %get3A_715 = tpu.vector_load %arg13[%get3A_713, %get3A_714] {strides = array<i32>} : memref<32x768xf32, #tpu.memory_space<vmem>>, vector<1x16xf32>,
      %get3A_716 = vector.shape_cast %get3A_715 : vector<1x16xf32> to vector<16xf32>
      %mul3A_717 = arith.mulf %get3A_716, %get3A_68 : vector<16xf32>
      %add3A_718 = arith.addf %mul3A_712, %mul3A_717 : vector<16xf32>
      %swap3A_719 = arith.index_cast %scan3A_60 : i32 to index
      %swap3A_720 = arith.constant 640 : index
      %swap3A_721 = tpu.vector_load %arg12[%swap3A_719, %swap3A_720] {strides = array<i32>} : memref<32x768xf32, #tpu.memory_space<vmem>>, vector<1x16xf32>,
      %swap3A_722 = vector.shape_cast %swap3A_721 : vector<1x16xf32> to vector<16xf32>
      %swap3A_723 = vector.shape_cast %add3A_718 : vector<16xf32> to vector<1x16xf32>
      tpu.vector_store %arg12[%swap3A_719, %swap3A_720], %swap3A_723 {strides = array<i32>} : memref<32x768xf32, #tpu.memory_space<vmem>>, vector<1x16xf32>,
      %get3A_724 = arith.index_cast %scan3A_60 : i32 to index
      %get3A_725 = arith.constant 656 : index
      %get3A_726 = tpu.vector_load %arg12[%get3A_724, %get3A_725] {strides = array<i32>} : memref<32x768xf32, #tpu.memory_space<vmem>>, vector<1x16xf32>,
      %get3A_727 = vector.shape_cast %get3A_726 : vector<1x16xf32> to vector<16xf32>
      %mul3A_728 = arith.mulf %get3A_727, %get3A_64 : vector<16xf32>
      %get3A_729 = arith.index_cast %scan3A_60 : i32 to index
      %get3A_730 = arith.constant 656 : index
      %get3A_731 = tpu.vector_load %arg13[%get3A_729, %get3A_730] {strides = array<i32>} : memref<32x768xf32, #tpu.memory_space<vmem>>, vector<1x16xf32>,
      %get3A_732 = vector.shape_cast %get3A_731 : vector<1x16xf32> to vector<16xf32>
      %mul3A_733 = arith.mulf %get3A_732, %get3A_68 : vector<16xf32>
      %add3A_734 = arith.addf %mul3A_728, %mul3A_733 : vector<16xf32>
      %swap3A_735 = arith.index_cast %scan3A_60 : i32 to index
      %swap3A_736 = arith.constant 656 : index
      %swap3A_737 = tpu.vector_load %arg12[%swap3A_735, %swap3A_736] {strides = array<i32>} : memref<32x768xf32, #tpu.memory_space<vmem>>, vector<1x16xf32>,
      %swap3A_738 = vector.shape_cast %swap3A_737 : vector<1x16xf32> to vector<16xf32>
      %swap3A_739 = vector.shape_cast %add3A_734 : vector<16xf32> to vector<1x16xf32>
      tpu.vector_store %arg12[%swap3A_735, %swap3A_736], %swap3A_739 {strides = array<i32>} : memref<32x768xf32, #tpu.memory_space<vmem>>, vector<1x16xf32>,
      %get3A_740 = arith.index_cast %scan3A_60 : i32 to index
      %get3A_741 = arith.constant 672 : index
      %get3A_742 = tpu.vector_load %arg12[%get3A_740, %get3A_741] {strides = array<i32>} : memref<32x768xf32, #tpu.memory_space<vmem>>, vector<1x16xf32>,
      %get3A_743 = vector.shape_cast %get3A_742 : vector<1x16xf32> to vector<16xf32>
      %mul3A_744 = arith.mulf %get3A_743, %get3A_64 : vector<16xf32>
      %get3A_745 = arith.index_cast %scan3A_60 : i32 to index
      %get3A_746 = arith.constant 672 : index
      %get3A_747 = tpu.vector_load %arg13[%get3A_745, %get3A_746] {strides = array<i32>} : memref<32x768xf32, #tpu.memory_space<vmem>>, vector<1x16xf32>,
      %get3A_748 = vector.shape_cast %get3A_747 : vector<1x16xf32> to vector<16xf32>
      %mul3A_749 = arith.mulf %get3A_748, %get3A_68 : vector<16xf32>
      %add3A_750 = arith.addf %mul3A_744, %mul3A_749 : vector<16xf32>
      %swap3A_751 = arith.index_cast %scan3A_60 : i32 to index
      %swap3A_752 = arith.constant 672 : index
      %swap3A_753 = tpu.vector_load %arg12[%swap3A_751, %swap3A_752] {strides = array<i32>} : memref<32x768xf32, #tpu.memory_space<vmem>>, vector<1x16xf32>,
      %swap3A_754 = vector.shape_cast %swap3A_753 : vector<1x16xf32> to vector<16xf32>
      %swap3A_755 = vector.shape_cast %add3A_750 : vector<16xf32> to vector<1x16xf32>
      tpu.vector_store %arg12[%swap3A_751, %swap3A_752], %swap3A_755 {strides = array<i32>} : memref<32x768xf32, #tpu.memory_space<vmem>>, vector<1x16xf32>,
      %get3A_756 = arith.index_cast %scan3A_60 : i32 to index
      %get3A_757 = arith.constant 688 : index
      %get3A_758 = tpu.vector_load %arg12[%get3A_756, %get3A_757] {strides = array<i32>} : memref<32x768xf32, #tpu.memory_space<vmem>>, vector<1x16xf32>,
      %get3A_759 = vector.shape_cast %get3A_758 : vector<1x16xf32> to vector<16xf32>
      %mul3A_760 = arith.mulf %get3A_759, %get3A_64 : vector<16xf32>
      %get3A_761 = arith.index_cast %scan3A_60 : i32 to index
      %get3A_762 = arith.constant 688 : index
      %get3A_763 = tpu.vector_load %arg13[%get3A_761, %get3A_762] {strides = array<i32>} : memref<32x768xf32, #tpu.memory_space<vmem>>, vector<1x16xf32>,
      %get3A_764 = vector.shape_cast %get3A_763 : vector<1x16xf32> to vector<16xf32>
      %mul3A_765 = arith.mulf %get3A_764, %get3A_68 : vector<16xf32>
      %add3A_766 = arith.addf %mul3A_760, %mul3A_765 : vector<16xf32>
      %swap3A_767 = arith.index_cast %scan3A_60 : i32 to index
      %swap3A_768 = arith.constant 688 : index
      %swap3A_769 = tpu.vector_load %arg12[%swap3A_767, %swap3A_768] {strides = array<i32>} : memref<32x768xf32, #tpu.memory_space<vmem>>, vector<1x16xf32>,
      %swap3A_770 = vector.shape_cast %swap3A_769 : vector<1x16xf32> to vector<16xf32>
      %swap3A_771 = vector.shape_cast %add3A_766 : vector<16xf32> to vector<1x16xf32>
      tpu.vector_store %arg12[%swap3A_767, %swap3A_768], %swap3A_771 {strides = array<i32>} : memref<32x768xf32, #tpu.memory_space<vmem>>, vector<1x16xf32>,
      %get3A_772 = arith.index_cast %scan3A_60 : i32 to index
      %get3A_773 = arith.constant 704 : index
      %get3A_774 = tpu.vector_load %arg12[%get3A_772, %get3A_773] {strides = array<i32>} : memref<32x768xf32, #tpu.memory_space<vmem>>, vector<1x16xf32>,
      %get3A_775 = vector.shape_cast %get3A_774 : vector<1x16xf32> to vector<16xf32>
      %mul3A_776 = arith.mulf %get3A_775, %get3A_64 : vector<16xf32>
      %get3A_777 = arith.index_cast %scan3A_60 : i32 to index
      %get3A_778 = arith.constant 704 : index
      %get3A_779 = tpu.vector_load %arg13[%get3A_777, %get3A_778] {strides = array<i32>} : memref<32x768xf32, #tpu.memory_space<vmem>>, vector<1x16xf32>,
      %get3A_780 = vector.shape_cast %get3A_779 : vector<1x16xf32> to vector<16xf32>
      %mul3A_781 = arith.mulf %get3A_780, %get3A_68 : vector<16xf32>
      %add3A_782 = arith.addf %mul3A_776, %mul3A_781 : vector<16xf32>
      %swap3A_783 = arith.index_cast %scan3A_60 : i32 to index
      %swap3A_784 = arith.constant 704 : index
      %swap3A_785 = tpu.vector_load %arg12[%swap3A_783, %swap3A_784] {strides = array<i32>} : memref<32x768xf32, #tpu.memory_space<vmem>>, vector<1x16xf32>,
      %swap3A_786 = vector.shape_cast %swap3A_785 : vector<1x16xf32> to vector<16xf32>
      %swap3A_787 = vector.shape_cast %add3A_782 : vector<16xf32> to vector<1x16xf32>
      tpu.vector_store %arg12[%swap3A_783, %swap3A_784], %swap3A_787 {strides = array<i32>} : memref<32x768xf32, #tpu.memory_space<vmem>>, vector<1x16xf32>,
      %get3A_788 = arith.index_cast %scan3A_60 : i32 to index
      %get3A_789 = arith.constant 720 : index
      %get3A_790 = tpu.vector_load %arg12[%get3A_788, %get3A_789] {strides = array<i32>} : memref<32x768xf32, #tpu.memory_space<vmem>>, vector<1x16xf32>,
      %get3A_791 = vector.shape_cast %get3A_790 : vector<1x16xf32> to vector<16xf32>
      %mul3A_792 = arith.mulf %get3A_791, %get3A_64 : vector<16xf32>
      %get3A_793 = arith.index_cast %scan3A_60 : i32 to index
      %get3A_794 = arith.constant 720 : index
      %get3A_795 = tpu.vector_load %arg13[%get3A_793, %get3A_794] {strides = array<i32>} : memref<32x768xf32, #tpu.memory_space<vmem>>, vector<1x16xf32>,
      %get3A_796 = vector.shape_cast %get3A_795 : vector<1x16xf32> to vector<16xf32>
      %mul3A_797 = arith.mulf %get3A_796, %get3A_68 : vector<16xf32>
      %add3A_798 = arith.addf %mul3A_792, %mul3A_797 : vector<16xf32>
      %swap3A_799 = arith.index_cast %scan3A_60 : i32 to index
      %swap3A_800 = arith.constant 720 : index
      %swap3A_801 = tpu.vector_load %arg12[%swap3A_799, %swap3A_800] {strides = array<i32>} : memref<32x768xf32, #tpu.memory_space<vmem>>, vector<1x16xf32>,
      %swap3A_802 = vector.shape_cast %swap3A_801 : vector<1x16xf32> to vector<16xf32>
      %swap3A_803 = vector.shape_cast %add3A_798 : vector<16xf32> to vector<1x16xf32>
      tpu.vector_store %arg12[%swap3A_799, %swap3A_800], %swap3A_803 {strides = array<i32>} : memref<32x768xf32, #tpu.memory_space<vmem>>, vector<1x16xf32>,
      %get3A_804 = arith.index_cast %scan3A_60 : i32 to index
      %get3A_805 = arith.constant 736 : index
      %get3A_806 = tpu.vector_load %arg12[%get3A_804, %get3A_805] {strides = array<i32>} : memref<32x768xf32, #tpu.memory_space<vmem>>, vector<1x16xf32>,
      %get3A_807 = vector.shape_cast %get3A_806 : vector<1x16xf32> to vector<16xf32>
      %mul3A_808 = arith.mulf %get3A_807, %get3A_64 : vector<16xf32>
      %get3A_809 = arith.index_cast %scan3A_60 : i32 to index
      %get3A_810 = arith.constant 736 : index
      %get3A_811 = tpu.vector_load %arg13[%get3A_809, %get3A_810] {strides = array<i32>} : memref<32x768xf32, #tpu.memory_space<vmem>>, vector<1x16xf32>,
      %get3A_812 = vector.shape_cast %get3A_811 : vector<1x16xf32> to vector<16xf32>
      %mul3A_813 = arith.mulf %get3A_812, %get3A_68 : vector<16xf32>
      %add3A_814 = arith.addf %mul3A_808, %mul3A_813 : vector<16xf32>
      %swap3A_815 = arith.index_cast %scan3A_60 : i32 to index
      %swap3A_816 = arith.constant 736 : index
      %swap3A_817 = tpu.vector_load %arg12[%swap3A_815, %swap3A_816] {strides = array<i32>} : memref<32x768xf32, #tpu.memory_space<vmem>>, vector<1x16xf32>,
      %swap3A_818 = vector.shape_cast %swap3A_817 : vector<1x16xf32> to vector<16xf32>
      %swap3A_819 = vector.shape_cast %add3A_814 : vector<16xf32> to vector<1x16xf32>
      tpu.vector_store %arg12[%swap3A_815, %swap3A_816], %swap3A_819 {strides = array<i32>} : memref<32x768xf32, #tpu.memory_space<vmem>>, vector<1x16xf32>,
      %get3A_820 = arith.index_cast %scan3A_60 : i32 to index
      %get3A_821 = arith.constant 752 : index
      %get3A_822 = tpu.vector_load %arg12[%get3A_820, %get3A_821] {strides = array<i32>} : memref<32x768xf32, #tpu.memory_space<vmem>>, vector<1x16xf32>,
      %get3A_823 = vector.shape_cast %get3A_822 : vector<1x16xf32> to vector<16xf32>
      %mul3A_824 = arith.mulf %get3A_823, %get3A_64 : vector<16xf32>
      %get3A_825 = arith.index_cast %scan3A_60 : i32 to index
      %get3A_826 = arith.constant 752 : index
      %get3A_827 = tpu.vector_load %arg13[%get3A_825, %get3A_826] {strides = array<i32>} : memref<32x768xf32, #tpu.memory_space<vmem>>, vector<1x16xf32>,
      %get3A_828 = vector.shape_cast %get3A_827 : vector<1x16xf32> to vector<16xf32>
      %mul3A_829 = arith.mulf %get3A_828, %get3A_68 : vector<16xf32>
      %add3A_830 = arith.addf %mul3A_824, %mul3A_829 : vector<16xf32>
      %swap3A_831 = arith.index_cast %scan3A_60 : i32 to index
      %swap3A_832 = arith.constant 752 : index
      %swap3A_833 = tpu.vector_load %arg12[%swap3A_831, %swap3A_832] {strides = array<i32>} : memref<32x768xf32, #tpu.memory_space<vmem>>, vector<1x16xf32>,
      %swap3A_834 = vector.shape_cast %swap3A_833 : vector<1x16xf32> to vector<16xf32>
      %swap3A_835 = vector.shape_cast %add3A_830 : vector<16xf32> to vector<1x16xf32>
      tpu.vector_store %arg12[%swap3A_831, %swap3A_832], %swap3A_835 {strides = array<i32>} : memref<32x768xf32, #tpu.memory_space<vmem>>, vector<1x16xf32>,
      %scan3A_836 = arith.constant 0 : i32
      scf.yield %scan3A_836 : i32
    }
    %scan3A_22 = arith.constant 32 : i32
    %mul3A_23 = arith.constant 64 : i32
    %mul3A_24 = arith.muli %add3A, %mul3A_23 : i32
    %add3A_25 = arith.constant 0 : i32
    %add3A_26 = arith.addi %mul3A_24, %add3A_25 : i32
    %dma_start3A_27 = arith.constant 0 : i32
    %dma_start3A_28 = tpu.memref_slice %arg7[%add3A_26, %dma_start3A_27] : memref<2048x768xf32, #tpu.memory_space<hbm>> -> memref<32x768xf32, #tpu.memory_space<hbm>>
    %dma_start3A_29 = arith.constant 0 : i32
    %dma_start3A_30 = tpu.memref_slice %arg7[%add3A_26, %dma_start3A_29] : memref<2048x768xf32, #tpu.memory_space<hbm>> -> memref<32x768xf32, #tpu.memory_space<hbm>>
    tpu.enqueue_dma source(%arg12 : memref<32x768xf32, #tpu.memory_space<vmem>>) target(%dma_start3A_30 : memref<32x768xf32, #tpu.memory_space<hbm>>) target_semaphore(%arg24 : memref<!tpu.dma_semaphore, #tpu.memory_space<semaphore_mem>>)
    %dma_wait3A_31 = arith.constant 0 : i32
    %dma_wait3A_32 = arith.constant 0 : i32
    %dma_wait3A_33 = tpu.memref_slice %arg2[%dma_wait3A_31, %dma_wait3A_32] : memref<6144x768xf32, #tpu.memory_space<hbm>> -> memref<6144x768xf32, #tpu.memory_space<hbm>>
    tpu.wait_indirect_dma semaphore(%arg22 : memref<!tpu.dma_semaphore, #tpu.memory_space<semaphore_mem>>) src(%dma_wait3A_33 : memref<6144x768xf32, #tpu.memory_space<hbm>>) dst(%arg14 : memref<32x768xf32, #tpu.memory_space<vmem>>)
    %dma_wait3A_34 = arith.constant 0 : i32
    %dma_wait3A_35 = arith.constant 0 : i32
    %dma_wait3A_36 = tpu.memref_slice %arg2[%dma_wait3A_34, %dma_wait3A_35] : memref<6144x768xf32, #tpu.memory_space<hbm>> -> memref<6144x768xf32, #tpu.memory_space<hbm>>
    tpu.wait_indirect_dma semaphore(%arg23 : memref<!tpu.dma_semaphore, #tpu.memory_space<semaphore_mem>>) src(%dma_wait3A_36 : memref<6144x768xf32, #tpu.memory_space<hbm>>) dst(%arg15 : memref<32x768xf32, #tpu.memory_space<vmem>>)
    %scan3A_37 = arith.constant 0 : i32
    %scan3A_38 = arith.constant 0 : i32
    %scan3A_39 = arith.constant 32 : i32
    %scan3A_40 = arith.addi %scan3A_38, %scan3A_39 : i32
    %scan3A_41 = arith.constant 1 : i32
    %scan3A_42 = scf.for %scan3A_60 = %scan3A_38 to %scan3A_40 step %scan3A_41 iter_args(%scan3A_61 = %scan3A_37) -> (i32)  : i32 {
      %get3A = arith.index_cast %scan3A_60 : i32 to index
      %get3A_62 = arith.constant 0 : index
      %get3A_63 = tpu.vector_load %arg18[%get3A, %get3A_62] {strides = array<i32>} : memref<32x16xf32, #tpu.memory_space<vmem>>, vector<1x16xf32>,
      %get3A_64 = vector.shape_cast %get3A_63 : vector<1x16xf32> to vector<16xf32>
      %get3A_65 = arith.index_cast %scan3A_60 : i32 to index
      %get3A_66 = arith.constant 0 : index
      %get3A_67 = tpu.vector_load %arg19[%get3A_65, %get3A_66] {strides = array<i32>} : memref<32x16xf32, #tpu.memory_space<vmem>>, vector<1x16xf32>,
      %get3A_68 = vector.shape_cast %get3A_67 : vector<1x16xf32> to vector<16xf32>
      %get3A_69 = arith.index_cast %scan3A_60 : i32 to index
      %get3A_70 = arith.constant 0 : index
      %get3A_71 = tpu.vector_load %arg14[%get3A_69, %get3A_70] {strides = array<i32>} : memref<32x768xf32, #tpu.memory_space<vmem>>, vector<1x16xf32>,
      %get3A_72 = vector.shape_cast %get3A_71 : vector<1x16xf32> to vector<16xf32>
      %mul3A_73 = arith.mulf %get3A_72, %get3A_64 : vector<16xf32>
      %get3A_74 = arith.index_cast %scan3A_60 : i32 to index
      %get3A_75 = arith.constant 0 : index
      %get3A_76 = tpu.vector_load %arg15[%get3A_74, %get3A_75] {strides = array<i32>} : memref<32x768xf32, #tpu.memory_space<vmem>>, vector<1x16xf32>,
      %get3A_77 = vector.shape_cast %get3A_76 : vector<1x16xf32> to vector<16xf32>
      %mul3A_78 = arith.mulf %get3A_77, %get3A_68 : vector<16xf32>
      %add3A_79 = arith.addf %mul3A_73, %mul3A_78 : vector<16xf32>
      %swap3A = arith.index_cast %scan3A_60 : i32 to index
      %swap3A_80 = arith.constant 0 : index
      %swap3A_81 = tpu.vector_load %arg14[%swap3A, %swap3A_80] {strides = array<i32>} : memref<32x768xf32, #tpu.memory_space<vmem>>, vector<1x16xf32>,
      %swap3A_82 = vector.shape_cast %swap3A_81 : vector<1x16xf32> to vector<16xf32>
      %swap3A_83 = vector.shape_cast %add3A_79 : vector<16xf32> to vector<1x16xf32>
      tpu.vector_store %arg14[%swap3A, %swap3A_80], %swap3A_83 {strides = array<i32>} : memref<32x768xf32, #tpu.memory_space<vmem>>, vector<1x16xf32>,
      %get3A_84 = arith.index_cast %scan3A_60 : i32 to index
      %get3A_85 = arith.constant 16 : index
      %get3A_86 = tpu.vector_load %arg14[%get3A_84, %get3A_85] {strides = array<i32>} : memref<32x768xf32, #tpu.memory_space<vmem>>, vector<1x16xf32>,
      %get3A_87 = vector.shape_cast %get3A_86 : vector<1x16xf32> to vector<16xf32>
      %mul3A_88 = arith.mulf %get3A_87, %get3A_64 : vector<16xf32>
      %get3A_89 = arith.index_cast %scan3A_60 : i32 to index
      %get3A_90 = arith.constant 16 : index
      %get3A_91 = tpu.vector_load %arg15[%get3A_89, %get3A_90] {strides = array<i32>} : memref<32x768xf32, #tpu.memory_space<vmem>>, vector<1x16xf32>,
      %get3A_92 = vector.shape_cast %get3A_91 : vector<1x16xf32> to vector<16xf32>
      %mul3A_93 = arith.mulf %get3A_92, %get3A_68 : vector<16xf32>
      %add3A_94 = arith.addf %mul3A_88, %mul3A_93 : vector<16xf32>
      %swap3A_95 = arith.index_cast %scan3A_60 : i32 to index
      %swap3A_96 = arith.constant 16 : index
      %swap3A_97 = tpu.vector_load %arg14[%swap3A_95, %swap3A_96] {strides = array<i32>} : memref<32x768xf32, #tpu.memory_space<vmem>>, vector<1x16xf32>,
      %swap3A_98 = vector.shape_cast %swap3A_97 : vector<1x16xf32> to vector<16xf32>
      %swap3A_99 = vector.shape_cast %add3A_94 : vector<16xf32> to vector<1x16xf32>
      tpu.vector_store %arg14[%swap3A_95, %swap3A_96], %swap3A_99 {strides = array<i32>} : memref<32x768xf32, #tpu.memory_space<vmem>>, vector<1x16xf32>,
      %get3A_100 = arith.index_cast %scan3A_60 : i32 to index
      %get3A_101 = arith.constant 32 : index
      %get3A_102 = tpu.vector_load %arg14[%get3A_100, %get3A_101] {strides = array<i32>} : memref<32x768xf32, #tpu.memory_space<vmem>>, vector<1x16xf32>,
      %get3A_103 = vector.shape_cast %get3A_102 : vector<1x16xf32> to vector<16xf32>
      %mul3A_104 = arith.mulf %get3A_103, %get3A_64 : vector<16xf32>
      %get3A_105 = arith.index_cast %scan3A_60 : i32 to index
      %get3A_106 = arith.constant 32 : index
      %get3A_107 = tpu.vector_load %arg15[%get3A_105, %get3A_106] {strides = array<i32>} : memref<32x768xf32, #tpu.memory_space<vmem>>, vector<1x16xf32>,
      %get3A_108 = vector.shape_cast %get3A_107 : vector<1x16xf32> to vector<16xf32>
      %mul3A_109 = arith.mulf %get3A_108, %get3A_68 : vector<16xf32>
      %add3A_110 = arith.addf %mul3A_104, %mul3A_109 : vector<16xf32>
      %swap3A_111 = arith.index_cast %scan3A_60 : i32 to index
      %swap3A_112 = arith.constant 32 : index
      %swap3A_113 = tpu.vector_load %arg14[%swap3A_111, %swap3A_112] {strides = array<i32>} : memref<32x768xf32, #tpu.memory_space<vmem>>, vector<1x16xf32>,
      %swap3A_114 = vector.shape_cast %swap3A_113 : vector<1x16xf32> to vector<16xf32>
      %swap3A_115 = vector.shape_cast %add3A_110 : vector<16xf32> to vector<1x16xf32>
      tpu.vector_store %arg14[%swap3A_111, %swap3A_112], %swap3A_115 {strides = array<i32>} : memref<32x768xf32, #tpu.memory_space<vmem>>, vector<1x16xf32>,
      %get3A_116 = arith.index_cast %scan3A_60 : i32 to index
      %get3A_117 = arith.constant 48 : index
      %get3A_118 = tpu.vector_load %arg14[%get3A_116, %get3A_117] {strides = array<i32>} : memref<32x768xf32, #tpu.memory_space<vmem>>, vector<1x16xf32>,
      %get3A_119 = vector.shape_cast %get3A_118 : vector<1x16xf32> to vector<16xf32>
      %mul3A_120 = arith.mulf %get3A_119, %get3A_64 : vector<16xf32>
      %get3A_121 = arith.index_cast %scan3A_60 : i32 to index
      %get3A_122 = arith.constant 48 : index
      %get3A_123 = tpu.vector_load %arg15[%get3A_121, %get3A_122] {strides = array<i32>} : memref<32x768xf32, #tpu.memory_space<vmem>>, vector<1x16xf32>,
      %get3A_124 = vector.shape_cast %get3A_123 : vector<1x16xf32> to vector<16xf32>
      %mul3A_125 = arith.mulf %get3A_124, %get3A_68 : vector<16xf32>
      %add3A_126 = arith.addf %mul3A_120, %mul3A_125 : vector<16xf32>
      %swap3A_127 = arith.index_cast %scan3A_60 : i32 to index
      %swap3A_128 = arith.constant 48 : index
      %swap3A_129 = tpu.vector_load %arg14[%swap3A_127, %swap3A_128] {strides = array<i32>} : memref<32x768xf32, #tpu.memory_space<vmem>>, vector<1x16xf32>,
      %swap3A_130 = vector.shape_cast %swap3A_129 : vector<1x16xf32> to vector<16xf32>
      %swap3A_131 = vector.shape_cast %add3A_126 : vector<16xf32> to vector<1x16xf32>
      tpu.vector_store %arg14[%swap3A_127, %swap3A_128], %swap3A_131 {strides = array<i32>} : memref<32x768xf32, #tpu.memory_space<vmem>>, vector<1x16xf32>,
      %get3A_132 = arith.index_cast %scan3A_60 : i32 to index
      %get3A_133 = arith.constant 64 : index
      %get3A_134 = tpu.vector_load %arg14[%get3A_132, %get3A_133] {strides = array<i32>} : memref<32x768xf32, #tpu.memory_space<vmem>>, vector<1x16xf32>,
      %get3A_135 = vector.shape_cast %get3A_134 : vector<1x16xf32> to vector<16xf32>
      %mul3A_136 = arith.mulf %get3A_135, %get3A_64 : vector<16xf32>
      %get3A_137 = arith.index_cast %scan3A_60 : i32 to index
      %get3A_138 = arith.constant 64 : index
      %get3A_139 = tpu.vector_load %arg15[%get3A_137, %get3A_138] {strides = array<i32>} : memref<32x768xf32, #tpu.memory_space<vmem>>, vector<1x16xf32>,
      %get3A_140 = vector.shape_cast %get3A_139 : vector<1x16xf32> to vector<16xf32>
      %mul3A_141 = arith.mulf %get3A_140, %get3A_68 : vector<16xf32>
      %add3A_142 = arith.addf %mul3A_136, %mul3A_141 : vector<16xf32>
      %swap3A_143 = arith.index_cast %scan3A_60 : i32 to index
      %swap3A_144 = arith.constant 64 : index
      %swap3A_145 = tpu.vector_load %arg14[%swap3A_143, %swap3A_144] {strides = array<i32>} : memref<32x768xf32, #tpu.memory_space<vmem>>, vector<1x16xf32>,
      %swap3A_146 = vector.shape_cast %swap3A_145 : vector<1x16xf32> to vector<16xf32>
      %swap3A_147 = vector.shape_cast %add3A_142 : vector<16xf32> to vector<1x16xf32>
      tpu.vector_store %arg14[%swap3A_143, %swap3A_144], %swap3A_147 {strides = array<i32>} : memref<32x768xf32, #tpu.memory_space<vmem>>, vector<1x16xf32>,
      %get3A_148 = arith.index_cast %scan3A_60 : i32 to index
      %get3A_149 = arith.constant 80 : index
      %get3A_150 = tpu.vector_load %arg14[%get3A_148, %get3A_149] {strides = array<i32>} : memref<32x768xf32, #tpu.memory_space<vmem>>, vector<1x16xf32>,
      %get3A_151 = vector.shape_cast %get3A_150 : vector<1x16xf32> to vector<16xf32>
      %mul3A_152 = arith.mulf %get3A_151, %get3A_64 : vector<16xf32>
      %get3A_153 = arith.index_cast %scan3A_60 : i32 to index
      %get3A_154 = arith.constant 80 : index
      %get3A_155 = tpu.vector_load %arg15[%get3A_153, %get3A_154] {strides = array<i32>} : memref<32x768xf32, #tpu.memory_space<vmem>>, vector<1x16xf32>,
      %get3A_156 = vector.shape_cast %get3A_155 : vector<1x16xf32> to vector<16xf32>
      %mul3A_157 = arith.mulf %get3A_156, %get3A_68 : vector<16xf32>
      %add3A_158 = arith.addf %mul3A_152, %mul3A_157 : vector<16xf32>
      %swap3A_159 = arith.index_cast %scan3A_60 : i32 to index
      %swap3A_160 = arith.constant 80 : index
      %swap3A_161 = tpu.vector_load %arg14[%swap3A_159, %swap3A_160] {strides = array<i32>} : memref<32x768xf32, #tpu.memory_space<vmem>>, vector<1x16xf32>,
      %swap3A_162 = vector.shape_cast %swap3A_161 : vector<1x16xf32> to vector<16xf32>
      %swap3A_163 = vector.shape_cast %add3A_158 : vector<16xf32> to vector<1x16xf32>
      tpu.vector_store %arg14[%swap3A_159, %swap3A_160], %swap3A_163 {strides = array<i32>} : memref<32x768xf32, #tpu.memory_space<vmem>>, vector<1x16xf32>,
      %get3A_164 = arith.index_cast %scan3A_60 : i32 to index
      %get3A_165 = arith.constant 96 : index
      %get3A_166 = tpu.vector_load %arg14[%get3A_164, %get3A_165] {strides = array<i32>} : memref<32x768xf32, #tpu.memory_space<vmem>>, vector<1x16xf32>,
      %get3A_167 = vector.shape_cast %get3A_166 : vector<1x16xf32> to vector<16xf32>
      %mul3A_168 = arith.mulf %get3A_167, %get3A_64 : vector<16xf32>
      %get3A_169 = arith.index_cast %scan3A_60 : i32 to index
      %get3A_170 = arith.constant 96 : index
      %get3A_171 = tpu.vector_load %arg15[%get3A_169, %get3A_170] {strides = array<i32>} : memref<32x768xf32, #tpu.memory_space<vmem>>, vector<1x16xf32>,
      %get3A_172 = vector.shape_cast %get3A_171 : vector<1x16xf32> to vector<16xf32>
      %mul3A_173 = arith.mulf %get3A_172, %get3A_68 : vector<16xf32>
      %add3A_174 = arith.addf %mul3A_168, %mul3A_173 : vector<16xf32>
      %swap3A_175 = arith.index_cast %scan3A_60 : i32 to index
      %swap3A_176 = arith.constant 96 : index
      %swap3A_177 = tpu.vector_load %arg14[%swap3A_175, %swap3A_176] {strides = array<i32>} : memref<32x768xf32, #tpu.memory_space<vmem>>, vector<1x16xf32>,
      %swap3A_178 = vector.shape_cast %swap3A_177 : vector<1x16xf32> to vector<16xf32>
      %swap3A_179 = vector.shape_cast %add3A_174 : vector<16xf32> to vector<1x16xf32>
      tpu.vector_store %arg14[%swap3A_175, %swap3A_176], %swap3A_179 {strides = array<i32>} : memref<32x768xf32, #tpu.memory_space<vmem>>, vector<1x16xf32>,
      %get3A_180 = arith.index_cast %scan3A_60 : i32 to index
      %get3A_181 = arith.constant 112 : index
      %get3A_182 = tpu.vector_load %arg14[%get3A_180, %get3A_181] {strides = array<i32>} : memref<32x768xf32, #tpu.memory_space<vmem>>, vector<1x16xf32>,
      %get3A_183 = vector.shape_cast %get3A_182 : vector<1x16xf32> to vector<16xf32>
      %mul3A_184 = arith.mulf %get3A_183, %get3A_64 : vector<16xf32>
      %get3A_185 = arith.index_cast %scan3A_60 : i32 to index
      %get3A_186 = arith.constant 112 : index
      %get3A_187 = tpu.vector_load %arg15[%get3A_185, %get3A_186] {strides = array<i32>} : memref<32x768xf32, #tpu.memory_space<vmem>>, vector<1x16xf32>,
      %get3A_188 = vector.shape_cast %get3A_187 : vector<1x16xf32> to vector<16xf32>
      %mul3A_189 = arith.mulf %get3A_188, %get3A_68 : vector<16xf32>
      %add3A_190 = arith.addf %mul3A_184, %mul3A_189 : vector<16xf32>
      %swap3A_191 = arith.index_cast %scan3A_60 : i32 to index
      %swap3A_192 = arith.constant 112 : index
      %swap3A_193 = tpu.vector_load %arg14[%swap3A_191, %swap3A_192] {strides = array<i32>} : memref<32x768xf32, #tpu.memory_space<vmem>>, vector<1x16xf32>,
      %swap3A_194 = vector.shape_cast %swap3A_193 : vector<1x16xf32> to vector<16xf32>
      %swap3A_195 = vector.shape_cast %add3A_190 : vector<16xf32> to vector<1x16xf32>
      tpu.vector_store %arg14[%swap3A_191, %swap3A_192], %swap3A_195 {strides = array<i32>} : memref<32x768xf32, #tpu.memory_space<vmem>>, vector<1x16xf32>,
      %get3A_196 = arith.index_cast %scan3A_60 : i32 to index
      %get3A_197 = arith.constant 128 : index
      %get3A_198 = tpu.vector_load %arg14[%get3A_196, %get3A_197] {strides = array<i32>} : memref<32x768xf32, #tpu.memory_space<vmem>>, vector<1x16xf32>,
      %get3A_199 = vector.shape_cast %get3A_198 : vector<1x16xf32> to vector<16xf32>
      %mul3A_200 = arith.mulf %get3A_199, %get3A_64 : vector<16xf32>
      %get3A_201 = arith.index_cast %scan3A_60 : i32 to index
      %get3A_202 = arith.constant 128 : index
      %get3A_203 = tpu.vector_load %arg15[%get3A_201, %get3A_202] {strides = array<i32>} : memref<32x768xf32, #tpu.memory_space<vmem>>, vector<1x16xf32>,
      %get3A_204 = vector.shape_cast %get3A_203 : vector<1x16xf32> to vector<16xf32>
      %mul3A_205 = arith.mulf %get3A_204, %get3A_68 : vector<16xf32>
      %add3A_206 = arith.addf %mul3A_200, %mul3A_205 : vector<16xf32>
      %swap3A_207 = arith.index_cast %scan3A_60 : i32 to index
      %swap3A_208 = arith.constant 128 : index
      %swap3A_209 = tpu.vector_load %arg14[%swap3A_207, %swap3A_208] {strides = array<i32>} : memref<32x768xf32, #tpu.memory_space<vmem>>, vector<1x16xf32>,
      %swap3A_210 = vector.shape_cast %swap3A_209 : vector<1x16xf32> to vector<16xf32>
      %swap3A_211 = vector.shape_cast %add3A_206 : vector<16xf32> to vector<1x16xf32>
      tpu.vector_store %arg14[%swap3A_207, %swap3A_208], %swap3A_211 {strides = array<i32>} : memref<32x768xf32, #tpu.memory_space<vmem>>, vector<1x16xf32>,
      %get3A_212 = arith.index_cast %scan3A_60 : i32 to index
      %get3A_213 = arith.constant 144 : index
      %get3A_214 = tpu.vector_load %arg14[%get3A_212, %get3A_213] {strides = array<i32>} : memref<32x768xf32, #tpu.memory_space<vmem>>, vector<1x16xf32>,
      %get3A_215 = vector.shape_cast %get3A_214 : vector<1x16xf32> to vector<16xf32>
      %mul3A_216 = arith.mulf %get3A_215, %get3A_64 : vector<16xf32>
      %get3A_217 = arith.index_cast %scan3A_60 : i32 to index
      %get3A_218 = arith.constant 144 : index
      %get3A_219 = tpu.vector_load %arg15[%get3A_217, %get3A_218] {strides = array<i32>} : memref<32x768xf32, #tpu.memory_space<vmem>>, vector<1x16xf32>,
      %get3A_220 = vector.shape_cast %get3A_219 : vector<1x16xf32> to vector<16xf32>
      %mul3A_221 = arith.mulf %get3A_220, %get3A_68 : vector<16xf32>
      %add3A_222 = arith.addf %mul3A_216, %mul3A_221 : vector<16xf32>
      %swap3A_223 = arith.index_cast %scan3A_60 : i32 to index
      %swap3A_224 = arith.constant 144 : index
      %swap3A_225 = tpu.vector_load %arg14[%swap3A_223, %swap3A_224] {strides = array<i32>} : memref<32x768xf32, #tpu.memory_space<vmem>>, vector<1x16xf32>,
      %swap3A_226 = vector.shape_cast %swap3A_225 : vector<1x16xf32> to vector<16xf32>
      %swap3A_227 = vector.shape_cast %add3A_222 : vector<16xf32> to vector<1x16xf32>
      tpu.vector_store %arg14[%swap3A_223, %swap3A_224], %swap3A_227 {strides = array<i32>} : memref<32x768xf32, #tpu.memory_space<vmem>>, vector<1x16xf32>,
      %get3A_228 = arith.index_cast %scan3A_60 : i32 to index
      %get3A_229 = arith.constant 160 : index
      %get3A_230 = tpu.vector_load %arg14[%get3A_228, %get3A_229] {strides = array<i32>} : memref<32x768xf32, #tpu.memory_space<vmem>>, vector<1x16xf32>,
      %get3A_231 = vector.shape_cast %get3A_230 : vector<1x16xf32> to vector<16xf32>
      %mul3A_232 = arith.mulf %get3A_231, %get3A_64 : vector<16xf32>
      %get3A_233 = arith.index_cast %scan3A_60 : i32 to index
      %get3A_234 = arith.constant 160 : index
      %get3A_235 = tpu.vector_load %arg15[%get3A_233, %get3A_234] {strides = array<i32>} : memref<32x768xf32, #tpu.memory_space<vmem>>, vector<1x16xf32>,
      %get3A_236 = vector.shape_cast %get3A_235 : vector<1x16xf32> to vector<16xf32>
      %mul3A_237 = arith.mulf %get3A_236, %get3A_68 : vector<16xf32>
      %add3A_238 = arith.addf %mul3A_232, %mul3A_237 : vector<16xf32>
      %swap3A_239 = arith.index_cast %scan3A_60 : i32 to index
      %swap3A_240 = arith.constant 160 : index
      %swap3A_241 = tpu.vector_load %arg14[%swap3A_239, %swap3A_240] {strides = array<i32>} : memref<32x768xf32, #tpu.memory_space<vmem>>, vector<1x16xf32>,
      %swap3A_242 = vector.shape_cast %swap3A_241 : vector<1x16xf32> to vector<16xf32>
      %swap3A_243 = vector.shape_cast %add3A_238 : vector<16xf32> to vector<1x16xf32>
      tpu.vector_store %arg14[%swap3A_239, %swap3A_240], %swap3A_243 {strides = array<i32>} : memref<32x768xf32, #tpu.memory_space<vmem>>, vector<1x16xf32>,
      %get3A_244 = arith.index_cast %scan3A_60 : i32 to index
      %get3A_245 = arith.constant 176 : index
      %get3A_246 = tpu.vector_load %arg14[%get3A_244, %get3A_245] {strides = array<i32>} : memref<32x768xf32, #tpu.memory_space<vmem>>, vector<1x16xf32>,
      %get3A_247 = vector.shape_cast %get3A_246 : vector<1x16xf32> to vector<16xf32>
      %mul3A_248 = arith.mulf %get3A_247, %get3A_64 : vector<16xf32>
      %get3A_249 = arith.index_cast %scan3A_60 : i32 to index
      %get3A_250 = arith.constant 176 : index
      %get3A_251 = tpu.vector_load %arg15[%get3A_249, %get3A_250] {strides = array<i32>} : memref<32x768xf32, #tpu.memory_space<vmem>>, vector<1x16xf32>,
      %get3A_252 = vector.shape_cast %get3A_251 : vector<1x16xf32> to vector<16xf32>
      %mul3A_253 = arith.mulf %get3A_252, %get3A_68 : vector<16xf32>
      %add3A_254 = arith.addf %mul3A_248, %mul3A_253 : vector<16xf32>
      %swap3A_255 = arith.index_cast %scan3A_60 : i32 to index
      %swap3A_256 = arith.constant 176 : index
      %swap3A_257 = tpu.vector_load %arg14[%swap3A_255, %swap3A_256] {strides = array<i32>} : memref<32x768xf32, #tpu.memory_space<vmem>>, vector<1x16xf32>,
      %swap3A_258 = vector.shape_cast %swap3A_257 : vector<1x16xf32> to vector<16xf32>
      %swap3A_259 = vector.shape_cast %add3A_254 : vector<16xf32> to vector<1x16xf32>
      tpu.vector_store %arg14[%swap3A_255, %swap3A_256], %swap3A_259 {strides = array<i32>} : memref<32x768xf32, #tpu.memory_space<vmem>>, vector<1x16xf32>,
      %get3A_260 = arith.index_cast %scan3A_60 : i32 to index
      %get3A_261 = arith.constant 192 : index
      %get3A_262 = tpu.vector_load %arg14[%get3A_260, %get3A_261] {strides = array<i32>} : memref<32x768xf32, #tpu.memory_space<vmem>>, vector<1x16xf32>,
      %get3A_263 = vector.shape_cast %get3A_262 : vector<1x16xf32> to vector<16xf32>
      %mul3A_264 = arith.mulf %get3A_263, %get3A_64 : vector<16xf32>
      %get3A_265 = arith.index_cast %scan3A_60 : i32 to index
      %get3A_266 = arith.constant 192 : index
      %get3A_267 = tpu.vector_load %arg15[%get3A_265, %get3A_266] {strides = array<i32>} : memref<32x768xf32, #tpu.memory_space<vmem>>, vector<1x16xf32>,
      %get3A_268 = vector.shape_cast %get3A_267 : vector<1x16xf32> to vector<16xf32>
      %mul3A_269 = arith.mulf %get3A_268, %get3A_68 : vector<16xf32>
      %add3A_270 = arith.addf %mul3A_264, %mul3A_269 : vector<16xf32>
      %swap3A_271 = arith.index_cast %scan3A_60 : i32 to index
      %swap3A_272 = arith.constant 192 : index
      %swap3A_273 = tpu.vector_load %arg14[%swap3A_271, %swap3A_272] {strides = array<i32>} : memref<32x768xf32, #tpu.memory_space<vmem>>, vector<1x16xf32>,
      %swap3A_274 = vector.shape_cast %swap3A_273 : vector<1x16xf32> to vector<16xf32>
      %swap3A_275 = vector.shape_cast %add3A_270 : vector<16xf32> to vector<1x16xf32>
      tpu.vector_store %arg14[%swap3A_271, %swap3A_272], %swap3A_275 {strides = array<i32>} : memref<32x768xf32, #tpu.memory_space<vmem>>, vector<1x16xf32>,
      %get3A_276 = arith.index_cast %scan3A_60 : i32 to index
      %get3A_277 = arith.constant 208 : index
      %get3A_278 = tpu.vector_load %arg14[%get3A_276, %get3A_277] {strides = array<i32>} : memref<32x768xf32, #tpu.memory_space<vmem>>, vector<1x16xf32>,
      %get3A_279 = vector.shape_cast %get3A_278 : vector<1x16xf32> to vector<16xf32>
      %mul3A_280 = arith.mulf %get3A_279, %get3A_64 : vector<16xf32>
      %get3A_281 = arith.index_cast %scan3A_60 : i32 to index
      %get3A_282 = arith.constant 208 : index
      %get3A_283 = tpu.vector_load %arg15[%get3A_281, %get3A_282] {strides = array<i32>} : memref<32x768xf32, #tpu.memory_space<vmem>>, vector<1x16xf32>,
      %get3A_284 = vector.shape_cast %get3A_283 : vector<1x16xf32> to vector<16xf32>
      %mul3A_285 = arith.mulf %get3A_284, %get3A_68 : vector<16xf32>
      %add3A_286 = arith.addf %mul3A_280, %mul3A_285 : vector<16xf32>
      %swap3A_287 = arith.index_cast %scan3A_60 : i32 to index
      %swap3A_288 = arith.constant 208 : index
      %swap3A_289 = tpu.vector_load %arg14[%swap3A_287, %swap3A_288] {strides = array<i32>} : memref<32x768xf32, #tpu.memory_space<vmem>>, vector<1x16xf32>,
      %swap3A_290 = vector.shape_cast %swap3A_289 : vector<1x16xf32> to vector<16xf32>
      %swap3A_291 = vector.shape_cast %add3A_286 : vector<16xf32> to vector<1x16xf32>
      tpu.vector_store %arg14[%swap3A_287, %swap3A_288], %swap3A_291 {strides = array<i32>} : memref<32x768xf32, #tpu.memory_space<vmem>>, vector<1x16xf32>,
      %get3A_292 = arith.index_cast %scan3A_60 : i32 to index
      %get3A_293 = arith.constant 224 : index
      %get3A_294 = tpu.vector_load %arg14[%get3A_292, %get3A_293] {strides = array<i32>} : memref<32x768xf32, #tpu.memory_space<vmem>>, vector<1x16xf32>,
      %get3A_295 = vector.shape_cast %get3A_294 : vector<1x16xf32> to vector<16xf32>
      %mul3A_296 = arith.mulf %get3A_295, %get3A_64 : vector<16xf32>
      %get3A_297 = arith.index_cast %scan3A_60 : i32 to index
      %get3A_298 = arith.constant 224 : index
      %get3A_299 = tpu.vector_load %arg15[%get3A_297, %get3A_298] {strides = array<i32>} : memref<32x768xf32, #tpu.memory_space<vmem>>, vector<1x16xf32>,
      %get3A_300 = vector.shape_cast %get3A_299 : vector<1x16xf32> to vector<16xf32>
      %mul3A_301 = arith.mulf %get3A_300, %get3A_68 : vector<16xf32>
      %add3A_302 = arith.addf %mul3A_296, %mul3A_301 : vector<16xf32>
      %swap3A_303 = arith.index_cast %scan3A_60 : i32 to index
      %swap3A_304 = arith.constant 224 : index
      %swap3A_305 = tpu.vector_load %arg14[%swap3A_303, %swap3A_304] {strides = array<i32>} : memref<32x768xf32, #tpu.memory_space<vmem>>, vector<1x16xf32>,
      %swap3A_306 = vector.shape_cast %swap3A_305 : vector<1x16xf32> to vector<16xf32>
      %swap3A_307 = vector.shape_cast %add3A_302 : vector<16xf32> to vector<1x16xf32>
      tpu.vector_store %arg14[%swap3A_303, %swap3A_304], %swap3A_307 {strides = array<i32>} : memref<32x768xf32, #tpu.memory_space<vmem>>, vector<1x16xf32>,
      %get3A_308 = arith.index_cast %scan3A_60 : i32 to index
      %get3A_309 = arith.constant 240 : index
      %get3A_310 = tpu.vector_load %arg14[%get3A_308, %get3A_309] {strides = array<i32>} : memref<32x768xf32, #tpu.memory_space<vmem>>, vector<1x16xf32>,
      %get3A_311 = vector.shape_cast %get3A_310 : vector<1x16xf32> to vector<16xf32>
      %mul3A_312 = arith.mulf %get3A_311, %get3A_64 : vector<16xf32>
      %get3A_313 = arith.index_cast %scan3A_60 : i32 to index
      %get3A_314 = arith.constant 240 : index
      %get3A_315 = tpu.vector_load %arg15[%get3A_313, %get3A_314] {strides = array<i32>} : memref<32x768xf32, #tpu.memory_space<vmem>>, vector<1x16xf32>,
      %get3A_316 = vector.shape_cast %get3A_315 : vector<1x16xf32> to vector<16xf32>
      %mul3A_317 = arith.mulf %get3A_316, %get3A_68 : vector<16xf32>
      %add3A_318 = arith.addf %mul3A_312, %mul3A_317 : vector<16xf32>
      %swap3A_319 = arith.index_cast %scan3A_60 : i32 to index
      %swap3A_320 = arith.constant 240 : index
      %swap3A_321 = tpu.vector_load %arg14[%swap3A_319, %swap3A_320] {strides = array<i32>} : memref<32x768xf32, #tpu.memory_space<vmem>>, vector<1x16xf32>,
      %swap3A_322 = vector.shape_cast %swap3A_321 : vector<1x16xf32> to vector<16xf32>
      %swap3A_323 = vector.shape_cast %add3A_318 : vector<16xf32> to vector<1x16xf32>
      tpu.vector_store %arg14[%swap3A_319, %swap3A_320], %swap3A_323 {strides = array<i32>} : memref<32x768xf32, #tpu.memory_space<vmem>>, vector<1x16xf32>,
      %get3A_324 = arith.index_cast %scan3A_60 : i32 to index
      %get3A_325 = arith.constant 256 : index
      %get3A_326 = tpu.vector_load %arg14[%get3A_324, %get3A_325] {strides = array<i32>} : memref<32x768xf32, #tpu.memory_space<vmem>>, vector<1x16xf32>,
      %get3A_327 = vector.shape_cast %get3A_326 : vector<1x16xf32> to vector<16xf32>
      %mul3A_328 = arith.mulf %get3A_327, %get3A_64 : vector<16xf32>
      %get3A_329 = arith.index_cast %scan3A_60 : i32 to index
      %get3A_330 = arith.constant 256 : index
      %get3A_331 = tpu.vector_load %arg15[%get3A_329, %get3A_330] {strides = array<i32>} : memref<32x768xf32, #tpu.memory_space<vmem>>, vector<1x16xf32>,
      %get3A_332 = vector.shape_cast %get3A_331 : vector<1x16xf32> to vector<16xf32>
      %mul3A_333 = arith.mulf %get3A_332, %get3A_68 : vector<16xf32>
      %add3A_334 = arith.addf %mul3A_328, %mul3A_333 : vector<16xf32>
      %swap3A_335 = arith.index_cast %scan3A_60 : i32 to index
      %swap3A_336 = arith.constant 256 : index
      %swap3A_337 = tpu.vector_load %arg14[%swap3A_335, %swap3A_336] {strides = array<i32>} : memref<32x768xf32, #tpu.memory_space<vmem>>, vector<1x16xf32>,
      %swap3A_338 = vector.shape_cast %swap3A_337 : vector<1x16xf32> to vector<16xf32>
      %swap3A_339 = vector.shape_cast %add3A_334 : vector<16xf32> to vector<1x16xf32>
      tpu.vector_store %arg14[%swap3A_335, %swap3A_336], %swap3A_339 {strides = array<i32>} : memref<32x768xf32, #tpu.memory_space<vmem>>, vector<1x16xf32>,
      %get3A_340 = arith.index_cast %scan3A_60 : i32 to index
      %get3A_341 = arith.constant 272 : index
      %get3A_342 = tpu.vector_load %arg14[%get3A_340, %get3A_341] {strides = array<i32>} : memref<32x768xf32, #tpu.memory_space<vmem>>, vector<1x16xf32>,
      %get3A_343 = vector.shape_cast %get3A_342 : vector<1x16xf32> to vector<16xf32>
      %mul3A_344 = arith.mulf %get3A_343, %get3A_64 : vector<16xf32>
      %get3A_345 = arith.index_cast %scan3A_60 : i32 to index
      %get3A_346 = arith.constant 272 : index
      %get3A_347 = tpu.vector_load %arg15[%get3A_345, %get3A_346] {strides = array<i32>} : memref<32x768xf32, #tpu.memory_space<vmem>>, vector<1x16xf32>,
      %get3A_348 = vector.shape_cast %get3A_347 : vector<1x16xf32> to vector<16xf32>
      %mul3A_349 = arith.mulf %get3A_348, %get3A_68 : vector<16xf32>
      %add3A_350 = arith.addf %mul3A_344, %mul3A_349 : vector<16xf32>
      %swap3A_351 = arith.index_cast %scan3A_60 : i32 to index
      %swap3A_352 = arith.constant 272 : index
      %swap3A_353 = tpu.vector_load %arg14[%swap3A_351, %swap3A_352] {strides = array<i32>} : memref<32x768xf32, #tpu.memory_space<vmem>>, vector<1x16xf32>,
      %swap3A_354 = vector.shape_cast %swap3A_353 : vector<1x16xf32> to vector<16xf32>
      %swap3A_355 = vector.shape_cast %add3A_350 : vector<16xf32> to vector<1x16xf32>
      tpu.vector_store %arg14[%swap3A_351, %swap3A_352], %swap3A_355 {strides = array<i32>} : memref<32x768xf32, #tpu.memory_space<vmem>>, vector<1x16xf32>,
      %get3A_356 = arith.index_cast %scan3A_60 : i32 to index
      %get3A_357 = arith.constant 288 : index
      %get3A_358 = tpu.vector_load %arg14[%get3A_356, %get3A_357] {strides = array<i32>} : memref<32x768xf32, #tpu.memory_space<vmem>>, vector<1x16xf32>,
      %get3A_359 = vector.shape_cast %get3A_358 : vector<1x16xf32> to vector<16xf32>
      %mul3A_360 = arith.mulf %get3A_359, %get3A_64 : vector<16xf32>
      %get3A_361 = arith.index_cast %scan3A_60 : i32 to index
      %get3A_362 = arith.constant 288 : index
      %get3A_363 = tpu.vector_load %arg15[%get3A_361, %get3A_362] {strides = array<i32>} : memref<32x768xf32, #tpu.memory_space<vmem>>, vector<1x16xf32>,
      %get3A_364 = vector.shape_cast %get3A_363 : vector<1x16xf32> to vector<16xf32>
      %mul3A_365 = arith.mulf %get3A_364, %get3A_68 : vector<16xf32>
      %add3A_366 = arith.addf %mul3A_360, %mul3A_365 : vector<16xf32>
      %swap3A_367 = arith.index_cast %scan3A_60 : i32 to index
      %swap3A_368 = arith.constant 288 : index
      %swap3A_369 = tpu.vector_load %arg14[%swap3A_367, %swap3A_368] {strides = array<i32>} : memref<32x768xf32, #tpu.memory_space<vmem>>, vector<1x16xf32>,
      %swap3A_370 = vector.shape_cast %swap3A_369 : vector<1x16xf32> to vector<16xf32>
      %swap3A_371 = vector.shape_cast %add3A_366 : vector<16xf32> to vector<1x16xf32>
      tpu.vector_store %arg14[%swap3A_367, %swap3A_368], %swap3A_371 {strides = array<i32>} : memref<32x768xf32, #tpu.memory_space<vmem>>, vector<1x16xf32>,
      %get3A_372 = arith.index_cast %scan3A_60 : i32 to index
      %get3A_373 = arith.constant 304 : index
      %get3A_374 = tpu.vector_load %arg14[%get3A_372, %get3A_373] {strides = array<i32>} : memref<32x768xf32, #tpu.memory_space<vmem>>, vector<1x16xf32>,
      %get3A_375 = vector.shape_cast %get3A_374 : vector<1x16xf32> to vector<16xf32>
      %mul3A_376 = arith.mulf %get3A_375, %get3A_64 : vector<16xf32>
      %get3A_377 = arith.index_cast %scan3A_60 : i32 to index
      %get3A_378 = arith.constant 304 : index
      %get3A_379 = tpu.vector_load %arg15[%get3A_377, %get3A_378] {strides = array<i32>} : memref<32x768xf32, #tpu.memory_space<vmem>>, vector<1x16xf32>,
      %get3A_380 = vector.shape_cast %get3A_379 : vector<1x16xf32> to vector<16xf32>
      %mul3A_381 = arith.mulf %get3A_380, %get3A_68 : vector<16xf32>
      %add3A_382 = arith.addf %mul3A_376, %mul3A_381 : vector<16xf32>
      %swap3A_383 = arith.index_cast %scan3A_60 : i32 to index
      %swap3A_384 = arith.constant 304 : index
      %swap3A_385 = tpu.vector_load %arg14[%swap3A_383, %swap3A_384] {strides = array<i32>} : memref<32x768xf32, #tpu.memory_space<vmem>>, vector<1x16xf32>,
      %swap3A_386 = vector.shape_cast %swap3A_385 : vector<1x16xf32> to vector<16xf32>
      %swap3A_387 = vector.shape_cast %add3A_382 : vector<16xf32> to vector<1x16xf32>
      tpu.vector_store %arg14[%swap3A_383, %swap3A_384], %swap3A_387 {strides = array<i32>} : memref<32x768xf32, #tpu.memory_space<vmem>>, vector<1x16xf32>,
      %get3A_388 = arith.index_cast %scan3A_60 : i32 to index
      %get3A_389 = arith.constant 320 : index
      %get3A_390 = tpu.vector_load %arg14[%get3A_388, %get3A_389] {strides = array<i32>} : memref<32x768xf32, #tpu.memory_space<vmem>>, vector<1x16xf32>,
      %get3A_391 = vector.shape_cast %get3A_390 : vector<1x16xf32> to vector<16xf32>
      %mul3A_392 = arith.mulf %get3A_391, %get3A_64 : vector<16xf32>
      %get3A_393 = arith.index_cast %scan3A_60 : i32 to index
      %get3A_394 = arith.constant 320 : index
      %get3A_395 = tpu.vector_load %arg15[%get3A_393, %get3A_394] {strides = array<i32>} : memref<32x768xf32, #tpu.memory_space<vmem>>, vector<1x16xf32>,
      %get3A_396 = vector.shape_cast %get3A_395 : vector<1x16xf32> to vector<16xf32>
      %mul3A_397 = arith.mulf %get3A_396, %get3A_68 : vector<16xf32>
      %add3A_398 = arith.addf %mul3A_392, %mul3A_397 : vector<16xf32>
      %swap3A_399 = arith.index_cast %scan3A_60 : i32 to index
      %swap3A_400 = arith.constant 320 : index
      %swap3A_401 = tpu.vector_load %arg14[%swap3A_399, %swap3A_400] {strides = array<i32>} : memref<32x768xf32, #tpu.memory_space<vmem>>, vector<1x16xf32>,
      %swap3A_402 = vector.shape_cast %swap3A_401 : vector<1x16xf32> to vector<16xf32>
      %swap3A_403 = vector.shape_cast %add3A_398 : vector<16xf32> to vector<1x16xf32>
      tpu.vector_store %arg14[%swap3A_399, %swap3A_400], %swap3A_403 {strides = array<i32>} : memref<32x768xf32, #tpu.memory_space<vmem>>, vector<1x16xf32>,
      %get3A_404 = arith.index_cast %scan3A_60 : i32 to index
      %get3A_405 = arith.constant 336 : index
      %get3A_406 = tpu.vector_load %arg14[%get3A_404, %get3A_405] {strides = array<i32>} : memref<32x768xf32, #tpu.memory_space<vmem>>, vector<1x16xf32>,
      %get3A_407 = vector.shape_cast %get3A_406 : vector<1x16xf32> to vector<16xf32>
      %mul3A_408 = arith.mulf %get3A_407, %get3A_64 : vector<16xf32>
      %get3A_409 = arith.index_cast %scan3A_60 : i32 to index
      %get3A_410 = arith.constant 336 : index
      %get3A_411 = tpu.vector_load %arg15[%get3A_409, %get3A_410] {strides = array<i32>} : memref<32x768xf32, #tpu.memory_space<vmem>>, vector<1x16xf32>,
      %get3A_412 = vector.shape_cast %get3A_411 : vector<1x16xf32> to vector<16xf32>
      %mul3A_413 = arith.mulf %get3A_412, %get3A_68 : vector<16xf32>
      %add3A_414 = arith.addf %mul3A_408, %mul3A_413 : vector<16xf32>
      %swap3A_415 = arith.index_cast %scan3A_60 : i32 to index
      %swap3A_416 = arith.constant 336 : index
      %swap3A_417 = tpu.vector_load %arg14[%swap3A_415, %swap3A_416] {strides = array<i32>} : memref<32x768xf32, #tpu.memory_space<vmem>>, vector<1x16xf32>,
      %swap3A_418 = vector.shape_cast %swap3A_417 : vector<1x16xf32> to vector<16xf32>
      %swap3A_419 = vector.shape_cast %add3A_414 : vector<16xf32> to vector<1x16xf32>
      tpu.vector_store %arg14[%swap3A_415, %swap3A_416], %swap3A_419 {strides = array<i32>} : memref<32x768xf32, #tpu.memory_space<vmem>>, vector<1x16xf32>,
      %get3A_420 = arith.index_cast %scan3A_60 : i32 to index
      %get3A_421 = arith.constant 352 : index
      %get3A_422 = tpu.vector_load %arg14[%get3A_420, %get3A_421] {strides = array<i32>} : memref<32x768xf32, #tpu.memory_space<vmem>>, vector<1x16xf32>,
      %get3A_423 = vector.shape_cast %get3A_422 : vector<1x16xf32> to vector<16xf32>
      %mul3A_424 = arith.mulf %get3A_423, %get3A_64 : vector<16xf32>
      %get3A_425 = arith.index_cast %scan3A_60 : i32 to index
      %get3A_426 = arith.constant 352 : index
      %get3A_427 = tpu.vector_load %arg15[%get3A_425, %get3A_426] {strides = array<i32>} : memref<32x768xf32, #tpu.memory_space<vmem>>, vector<1x16xf32>,
      %get3A_428 = vector.shape_cast %get3A_427 : vector<1x16xf32> to vector<16xf32>
      %mul3A_429 = arith.mulf %get3A_428, %get3A_68 : vector<16xf32>
      %add3A_430 = arith.addf %mul3A_424, %mul3A_429 : vector<16xf32>
      %swap3A_431 = arith.index_cast %scan3A_60 : i32 to index
      %swap3A_432 = arith.constant 352 : index
      %swap3A_433 = tpu.vector_load %arg14[%swap3A_431, %swap3A_432] {strides = array<i32>} : memref<32x768xf32, #tpu.memory_space<vmem>>, vector<1x16xf32>,
      %swap3A_434 = vector.shape_cast %swap3A_433 : vector<1x16xf32> to vector<16xf32>
      %swap3A_435 = vector.shape_cast %add3A_430 : vector<16xf32> to vector<1x16xf32>
      tpu.vector_store %arg14[%swap3A_431, %swap3A_432], %swap3A_435 {strides = array<i32>} : memref<32x768xf32, #tpu.memory_space<vmem>>, vector<1x16xf32>,
      %get3A_436 = arith.index_cast %scan3A_60 : i32 to index
      %get3A_437 = arith.constant 368 : index
      %get3A_438 = tpu.vector_load %arg14[%get3A_436, %get3A_437] {strides = array<i32>} : memref<32x768xf32, #tpu.memory_space<vmem>>, vector<1x16xf32>,
      %get3A_439 = vector.shape_cast %get3A_438 : vector<1x16xf32> to vector<16xf32>
      %mul3A_440 = arith.mulf %get3A_439, %get3A_64 : vector<16xf32>
      %get3A_441 = arith.index_cast %scan3A_60 : i32 to index
      %get3A_442 = arith.constant 368 : index
      %get3A_443 = tpu.vector_load %arg15[%get3A_441, %get3A_442] {strides = array<i32>} : memref<32x768xf32, #tpu.memory_space<vmem>>, vector<1x16xf32>,
      %get3A_444 = vector.shape_cast %get3A_443 : vector<1x16xf32> to vector<16xf32>
      %mul3A_445 = arith.mulf %get3A_444, %get3A_68 : vector<16xf32>
      %add3A_446 = arith.addf %mul3A_440, %mul3A_445 : vector<16xf32>
      %swap3A_447 = arith.index_cast %scan3A_60 : i32 to index
      %swap3A_448 = arith.constant 368 : index
      %swap3A_449 = tpu.vector_load %arg14[%swap3A_447, %swap3A_448] {strides = array<i32>} : memref<32x768xf32, #tpu.memory_space<vmem>>, vector<1x16xf32>,
      %swap3A_450 = vector.shape_cast %swap3A_449 : vector<1x16xf32> to vector<16xf32>
      %swap3A_451 = vector.shape_cast %add3A_446 : vector<16xf32> to vector<1x16xf32>
      tpu.vector_store %arg14[%swap3A_447, %swap3A_448], %swap3A_451 {strides = array<i32>} : memref<32x768xf32, #tpu.memory_space<vmem>>, vector<1x16xf32>,
      %get3A_452 = arith.index_cast %scan3A_60 : i32 to index
      %get3A_453 = arith.constant 384 : index
      %get3A_454 = tpu.vector_load %arg14[%get3A_452, %get3A_453] {strides = array<i32>} : memref<32x768xf32, #tpu.memory_space<vmem>>, vector<1x16xf32>,
      %get3A_455 = vector.shape_cast %get3A_454 : vector<1x16xf32> to vector<16xf32>
      %mul3A_456 = arith.mulf %get3A_455, %get3A_64 : vector<16xf32>
      %get3A_457 = arith.index_cast %scan3A_60 : i32 to index
      %get3A_458 = arith.constant 384 : index
      %get3A_459 = tpu.vector_load %arg15[%get3A_457, %get3A_458] {strides = array<i32>} : memref<32x768xf32, #tpu.memory_space<vmem>>, vector<1x16xf32>,
      %get3A_460 = vector.shape_cast %get3A_459 : vector<1x16xf32> to vector<16xf32>
      %mul3A_461 = arith.mulf %get3A_460, %get3A_68 : vector<16xf32>
      %add3A_462 = arith.addf %mul3A_456, %mul3A_461 : vector<16xf32>
      %swap3A_463 = arith.index_cast %scan3A_60 : i32 to index
      %swap3A_464 = arith.constant 384 : index
      %swap3A_465 = tpu.vector_load %arg14[%swap3A_463, %swap3A_464] {strides = array<i32>} : memref<32x768xf32, #tpu.memory_space<vmem>>, vector<1x16xf32>,
      %swap3A_466 = vector.shape_cast %swap3A_465 : vector<1x16xf32> to vector<16xf32>
      %swap3A_467 = vector.shape_cast %add3A_462 : vector<16xf32> to vector<1x16xf32>
      tpu.vector_store %arg14[%swap3A_463, %swap3A_464], %swap3A_467 {strides = array<i32>} : memref<32x768xf32, #tpu.memory_space<vmem>>, vector<1x16xf32>,
      %get3A_468 = arith.index_cast %scan3A_60 : i32 to index
      %get3A_469 = arith.constant 400 : index
      %get3A_470 = tpu.vector_load %arg14[%get3A_468, %get3A_469] {strides = array<i32>} : memref<32x768xf32, #tpu.memory_space<vmem>>, vector<1x16xf32>,
      %get3A_471 = vector.shape_cast %get3A_470 : vector<1x16xf32> to vector<16xf32>
      %mul3A_472 = arith.mulf %get3A_471, %get3A_64 : vector<16xf32>
      %get3A_473 = arith.index_cast %scan3A_60 : i32 to index
      %get3A_474 = arith.constant 400 : index
      %get3A_475 = tpu.vector_load %arg15[%get3A_473, %get3A_474] {strides = array<i32>} : memref<32x768xf32, #tpu.memory_space<vmem>>, vector<1x16xf32>,
      %get3A_476 = vector.shape_cast %get3A_475 : vector<1x16xf32> to vector<16xf32>
      %mul3A_477 = arith.mulf %get3A_476, %get3A_68 : vector<16xf32>
      %add3A_478 = arith.addf %mul3A_472, %mul3A_477 : vector<16xf32>
      %swap3A_479 = arith.index_cast %scan3A_60 : i32 to index
      %swap3A_480 = arith.constant 400 : index
      %swap3A_481 = tpu.vector_load %arg14[%swap3A_479, %swap3A_480] {strides = array<i32>} : memref<32x768xf32, #tpu.memory_space<vmem>>, vector<1x16xf32>,
      %swap3A_482 = vector.shape_cast %swap3A_481 : vector<1x16xf32> to vector<16xf32>
      %swap3A_483 = vector.shape_cast %add3A_478 : vector<16xf32> to vector<1x16xf32>
      tpu.vector_store %arg14[%swap3A_479, %swap3A_480], %swap3A_483 {strides = array<i32>} : memref<32x768xf32, #tpu.memory_space<vmem>>, vector<1x16xf32>,
      %get3A_484 = arith.index_cast %scan3A_60 : i32 to index
      %get3A_485 = arith.constant 416 : index
      %get3A_486 = tpu.vector_load %arg14[%get3A_484, %get3A_485] {strides = array<i32>} : memref<32x768xf32, #tpu.memory_space<vmem>>, vector<1x16xf32>,
      %get3A_487 = vector.shape_cast %get3A_486 : vector<1x16xf32> to vector<16xf32>
      %mul3A_488 = arith.mulf %get3A_487, %get3A_64 : vector<16xf32>
      %get3A_489 = arith.index_cast %scan3A_60 : i32 to index
      %get3A_490 = arith.constant 416 : index
      %get3A_491 = tpu.vector_load %arg15[%get3A_489, %get3A_490] {strides = array<i32>} : memref<32x768xf32, #tpu.memory_space<vmem>>, vector<1x16xf32>,
      %get3A_492 = vector.shape_cast %get3A_491 : vector<1x16xf32> to vector<16xf32>
      %mul3A_493 = arith.mulf %get3A_492, %get3A_68 : vector<16xf32>
      %add3A_494 = arith.addf %mul3A_488, %mul3A_493 : vector<16xf32>
      %swap3A_495 = arith.index_cast %scan3A_60 : i32 to index
      %swap3A_496 = arith.constant 416 : index
      %swap3A_497 = tpu.vector_load %arg14[%swap3A_495, %swap3A_496] {strides = array<i32>} : memref<32x768xf32, #tpu.memory_space<vmem>>, vector<1x16xf32>,
      %swap3A_498 = vector.shape_cast %swap3A_497 : vector<1x16xf32> to vector<16xf32>
      %swap3A_499 = vector.shape_cast %add3A_494 : vector<16xf32> to vector<1x16xf32>
      tpu.vector_store %arg14[%swap3A_495, %swap3A_496], %swap3A_499 {strides = array<i32>} : memref<32x768xf32, #tpu.memory_space<vmem>>, vector<1x16xf32>,
      %get3A_500 = arith.index_cast %scan3A_60 : i32 to index
      %get3A_501 = arith.constant 432 : index
      %get3A_502 = tpu.vector_load %arg14[%get3A_500, %get3A_501] {strides = array<i32>} : memref<32x768xf32, #tpu.memory_space<vmem>>, vector<1x16xf32>,
      %get3A_503 = vector.shape_cast %get3A_502 : vector<1x16xf32> to vector<16xf32>
      %mul3A_504 = arith.mulf %get3A_503, %get3A_64 : vector<16xf32>
      %get3A_505 = arith.index_cast %scan3A_60 : i32 to index
      %get3A_506 = arith.constant 432 : index
      %get3A_507 = tpu.vector_load %arg15[%get3A_505, %get3A_506] {strides = array<i32>} : memref<32x768xf32, #tpu.memory_space<vmem>>, vector<1x16xf32>,
      %get3A_508 = vector.shape_cast %get3A_507 : vector<1x16xf32> to vector<16xf32>
      %mul3A_509 = arith.mulf %get3A_508, %get3A_68 : vector<16xf32>
      %add3A_510 = arith.addf %mul3A_504, %mul3A_509 : vector<16xf32>
      %swap3A_511 = arith.index_cast %scan3A_60 : i32 to index
      %swap3A_512 = arith.constant 432 : index
      %swap3A_513 = tpu.vector_load %arg14[%swap3A_511, %swap3A_512] {strides = array<i32>} : memref<32x768xf32, #tpu.memory_space<vmem>>, vector<1x16xf32>,
      %swap3A_514 = vector.shape_cast %swap3A_513 : vector<1x16xf32> to vector<16xf32>
      %swap3A_515 = vector.shape_cast %add3A_510 : vector<16xf32> to vector<1x16xf32>
      tpu.vector_store %arg14[%swap3A_511, %swap3A_512], %swap3A_515 {strides = array<i32>} : memref<32x768xf32, #tpu.memory_space<vmem>>, vector<1x16xf32>,
      %get3A_516 = arith.index_cast %scan3A_60 : i32 to index
      %get3A_517 = arith.constant 448 : index
      %get3A_518 = tpu.vector_load %arg14[%get3A_516, %get3A_517] {strides = array<i32>} : memref<32x768xf32, #tpu.memory_space<vmem>>, vector<1x16xf32>,
      %get3A_519 = vector.shape_cast %get3A_518 : vector<1x16xf32> to vector<16xf32>
      %mul3A_520 = arith.mulf %get3A_519, %get3A_64 : vector<16xf32>
      %get3A_521 = arith.index_cast %scan3A_60 : i32 to index
      %get3A_522 = arith.constant 448 : index
      %get3A_523 = tpu.vector_load %arg15[%get3A_521, %get3A_522] {strides = array<i32>} : memref<32x768xf32, #tpu.memory_space<vmem>>, vector<1x16xf32>,
      %get3A_524 = vector.shape_cast %get3A_523 : vector<1x16xf32> to vector<16xf32>
      %mul3A_525 = arith.mulf %get3A_524, %get3A_68 : vector<16xf32>
      %add3A_526 = arith.addf %mul3A_520, %mul3A_525 : vector<16xf32>
      %swap3A_527 = arith.index_cast %scan3A_60 : i32 to index
      %swap3A_528 = arith.constant 448 : index
      %swap3A_529 = tpu.vector_load %arg14[%swap3A_527, %swap3A_528] {strides = array<i32>} : memref<32x768xf32, #tpu.memory_space<vmem>>, vector<1x16xf32>,
      %swap3A_530 = vector.shape_cast %swap3A_529 : vector<1x16xf32> to vector<16xf32>
      %swap3A_531 = vector.shape_cast %add3A_526 : vector<16xf32> to vector<1x16xf32>
      tpu.vector_store %arg14[%swap3A_527, %swap3A_528], %swap3A_531 {strides = array<i32>} : memref<32x768xf32, #tpu.memory_space<vmem>>, vector<1x16xf32>,
      %get3A_532 = arith.index_cast %scan3A_60 : i32 to index
      %get3A_533 = arith.constant 464 : index
      %get3A_534 = tpu.vector_load %arg14[%get3A_532, %get3A_533] {strides = array<i32>} : memref<32x768xf32, #tpu.memory_space<vmem>>, vector<1x16xf32>,
      %get3A_535 = vector.shape_cast %get3A_534 : vector<1x16xf32> to vector<16xf32>
      %mul3A_536 = arith.mulf %get3A_535, %get3A_64 : vector<16xf32>
      %get3A_537 = arith.index_cast %scan3A_60 : i32 to index
      %get3A_538 = arith.constant 464 : index
      %get3A_539 = tpu.vector_load %arg15[%get3A_537, %get3A_538] {strides = array<i32>} : memref<32x768xf32, #tpu.memory_space<vmem>>, vector<1x16xf32>,
      %get3A_540 = vector.shape_cast %get3A_539 : vector<1x16xf32> to vector<16xf32>
      %mul3A_541 = arith.mulf %get3A_540, %get3A_68 : vector<16xf32>
      %add3A_542 = arith.addf %mul3A_536, %mul3A_541 : vector<16xf32>
      %swap3A_543 = arith.index_cast %scan3A_60 : i32 to index
      %swap3A_544 = arith.constant 464 : index
      %swap3A_545 = tpu.vector_load %arg14[%swap3A_543, %swap3A_544] {strides = array<i32>} : memref<32x768xf32, #tpu.memory_space<vmem>>, vector<1x16xf32>,
      %swap3A_546 = vector.shape_cast %swap3A_545 : vector<1x16xf32> to vector<16xf32>
      %swap3A_547 = vector.shape_cast %add3A_542 : vector<16xf32> to vector<1x16xf32>
      tpu.vector_store %arg14[%swap3A_543, %swap3A_544], %swap3A_547 {strides = array<i32>} : memref<32x768xf32, #tpu.memory_space<vmem>>, vector<1x16xf32>,
      %get3A_548 = arith.index_cast %scan3A_60 : i32 to index
      %get3A_549 = arith.constant 480 : index
      %get3A_550 = tpu.vector_load %arg14[%get3A_548, %get3A_549] {strides = array<i32>} : memref<32x768xf32, #tpu.memory_space<vmem>>, vector<1x16xf32>,
      %get3A_551 = vector.shape_cast %get3A_550 : vector<1x16xf32> to vector<16xf32>
      %mul3A_552 = arith.mulf %get3A_551, %get3A_64 : vector<16xf32>
      %get3A_553 = arith.index_cast %scan3A_60 : i32 to index
      %get3A_554 = arith.constant 480 : index
      %get3A_555 = tpu.vector_load %arg15[%get3A_553, %get3A_554] {strides = array<i32>} : memref<32x768xf32, #tpu.memory_space<vmem>>, vector<1x16xf32>,
      %get3A_556 = vector.shape_cast %get3A_555 : vector<1x16xf32> to vector<16xf32>
      %mul3A_557 = arith.mulf %get3A_556, %get3A_68 : vector<16xf32>
      %add3A_558 = arith.addf %mul3A_552, %mul3A_557 : vector<16xf32>
      %swap3A_559 = arith.index_cast %scan3A_60 : i32 to index
      %swap3A_560 = arith.constant 480 : index
      %swap3A_561 = tpu.vector_load %arg14[%swap3A_559, %swap3A_560] {strides = array<i32>} : memref<32x768xf32, #tpu.memory_space<vmem>>, vector<1x16xf32>,
      %swap3A_562 = vector.shape_cast %swap3A_561 : vector<1x16xf32> to vector<16xf32>
      %swap3A_563 = vector.shape_cast %add3A_558 : vector<16xf32> to vector<1x16xf32>
      tpu.vector_store %arg14[%swap3A_559, %swap3A_560], %swap3A_563 {strides = array<i32>} : memref<32x768xf32, #tpu.memory_space<vmem>>, vector<1x16xf32>,
      %get3A_564 = arith.index_cast %scan3A_60 : i32 to index
      %get3A_565 = arith.constant 496 : index
      %get3A_566 = tpu.vector_load %arg14[%get3A_564, %get3A_565] {strides = array<i32>} : memref<32x768xf32, #tpu.memory_space<vmem>>, vector<1x16xf32>,
      %get3A_567 = vector.shape_cast %get3A_566 : vector<1x16xf32> to vector<16xf32>
      %mul3A_568 = arith.mulf %get3A_567, %get3A_64 : vector<16xf32>
      %get3A_569 = arith.index_cast %scan3A_60 : i32 to index
      %get3A_570 = arith.constant 496 : index
      %get3A_571 = tpu.vector_load %arg15[%get3A_569, %get3A_570] {strides = array<i32>} : memref<32x768xf32, #tpu.memory_space<vmem>>, vector<1x16xf32>,
      %get3A_572 = vector.shape_cast %get3A_571 : vector<1x16xf32> to vector<16xf32>
      %mul3A_573 = arith.mulf %get3A_572, %get3A_68 : vector<16xf32>
      %add3A_574 = arith.addf %mul3A_568, %mul3A_573 : vector<16xf32>
      %swap3A_575 = arith.index_cast %scan3A_60 : i32 to index
      %swap3A_576 = arith.constant 496 : index
      %swap3A_577 = tpu.vector_load %arg14[%swap3A_575, %swap3A_576] {strides = array<i32>} : memref<32x768xf32, #tpu.memory_space<vmem>>, vector<1x16xf32>,
      %swap3A_578 = vector.shape_cast %swap3A_577 : vector<1x16xf32> to vector<16xf32>
      %swap3A_579 = vector.shape_cast %add3A_574 : vector<16xf32> to vector<1x16xf32>
      tpu.vector_store %arg14[%swap3A_575, %swap3A_576], %swap3A_579 {strides = array<i32>} : memref<32x768xf32, #tpu.memory_space<vmem>>, vector<1x16xf32>,
      %get3A_580 = arith.index_cast %scan3A_60 : i32 to index
      %get3A_581 = arith.constant 512 : index
      %get3A_582 = tpu.vector_load %arg14[%get3A_580, %get3A_581] {strides = array<i32>} : memref<32x768xf32, #tpu.memory_space<vmem>>, vector<1x16xf32>,
      %get3A_583 = vector.shape_cast %get3A_582 : vector<1x16xf32> to vector<16xf32>
      %mul3A_584 = arith.mulf %get3A_583, %get3A_64 : vector<16xf32>
      %get3A_585 = arith.index_cast %scan3A_60 : i32 to index
      %get3A_586 = arith.constant 512 : index
      %get3A_587 = tpu.vector_load %arg15[%get3A_585, %get3A_586] {strides = array<i32>} : memref<32x768xf32, #tpu.memory_space<vmem>>, vector<1x16xf32>,
      %get3A_588 = vector.shape_cast %get3A_587 : vector<1x16xf32> to vector<16xf32>
      %mul3A_589 = arith.mulf %get3A_588, %get3A_68 : vector<16xf32>
      %add3A_590 = arith.addf %mul3A_584, %mul3A_589 : vector<16xf32>
      %swap3A_591 = arith.index_cast %scan3A_60 : i32 to index
      %swap3A_592 = arith.constant 512 : index
      %swap3A_593 = tpu.vector_load %arg14[%swap3A_591, %swap3A_592] {strides = array<i32>} : memref<32x768xf32, #tpu.memory_space<vmem>>, vector<1x16xf32>,
      %swap3A_594 = vector.shape_cast %swap3A_593 : vector<1x16xf32> to vector<16xf32>
      %swap3A_595 = vector.shape_cast %add3A_590 : vector<16xf32> to vector<1x16xf32>
      tpu.vector_store %arg14[%swap3A_591, %swap3A_592], %swap3A_595 {strides = array<i32>} : memref<32x768xf32, #tpu.memory_space<vmem>>, vector<1x16xf32>,
      %get3A_596 = arith.index_cast %scan3A_60 : i32 to index
      %get3A_597 = arith.constant 528 : index
      %get3A_598 = tpu.vector_load %arg14[%get3A_596, %get3A_597] {strides = array<i32>} : memref<32x768xf32, #tpu.memory_space<vmem>>, vector<1x16xf32>,
      %get3A_599 = vector.shape_cast %get3A_598 : vector<1x16xf32> to vector<16xf32>
      %mul3A_600 = arith.mulf %get3A_599, %get3A_64 : vector<16xf32>
      %get3A_601 = arith.index_cast %scan3A_60 : i32 to index
      %get3A_602 = arith.constant 528 : index
      %get3A_603 = tpu.vector_load %arg15[%get3A_601, %get3A_602] {strides = array<i32>} : memref<32x768xf32, #tpu.memory_space<vmem>>, vector<1x16xf32>,
      %get3A_604 = vector.shape_cast %get3A_603 : vector<1x16xf32> to vector<16xf32>
      %mul3A_605 = arith.mulf %get3A_604, %get3A_68 : vector<16xf32>
      %add3A_606 = arith.addf %mul3A_600, %mul3A_605 : vector<16xf32>
      %swap3A_607 = arith.index_cast %scan3A_60 : i32 to index
      %swap3A_608 = arith.constant 528 : index
      %swap3A_609 = tpu.vector_load %arg14[%swap3A_607, %swap3A_608] {strides = array<i32>} : memref<32x768xf32, #tpu.memory_space<vmem>>, vector<1x16xf32>,
      %swap3A_610 = vector.shape_cast %swap3A_609 : vector<1x16xf32> to vector<16xf32>
      %swap3A_611 = vector.shape_cast %add3A_606 : vector<16xf32> to vector<1x16xf32>
      tpu.vector_store %arg14[%swap3A_607, %swap3A_608], %swap3A_611 {strides = array<i32>} : memref<32x768xf32, #tpu.memory_space<vmem>>, vector<1x16xf32>,
      %get3A_612 = arith.index_cast %scan3A_60 : i32 to index
      %get3A_613 = arith.constant 544 : index
      %get3A_614 = tpu.vector_load %arg14[%get3A_612, %get3A_613] {strides = array<i32>} : memref<32x768xf32, #tpu.memory_space<vmem>>, vector<1x16xf32>,
      %get3A_615 = vector.shape_cast %get3A_614 : vector<1x16xf32> to vector<16xf32>
      %mul3A_616 = arith.mulf %get3A_615, %get3A_64 : vector<16xf32>
      %get3A_617 = arith.index_cast %scan3A_60 : i32 to index
      %get3A_618 = arith.constant 544 : index
      %get3A_619 = tpu.vector_load %arg15[%get3A_617, %get3A_618] {strides = array<i32>} : memref<32x768xf32, #tpu.memory_space<vmem>>, vector<1x16xf32>,
      %get3A_620 = vector.shape_cast %get3A_619 : vector<1x16xf32> to vector<16xf32>
      %mul3A_621 = arith.mulf %get3A_620, %get3A_68 : vector<16xf32>
      %add3A_622 = arith.addf %mul3A_616, %mul3A_621 : vector<16xf32>
      %swap3A_623 = arith.index_cast %scan3A_60 : i32 to index
      %swap3A_624 = arith.constant 544 : index
      %swap3A_625 = tpu.vector_load %arg14[%swap3A_623, %swap3A_624] {strides = array<i32>} : memref<32x768xf32, #tpu.memory_space<vmem>>, vector<1x16xf32>,
      %swap3A_626 = vector.shape_cast %swap3A_625 : vector<1x16xf32> to vector<16xf32>
      %swap3A_627 = vector.shape_cast %add3A_622 : vector<16xf32> to vector<1x16xf32>
      tpu.vector_store %arg14[%swap3A_623, %swap3A_624], %swap3A_627 {strides = array<i32>} : memref<32x768xf32, #tpu.memory_space<vmem>>, vector<1x16xf32>,
      %get3A_628 = arith.index_cast %scan3A_60 : i32 to index
      %get3A_629 = arith.constant 560 : index
      %get3A_630 = tpu.vector_load %arg14[%get3A_628, %get3A_629] {strides = array<i32>} : memref<32x768xf32, #tpu.memory_space<vmem>>, vector<1x16xf32>,
      %get3A_631 = vector.shape_cast %get3A_630 : vector<1x16xf32> to vector<16xf32>
      %mul3A_632 = arith.mulf %get3A_631, %get3A_64 : vector<16xf32>
      %get3A_633 = arith.index_cast %scan3A_60 : i32 to index
      %get3A_634 = arith.constant 560 : index
      %get3A_635 = tpu.vector_load %arg15[%get3A_633, %get3A_634] {strides = array<i32>} : memref<32x768xf32, #tpu.memory_space<vmem>>, vector<1x16xf32>,
      %get3A_636 = vector.shape_cast %get3A_635 : vector<1x16xf32> to vector<16xf32>
      %mul3A_637 = arith.mulf %get3A_636, %get3A_68 : vector<16xf32>
      %add3A_638 = arith.addf %mul3A_632, %mul3A_637 : vector<16xf32>
      %swap3A_639 = arith.index_cast %scan3A_60 : i32 to index
      %swap3A_640 = arith.constant 560 : index
      %swap3A_641 = tpu.vector_load %arg14[%swap3A_639, %swap3A_640] {strides = array<i32>} : memref<32x768xf32, #tpu.memory_space<vmem>>, vector<1x16xf32>,
      %swap3A_642 = vector.shape_cast %swap3A_641 : vector<1x16xf32> to vector<16xf32>
      %swap3A_643 = vector.shape_cast %add3A_638 : vector<16xf32> to vector<1x16xf32>
      tpu.vector_store %arg14[%swap3A_639, %swap3A_640], %swap3A_643 {strides = array<i32>} : memref<32x768xf32, #tpu.memory_space<vmem>>, vector<1x16xf32>,
      %get3A_644 = arith.index_cast %scan3A_60 : i32 to index
      %get3A_645 = arith.constant 576 : index
      %get3A_646 = tpu.vector_load %arg14[%get3A_644, %get3A_645] {strides = array<i32>} : memref<32x768xf32, #tpu.memory_space<vmem>>, vector<1x16xf32>,
      %get3A_647 = vector.shape_cast %get3A_646 : vector<1x16xf32> to vector<16xf32>
      %mul3A_648 = arith.mulf %get3A_647, %get3A_64 : vector<16xf32>
      %get3A_649 = arith.index_cast %scan3A_60 : i32 to index
      %get3A_650 = arith.constant 576 : index
      %get3A_651 = tpu.vector_load %arg15[%get3A_649, %get3A_650] {strides = array<i32>} : memref<32x768xf32, #tpu.memory_space<vmem>>, vector<1x16xf32>,
      %get3A_652 = vector.shape_cast %get3A_651 : vector<1x16xf32> to vector<16xf32>
      %mul3A_653 = arith.mulf %get3A_652, %get3A_68 : vector<16xf32>
      %add3A_654 = arith.addf %mul3A_648, %mul3A_653 : vector<16xf32>
      %swap3A_655 = arith.index_cast %scan3A_60 : i32 to index
      %swap3A_656 = arith.constant 576 : index
      %swap3A_657 = tpu.vector_load %arg14[%swap3A_655, %swap3A_656] {strides = array<i32>} : memref<32x768xf32, #tpu.memory_space<vmem>>, vector<1x16xf32>,
      %swap3A_658 = vector.shape_cast %swap3A_657 : vector<1x16xf32> to vector<16xf32>
      %swap3A_659 = vector.shape_cast %add3A_654 : vector<16xf32> to vector<1x16xf32>
      tpu.vector_store %arg14[%swap3A_655, %swap3A_656], %swap3A_659 {strides = array<i32>} : memref<32x768xf32, #tpu.memory_space<vmem>>, vector<1x16xf32>,
      %get3A_660 = arith.index_cast %scan3A_60 : i32 to index
      %get3A_661 = arith.constant 592 : index
      %get3A_662 = tpu.vector_load %arg14[%get3A_660, %get3A_661] {strides = array<i32>} : memref<32x768xf32, #tpu.memory_space<vmem>>, vector<1x16xf32>,
      %get3A_663 = vector.shape_cast %get3A_662 : vector<1x16xf32> to vector<16xf32>
      %mul3A_664 = arith.mulf %get3A_663, %get3A_64 : vector<16xf32>
      %get3A_665 = arith.index_cast %scan3A_60 : i32 to index
      %get3A_666 = arith.constant 592 : index
      %get3A_667 = tpu.vector_load %arg15[%get3A_665, %get3A_666] {strides = array<i32>} : memref<32x768xf32, #tpu.memory_space<vmem>>, vector<1x16xf32>,
      %get3A_668 = vector.shape_cast %get3A_667 : vector<1x16xf32> to vector<16xf32>
      %mul3A_669 = arith.mulf %get3A_668, %get3A_68 : vector<16xf32>
      %add3A_670 = arith.addf %mul3A_664, %mul3A_669 : vector<16xf32>
      %swap3A_671 = arith.index_cast %scan3A_60 : i32 to index
      %swap3A_672 = arith.constant 592 : index
      %swap3A_673 = tpu.vector_load %arg14[%swap3A_671, %swap3A_672] {strides = array<i32>} : memref<32x768xf32, #tpu.memory_space<vmem>>, vector<1x16xf32>,
      %swap3A_674 = vector.shape_cast %swap3A_673 : vector<1x16xf32> to vector<16xf32>
      %swap3A_675 = vector.shape_cast %add3A_670 : vector<16xf32> to vector<1x16xf32>
      tpu.vector_store %arg14[%swap3A_671, %swap3A_672], %swap3A_675 {strides = array<i32>} : memref<32x768xf32, #tpu.memory_space<vmem>>, vector<1x16xf32>,
      %get3A_676 = arith.index_cast %scan3A_60 : i32 to index
      %get3A_677 = arith.constant 608 : index
      %get3A_678 = tpu.vector_load %arg14[%get3A_676, %get3A_677] {strides = array<i32>} : memref<32x768xf32, #tpu.memory_space<vmem>>, vector<1x16xf32>,
      %get3A_679 = vector.shape_cast %get3A_678 : vector<1x16xf32> to vector<16xf32>
      %mul3A_680 = arith.mulf %get3A_679, %get3A_64 : vector<16xf32>
      %get3A_681 = arith.index_cast %scan3A_60 : i32 to index
      %get3A_682 = arith.constant 608 : index
      %get3A_683 = tpu.vector_load %arg15[%get3A_681, %get3A_682] {strides = array<i32>} : memref<32x768xf32, #tpu.memory_space<vmem>>, vector<1x16xf32>,
      %get3A_684 = vector.shape_cast %get3A_683 : vector<1x16xf32> to vector<16xf32>
      %mul3A_685 = arith.mulf %get3A_684, %get3A_68 : vector<16xf32>
      %add3A_686 = arith.addf %mul3A_680, %mul3A_685 : vector<16xf32>
      %swap3A_687 = arith.index_cast %scan3A_60 : i32 to index
      %swap3A_688 = arith.constant 608 : index
      %swap3A_689 = tpu.vector_load %arg14[%swap3A_687, %swap3A_688] {strides = array<i32>} : memref<32x768xf32, #tpu.memory_space<vmem>>, vector<1x16xf32>,
      %swap3A_690 = vector.shape_cast %swap3A_689 : vector<1x16xf32> to vector<16xf32>
      %swap3A_691 = vector.shape_cast %add3A_686 : vector<16xf32> to vector<1x16xf32>
      tpu.vector_store %arg14[%swap3A_687, %swap3A_688], %swap3A_691 {strides = array<i32>} : memref<32x768xf32, #tpu.memory_space<vmem>>, vector<1x16xf32>,
      %get3A_692 = arith.index_cast %scan3A_60 : i32 to index
      %get3A_693 = arith.constant 624 : index
      %get3A_694 = tpu.vector_load %arg14[%get3A_692, %get3A_693] {strides = array<i32>} : memref<32x768xf32, #tpu.memory_space<vmem>>, vector<1x16xf32>,
      %get3A_695 = vector.shape_cast %get3A_694 : vector<1x16xf32> to vector<16xf32>
      %mul3A_696 = arith.mulf %get3A_695, %get3A_64 : vector<16xf32>
      %get3A_697 = arith.index_cast %scan3A_60 : i32 to index
      %get3A_698 = arith.constant 624 : index
      %get3A_699 = tpu.vector_load %arg15[%get3A_697, %get3A_698] {strides = array<i32>} : memref<32x768xf32, #tpu.memory_space<vmem>>, vector<1x16xf32>,
      %get3A_700 = vector.shape_cast %get3A_699 : vector<1x16xf32> to vector<16xf32>
      %mul3A_701 = arith.mulf %get3A_700, %get3A_68 : vector<16xf32>
      %add3A_702 = arith.addf %mul3A_696, %mul3A_701 : vector<16xf32>
      %swap3A_703 = arith.index_cast %scan3A_60 : i32 to index
      %swap3A_704 = arith.constant 624 : index
      %swap3A_705 = tpu.vector_load %arg14[%swap3A_703, %swap3A_704] {strides = array<i32>} : memref<32x768xf32, #tpu.memory_space<vmem>>, vector<1x16xf32>,
      %swap3A_706 = vector.shape_cast %swap3A_705 : vector<1x16xf32> to vector<16xf32>
      %swap3A_707 = vector.shape_cast %add3A_702 : vector<16xf32> to vector<1x16xf32>
      tpu.vector_store %arg14[%swap3A_703, %swap3A_704], %swap3A_707 {strides = array<i32>} : memref<32x768xf32, #tpu.memory_space<vmem>>, vector<1x16xf32>,
      %get3A_708 = arith.index_cast %scan3A_60 : i32 to index
      %get3A_709 = arith.constant 640 : index
      %get3A_710 = tpu.vector_load %arg14[%get3A_708, %get3A_709] {strides = array<i32>} : memref<32x768xf32, #tpu.memory_space<vmem>>, vector<1x16xf32>,
      %get3A_711 = vector.shape_cast %get3A_710 : vector<1x16xf32> to vector<16xf32>
      %mul3A_712 = arith.mulf %get3A_711, %get3A_64 : vector<16xf32>
      %get3A_713 = arith.index_cast %scan3A_60 : i32 to index
      %get3A_714 = arith.constant 640 : index
      %get3A_715 = tpu.vector_load %arg15[%get3A_713, %get3A_714] {strides = array<i32>} : memref<32x768xf32, #tpu.memory_space<vmem>>, vector<1x16xf32>,
      %get3A_716 = vector.shape_cast %get3A_715 : vector<1x16xf32> to vector<16xf32>
      %mul3A_717 = arith.mulf %get3A_716, %get3A_68 : vector<16xf32>
      %add3A_718 = arith.addf %mul3A_712, %mul3A_717 : vector<16xf32>
      %swap3A_719 = arith.index_cast %scan3A_60 : i32 to index
      %swap3A_720 = arith.constant 640 : index
      %swap3A_721 = tpu.vector_load %arg14[%swap3A_719, %swap3A_720] {strides = array<i32>} : memref<32x768xf32, #tpu.memory_space<vmem>>, vector<1x16xf32>,
      %swap3A_722 = vector.shape_cast %swap3A_721 : vector<1x16xf32> to vector<16xf32>
      %swap3A_723 = vector.shape_cast %add3A_718 : vector<16xf32> to vector<1x16xf32>
      tpu.vector_store %arg14[%swap3A_719, %swap3A_720], %swap3A_723 {strides = array<i32>} : memref<32x768xf32, #tpu.memory_space<vmem>>, vector<1x16xf32>,
      %get3A_724 = arith.index_cast %scan3A_60 : i32 to index
      %get3A_725 = arith.constant 656 : index
      %get3A_726 = tpu.vector_load %arg14[%get3A_724, %get3A_725] {strides = array<i32>} : memref<32x768xf32, #tpu.memory_space<vmem>>, vector<1x16xf32>,
      %get3A_727 = vector.shape_cast %get3A_726 : vector<1x16xf32> to vector<16xf32>
      %mul3A_728 = arith.mulf %get3A_727, %get3A_64 : vector<16xf32>
      %get3A_729 = arith.index_cast %scan3A_60 : i32 to index
      %get3A_730 = arith.constant 656 : index
      %get3A_731 = tpu.vector_load %arg15[%get3A_729, %get3A_730] {strides = array<i32>} : memref<32x768xf32, #tpu.memory_space<vmem>>, vector<1x16xf32>,
      %get3A_732 = vector.shape_cast %get3A_731 : vector<1x16xf32> to vector<16xf32>
      %mul3A_733 = arith.mulf %get3A_732, %get3A_68 : vector<16xf32>
      %add3A_734 = arith.addf %mul3A_728, %mul3A_733 : vector<16xf32>
      %swap3A_735 = arith.index_cast %scan3A_60 : i32 to index
      %swap3A_736 = arith.constant 656 : index
      %swap3A_737 = tpu.vector_load %arg14[%swap3A_735, %swap3A_736] {strides = array<i32>} : memref<32x768xf32, #tpu.memory_space<vmem>>, vector<1x16xf32>,
      %swap3A_738 = vector.shape_cast %swap3A_737 : vector<1x16xf32> to vector<16xf32>
      %swap3A_739 = vector.shape_cast %add3A_734 : vector<16xf32> to vector<1x16xf32>
      tpu.vector_store %arg14[%swap3A_735, %swap3A_736], %swap3A_739 {strides = array<i32>} : memref<32x768xf32, #tpu.memory_space<vmem>>, vector<1x16xf32>,
      %get3A_740 = arith.index_cast %scan3A_60 : i32 to index
      %get3A_741 = arith.constant 672 : index
      %get3A_742 = tpu.vector_load %arg14[%get3A_740, %get3A_741] {strides = array<i32>} : memref<32x768xf32, #tpu.memory_space<vmem>>, vector<1x16xf32>,
      %get3A_743 = vector.shape_cast %get3A_742 : vector<1x16xf32> to vector<16xf32>
      %mul3A_744 = arith.mulf %get3A_743, %get3A_64 : vector<16xf32>
      %get3A_745 = arith.index_cast %scan3A_60 : i32 to index
      %get3A_746 = arith.constant 672 : index
      %get3A_747 = tpu.vector_load %arg15[%get3A_745, %get3A_746] {strides = array<i32>} : memref<32x768xf32, #tpu.memory_space<vmem>>, vector<1x16xf32>,
      %get3A_748 = vector.shape_cast %get3A_747 : vector<1x16xf32> to vector<16xf32>
      %mul3A_749 = arith.mulf %get3A_748, %get3A_68 : vector<16xf32>
      %add3A_750 = arith.addf %mul3A_744, %mul3A_749 : vector<16xf32>
      %swap3A_751 = arith.index_cast %scan3A_60 : i32 to index
      %swap3A_752 = arith.constant 672 : index
      %swap3A_753 = tpu.vector_load %arg14[%swap3A_751, %swap3A_752] {strides = array<i32>} : memref<32x768xf32, #tpu.memory_space<vmem>>, vector<1x16xf32>,
      %swap3A_754 = vector.shape_cast %swap3A_753 : vector<1x16xf32> to vector<16xf32>
      %swap3A_755 = vector.shape_cast %add3A_750 : vector<16xf32> to vector<1x16xf32>
      tpu.vector_store %arg14[%swap3A_751, %swap3A_752], %swap3A_755 {strides = array<i32>} : memref<32x768xf32, #tpu.memory_space<vmem>>, vector<1x16xf32>,
      %get3A_756 = arith.index_cast %scan3A_60 : i32 to index
      %get3A_757 = arith.constant 688 : index
      %get3A_758 = tpu.vector_load %arg14[%get3A_756, %get3A_757] {strides = array<i32>} : memref<32x768xf32, #tpu.memory_space<vmem>>, vector<1x16xf32>,
      %get3A_759 = vector.shape_cast %get3A_758 : vector<1x16xf32> to vector<16xf32>
      %mul3A_760 = arith.mulf %get3A_759, %get3A_64 : vector<16xf32>
      %get3A_761 = arith.index_cast %scan3A_60 : i32 to index
      %get3A_762 = arith.constant 688 : index
      %get3A_763 = tpu.vector_load %arg15[%get3A_761, %get3A_762] {strides = array<i32>} : memref<32x768xf32, #tpu.memory_space<vmem>>, vector<1x16xf32>,
      %get3A_764 = vector.shape_cast %get3A_763 : vector<1x16xf32> to vector<16xf32>
      %mul3A_765 = arith.mulf %get3A_764, %get3A_68 : vector<16xf32>
      %add3A_766 = arith.addf %mul3A_760, %mul3A_765 : vector<16xf32>
      %swap3A_767 = arith.index_cast %scan3A_60 : i32 to index
      %swap3A_768 = arith.constant 688 : index
      %swap3A_769 = tpu.vector_load %arg14[%swap3A_767, %swap3A_768] {strides = array<i32>} : memref<32x768xf32, #tpu.memory_space<vmem>>, vector<1x16xf32>,
      %swap3A_770 = vector.shape_cast %swap3A_769 : vector<1x16xf32> to vector<16xf32>
      %swap3A_771 = vector.shape_cast %add3A_766 : vector<16xf32> to vector<1x16xf32>
      tpu.vector_store %arg14[%swap3A_767, %swap3A_768], %swap3A_771 {strides = array<i32>} : memref<32x768xf32, #tpu.memory_space<vmem>>, vector<1x16xf32>,
      %get3A_772 = arith.index_cast %scan3A_60 : i32 to index
      %get3A_773 = arith.constant 704 : index
      %get3A_774 = tpu.vector_load %arg14[%get3A_772, %get3A_773] {strides = array<i32>} : memref<32x768xf32, #tpu.memory_space<vmem>>, vector<1x16xf32>,
      %get3A_775 = vector.shape_cast %get3A_774 : vector<1x16xf32> to vector<16xf32>
      %mul3A_776 = arith.mulf %get3A_775, %get3A_64 : vector<16xf32>
      %get3A_777 = arith.index_cast %scan3A_60 : i32 to index
      %get3A_778 = arith.constant 704 : index
      %get3A_779 = tpu.vector_load %arg15[%get3A_777, %get3A_778] {strides = array<i32>} : memref<32x768xf32, #tpu.memory_space<vmem>>, vector<1x16xf32>,
      %get3A_780 = vector.shape_cast %get3A_779 : vector<1x16xf32> to vector<16xf32>
      %mul3A_781 = arith.mulf %get3A_780, %get3A_68 : vector<16xf32>
      %add3A_782 = arith.addf %mul3A_776, %mul3A_781 : vector<16xf32>
      %swap3A_783 = arith.index_cast %scan3A_60 : i32 to index
      %swap3A_784 = arith.constant 704 : index
      %swap3A_785 = tpu.vector_load %arg14[%swap3A_783, %swap3A_784] {strides = array<i32>} : memref<32x768xf32, #tpu.memory_space<vmem>>, vector<1x16xf32>,
      %swap3A_786 = vector.shape_cast %swap3A_785 : vector<1x16xf32> to vector<16xf32>
      %swap3A_787 = vector.shape_cast %add3A_782 : vector<16xf32> to vector<1x16xf32>
      tpu.vector_store %arg14[%swap3A_783, %swap3A_784], %swap3A_787 {strides = array<i32>} : memref<32x768xf32, #tpu.memory_space<vmem>>, vector<1x16xf32>,
      %get3A_788 = arith.index_cast %scan3A_60 : i32 to index
      %get3A_789 = arith.constant 720 : index
      %get3A_790 = tpu.vector_load %arg14[%get3A_788, %get3A_789] {strides = array<i32>} : memref<32x768xf32, #tpu.memory_space<vmem>>, vector<1x16xf32>,
      %get3A_791 = vector.shape_cast %get3A_790 : vector<1x16xf32> to vector<16xf32>
      %mul3A_792 = arith.mulf %get3A_791, %get3A_64 : vector<16xf32>
      %get3A_793 = arith.index_cast %scan3A_60 : i32 to index
      %get3A_794 = arith.constant 720 : index
      %get3A_795 = tpu.vector_load %arg15[%get3A_793, %get3A_794] {strides = array<i32>} : memref<32x768xf32, #tpu.memory_space<vmem>>, vector<1x16xf32>,
      %get3A_796 = vector.shape_cast %get3A_795 : vector<1x16xf32> to vector<16xf32>
      %mul3A_797 = arith.mulf %get3A_796, %get3A_68 : vector<16xf32>
      %add3A_798 = arith.addf %mul3A_792, %mul3A_797 : vector<16xf32>
      %swap3A_799 = arith.index_cast %scan3A_60 : i32 to index
      %swap3A_800 = arith.constant 720 : index
      %swap3A_801 = tpu.vector_load %arg14[%swap3A_799, %swap3A_800] {strides = array<i32>} : memref<32x768xf32, #tpu.memory_space<vmem>>, vector<1x16xf32>,
      %swap3A_802 = vector.shape_cast %swap3A_801 : vector<1x16xf32> to vector<16xf32>
      %swap3A_803 = vector.shape_cast %add3A_798 : vector<16xf32> to vector<1x16xf32>
      tpu.vector_store %arg14[%swap3A_799, %swap3A_800], %swap3A_803 {strides = array<i32>} : memref<32x768xf32, #tpu.memory_space<vmem>>, vector<1x16xf32>,
      %get3A_804 = arith.index_cast %scan3A_60 : i32 to index
      %get3A_805 = arith.constant 736 : index
      %get3A_806 = tpu.vector_load %arg14[%get3A_804, %get3A_805] {strides = array<i32>} : memref<32x768xf32, #tpu.memory_space<vmem>>, vector<1x16xf32>,
      %get3A_807 = vector.shape_cast %get3A_806 : vector<1x16xf32> to vector<16xf32>
      %mul3A_808 = arith.mulf %get3A_807, %get3A_64 : vector<16xf32>
      %get3A_809 = arith.index_cast %scan3A_60 : i32 to index
      %get3A_810 = arith.constant 736 : index
      %get3A_811 = tpu.vector_load %arg15[%get3A_809, %get3A_810] {strides = array<i32>} : memref<32x768xf32, #tpu.memory_space<vmem>>, vector<1x16xf32>,
      %get3A_812 = vector.shape_cast %get3A_811 : vector<1x16xf32> to vector<16xf32>
      %mul3A_813 = arith.mulf %get3A_812, %get3A_68 : vector<16xf32>
      %add3A_814 = arith.addf %mul3A_808, %mul3A_813 : vector<16xf32>
      %swap3A_815 = arith.index_cast %scan3A_60 : i32 to index
      %swap3A_816 = arith.constant 736 : index
      %swap3A_817 = tpu.vector_load %arg14[%swap3A_815, %swap3A_816] {strides = array<i32>} : memref<32x768xf32, #tpu.memory_space<vmem>>, vector<1x16xf32>,
      %swap3A_818 = vector.shape_cast %swap3A_817 : vector<1x16xf32> to vector<16xf32>
      %swap3A_819 = vector.shape_cast %add3A_814 : vector<16xf32> to vector<1x16xf32>
      tpu.vector_store %arg14[%swap3A_815, %swap3A_816], %swap3A_819 {strides = array<i32>} : memref<32x768xf32, #tpu.memory_space<vmem>>, vector<1x16xf32>,
      %get3A_820 = arith.index_cast %scan3A_60 : i32 to index
      %get3A_821 = arith.constant 752 : index
      %get3A_822 = tpu.vector_load %arg14[%get3A_820, %get3A_821] {strides = array<i32>} : memref<32x768xf32, #tpu.memory_space<vmem>>, vector<1x16xf32>,
      %get3A_823 = vector.shape_cast %get3A_822 : vector<1x16xf32> to vector<16xf32>
      %mul3A_824 = arith.mulf %get3A_823, %get3A_64 : vector<16xf32>
      %get3A_825 = arith.index_cast %scan3A_60 : i32 to index
      %get3A_826 = arith.constant 752 : index
      %get3A_827 = tpu.vector_load %arg15[%get3A_825, %get3A_826] {strides = array<i32>} : memref<32x768xf32, #tpu.memory_space<vmem>>, vector<1x16xf32>,
      %get3A_828 = vector.shape_cast %get3A_827 : vector<1x16xf32> to vector<16xf32>
      %mul3A_829 = arith.mulf %get3A_828, %get3A_68 : vector<16xf32>
      %add3A_830 = arith.addf %mul3A_824, %mul3A_829 : vector<16xf32>
      %swap3A_831 = arith.index_cast %scan3A_60 : i32 to index
      %swap3A_832 = arith.constant 752 : index
      %swap3A_833 = tpu.vector_load %arg14[%swap3A_831, %swap3A_832] {strides = array<i32>} : memref<32x768xf32, #tpu.memory_space<vmem>>, vector<1x16xf32>,
      %swap3A_834 = vector.shape_cast %swap3A_833 : vector<1x16xf32> to vector<16xf32>
      %swap3A_835 = vector.shape_cast %add3A_830 : vector<16xf32> to vector<1x16xf32>
      tpu.vector_store %arg14[%swap3A_831, %swap3A_832], %swap3A_835 {strides = array<i32>} : memref<32x768xf32, #tpu.memory_space<vmem>>, vector<1x16xf32>,
      %scan3A_836 = arith.constant 0 : i32
      scf.yield %scan3A_836 : i32
    }
    %scan3A_43 = arith.constant 32 : i32
    %mul3A_44 = arith.constant 64 : i32
    %mul3A_45 = arith.muli %add3A, %mul3A_44 : i32
    %add3A_46 = arith.constant 32 : i32
    %add3A_47 = arith.addi %mul3A_45, %add3A_46 : i32
    %dma_start3A_48 = arith.constant 0 : i32
    %dma_start3A_49 = tpu.memref_slice %arg7[%add3A_47, %dma_start3A_48] : memref<2048x768xf32, #tpu.memory_space<hbm>> -> memref<32x768xf32, #tpu.memory_space<hbm>>
    %dma_start3A_50 = arith.constant 0 : i32
    %dma_start3A_51 = tpu.memref_slice %arg7[%add3A_47, %dma_start3A_50] : memref<2048x768xf32, #tpu.memory_space<hbm>> -> memref<32x768xf32, #tpu.memory_space<hbm>>
    tpu.enqueue_dma source(%arg14 : memref<32x768xf32, #tpu.memory_space<vmem>>) target(%dma_start3A_51 : memref<32x768xf32, #tpu.memory_space<hbm>>) target_semaphore(%arg24 : memref<!tpu.dma_semaphore, #tpu.memory_space<semaphore_mem>>)
    %dma_wait3A_52 = arith.constant 0 : i32
    %dma_wait3A_53 = tpu.memref_slice %arg7[%add3A_26, %dma_wait3A_52] : memref<2048x768xf32, #tpu.memory_space<hbm>> -> memref<32x768xf32, #tpu.memory_space<hbm>>
    %dma_wait3A_54 = arith.constant 0 : i32
    %dma_wait3A_55 = tpu.memref_slice %arg7[%add3A_26, %dma_wait3A_54] : memref<2048x768xf32, #tpu.memory_space<hbm>> -> memref<32x768xf32, #tpu.memory_space<hbm>>
    tpu.wait_dma2 semaphore(%arg24 : memref<!tpu.dma_semaphore, #tpu.memory_space<semaphore_mem>>) src(%arg12 : memref<32x768xf32, #tpu.memory_space<vmem>>) dst(%dma_wait3A_55 : memref<32x768xf32, #tpu.memory_space<hbm>>)
    %dma_wait3A_56 = arith.constant 0 : i32
    %dma_wait3A_57 = tpu.memref_slice %arg7[%add3A_47, %dma_wait3A_56] : memref<2048x768xf32, #tpu.memory_space<hbm>> -> memref<32x768xf32, #tpu.memory_space<hbm>>
    %dma_wait3A_58 = arith.constant 0 : i32
    %dma_wait3A_59 = tpu.memref_slice %arg7[%add3A_47, %dma_wait3A_58] : memref<2048x768xf32, #tpu.memory_space<hbm>> -> memref<32x768xf32, #tpu.memory_space<hbm>>
    tpu.wait_dma2 semaphore(%arg24 : memref<!tpu.dma_semaphore, #tpu.memory_space<semaphore_mem>>) src(%arg14 : memref<32x768xf32, #tpu.memory_space<vmem>>) dst(%dma_wait3A_59 : memref<32x768xf32, #tpu.memory_space<hbm>>)
    return
  }
}

module attributes {stable_mosaic.version = 14 : i64} {
  func.func @_gmm_body(%arg0: i32, %arg1: memref<128xi32, #tpu.memory_space<smem>>, %arg2: memref<128xi32, #tpu.memory_space<smem>>, %arg3: memref<128xi32, #tpu.memory_space<smem>>, %arg4: memref<256x768xf32, #tpu.memory_space<vmem>>, %arg5: memref<1x512x768xf32, #tpu.memory_space<vmem>>, %arg6: memref<1x512x768xf32, #tpu.memory_space<vmem>>, %arg7: memref<1x512x768xf32, #tpu.memory_space<vmem>>, %arg8: memref<256x768xf32, #tpu.memory_space<vmem>>) attributes {dimension_semantics = [#tpu.dimension_semantics<arbitrary>], iteration_bounds = array<i64: 24>, scalar_prefetch = 3 : i64, scratch_operands = 0 : i64, tpu.core_type = #tpu.core_type<tc>, window_params = [{transform_indices = @transform_0, window_bounds = array<i64: 256, 768>}, {transform_indices = @transform_1, window_bounds = array<i64: 1, 512, 768>}, {transform_indices = @transform_2, window_bounds = array<i64: 1, 512, 768>}, {transform_indices = @transform_3, window_bounds = array<i64: 1, 512, 768>}, {transform_indices = @transform_4, window_bounds = array<i64: 256, 768>}]} {
    %get3A = arith.index_cast %arg0 : i32 to index
    %get3A_0 = memref.load %arg3[%get3A] : memref<128xi32, #tpu.memory_space<smem>>
    %eq3A = arith.constant 1 : i32
    %eq3A_1 = arith.cmpi eq, %get3A_0, %eq3A : i32
    %convert_element_type3A = arith.extui %eq3A_1 : i1 to i32
    %cond3A = arith.constant 0 : i32
    %cond3A_2 = arith.cmpi ne, %convert_element_type3A, %cond3A : i32
    scf.if %cond3A_2 {
      %get3A_3 = arith.constant 0 : index
      %get3A_4 = arith.constant 0 : index
      %get3A_5 = vector.load %arg4[%get3A_3, %get3A_4] : memref<256x768xf32, #tpu.memory_space<vmem>>, vector<256x768xf32>
      %get3A_6 = arith.constant 0 : index
      %get3A_7 = arith.constant 0 : index
      %get3A_8 = arith.constant 0 : index
      %get3A_9 = vector.load %arg5[%get3A_6, %get3A_7, %get3A_8] : memref<1x512x768xf32, #tpu.memory_space<vmem>>, vector<1x512x768xf32>
      %get3A_10 = vector.shape_cast %get3A_9 : vector<1x512x768xf32> to vector<512x768xf32>
      %dot_general3A = arith.constant dense<0.000000e+00> : vector<256x512xf32>
      %dot_general3A_11 = tpu.matmul %get3A_5, %get3A_10, %dot_general3A {dimension_numbers = #tpu.dot_dimension_numbers<[1], [1], [0], [0], [0, 0, 1, 0], [], []>, transpose_lhs_hint = false} : vector<256x768xf32>, vector<512x768xf32>, vector<256x512xf32> -> vector<256x512xf32>
      %get3A_12 = arith.constant 0 : index
      %get3A_13 = arith.constant 0 : index
      %get3A_14 = arith.constant 0 : index
      %get3A_15 = vector.load %arg6[%get3A_12, %get3A_13, %get3A_14] : memref<1x512x768xf32, #tpu.memory_space<vmem>>, vector<1x512x768xf32>
      %get3A_16 = vector.shape_cast %get3A_15 : vector<1x512x768xf32> to vector<512x768xf32>
      %dot_general3A_17 = arith.constant dense<0.000000e+00> : vector<256x512xf32>
      %dot_general3A_18 = tpu.matmul %get3A_5, %get3A_16, %dot_general3A_17 {dimension_numbers = #tpu.dot_dimension_numbers<[1], [1], [0], [0], [0, 0, 1, 0], [], []>, transpose_lhs_hint = false} : vector<256x768xf32>, vector<512x768xf32>, vector<256x512xf32> -> vector<256x512xf32>
      %logistic3A = arith.negf %dot_general3A_11 : vector<256x512xf32>
      %logistic3A_19 = math.exp %logistic3A : vector<256x512xf32>
      %logistic3A_20 = arith.constant 1.000000e+00 : f32
      %logistic3A_21 = vector.broadcast %logistic3A_20 : f32 to vector<256x512xf32>
      %logistic3A_22 = arith.addf %logistic3A_21, %logistic3A_19 : vector<256x512xf32>
      %logistic3A_23 = arith.divf %logistic3A_21, %logistic3A_22 : vector<256x512xf32>
      %mul3A = arith.mulf %dot_general3A_11, %logistic3A_23 : vector<256x512xf32>
      %mul3A_24 = arith.mulf %mul3A, %dot_general3A_18 : vector<256x512xf32>
      %get3A_25 = arith.constant 0 : index
      %get3A_26 = arith.constant 0 : index
      %get3A_27 = arith.constant 0 : index
      %get3A_28 = vector.load %arg7[%get3A_25, %get3A_26, %get3A_27] : memref<1x512x768xf32, #tpu.memory_space<vmem>>, vector<1x512x768xf32>
      %get3A_29 = vector.shape_cast %get3A_28 : vector<1x512x768xf32> to vector<512x768xf32>
      %dot_general3A_30 = arith.constant dense<0.000000e+00> : vector<256x768xf32>
      %dot_general3A_31 = tpu.matmul %mul3A_24, %get3A_29, %dot_general3A_30 {dimension_numbers = #tpu.dot_dimension_numbers<[1], [0], [0], [1], [0, 0, 1, 1], [], []>, transpose_lhs_hint = false} : vector<256x512xf32>, vector<512x768xf32>, vector<256x768xf32> -> vector<256x768xf32>
      %swap3A = arith.constant 0 : index
      %swap3A_32 = arith.constant 0 : index
      %swap3A_33 = vector.load %arg8[%swap3A, %swap3A_32] : memref<256x768xf32, #tpu.memory_space<vmem>>, vector<256x768xf32>
      tpu.vector_store %arg8[%swap3A, %swap3A_32], %dot_general3A_31 {strides = array<i32>} : memref<256x768xf32, #tpu.memory_space<vmem>>, vector<256x768xf32>,
    } else {
    }
    return
  }
  func.func @transform_0(%arg0: i32, %arg1: memref<128xi32, #tpu.memory_space<smem>>, %arg2: memref<128xi32, #tpu.memory_space<smem>>, %arg3: memref<128xi32, #tpu.memory_space<smem>>) -> (i32, i32) {
    %get3A = arith.index_cast %arg0 : i32 to index
    %get3A_0 = memref.load %arg2[%get3A] : memref<128xi32, #tpu.memory_space<smem>>
    %c0_i32 = arith.constant 0 : i32
    %c0_i32_1 = arith.constant 0 : i32
    return %get3A_0, %c0_i32 : i32, i32
  }
  func.func @transform_1(%arg0: i32, %arg1: memref<128xi32, #tpu.memory_space<smem>>, %arg2: memref<128xi32, #tpu.memory_space<smem>>, %arg3: memref<128xi32, #tpu.memory_space<smem>>) -> (i32, i32, i32) {
    %get3A = arith.index_cast %arg0 : i32 to index
    %get3A_0 = memref.load %arg1[%get3A] : memref<128xi32, #tpu.memory_space<smem>>
    %c0_i32 = arith.constant 0 : i32
    %c0_i32_1 = arith.constant 0 : i32
    %c0_i32_2 = arith.constant 0 : i32
    return %get3A_0, %c0_i32, %c0_i32_1 : i32, i32, i32
  }
  func.func @transform_2(%arg0: i32, %arg1: memref<128xi32, #tpu.memory_space<smem>>, %arg2: memref<128xi32, #tpu.memory_space<smem>>, %arg3: memref<128xi32, #tpu.memory_space<smem>>) -> (i32, i32, i32) {
    %get3A = arith.index_cast %arg0 : i32 to index
    %get3A_0 = memref.load %arg1[%get3A] : memref<128xi32, #tpu.memory_space<smem>>
    %c0_i32 = arith.constant 0 : i32
    %c0_i32_1 = arith.constant 0 : i32
    %c0_i32_2 = arith.constant 0 : i32
    return %get3A_0, %c0_i32, %c0_i32_1 : i32, i32, i32
  }
  func.func @transform_3(%arg0: i32, %arg1: memref<128xi32, #tpu.memory_space<smem>>, %arg2: memref<128xi32, #tpu.memory_space<smem>>, %arg3: memref<128xi32, #tpu.memory_space<smem>>) -> (i32, i32, i32) {
    %get3A = arith.index_cast %arg0 : i32 to index
    %get3A_0 = memref.load %arg1[%get3A] : memref<128xi32, #tpu.memory_space<smem>>
    %c0_i32 = arith.constant 0 : i32
    %c0_i32_1 = arith.constant 0 : i32
    %c0_i32_2 = arith.constant 0 : i32
    return %get3A_0, %c0_i32, %c0_i32_1 : i32, i32, i32
  }
  func.func @transform_4(%arg0: i32, %arg1: memref<128xi32, #tpu.memory_space<smem>>, %arg2: memref<128xi32, #tpu.memory_space<smem>>, %arg3: memref<128xi32, #tpu.memory_space<smem>>) -> (i32, i32) {
    %get3A = arith.index_cast %arg0 : i32 to index
    %get3A_0 = memref.load %arg2[%get3A] : memref<128xi32, #tpu.memory_space<smem>>
    %c0_i32 = arith.constant 0 : i32
    %c0_i32_1 = arith.constant 0 : i32
    return %get3A_0, %c0_i32 : i32, i32
  }
}

module attributes {stable_mosaic.version = 14 : i64} {
  func.func @body(%arg0: i32, %arg1: memref<32x128xi32, #tpu.memory_space<vmem>>, %arg2: memref<32x64xi32, #tpu.memory_space<vmem>>, %arg3: memref<32x64xi32, #tpu.memory_space<vmem>>, %arg4: memref<8x128xi32, #tpu.memory_space<vmem>>) attributes {dimension_semantics = [#tpu.dimension_semantics<arbitrary>], iteration_bounds = array<i64: 1>, scalar_prefetch = 0 : i64, scratch_operands = 0 : i64, tpu.core_type = #tpu.core_type<tc>, window_params = [{pipeline_mode = #tpu.pipeline_mode<synchronous>, transform_indices = @transform_0, window_bounds = array<i64: 32, 128>}, {pipeline_mode = #tpu.pipeline_mode<synchronous>, transform_indices = @transform_1, window_bounds = array<i64: 32, 64>}, {pipeline_mode = #tpu.pipeline_mode<synchronous>, transform_indices = @transform_2, window_bounds = array<i64: 32, 64>}, {pipeline_mode = #tpu.pipeline_mode<synchronous>, transform_indices = @transform_3, window_bounds = array<i64: 8, 128>}]} {
    %get3A = arith.constant 0 : index
    %get3A_0 = arith.constant 0 : index
    %get3A_1 = vector.load %arg1[%get3A, %get3A_0] : memref<32x128xi32, #tpu.memory_space<vmem>>, vector<32x128xi32>
    %iota3A = tpu.iota {dimensions = array<i32: 0>} : vector<128x128xi32>
    %iota3A_2 = tpu.iota {dimensions = array<i32: 1>} : vector<128x128xi32>
    %le3A = arith.cmpi sle, %iota3A, %iota3A_2 : vector<128x128xi32>
    %convert_element_type3A = arith.extui %le3A : vector<128x128xi1> to vector<128x128xi32>
    %convert_element_type3A_3 = arith.sitofp %convert_element_type3A : vector<128x128xi32> to vector<128x128xf32>
    %convert_element_type3A_4 = arith.truncf %convert_element_type3A_3 : vector<128x128xf32> to vector<128x128xbf16>
    %iota3A_5 = tpu.iota {dimensions = array<i32: 0>} : vector<32x32xi32>
    %iota3A_6 = tpu.iota {dimensions = array<i32: 1>} : vector<32x32xi32>
    %lt3A = arith.cmpi slt, %iota3A_6, %iota3A_5 : vector<32x32xi32>
    %convert_element_type3A_7 = arith.extui %lt3A : vector<32x32xi1> to vector<32x32xi32>
    %convert_element_type3A_8 = arith.sitofp %convert_element_type3A_7 : vector<32x32xi32> to vector<32x32xf32>
    %convert_element_type3A_9 = arith.truncf %convert_element_type3A_8 : vector<32x32xf32> to vector<32x32xbf16>
    %broadcast_in_dim3A = arith.constant 0.000000e+00 : f32
    %broadcast_in_dim3A_10 = vector.broadcast %broadcast_in_dim3A : f32 to vector<32x128xf32>
    %eq3A = arith.constant 0 : i32
    %eq3A_11 = vector.broadcast %eq3A : i32 to vector<32x128xi32>
    %eq3A_12 = arith.cmpi eq, %get3A_1, %eq3A_11 : vector<32x128xi32>
    %convert_element_type3A_13 = arith.extui %eq3A_12 : vector<32x128xi1> to vector<32x128xi32>
    %convert_element_type3A_14 = arith.sitofp %convert_element_type3A_13 : vector<32x128xi32> to vector<32x128xf32>
    %convert_element_type3A_15 = arith.truncf %convert_element_type3A_14 : vector<32x128xf32> to vector<32x128xbf16>
    %dot_general3A = arith.constant dense<0.000000e+00> : vector<32x128xf32>
    %dot_general3A_16 = tpu.matmul %convert_element_type3A_15, %convert_element_type3A_4, %dot_general3A {dimension_numbers = #tpu.dot_dimension_numbers<[1], [0], [0], [1], [0, 0, 1, 1], [], []>, transpose_lhs_hint = false} : vector<32x128xbf16>, vector<128x128xbf16>, vector<32x128xf32> -> vector<32x128xf32>
    %slice3A = vector.extract_strided_slice %dot_general3A_16 {offsets = [0, 127], sizes = [32, 1], strides = [1, 1]} : vector<32x128xf32> to vector<32x1xf32>
    %convert_element_type3A_17 = arith.truncf %slice3A : vector<32x1xf32> to vector<32x1xbf16>
    %dot_general3A_18 = arith.constant dense<0.000000e+00> : vector<32x1xf32>
    %dot_general3A_19 = tpu.matmul %convert_element_type3A_9, %convert_element_type3A_17, %dot_general3A_18 {dimension_numbers = #tpu.dot_dimension_numbers<[1], [0], [0], [1], [0, 0, 1, 1], [], []>, transpose_lhs_hint = false} : vector<32x32xbf16>, vector<32x1xbf16>, vector<32x1xf32> -> vector<32x1xf32>
    %add3A = vector.broadcast %dot_general3A_19 : vector<32x1xf32> to vector<32x128xf32>
    %add3A_20 = arith.addf %dot_general3A_16, %add3A : vector<32x128xf32>
    %sub3A = arith.constant 1.000000e+00 : f32
    %sub3A_21 = vector.broadcast %sub3A : f32 to vector<32x128xf32>
    %sub3A_22 = arith.subf %add3A_20, %sub3A_21 : vector<32x128xf32>
    %add3A_23 = arith.constant 0.000000e+00 : f32
    %add3A_24 = vector.broadcast %add3A_23 : f32 to vector<32x128xf32>
    %add3A_25 = arith.addf %sub3A_22, %add3A_24 : vector<32x128xf32>
    %select_n3A = arith.select %eq3A_12, %add3A_25, %broadcast_in_dim3A_10 : vector<32x128xi1>, vector<32x128xf32>
    %convert_element_type3A_26 = arith.extui %eq3A_12 : vector<32x128xi1> to vector<32x128xi32>
    %reduce_sum3A = vector.shape_cast %convert_element_type3A_26 : vector<32x128xi32> to vector<1x32x128xi32>
    %reduce_sum3A_27 = arith.constant dense<0> : vector<1xi32>
    %reduce_sum3A_28 = vector.multi_reduction <add>, %reduce_sum3A, %reduce_sum3A_27 [1, 2] : vector<1x32x128xi32> to vector<1xi32>
    %reduce_sum3A_29 = vector.shape_cast %reduce_sum3A_28 : vector<1xi32> to vector<1x1x1xi32>
    %reduce_sum3A_30 = vector.extract %reduce_sum3A_29[0, 0, 0] : i32 from vector<1x1x1xi32>
    %jit3A = arith.constant 0 : i32
    %jit3A_31 = arith.constant 256 : i32
    %div3A = arith.divsi %jit3A, %jit3A_31 : i32
    %sign3A = arith.constant 0 : i32
    %sign3A_32 = arith.cmpi sgt, %jit3A, %sign3A : i32
    %sign3A_33 = arith.extui %sign3A_32 : i1 to i32
    %sign3A_34 = arith.constant 0 : i32
    %sign3A_35 = arith.cmpi slt, %jit3A, %sign3A_34 : i32
    %sign3A_36 = arith.extui %sign3A_35 : i1 to i32
    %sign3A_37 = arith.subi %sign3A_33, %sign3A_36 : i32
    %sign3A_38 = arith.constant 0 : i32
    %sign3A_39 = arith.cmpi sgt, %jit3A_31, %sign3A_38 : i32
    %sign3A_40 = arith.extui %sign3A_39 : i1 to i32
    %sign3A_41 = arith.constant 0 : i32
    %sign3A_42 = arith.cmpi slt, %jit3A_31, %sign3A_41 : i32
    %sign3A_43 = arith.extui %sign3A_42 : i1 to i32
    %sign3A_44 = arith.subi %sign3A_40, %sign3A_43 : i32
    %ne3A = arith.cmpi ne, %sign3A_37, %sign3A_44 : i32
    %rem3A = arith.remsi %jit3A, %jit3A_31 : i32
    %ne3A_45 = arith.constant 0 : i32
    %ne3A_46 = arith.cmpi ne, %rem3A, %ne3A_45 : i32
    %and3A = arith.andi %ne3A, %ne3A_46 : i1
    %sub3A_47 = arith.constant 1 : i32
    %sub3A_48 = arith.subi %div3A, %sub3A_47 : i32
    %select_n3A_49 = arith.select %and3A, %sub3A_48, %div3A : i32
    %add3A_50 = arith.constant 256 : i32
    %add3A_51 = arith.addi %reduce_sum3A_30, %add3A_50 : i32
    %sub3A_52 = arith.constant 1 : i32
    %sub3A_53 = arith.subi %add3A_51, %sub3A_52 : i32
    %jit3A_54 = arith.constant 256 : i32
    %div3A_55 = arith.divsi %sub3A_53, %jit3A_54 : i32
    %sign3A_56 = arith.constant 0 : i32
    %sign3A_57 = arith.cmpi sgt, %sub3A_53, %sign3A_56 : i32
    %sign3A_58 = arith.extui %sign3A_57 : i1 to i32
    %sign3A_59 = arith.constant 0 : i32
    %sign3A_60 = arith.cmpi slt, %sub3A_53, %sign3A_59 : i32
    %sign3A_61 = arith.extui %sign3A_60 : i1 to i32
    %sign3A_62 = arith.subi %sign3A_58, %sign3A_61 : i32
    %sign3A_63 = arith.constant 0 : i32
    %sign3A_64 = arith.cmpi sgt, %jit3A_54, %sign3A_63 : i32
    %sign3A_65 = arith.extui %sign3A_64 : i1 to i32
    %sign3A_66 = arith.constant 0 : i32
    %sign3A_67 = arith.cmpi slt, %jit3A_54, %sign3A_66 : i32
    %sign3A_68 = arith.extui %sign3A_67 : i1 to i32
    %sign3A_69 = arith.subi %sign3A_65, %sign3A_68 : i32
    %ne3A_70 = arith.cmpi ne, %sign3A_62, %sign3A_69 : i32
    %rem3A_71 = arith.remsi %sub3A_53, %jit3A_54 : i32
    %ne3A_72 = arith.constant 0 : i32
    %ne3A_73 = arith.cmpi ne, %rem3A_71, %ne3A_72 : i32
    %and3A_74 = arith.andi %ne3A_70, %ne3A_73 : i1
    %sub3A_75 = arith.constant 1 : i32
    %sub3A_76 = arith.subi %div3A_55, %sub3A_75 : i32
    %select_n3A_77 = arith.select %and3A_74, %sub3A_76, %div3A_55 : i32
    %mul3A = arith.constant 256 : i32
    %mul3A_78 = arith.muli %select_n3A_77, %mul3A : i32
    %add3A_79 = arith.constant 0 : i32
    %add3A_80 = arith.addi %add3A_79, %mul3A_78 : i32
    %eq3A_81 = arith.constant 1 : i32
    %eq3A_82 = vector.broadcast %eq3A_81 : i32 to vector<32x128xi32>
    %eq3A_83 = arith.cmpi eq, %get3A_1, %eq3A_82 : vector<32x128xi32>
    %convert_element_type3A_84 = arith.extui %eq3A_83 : vector<32x128xi1> to vector<32x128xi32>
    %convert_element_type3A_85 = arith.sitofp %convert_element_type3A_84 : vector<32x128xi32> to vector<32x128xf32>
    %convert_element_type3A_86 = arith.truncf %convert_element_type3A_85 : vector<32x128xf32> to vector<32x128xbf16>
    %dot_general3A_87 = arith.constant dense<0.000000e+00> : vector<32x128xf32>
    %dot_general3A_88 = tpu.matmul %convert_element_type3A_86, %convert_element_type3A_4, %dot_general3A_87 {dimension_numbers = #tpu.dot_dimension_numbers<[1], [0], [0], [1], [0, 0, 1, 1], [], []>, transpose_lhs_hint = false} : vector<32x128xbf16>, vector<128x128xbf16>, vector<32x128xf32> -> vector<32x128xf32>
    %slice3A_89 = vector.extract_strided_slice %dot_general3A_88 {offsets = [0, 127], sizes = [32, 1], strides = [1, 1]} : vector<32x128xf32> to vector<32x1xf32>
    %convert_element_type3A_90 = arith.truncf %slice3A_89 : vector<32x1xf32> to vector<32x1xbf16>
    %dot_general3A_91 = arith.constant dense<0.000000e+00> : vector<32x1xf32>
    %dot_general3A_92 = tpu.matmul %convert_element_type3A_9, %convert_element_type3A_90, %dot_general3A_91 {dimension_numbers = #tpu.dot_dimension_numbers<[1], [0], [0], [1], [0, 0, 1, 1], [], []>, transpose_lhs_hint = false} : vector<32x32xbf16>, vector<32x1xbf16>, vector<32x1xf32> -> vector<32x1xf32>
    %add3A_93 = vector.broadcast %dot_general3A_92 : vector<32x1xf32> to vector<32x128xf32>
    %add3A_94 = arith.addf %dot_general3A_88, %add3A_93 : vector<32x128xf32>
    %sub3A_95 = arith.constant 1.000000e+00 : f32
    %sub3A_96 = vector.broadcast %sub3A_95 : f32 to vector<32x128xf32>
    %sub3A_97 = arith.subf %add3A_94, %sub3A_96 : vector<32x128xf32>
    %convert_element_type3A_98 = arith.sitofp %add3A_80 : i32 to f32
    %add3A_99 = vector.broadcast %convert_element_type3A_98 : f32 to vector<32x128xf32>
    %add3A_100 = arith.addf %sub3A_97, %add3A_99 : vector<32x128xf32>
    %select_n3A_101 = arith.select %eq3A_83, %add3A_100, %select_n3A : vector<32x128xi1>, vector<32x128xf32>
    %convert_element_type3A_102 = arith.extui %eq3A_83 : vector<32x128xi1> to vector<32x128xi32>
    %reduce_sum3A_103 = vector.shape_cast %convert_element_type3A_102 : vector<32x128xi32> to vector<1x32x128xi32>
    %reduce_sum3A_104 = arith.constant dense<0> : vector<1xi32>
    %reduce_sum3A_105 = vector.multi_reduction <add>, %reduce_sum3A_103, %reduce_sum3A_104 [1, 2] : vector<1x32x128xi32> to vector<1xi32>
    %reduce_sum3A_106 = vector.shape_cast %reduce_sum3A_105 : vector<1xi32> to vector<1x1x1xi32>
    %reduce_sum3A_107 = vector.extract %reduce_sum3A_106[0, 0, 0] : i32 from vector<1x1x1xi32>
    %jit3A_108 = arith.constant 256 : i32
    %div3A_109 = arith.divsi %add3A_80, %jit3A_108 : i32
    %sign3A_110 = arith.constant 0 : i32
    %sign3A_111 = arith.cmpi sgt, %add3A_80, %sign3A_110 : i32
    %sign3A_112 = arith.extui %sign3A_111 : i1 to i32
    %sign3A_113 = arith.constant 0 : i32
    %sign3A_114 = arith.cmpi slt, %add3A_80, %sign3A_113 : i32
    %sign3A_115 = arith.extui %sign3A_114 : i1 to i32
    %sign3A_116 = arith.subi %sign3A_112, %sign3A_115 : i32
    %sign3A_117 = arith.constant 0 : i32
    %sign3A_118 = arith.cmpi sgt, %jit3A_108, %sign3A_117 : i32
    %sign3A_119 = arith.extui %sign3A_118 : i1 to i32
    %sign3A_120 = arith.constant 0 : i32
    %sign3A_121 = arith.cmpi slt, %jit3A_108, %sign3A_120 : i32
    %sign3A_122 = arith.extui %sign3A_121 : i1 to i32
    %sign3A_123 = arith.subi %sign3A_119, %sign3A_122 : i32
    %ne3A_124 = arith.cmpi ne, %sign3A_116, %sign3A_123 : i32
    %rem3A_125 = arith.remsi %add3A_80, %jit3A_108 : i32
    %ne3A_126 = arith.constant 0 : i32
    %ne3A_127 = arith.cmpi ne, %rem3A_125, %ne3A_126 : i32
    %and3A_128 = arith.andi %ne3A_124, %ne3A_127 : i1
    %sub3A_129 = arith.constant 1 : i32
    %sub3A_130 = arith.subi %div3A_109, %sub3A_129 : i32
    %select_n3A_131 = arith.select %and3A_128, %sub3A_130, %div3A_109 : i32
    %add3A_132 = arith.constant 256 : i32
    %add3A_133 = arith.addi %reduce_sum3A_107, %add3A_132 : i32
    %sub3A_134 = arith.constant 1 : i32
    %sub3A_135 = arith.subi %add3A_133, %sub3A_134 : i32
    %jit3A_136 = arith.constant 256 : i32
    %div3A_137 = arith.divsi %sub3A_135, %jit3A_136 : i32
    %sign3A_138 = arith.constant 0 : i32
    %sign3A_139 = arith.cmpi sgt, %sub3A_135, %sign3A_138 : i32
    %sign3A_140 = arith.extui %sign3A_139 : i1 to i32
    %sign3A_141 = arith.constant 0 : i32
    %sign3A_142 = arith.cmpi slt, %sub3A_135, %sign3A_141 : i32
    %sign3A_143 = arith.extui %sign3A_142 : i1 to i32
    %sign3A_144 = arith.subi %sign3A_140, %sign3A_143 : i32
    %sign3A_145 = arith.constant 0 : i32
    %sign3A_146 = arith.cmpi sgt, %jit3A_136, %sign3A_145 : i32
    %sign3A_147 = arith.extui %sign3A_146 : i1 to i32
    %sign3A_148 = arith.constant 0 : i32
    %sign3A_149 = arith.cmpi slt, %jit3A_136, %sign3A_148 : i32
    %sign3A_150 = arith.extui %sign3A_149 : i1 to i32
    %sign3A_151 = arith.subi %sign3A_147, %sign3A_150 : i32
    %ne3A_152 = arith.cmpi ne, %sign3A_144, %sign3A_151 : i32
    %rem3A_153 = arith.remsi %sub3A_135, %jit3A_136 : i32
    %ne3A_154 = arith.constant 0 : i32
    %ne3A_155 = arith.cmpi ne, %rem3A_153, %ne3A_154 : i32
    %and3A_156 = arith.andi %ne3A_152, %ne3A_155 : i1
    %sub3A_157 = arith.constant 1 : i32
    %sub3A_158 = arith.subi %div3A_137, %sub3A_157 : i32
    %select_n3A_159 = arith.select %and3A_156, %sub3A_158, %div3A_137 : i32
    %mul3A_160 = arith.constant 256 : i32
    %mul3A_161 = arith.muli %select_n3A_159, %mul3A_160 : i32
    %add3A_162 = arith.addi %add3A_80, %mul3A_161 : i32
    %eq3A_163 = arith.constant 2 : i32
    %eq3A_164 = vector.broadcast %eq3A_163 : i32 to vector<32x128xi32>
    %eq3A_165 = arith.cmpi eq, %get3A_1, %eq3A_164 : vector<32x128xi32>
    %convert_element_type3A_166 = arith.extui %eq3A_165 : vector<32x128xi1> to vector<32x128xi32>
    %convert_element_type3A_167 = arith.sitofp %convert_element_type3A_166 : vector<32x128xi32> to vector<32x128xf32>
    %convert_element_type3A_168 = arith.truncf %convert_element_type3A_167 : vector<32x128xf32> to vector<32x128xbf16>
    %dot_general3A_169 = arith.constant dense<0.000000e+00> : vector<32x128xf32>
    %dot_general3A_170 = tpu.matmul %convert_element_type3A_168, %convert_element_type3A_4, %dot_general3A_169 {dimension_numbers = #tpu.dot_dimension_numbers<[1], [0], [0], [1], [0, 0, 1, 1], [], []>, transpose_lhs_hint = false} : vector<32x128xbf16>, vector<128x128xbf16>, vector<32x128xf32> -> vector<32x128xf32>
    %slice3A_171 = vector.extract_strided_slice %dot_general3A_170 {offsets = [0, 127], sizes = [32, 1], strides = [1, 1]} : vector<32x128xf32> to vector<32x1xf32>
    %convert_element_type3A_172 = arith.truncf %slice3A_171 : vector<32x1xf32> to vector<32x1xbf16>
    %dot_general3A_173 = arith.constant dense<0.000000e+00> : vector<32x1xf32>
    %dot_general3A_174 = tpu.matmul %convert_element_type3A_9, %convert_element_type3A_172, %dot_general3A_173 {dimension_numbers = #tpu.dot_dimension_numbers<[1], [0], [0], [1], [0, 0, 1, 1], [], []>, transpose_lhs_hint = false} : vector<32x32xbf16>, vector<32x1xbf16>, vector<32x1xf32> -> vector<32x1xf32>
    %add3A_175 = vector.broadcast %dot_general3A_174 : vector<32x1xf32> to vector<32x128xf32>
    %add3A_176 = arith.addf %dot_general3A_170, %add3A_175 : vector<32x128xf32>
    %sub3A_177 = arith.constant 1.000000e+00 : f32
    %sub3A_178 = vector.broadcast %sub3A_177 : f32 to vector<32x128xf32>
    %sub3A_179 = arith.subf %add3A_176, %sub3A_178 : vector<32x128xf32>
    %convert_element_type3A_180 = arith.sitofp %add3A_162 : i32 to f32
    %add3A_181 = vector.broadcast %convert_element_type3A_180 : f32 to vector<32x128xf32>
    %add3A_182 = arith.addf %sub3A_179, %add3A_181 : vector<32x128xf32>
    %select_n3A_183 = arith.select %eq3A_165, %add3A_182, %select_n3A_101 : vector<32x128xi1>, vector<32x128xf32>
    %convert_element_type3A_184 = arith.extui %eq3A_165 : vector<32x128xi1> to vector<32x128xi32>
    %reduce_sum3A_185 = vector.shape_cast %convert_element_type3A_184 : vector<32x128xi32> to vector<1x32x128xi32>
    %reduce_sum3A_186 = arith.constant dense<0> : vector<1xi32>
    %reduce_sum3A_187 = vector.multi_reduction <add>, %reduce_sum3A_185, %reduce_sum3A_186 [1, 2] : vector<1x32x128xi32> to vector<1xi32>
    %reduce_sum3A_188 = vector.shape_cast %reduce_sum3A_187 : vector<1xi32> to vector<1x1x1xi32>
    %reduce_sum3A_189 = vector.extract %reduce_sum3A_188[0, 0, 0] : i32 from vector<1x1x1xi32>
    %jit3A_190 = arith.constant 256 : i32
    %div3A_191 = arith.divsi %add3A_162, %jit3A_190 : i32
    %sign3A_192 = arith.constant 0 : i32
    %sign3A_193 = arith.cmpi sgt, %add3A_162, %sign3A_192 : i32
    %sign3A_194 = arith.extui %sign3A_193 : i1 to i32
    %sign3A_195 = arith.constant 0 : i32
    %sign3A_196 = arith.cmpi slt, %add3A_162, %sign3A_195 : i32
    %sign3A_197 = arith.extui %sign3A_196 : i1 to i32
    %sign3A_198 = arith.subi %sign3A_194, %sign3A_197 : i32
    %sign3A_199 = arith.constant 0 : i32
    %sign3A_200 = arith.cmpi sgt, %jit3A_190, %sign3A_199 : i32
    %sign3A_201 = arith.extui %sign3A_200 : i1 to i32
    %sign3A_202 = arith.constant 0 : i32
    %sign3A_203 = arith.cmpi slt, %jit3A_190, %sign3A_202 : i32
    %sign3A_204 = arith.extui %sign3A_203 : i1 to i32
    %sign3A_205 = arith.subi %sign3A_201, %sign3A_204 : i32
    %ne3A_206 = arith.cmpi ne, %sign3A_198, %sign3A_205 : i32
    %rem3A_207 = arith.remsi %add3A_162, %jit3A_190 : i32
    %ne3A_208 = arith.constant 0 : i32
    %ne3A_209 = arith.cmpi ne, %rem3A_207, %ne3A_208 : i32
    %and3A_210 = arith.andi %ne3A_206, %ne3A_209 : i1
    %sub3A_211 = arith.constant 1 : i32
    %sub3A_212 = arith.subi %div3A_191, %sub3A_211 : i32
    %select_n3A_213 = arith.select %and3A_210, %sub3A_212, %div3A_191 : i32
    %add3A_214 = arith.constant 256 : i32
    %add3A_215 = arith.addi %reduce_sum3A_189, %add3A_214 : i32
    %sub3A_216 = arith.constant 1 : i32
    %sub3A_217 = arith.subi %add3A_215, %sub3A_216 : i32
    %jit3A_218 = arith.constant 256 : i32
    %div3A_219 = arith.divsi %sub3A_217, %jit3A_218 : i32
    %sign3A_220 = arith.constant 0 : i32
    %sign3A_221 = arith.cmpi sgt, %sub3A_217, %sign3A_220 : i32
    %sign3A_222 = arith.extui %sign3A_221 : i1 to i32
    %sign3A_223 = arith.constant 0 : i32
    %sign3A_224 = arith.cmpi slt, %sub3A_217, %sign3A_223 : i32
    %sign3A_225 = arith.extui %sign3A_224 : i1 to i32
    %sign3A_226 = arith.subi %sign3A_222, %sign3A_225 : i32
    %sign3A_227 = arith.constant 0 : i32
    %sign3A_228 = arith.cmpi sgt, %jit3A_218, %sign3A_227 : i32
    %sign3A_229 = arith.extui %sign3A_228 : i1 to i32
    %sign3A_230 = arith.constant 0 : i32
    %sign3A_231 = arith.cmpi slt, %jit3A_218, %sign3A_230 : i32
    %sign3A_232 = arith.extui %sign3A_231 : i1 to i32
    %sign3A_233 = arith.subi %sign3A_229, %sign3A_232 : i32
    %ne3A_234 = arith.cmpi ne, %sign3A_226, %sign3A_233 : i32
    %rem3A_235 = arith.remsi %sub3A_217, %jit3A_218 : i32
    %ne3A_236 = arith.constant 0 : i32
    %ne3A_237 = arith.cmpi ne, %rem3A_235, %ne3A_236 : i32
    %and3A_238 = arith.andi %ne3A_234, %ne3A_237 : i1
    %sub3A_239 = arith.constant 1 : i32
    %sub3A_240 = arith.subi %div3A_219, %sub3A_239 : i32
    %select_n3A_241 = arith.select %and3A_238, %sub3A_240, %div3A_219 : i32
    %mul3A_242 = arith.constant 256 : i32
    %mul3A_243 = arith.muli %select_n3A_241, %mul3A_242 : i32
    %add3A_244 = arith.addi %add3A_162, %mul3A_243 : i32
    %eq3A_245 = arith.constant 3 : i32
    %eq3A_246 = vector.broadcast %eq3A_245 : i32 to vector<32x128xi32>
    %eq3A_247 = arith.cmpi eq, %get3A_1, %eq3A_246 : vector<32x128xi32>
    %convert_element_type3A_248 = arith.extui %eq3A_247 : vector<32x128xi1> to vector<32x128xi32>
    %convert_element_type3A_249 = arith.sitofp %convert_element_type3A_248 : vector<32x128xi32> to vector<32x128xf32>
    %convert_element_type3A_250 = arith.truncf %convert_element_type3A_249 : vector<32x128xf32> to vector<32x128xbf16>
    %dot_general3A_251 = arith.constant dense<0.000000e+00> : vector<32x128xf32>
    %dot_general3A_252 = tpu.matmul %convert_element_type3A_250, %convert_element_type3A_4, %dot_general3A_251 {dimension_numbers = #tpu.dot_dimension_numbers<[1], [0], [0], [1], [0, 0, 1, 1], [], []>, transpose_lhs_hint = false} : vector<32x128xbf16>, vector<128x128xbf16>, vector<32x128xf32> -> vector<32x128xf32>
    %slice3A_253 = vector.extract_strided_slice %dot_general3A_252 {offsets = [0, 127], sizes = [32, 1], strides = [1, 1]} : vector<32x128xf32> to vector<32x1xf32>
    %convert_element_type3A_254 = arith.truncf %slice3A_253 : vector<32x1xf32> to vector<32x1xbf16>
    %dot_general3A_255 = arith.constant dense<0.000000e+00> : vector<32x1xf32>
    %dot_general3A_256 = tpu.matmul %convert_element_type3A_9, %convert_element_type3A_254, %dot_general3A_255 {dimension_numbers = #tpu.dot_dimension_numbers<[1], [0], [0], [1], [0, 0, 1, 1], [], []>, transpose_lhs_hint = false} : vector<32x32xbf16>, vector<32x1xbf16>, vector<32x1xf32> -> vector<32x1xf32>
    %add3A_257 = vector.broadcast %dot_general3A_256 : vector<32x1xf32> to vector<32x128xf32>
    %add3A_258 = arith.addf %dot_general3A_252, %add3A_257 : vector<32x128xf32>
    %sub3A_259 = arith.constant 1.000000e+00 : f32
    %sub3A_260 = vector.broadcast %sub3A_259 : f32 to vector<32x128xf32>
    %sub3A_261 = arith.subf %add3A_258, %sub3A_260 : vector<32x128xf32>
    %convert_element_type3A_262 = arith.sitofp %add3A_244 : i32 to f32
    %add3A_263 = vector.broadcast %convert_element_type3A_262 : f32 to vector<32x128xf32>
    %add3A_264 = arith.addf %sub3A_261, %add3A_263 : vector<32x128xf32>
    %select_n3A_265 = arith.select %eq3A_247, %add3A_264, %select_n3A_183 : vector<32x128xi1>, vector<32x128xf32>
    %convert_element_type3A_266 = arith.extui %eq3A_247 : vector<32x128xi1> to vector<32x128xi32>
    %reduce_sum3A_267 = vector.shape_cast %convert_element_type3A_266 : vector<32x128xi32> to vector<1x32x128xi32>
    %reduce_sum3A_268 = arith.constant dense<0> : vector<1xi32>
    %reduce_sum3A_269 = vector.multi_reduction <add>, %reduce_sum3A_267, %reduce_sum3A_268 [1, 2] : vector<1x32x128xi32> to vector<1xi32>
    %reduce_sum3A_270 = vector.shape_cast %reduce_sum3A_269 : vector<1xi32> to vector<1x1x1xi32>
    %reduce_sum3A_271 = vector.extract %reduce_sum3A_270[0, 0, 0] : i32 from vector<1x1x1xi32>
    %jit3A_272 = arith.constant 256 : i32
    %div3A_273 = arith.divsi %add3A_244, %jit3A_272 : i32
    %sign3A_274 = arith.constant 0 : i32
    %sign3A_275 = arith.cmpi sgt, %add3A_244, %sign3A_274 : i32
    %sign3A_276 = arith.extui %sign3A_275 : i1 to i32
    %sign3A_277 = arith.constant 0 : i32
    %sign3A_278 = arith.cmpi slt, %add3A_244, %sign3A_277 : i32
    %sign3A_279 = arith.extui %sign3A_278 : i1 to i32
    %sign3A_280 = arith.subi %sign3A_276, %sign3A_279 : i32
    %sign3A_281 = arith.constant 0 : i32
    %sign3A_282 = arith.cmpi sgt, %jit3A_272, %sign3A_281 : i32
    %sign3A_283 = arith.extui %sign3A_282 : i1 to i32
    %sign3A_284 = arith.constant 0 : i32
    %sign3A_285 = arith.cmpi slt, %jit3A_272, %sign3A_284 : i32
    %sign3A_286 = arith.extui %sign3A_285 : i1 to i32
    %sign3A_287 = arith.subi %sign3A_283, %sign3A_286 : i32
    %ne3A_288 = arith.cmpi ne, %sign3A_280, %sign3A_287 : i32
    %rem3A_289 = arith.remsi %add3A_244, %jit3A_272 : i32
    %ne3A_290 = arith.constant 0 : i32
    %ne3A_291 = arith.cmpi ne, %rem3A_289, %ne3A_290 : i32
    %and3A_292 = arith.andi %ne3A_288, %ne3A_291 : i1
    %sub3A_293 = arith.constant 1 : i32
    %sub3A_294 = arith.subi %div3A_273, %sub3A_293 : i32
    %select_n3A_295 = arith.select %and3A_292, %sub3A_294, %div3A_273 : i32
    %add3A_296 = arith.constant 256 : i32
    %add3A_297 = arith.addi %reduce_sum3A_271, %add3A_296 : i32
    %sub3A_298 = arith.constant 1 : i32
    %sub3A_299 = arith.subi %add3A_297, %sub3A_298 : i32
    %jit3A_300 = arith.constant 256 : i32
    %div3A_301 = arith.divsi %sub3A_299, %jit3A_300 : i32
    %sign3A_302 = arith.constant 0 : i32
    %sign3A_303 = arith.cmpi sgt, %sub3A_299, %sign3A_302 : i32
    %sign3A_304 = arith.extui %sign3A_303 : i1 to i32
    %sign3A_305 = arith.constant 0 : i32
    %sign3A_306 = arith.cmpi slt, %sub3A_299, %sign3A_305 : i32
    %sign3A_307 = arith.extui %sign3A_306 : i1 to i32
    %sign3A_308 = arith.subi %sign3A_304, %sign3A_307 : i32
    %sign3A_309 = arith.constant 0 : i32
    %sign3A_310 = arith.cmpi sgt, %jit3A_300, %sign3A_309 : i32
    %sign3A_311 = arith.extui %sign3A_310 : i1 to i32
    %sign3A_312 = arith.constant 0 : i32
    %sign3A_313 = arith.cmpi slt, %jit3A_300, %sign3A_312 : i32
    %sign3A_314 = arith.extui %sign3A_313 : i1 to i32
    %sign3A_315 = arith.subi %sign3A_311, %sign3A_314 : i32
    %ne3A_316 = arith.cmpi ne, %sign3A_308, %sign3A_315 : i32
    %rem3A_317 = arith.remsi %sub3A_299, %jit3A_300 : i32
    %ne3A_318 = arith.constant 0 : i32
    %ne3A_319 = arith.cmpi ne, %rem3A_317, %ne3A_318 : i32
    %and3A_320 = arith.andi %ne3A_316, %ne3A_319 : i1
    %sub3A_321 = arith.constant 1 : i32
    %sub3A_322 = arith.subi %div3A_301, %sub3A_321 : i32
    %select_n3A_323 = arith.select %and3A_320, %sub3A_322, %div3A_301 : i32
    %mul3A_324 = arith.constant 256 : i32
    %mul3A_325 = arith.muli %select_n3A_323, %mul3A_324 : i32
    %add3A_326 = arith.addi %add3A_244, %mul3A_325 : i32
    %eq3A_327 = arith.constant 4 : i32
    %eq3A_328 = vector.broadcast %eq3A_327 : i32 to vector<32x128xi32>
    %eq3A_329 = arith.cmpi eq, %get3A_1, %eq3A_328 : vector<32x128xi32>
    %convert_element_type3A_330 = arith.extui %eq3A_329 : vector<32x128xi1> to vector<32x128xi32>
    %convert_element_type3A_331 = arith.sitofp %convert_element_type3A_330 : vector<32x128xi32> to vector<32x128xf32>
    %convert_element_type3A_332 = arith.truncf %convert_element_type3A_331 : vector<32x128xf32> to vector<32x128xbf16>
    %dot_general3A_333 = arith.constant dense<0.000000e+00> : vector<32x128xf32>
    %dot_general3A_334 = tpu.matmul %convert_element_type3A_332, %convert_element_type3A_4, %dot_general3A_333 {dimension_numbers = #tpu.dot_dimension_numbers<[1], [0], [0], [1], [0, 0, 1, 1], [], []>, transpose_lhs_hint = false} : vector<32x128xbf16>, vector<128x128xbf16>, vector<32x128xf32> -> vector<32x128xf32>
    %slice3A_335 = vector.extract_strided_slice %dot_general3A_334 {offsets = [0, 127], sizes = [32, 1], strides = [1, 1]} : vector<32x128xf32> to vector<32x1xf32>
    %convert_element_type3A_336 = arith.truncf %slice3A_335 : vector<32x1xf32> to vector<32x1xbf16>
    %dot_general3A_337 = arith.constant dense<0.000000e+00> : vector<32x1xf32>
    %dot_general3A_338 = tpu.matmul %convert_element_type3A_9, %convert_element_type3A_336, %dot_general3A_337 {dimension_numbers = #tpu.dot_dimension_numbers<[1], [0], [0], [1], [0, 0, 1, 1], [], []>, transpose_lhs_hint = false} : vector<32x32xbf16>, vector<32x1xbf16>, vector<32x1xf32> -> vector<32x1xf32>
    %add3A_339 = vector.broadcast %dot_general3A_338 : vector<32x1xf32> to vector<32x128xf32>
    %add3A_340 = arith.addf %dot_general3A_334, %add3A_339 : vector<32x128xf32>
    %sub3A_341 = arith.constant 1.000000e+00 : f32
    %sub3A_342 = vector.broadcast %sub3A_341 : f32 to vector<32x128xf32>
    %sub3A_343 = arith.subf %add3A_340, %sub3A_342 : vector<32x128xf32>
    %convert_element_type3A_344 = arith.sitofp %add3A_326 : i32 to f32
    %add3A_345 = vector.broadcast %convert_element_type3A_344 : f32 to vector<32x128xf32>
    %add3A_346 = arith.addf %sub3A_343, %add3A_345 : vector<32x128xf32>
    %select_n3A_347 = arith.select %eq3A_329, %add3A_346, %select_n3A_265 : vector<32x128xi1>, vector<32x128xf32>
    %convert_element_type3A_348 = arith.extui %eq3A_329 : vector<32x128xi1> to vector<32x128xi32>
    %reduce_sum3A_349 = vector.shape_cast %convert_element_type3A_348 : vector<32x128xi32> to vector<1x32x128xi32>
    %reduce_sum3A_350 = arith.constant dense<0> : vector<1xi32>
    %reduce_sum3A_351 = vector.multi_reduction <add>, %reduce_sum3A_349, %reduce_sum3A_350 [1, 2] : vector<1x32x128xi32> to vector<1xi32>
    %reduce_sum3A_352 = vector.shape_cast %reduce_sum3A_351 : vector<1xi32> to vector<1x1x1xi32>
    %reduce_sum3A_353 = vector.extract %reduce_sum3A_352[0, 0, 0] : i32 from vector<1x1x1xi32>
    %jit3A_354 = arith.constant 256 : i32
    %div3A_355 = arith.divsi %add3A_326, %jit3A_354 : i32
    %sign3A_356 = arith.constant 0 : i32
    %sign3A_357 = arith.cmpi sgt, %add3A_326, %sign3A_356 : i32
    %sign3A_358 = arith.extui %sign3A_357 : i1 to i32
    %sign3A_359 = arith.constant 0 : i32
    %sign3A_360 = arith.cmpi slt, %add3A_326, %sign3A_359 : i32
    %sign3A_361 = arith.extui %sign3A_360 : i1 to i32
    %sign3A_362 = arith.subi %sign3A_358, %sign3A_361 : i32
    %sign3A_363 = arith.constant 0 : i32
    %sign3A_364 = arith.cmpi sgt, %jit3A_354, %sign3A_363 : i32
    %sign3A_365 = arith.extui %sign3A_364 : i1 to i32
    %sign3A_366 = arith.constant 0 : i32
    %sign3A_367 = arith.cmpi slt, %jit3A_354, %sign3A_366 : i32
    %sign3A_368 = arith.extui %sign3A_367 : i1 to i32
    %sign3A_369 = arith.subi %sign3A_365, %sign3A_368 : i32
    %ne3A_370 = arith.cmpi ne, %sign3A_362, %sign3A_369 : i32
    %rem3A_371 = arith.remsi %add3A_326, %jit3A_354 : i32
    %ne3A_372 = arith.constant 0 : i32
    %ne3A_373 = arith.cmpi ne, %rem3A_371, %ne3A_372 : i32
    %and3A_374 = arith.andi %ne3A_370, %ne3A_373 : i1
    %sub3A_375 = arith.constant 1 : i32
    %sub3A_376 = arith.subi %div3A_355, %sub3A_375 : i32
    %select_n3A_377 = arith.select %and3A_374, %sub3A_376, %div3A_355 : i32
    %add3A_378 = arith.constant 256 : i32
    %add3A_379 = arith.addi %reduce_sum3A_353, %add3A_378 : i32
    %sub3A_380 = arith.constant 1 : i32
    %sub3A_381 = arith.subi %add3A_379, %sub3A_380 : i32
    %jit3A_382 = arith.constant 256 : i32
    %div3A_383 = arith.divsi %sub3A_381, %jit3A_382 : i32
    %sign3A_384 = arith.constant 0 : i32
    %sign3A_385 = arith.cmpi sgt, %sub3A_381, %sign3A_384 : i32
    %sign3A_386 = arith.extui %sign3A_385 : i1 to i32
    %sign3A_387 = arith.constant 0 : i32
    %sign3A_388 = arith.cmpi slt, %sub3A_381, %sign3A_387 : i32
    %sign3A_389 = arith.extui %sign3A_388 : i1 to i32
    %sign3A_390 = arith.subi %sign3A_386, %sign3A_389 : i32
    %sign3A_391 = arith.constant 0 : i32
    %sign3A_392 = arith.cmpi sgt, %jit3A_382, %sign3A_391 : i32
    %sign3A_393 = arith.extui %sign3A_392 : i1 to i32
    %sign3A_394 = arith.constant 0 : i32
    %sign3A_395 = arith.cmpi slt, %jit3A_382, %sign3A_394 : i32
    %sign3A_396 = arith.extui %sign3A_395 : i1 to i32
    %sign3A_397 = arith.subi %sign3A_393, %sign3A_396 : i32
    %ne3A_398 = arith.cmpi ne, %sign3A_390, %sign3A_397 : i32
    %rem3A_399 = arith.remsi %sub3A_381, %jit3A_382 : i32
    %ne3A_400 = arith.constant 0 : i32
    %ne3A_401 = arith.cmpi ne, %rem3A_399, %ne3A_400 : i32
    %and3A_402 = arith.andi %ne3A_398, %ne3A_401 : i1
    %sub3A_403 = arith.constant 1 : i32
    %sub3A_404 = arith.subi %div3A_383, %sub3A_403 : i32
    %select_n3A_405 = arith.select %and3A_402, %sub3A_404, %div3A_383 : i32
    %mul3A_406 = arith.constant 256 : i32
    %mul3A_407 = arith.muli %select_n3A_405, %mul3A_406 : i32
    %add3A_408 = arith.addi %add3A_326, %mul3A_407 : i32
    %eq3A_409 = arith.constant 5 : i32
    %eq3A_410 = vector.broadcast %eq3A_409 : i32 to vector<32x128xi32>
    %eq3A_411 = arith.cmpi eq, %get3A_1, %eq3A_410 : vector<32x128xi32>
    %convert_element_type3A_412 = arith.extui %eq3A_411 : vector<32x128xi1> to vector<32x128xi32>
    %convert_element_type3A_413 = arith.sitofp %convert_element_type3A_412 : vector<32x128xi32> to vector<32x128xf32>
    %convert_element_type3A_414 = arith.truncf %convert_element_type3A_413 : vector<32x128xf32> to vector<32x128xbf16>
    %dot_general3A_415 = arith.constant dense<0.000000e+00> : vector<32x128xf32>
    %dot_general3A_416 = tpu.matmul %convert_element_type3A_414, %convert_element_type3A_4, %dot_general3A_415 {dimension_numbers = #tpu.dot_dimension_numbers<[1], [0], [0], [1], [0, 0, 1, 1], [], []>, transpose_lhs_hint = false} : vector<32x128xbf16>, vector<128x128xbf16>, vector<32x128xf32> -> vector<32x128xf32>
    %slice3A_417 = vector.extract_strided_slice %dot_general3A_416 {offsets = [0, 127], sizes = [32, 1], strides = [1, 1]} : vector<32x128xf32> to vector<32x1xf32>
    %convert_element_type3A_418 = arith.truncf %slice3A_417 : vector<32x1xf32> to vector<32x1xbf16>
    %dot_general3A_419 = arith.constant dense<0.000000e+00> : vector<32x1xf32>
    %dot_general3A_420 = tpu.matmul %convert_element_type3A_9, %convert_element_type3A_418, %dot_general3A_419 {dimension_numbers = #tpu.dot_dimension_numbers<[1], [0], [0], [1], [0, 0, 1, 1], [], []>, transpose_lhs_hint = false} : vector<32x32xbf16>, vector<32x1xbf16>, vector<32x1xf32> -> vector<32x1xf32>
    %add3A_421 = vector.broadcast %dot_general3A_420 : vector<32x1xf32> to vector<32x128xf32>
    %add3A_422 = arith.addf %dot_general3A_416, %add3A_421 : vector<32x128xf32>
    %sub3A_423 = arith.constant 1.000000e+00 : f32
    %sub3A_424 = vector.broadcast %sub3A_423 : f32 to vector<32x128xf32>
    %sub3A_425 = arith.subf %add3A_422, %sub3A_424 : vector<32x128xf32>
    %convert_element_type3A_426 = arith.sitofp %add3A_408 : i32 to f32
    %add3A_427 = vector.broadcast %convert_element_type3A_426 : f32 to vector<32x128xf32>
    %add3A_428 = arith.addf %sub3A_425, %add3A_427 : vector<32x128xf32>
    %select_n3A_429 = arith.select %eq3A_411, %add3A_428, %select_n3A_347 : vector<32x128xi1>, vector<32x128xf32>
    %convert_element_type3A_430 = arith.extui %eq3A_411 : vector<32x128xi1> to vector<32x128xi32>
    %reduce_sum3A_431 = vector.shape_cast %convert_element_type3A_430 : vector<32x128xi32> to vector<1x32x128xi32>
    %reduce_sum3A_432 = arith.constant dense<0> : vector<1xi32>
    %reduce_sum3A_433 = vector.multi_reduction <add>, %reduce_sum3A_431, %reduce_sum3A_432 [1, 2] : vector<1x32x128xi32> to vector<1xi32>
    %reduce_sum3A_434 = vector.shape_cast %reduce_sum3A_433 : vector<1xi32> to vector<1x1x1xi32>
    %reduce_sum3A_435 = vector.extract %reduce_sum3A_434[0, 0, 0] : i32 from vector<1x1x1xi32>
    %jit3A_436 = arith.constant 256 : i32
    %div3A_437 = arith.divsi %add3A_408, %jit3A_436 : i32
    %sign3A_438 = arith.constant 0 : i32
    %sign3A_439 = arith.cmpi sgt, %add3A_408, %sign3A_438 : i32
    %sign3A_440 = arith.extui %sign3A_439 : i1 to i32
    %sign3A_441 = arith.constant 0 : i32
    %sign3A_442 = arith.cmpi slt, %add3A_408, %sign3A_441 : i32
    %sign3A_443 = arith.extui %sign3A_442 : i1 to i32
    %sign3A_444 = arith.subi %sign3A_440, %sign3A_443 : i32
    %sign3A_445 = arith.constant 0 : i32
    %sign3A_446 = arith.cmpi sgt, %jit3A_436, %sign3A_445 : i32
    %sign3A_447 = arith.extui %sign3A_446 : i1 to i32
    %sign3A_448 = arith.constant 0 : i32
    %sign3A_449 = arith.cmpi slt, %jit3A_436, %sign3A_448 : i32
    %sign3A_450 = arith.extui %sign3A_449 : i1 to i32
    %sign3A_451 = arith.subi %sign3A_447, %sign3A_450 : i32
    %ne3A_452 = arith.cmpi ne, %sign3A_444, %sign3A_451 : i32
    %rem3A_453 = arith.remsi %add3A_408, %jit3A_436 : i32
    %ne3A_454 = arith.constant 0 : i32
    %ne3A_455 = arith.cmpi ne, %rem3A_453, %ne3A_454 : i32
    %and3A_456 = arith.andi %ne3A_452, %ne3A_455 : i1
    %sub3A_457 = arith.constant 1 : i32
    %sub3A_458 = arith.subi %div3A_437, %sub3A_457 : i32
    %select_n3A_459 = arith.select %and3A_456, %sub3A_458, %div3A_437 : i32
    %add3A_460 = arith.constant 256 : i32
    %add3A_461 = arith.addi %reduce_sum3A_435, %add3A_460 : i32
    %sub3A_462 = arith.constant 1 : i32
    %sub3A_463 = arith.subi %add3A_461, %sub3A_462 : i32
    %jit3A_464 = arith.constant 256 : i32
    %div3A_465 = arith.divsi %sub3A_463, %jit3A_464 : i32
    %sign3A_466 = arith.constant 0 : i32
    %sign3A_467 = arith.cmpi sgt, %sub3A_463, %sign3A_466 : i32
    %sign3A_468 = arith.extui %sign3A_467 : i1 to i32
    %sign3A_469 = arith.constant 0 : i32
    %sign3A_470 = arith.cmpi slt, %sub3A_463, %sign3A_469 : i32
    %sign3A_471 = arith.extui %sign3A_470 : i1 to i32
    %sign3A_472 = arith.subi %sign3A_468, %sign3A_471 : i32
    %sign3A_473 = arith.constant 0 : i32
    %sign3A_474 = arith.cmpi sgt, %jit3A_464, %sign3A_473 : i32
    %sign3A_475 = arith.extui %sign3A_474 : i1 to i32
    %sign3A_476 = arith.constant 0 : i32
    %sign3A_477 = arith.cmpi slt, %jit3A_464, %sign3A_476 : i32
    %sign3A_478 = arith.extui %sign3A_477 : i1 to i32
    %sign3A_479 = arith.subi %sign3A_475, %sign3A_478 : i32
    %ne3A_480 = arith.cmpi ne, %sign3A_472, %sign3A_479 : i32
    %rem3A_481 = arith.remsi %sub3A_463, %jit3A_464 : i32
    %ne3A_482 = arith.constant 0 : i32
    %ne3A_483 = arith.cmpi ne, %rem3A_481, %ne3A_482 : i32
    %and3A_484 = arith.andi %ne3A_480, %ne3A_483 : i1
    %sub3A_485 = arith.constant 1 : i32
    %sub3A_486 = arith.subi %div3A_465, %sub3A_485 : i32
    %select_n3A_487 = arith.select %and3A_484, %sub3A_486, %div3A_465 : i32
    %mul3A_488 = arith.constant 256 : i32
    %mul3A_489 = arith.muli %select_n3A_487, %mul3A_488 : i32
    %add3A_490 = arith.addi %add3A_408, %mul3A_489 : i32
    %eq3A_491 = arith.constant 6 : i32
    %eq3A_492 = vector.broadcast %eq3A_491 : i32 to vector<32x128xi32>
    %eq3A_493 = arith.cmpi eq, %get3A_1, %eq3A_492 : vector<32x128xi32>
    %convert_element_type3A_494 = arith.extui %eq3A_493 : vector<32x128xi1> to vector<32x128xi32>
    %convert_element_type3A_495 = arith.sitofp %convert_element_type3A_494 : vector<32x128xi32> to vector<32x128xf32>
    %convert_element_type3A_496 = arith.truncf %convert_element_type3A_495 : vector<32x128xf32> to vector<32x128xbf16>
    %dot_general3A_497 = arith.constant dense<0.000000e+00> : vector<32x128xf32>
    %dot_general3A_498 = tpu.matmul %convert_element_type3A_496, %convert_element_type3A_4, %dot_general3A_497 {dimension_numbers = #tpu.dot_dimension_numbers<[1], [0], [0], [1], [0, 0, 1, 1], [], []>, transpose_lhs_hint = false} : vector<32x128xbf16>, vector<128x128xbf16>, vector<32x128xf32> -> vector<32x128xf32>
    %slice3A_499 = vector.extract_strided_slice %dot_general3A_498 {offsets = [0, 127], sizes = [32, 1], strides = [1, 1]} : vector<32x128xf32> to vector<32x1xf32>
    %convert_element_type3A_500 = arith.truncf %slice3A_499 : vector<32x1xf32> to vector<32x1xbf16>
    %dot_general3A_501 = arith.constant dense<0.000000e+00> : vector<32x1xf32>
    %dot_general3A_502 = tpu.matmul %convert_element_type3A_9, %convert_element_type3A_500, %dot_general3A_501 {dimension_numbers = #tpu.dot_dimension_numbers<[1], [0], [0], [1], [0, 0, 1, 1], [], []>, transpose_lhs_hint = false} : vector<32x32xbf16>, vector<32x1xbf16>, vector<32x1xf32> -> vector<32x1xf32>
    %add3A_503 = vector.broadcast %dot_general3A_502 : vector<32x1xf32> to vector<32x128xf32>
    %add3A_504 = arith.addf %dot_general3A_498, %add3A_503 : vector<32x128xf32>
    %sub3A_505 = arith.constant 1.000000e+00 : f32
    %sub3A_506 = vector.broadcast %sub3A_505 : f32 to vector<32x128xf32>
    %sub3A_507 = arith.subf %add3A_504, %sub3A_506 : vector<32x128xf32>
    %convert_element_type3A_508 = arith.sitofp %add3A_490 : i32 to f32
    %add3A_509 = vector.broadcast %convert_element_type3A_508 : f32 to vector<32x128xf32>
    %add3A_510 = arith.addf %sub3A_507, %add3A_509 : vector<32x128xf32>
    %select_n3A_511 = arith.select %eq3A_493, %add3A_510, %select_n3A_429 : vector<32x128xi1>, vector<32x128xf32>
    %convert_element_type3A_512 = arith.extui %eq3A_493 : vector<32x128xi1> to vector<32x128xi32>
    %reduce_sum3A_513 = vector.shape_cast %convert_element_type3A_512 : vector<32x128xi32> to vector<1x32x128xi32>
    %reduce_sum3A_514 = arith.constant dense<0> : vector<1xi32>
    %reduce_sum3A_515 = vector.multi_reduction <add>, %reduce_sum3A_513, %reduce_sum3A_514 [1, 2] : vector<1x32x128xi32> to vector<1xi32>
    %reduce_sum3A_516 = vector.shape_cast %reduce_sum3A_515 : vector<1xi32> to vector<1x1x1xi32>
    %reduce_sum3A_517 = vector.extract %reduce_sum3A_516[0, 0, 0] : i32 from vector<1x1x1xi32>
    %jit3A_518 = arith.constant 256 : i32
    %div3A_519 = arith.divsi %add3A_490, %jit3A_518 : i32
    %sign3A_520 = arith.constant 0 : i32
    %sign3A_521 = arith.cmpi sgt, %add3A_490, %sign3A_520 : i32
    %sign3A_522 = arith.extui %sign3A_521 : i1 to i32
    %sign3A_523 = arith.constant 0 : i32
    %sign3A_524 = arith.cmpi slt, %add3A_490, %sign3A_523 : i32
    %sign3A_525 = arith.extui %sign3A_524 : i1 to i32
    %sign3A_526 = arith.subi %sign3A_522, %sign3A_525 : i32
    %sign3A_527 = arith.constant 0 : i32
    %sign3A_528 = arith.cmpi sgt, %jit3A_518, %sign3A_527 : i32
    %sign3A_529 = arith.extui %sign3A_528 : i1 to i32
    %sign3A_530 = arith.constant 0 : i32
    %sign3A_531 = arith.cmpi slt, %jit3A_518, %sign3A_530 : i32
    %sign3A_532 = arith.extui %sign3A_531 : i1 to i32
    %sign3A_533 = arith.subi %sign3A_529, %sign3A_532 : i32
    %ne3A_534 = arith.cmpi ne, %sign3A_526, %sign3A_533 : i32
    %rem3A_535 = arith.remsi %add3A_490, %jit3A_518 : i32
    %ne3A_536 = arith.constant 0 : i32
    %ne3A_537 = arith.cmpi ne, %rem3A_535, %ne3A_536 : i32
    %and3A_538 = arith.andi %ne3A_534, %ne3A_537 : i1
    %sub3A_539 = arith.constant 1 : i32
    %sub3A_540 = arith.subi %div3A_519, %sub3A_539 : i32
    %select_n3A_541 = arith.select %and3A_538, %sub3A_540, %div3A_519 : i32
    %add3A_542 = arith.constant 256 : i32
    %add3A_543 = arith.addi %reduce_sum3A_517, %add3A_542 : i32
    %sub3A_544 = arith.constant 1 : i32
    %sub3A_545 = arith.subi %add3A_543, %sub3A_544 : i32
    %jit3A_546 = arith.constant 256 : i32
    %div3A_547 = arith.divsi %sub3A_545, %jit3A_546 : i32
    %sign3A_548 = arith.constant 0 : i32
    %sign3A_549 = arith.cmpi sgt, %sub3A_545, %sign3A_548 : i32
    %sign3A_550 = arith.extui %sign3A_549 : i1 to i32
    %sign3A_551 = arith.constant 0 : i32
    %sign3A_552 = arith.cmpi slt, %sub3A_545, %sign3A_551 : i32
    %sign3A_553 = arith.extui %sign3A_552 : i1 to i32
    %sign3A_554 = arith.subi %sign3A_550, %sign3A_553 : i32
    %sign3A_555 = arith.constant 0 : i32
    %sign3A_556 = arith.cmpi sgt, %jit3A_546, %sign3A_555 : i32
    %sign3A_557 = arith.extui %sign3A_556 : i1 to i32
    %sign3A_558 = arith.constant 0 : i32
    %sign3A_559 = arith.cmpi slt, %jit3A_546, %sign3A_558 : i32
    %sign3A_560 = arith.extui %sign3A_559 : i1 to i32
    %sign3A_561 = arith.subi %sign3A_557, %sign3A_560 : i32
    %ne3A_562 = arith.cmpi ne, %sign3A_554, %sign3A_561 : i32
    %rem3A_563 = arith.remsi %sub3A_545, %jit3A_546 : i32
    %ne3A_564 = arith.constant 0 : i32
    %ne3A_565 = arith.cmpi ne, %rem3A_563, %ne3A_564 : i32
    %and3A_566 = arith.andi %ne3A_562, %ne3A_565 : i1
    %sub3A_567 = arith.constant 1 : i32
    %sub3A_568 = arith.subi %div3A_547, %sub3A_567 : i32
    %select_n3A_569 = arith.select %and3A_566, %sub3A_568, %div3A_547 : i32
    %mul3A_570 = arith.constant 256 : i32
    %mul3A_571 = arith.muli %select_n3A_569, %mul3A_570 : i32
    %add3A_572 = arith.addi %add3A_490, %mul3A_571 : i32
    %eq3A_573 = arith.constant 7 : i32
    %eq3A_574 = vector.broadcast %eq3A_573 : i32 to vector<32x128xi32>
    %eq3A_575 = arith.cmpi eq, %get3A_1, %eq3A_574 : vector<32x128xi32>
    %convert_element_type3A_576 = arith.extui %eq3A_575 : vector<32x128xi1> to vector<32x128xi32>
    %convert_element_type3A_577 = arith.sitofp %convert_element_type3A_576 : vector<32x128xi32> to vector<32x128xf32>
    %convert_element_type3A_578 = arith.truncf %convert_element_type3A_577 : vector<32x128xf32> to vector<32x128xbf16>
    %dot_general3A_579 = arith.constant dense<0.000000e+00> : vector<32x128xf32>
    %dot_general3A_580 = tpu.matmul %convert_element_type3A_578, %convert_element_type3A_4, %dot_general3A_579 {dimension_numbers = #tpu.dot_dimension_numbers<[1], [0], [0], [1], [0, 0, 1, 1], [], []>, transpose_lhs_hint = false} : vector<32x128xbf16>, vector<128x128xbf16>, vector<32x128xf32> -> vector<32x128xf32>
    %slice3A_581 = vector.extract_strided_slice %dot_general3A_580 {offsets = [0, 127], sizes = [32, 1], strides = [1, 1]} : vector<32x128xf32> to vector<32x1xf32>
    %convert_element_type3A_582 = arith.truncf %slice3A_581 : vector<32x1xf32> to vector<32x1xbf16>
    %dot_general3A_583 = arith.constant dense<0.000000e+00> : vector<32x1xf32>
    %dot_general3A_584 = tpu.matmul %convert_element_type3A_9, %convert_element_type3A_582, %dot_general3A_583 {dimension_numbers = #tpu.dot_dimension_numbers<[1], [0], [0], [1], [0, 0, 1, 1], [], []>, transpose_lhs_hint = false} : vector<32x32xbf16>, vector<32x1xbf16>, vector<32x1xf32> -> vector<32x1xf32>
    %add3A_585 = vector.broadcast %dot_general3A_584 : vector<32x1xf32> to vector<32x128xf32>
    %add3A_586 = arith.addf %dot_general3A_580, %add3A_585 : vector<32x128xf32>
    %sub3A_587 = arith.constant 1.000000e+00 : f32
    %sub3A_588 = vector.broadcast %sub3A_587 : f32 to vector<32x128xf32>
    %sub3A_589 = arith.subf %add3A_586, %sub3A_588 : vector<32x128xf32>
    %convert_element_type3A_590 = arith.sitofp %add3A_572 : i32 to f32
    %add3A_591 = vector.broadcast %convert_element_type3A_590 : f32 to vector<32x128xf32>
    %add3A_592 = arith.addf %sub3A_589, %add3A_591 : vector<32x128xf32>
    %select_n3A_593 = arith.select %eq3A_575, %add3A_592, %select_n3A_511 : vector<32x128xi1>, vector<32x128xf32>
    %convert_element_type3A_594 = arith.extui %eq3A_575 : vector<32x128xi1> to vector<32x128xi32>
    %reduce_sum3A_595 = vector.shape_cast %convert_element_type3A_594 : vector<32x128xi32> to vector<1x32x128xi32>
    %reduce_sum3A_596 = arith.constant dense<0> : vector<1xi32>
    %reduce_sum3A_597 = vector.multi_reduction <add>, %reduce_sum3A_595, %reduce_sum3A_596 [1, 2] : vector<1x32x128xi32> to vector<1xi32>
    %reduce_sum3A_598 = vector.shape_cast %reduce_sum3A_597 : vector<1xi32> to vector<1x1x1xi32>
    %reduce_sum3A_599 = vector.extract %reduce_sum3A_598[0, 0, 0] : i32 from vector<1x1x1xi32>
    %jit3A_600 = arith.constant 256 : i32
    %div3A_601 = arith.divsi %add3A_572, %jit3A_600 : i32
    %sign3A_602 = arith.constant 0 : i32
    %sign3A_603 = arith.cmpi sgt, %add3A_572, %sign3A_602 : i32
    %sign3A_604 = arith.extui %sign3A_603 : i1 to i32
    %sign3A_605 = arith.constant 0 : i32
    %sign3A_606 = arith.cmpi slt, %add3A_572, %sign3A_605 : i32
    %sign3A_607 = arith.extui %sign3A_606 : i1 to i32
    %sign3A_608 = arith.subi %sign3A_604, %sign3A_607 : i32
    %sign3A_609 = arith.constant 0 : i32
    %sign3A_610 = arith.cmpi sgt, %jit3A_600, %sign3A_609 : i32
    %sign3A_611 = arith.extui %sign3A_610 : i1 to i32
    %sign3A_612 = arith.constant 0 : i32
    %sign3A_613 = arith.cmpi slt, %jit3A_600, %sign3A_612 : i32
    %sign3A_614 = arith.extui %sign3A_613 : i1 to i32
    %sign3A_615 = arith.subi %sign3A_611, %sign3A_614 : i32
    %ne3A_616 = arith.cmpi ne, %sign3A_608, %sign3A_615 : i32
    %rem3A_617 = arith.remsi %add3A_572, %jit3A_600 : i32
    %ne3A_618 = arith.constant 0 : i32
    %ne3A_619 = arith.cmpi ne, %rem3A_617, %ne3A_618 : i32
    %and3A_620 = arith.andi %ne3A_616, %ne3A_619 : i1
    %sub3A_621 = arith.constant 1 : i32
    %sub3A_622 = arith.subi %div3A_601, %sub3A_621 : i32
    %select_n3A_623 = arith.select %and3A_620, %sub3A_622, %div3A_601 : i32
    %add3A_624 = arith.constant 256 : i32
    %add3A_625 = arith.addi %reduce_sum3A_599, %add3A_624 : i32
    %sub3A_626 = arith.constant 1 : i32
    %sub3A_627 = arith.subi %add3A_625, %sub3A_626 : i32
    %jit3A_628 = arith.constant 256 : i32
    %div3A_629 = arith.divsi %sub3A_627, %jit3A_628 : i32
    %sign3A_630 = arith.constant 0 : i32
    %sign3A_631 = arith.cmpi sgt, %sub3A_627, %sign3A_630 : i32
    %sign3A_632 = arith.extui %sign3A_631 : i1 to i32
    %sign3A_633 = arith.constant 0 : i32
    %sign3A_634 = arith.cmpi slt, %sub3A_627, %sign3A_633 : i32
    %sign3A_635 = arith.extui %sign3A_634 : i1 to i32
    %sign3A_636 = arith.subi %sign3A_632, %sign3A_635 : i32
    %sign3A_637 = arith.constant 0 : i32
    %sign3A_638 = arith.cmpi sgt, %jit3A_628, %sign3A_637 : i32
    %sign3A_639 = arith.extui %sign3A_638 : i1 to i32
    %sign3A_640 = arith.constant 0 : i32
    %sign3A_641 = arith.cmpi slt, %jit3A_628, %sign3A_640 : i32
    %sign3A_642 = arith.extui %sign3A_641 : i1 to i32
    %sign3A_643 = arith.subi %sign3A_639, %sign3A_642 : i32
    %ne3A_644 = arith.cmpi ne, %sign3A_636, %sign3A_643 : i32
    %rem3A_645 = arith.remsi %sub3A_627, %jit3A_628 : i32
    %ne3A_646 = arith.constant 0 : i32
    %ne3A_647 = arith.cmpi ne, %rem3A_645, %ne3A_646 : i32
    %and3A_648 = arith.andi %ne3A_644, %ne3A_647 : i1
    %sub3A_649 = arith.constant 1 : i32
    %sub3A_650 = arith.subi %div3A_629, %sub3A_649 : i32
    %select_n3A_651 = arith.select %and3A_648, %sub3A_650, %div3A_629 : i32
    %mul3A_652 = arith.constant 256 : i32
    %mul3A_653 = arith.muli %select_n3A_651, %mul3A_652 : i32
    %add3A_654 = arith.addi %add3A_572, %mul3A_653 : i32
    %jit3A_655 = arith.constant 256 : i32
    %div3A_656 = arith.divsi %add3A_654, %jit3A_655 : i32
    %sign3A_657 = arith.constant 0 : i32
    %sign3A_658 = arith.cmpi sgt, %add3A_654, %sign3A_657 : i32
    %sign3A_659 = arith.extui %sign3A_658 : i1 to i32
    %sign3A_660 = arith.constant 0 : i32
    %sign3A_661 = arith.cmpi slt, %add3A_654, %sign3A_660 : i32
    %sign3A_662 = arith.extui %sign3A_661 : i1 to i32
    %sign3A_663 = arith.subi %sign3A_659, %sign3A_662 : i32
    %sign3A_664 = arith.constant 0 : i32
    %sign3A_665 = arith.cmpi sgt, %jit3A_655, %sign3A_664 : i32
    %sign3A_666 = arith.extui %sign3A_665 : i1 to i32
    %sign3A_667 = arith.constant 0 : i32
    %sign3A_668 = arith.cmpi slt, %jit3A_655, %sign3A_667 : i32
    %sign3A_669 = arith.extui %sign3A_668 : i1 to i32
    %sign3A_670 = arith.subi %sign3A_666, %sign3A_669 : i32
    %ne3A_671 = arith.cmpi ne, %sign3A_663, %sign3A_670 : i32
    %rem3A_672 = arith.remsi %add3A_654, %jit3A_655 : i32
    %ne3A_673 = arith.constant 0 : i32
    %ne3A_674 = arith.cmpi ne, %rem3A_672, %ne3A_673 : i32
    %and3A_675 = arith.andi %ne3A_671, %ne3A_674 : i1
    %sub3A_676 = arith.constant 1 : i32
    %sub3A_677 = arith.subi %div3A_656, %sub3A_676 : i32
    %select_n3A_678 = arith.select %and3A_675, %sub3A_677, %div3A_656 : i32
    %iota3A_679 = tpu.iota {dimensions = array<i32: 0>} : vector<128x64xi32>
    %iota3A_680 = tpu.iota {dimensions = array<i32: 1>} : vector<128x64xi32>
    %mul3A_681 = arith.constant 2 : i32
    %mul3A_682 = vector.broadcast %mul3A_681 : i32 to vector<128x64xi32>
    %mul3A_683 = arith.muli %mul3A_682, %iota3A_680 : vector<128x64xi32>
    %eq3A_684 = arith.cmpi eq, %iota3A_679, %mul3A_683 : vector<128x64xi32>
    %convert_element_type3A_685 = arith.extui %eq3A_684 : vector<128x64xi1> to vector<128x64xi32>
    %convert_element_type3A_686 = arith.sitofp %convert_element_type3A_685 : vector<128x64xi32> to vector<128x64xf32>
    %mul3A_687 = arith.constant 2 : i32
    %mul3A_688 = vector.broadcast %mul3A_687 : i32 to vector<128x64xi32>
    %mul3A_689 = arith.muli %mul3A_688, %iota3A_680 : vector<128x64xi32>
    %add3A_690 = arith.constant 1 : i32
    %add3A_691 = vector.broadcast %add3A_690 : i32 to vector<128x64xi32>
    %add3A_692 = arith.addi %mul3A_689, %add3A_691 : vector<128x64xi32>
    %eq3A_693 = arith.cmpi eq, %iota3A_679, %add3A_692 : vector<128x64xi32>
    %convert_element_type3A_694 = arith.extui %eq3A_693 : vector<128x64xi1> to vector<128x64xi32>
    %convert_element_type3A_695 = arith.sitofp %convert_element_type3A_694 : vector<128x64xi32> to vector<128x64xf32>
    %dot_general3A_696 = arith.constant dense<0.000000e+00> : vector<32x64xf32>
    %dot_general3A_697 = tpu.matmul %select_n3A_593, %convert_element_type3A_686, %dot_general3A_696 {dimension_numbers = #tpu.dot_dimension_numbers<[1], [0], [0], [1], [0, 0, 1, 1], [], []>, precision = #tpu.contract_precision<fp32>, transpose_lhs_hint = false} : vector<32x128xf32>, vector<128x64xf32>, vector<32x64xf32> -> vector<32x64xf32>
    %convert_element_type3A_698 = arith.fptosi %dot_general3A_697 : vector<32x64xf32> to vector<32x64xi32>
    %swap3A = arith.constant 0 : index
    %swap3A_699 = arith.constant 0 : index
    %swap3A_700 = vector.load %arg2[%swap3A, %swap3A_699] : memref<32x64xi32, #tpu.memory_space<vmem>>, vector<32x64xi32>
    tpu.vector_store %arg2[%swap3A, %swap3A_699], %convert_element_type3A_698 {strides = array<i32>} : memref<32x64xi32, #tpu.memory_space<vmem>>, vector<32x64xi32>,
    %dot_general3A_701 = arith.constant dense<0.000000e+00> : vector<32x64xf32>
    %dot_general3A_702 = tpu.matmul %select_n3A_593, %convert_element_type3A_695, %dot_general3A_701 {dimension_numbers = #tpu.dot_dimension_numbers<[1], [0], [0], [1], [0, 0, 1, 1], [], []>, precision = #tpu.contract_precision<fp32>, transpose_lhs_hint = false} : vector<32x128xf32>, vector<128x64xf32>, vector<32x64xf32> -> vector<32x64xf32>
    %convert_element_type3A_703 = arith.fptosi %dot_general3A_702 : vector<32x64xf32> to vector<32x64xi32>
    %swap3A_704 = arith.constant 0 : index
    %swap3A_705 = arith.constant 0 : index
    %swap3A_706 = vector.load %arg3[%swap3A_704, %swap3A_705] : memref<32x64xi32, #tpu.memory_space<vmem>>, vector<32x64xi32>
    tpu.vector_store %arg3[%swap3A_704, %swap3A_705], %convert_element_type3A_703 {strides = array<i32>} : memref<32x64xi32, #tpu.memory_space<vmem>>, vector<32x64xi32>,
    %iota3A_707 = tpu.iota {dimensions = array<i32: 1>} : vector<1x128xi32>
    %broadcast_in_dim3A_708 = arith.constant -1 : i32
    %broadcast_in_dim3A_709 = vector.broadcast %broadcast_in_dim3A_708 : i32 to vector<1x128xi32>
    %ge3A = vector.broadcast %select_n3A_49 : i32 to vector<1x128xi32>
    %ge3A_710 = arith.cmpi sge, %iota3A_707, %ge3A : vector<1x128xi32>
    %convert_element_type3A_711 = arith.extui %ge3A_710 : vector<1x128xi1> to vector<1x128xi32>
    %add3A_712 = arith.addi %broadcast_in_dim3A_709, %convert_element_type3A_711 : vector<1x128xi32>
    %sub3A_713 = arith.constant 1 : i32
    %sub3A_714 = arith.subi %select_n3A_678, %sub3A_713 : i32
    %ge3A_715 = arith.cmpi sge, %sub3A_714, %select_n3A_49 : i32
    %convert_element_type3A_716 = arith.extui %ge3A_715 : i1 to i32
    %add3A_717 = arith.constant -1 : i32
    %add3A_718 = arith.addi %add3A_717, %convert_element_type3A_716 : i32
    %ge3A_719 = vector.broadcast %select_n3A_131 : i32 to vector<1x128xi32>
    %ge3A_720 = arith.cmpi sge, %iota3A_707, %ge3A_719 : vector<1x128xi32>
    %convert_element_type3A_721 = arith.extui %ge3A_720 : vector<1x128xi1> to vector<1x128xi32>
    %add3A_722 = arith.addi %add3A_712, %convert_element_type3A_721 : vector<1x128xi32>
    %sub3A_723 = arith.constant 1 : i32
    %sub3A_724 = arith.subi %select_n3A_678, %sub3A_723 : i32
    %ge3A_725 = arith.cmpi sge, %sub3A_724, %select_n3A_131 : i32
    %convert_element_type3A_726 = arith.extui %ge3A_725 : i1 to i32
    %add3A_727 = arith.addi %add3A_718, %convert_element_type3A_726 : i32
    %ge3A_728 = vector.broadcast %select_n3A_213 : i32 to vector<1x128xi32>
    %ge3A_729 = arith.cmpi sge, %iota3A_707, %ge3A_728 : vector<1x128xi32>
    %convert_element_type3A_730 = arith.extui %ge3A_729 : vector<1x128xi1> to vector<1x128xi32>
    %add3A_731 = arith.addi %add3A_722, %convert_element_type3A_730 : vector<1x128xi32>
    %sub3A_732 = arith.constant 1 : i32
    %sub3A_733 = arith.subi %select_n3A_678, %sub3A_732 : i32
    %ge3A_734 = arith.cmpi sge, %sub3A_733, %select_n3A_213 : i32
    %convert_element_type3A_735 = arith.extui %ge3A_734 : i1 to i32
    %add3A_736 = arith.addi %add3A_727, %convert_element_type3A_735 : i32
    %ge3A_737 = vector.broadcast %select_n3A_295 : i32 to vector<1x128xi32>
    %ge3A_738 = arith.cmpi sge, %iota3A_707, %ge3A_737 : vector<1x128xi32>
    %convert_element_type3A_739 = arith.extui %ge3A_738 : vector<1x128xi1> to vector<1x128xi32>
    %add3A_740 = arith.addi %add3A_731, %convert_element_type3A_739 : vector<1x128xi32>
    %sub3A_741 = arith.constant 1 : i32
    %sub3A_742 = arith.subi %select_n3A_678, %sub3A_741 : i32
    %ge3A_743 = arith.cmpi sge, %sub3A_742, %select_n3A_295 : i32
    %convert_element_type3A_744 = arith.extui %ge3A_743 : i1 to i32
    %add3A_745 = arith.addi %add3A_736, %convert_element_type3A_744 : i32
    %ge3A_746 = vector.broadcast %select_n3A_377 : i32 to vector<1x128xi32>
    %ge3A_747 = arith.cmpi sge, %iota3A_707, %ge3A_746 : vector<1x128xi32>
    %convert_element_type3A_748 = arith.extui %ge3A_747 : vector<1x128xi1> to vector<1x128xi32>
    %add3A_749 = arith.addi %add3A_740, %convert_element_type3A_748 : vector<1x128xi32>
    %sub3A_750 = arith.constant 1 : i32
    %sub3A_751 = arith.subi %select_n3A_678, %sub3A_750 : i32
    %ge3A_752 = arith.cmpi sge, %sub3A_751, %select_n3A_377 : i32
    %convert_element_type3A_753 = arith.extui %ge3A_752 : i1 to i32
    %add3A_754 = arith.addi %add3A_745, %convert_element_type3A_753 : i32
    %ge3A_755 = vector.broadcast %select_n3A_459 : i32 to vector<1x128xi32>
    %ge3A_756 = arith.cmpi sge, %iota3A_707, %ge3A_755 : vector<1x128xi32>
    %convert_element_type3A_757 = arith.extui %ge3A_756 : vector<1x128xi1> to vector<1x128xi32>
    %add3A_758 = arith.addi %add3A_749, %convert_element_type3A_757 : vector<1x128xi32>
    %sub3A_759 = arith.constant 1 : i32
    %sub3A_760 = arith.subi %select_n3A_678, %sub3A_759 : i32
    %ge3A_761 = arith.cmpi sge, %sub3A_760, %select_n3A_459 : i32
    %convert_element_type3A_762 = arith.extui %ge3A_761 : i1 to i32
    %add3A_763 = arith.addi %add3A_754, %convert_element_type3A_762 : i32
    %ge3A_764 = vector.broadcast %select_n3A_541 : i32 to vector<1x128xi32>
    %ge3A_765 = arith.cmpi sge, %iota3A_707, %ge3A_764 : vector<1x128xi32>
    %convert_element_type3A_766 = arith.extui %ge3A_765 : vector<1x128xi1> to vector<1x128xi32>
    %add3A_767 = arith.addi %add3A_758, %convert_element_type3A_766 : vector<1x128xi32>
    %sub3A_768 = arith.constant 1 : i32
    %sub3A_769 = arith.subi %select_n3A_678, %sub3A_768 : i32
    %ge3A_770 = arith.cmpi sge, %sub3A_769, %select_n3A_541 : i32
    %convert_element_type3A_771 = arith.extui %ge3A_770 : i1 to i32
    %add3A_772 = arith.addi %add3A_763, %convert_element_type3A_771 : i32
    %ge3A_773 = vector.broadcast %select_n3A_623 : i32 to vector<1x128xi32>
    %ge3A_774 = arith.cmpi sge, %iota3A_707, %ge3A_773 : vector<1x128xi32>
    %convert_element_type3A_775 = arith.extui %ge3A_774 : vector<1x128xi1> to vector<1x128xi32>
    %add3A_776 = arith.addi %add3A_767, %convert_element_type3A_775 : vector<1x128xi32>
    %sub3A_777 = arith.constant 1 : i32
    %sub3A_778 = arith.subi %select_n3A_678, %sub3A_777 : i32
    %ge3A_779 = arith.cmpi sge, %sub3A_778, %select_n3A_623 : i32
    %convert_element_type3A_780 = arith.extui %ge3A_779 : i1 to i32
    %add3A_781 = arith.addi %add3A_772, %convert_element_type3A_780 : i32
    %min3A = vector.broadcast %add3A_781 : i32 to vector<1x128xi32>
    %min3A_782 = arith.minsi %add3A_776, %min3A : vector<1x128xi32>
    %sub3A_783 = arith.constant 1 : i32
    %sub3A_784 = arith.subi %select_n3A_678, %sub3A_783 : i32
    %min3A_785 = vector.broadcast %sub3A_784 : i32 to vector<1x128xi32>
    %min3A_786 = arith.minsi %iota3A_707, %min3A_785 : vector<1x128xi32>
    %lt3A_787 = vector.broadcast %select_n3A_678 : i32 to vector<1x128xi32>
    %lt3A_788 = arith.cmpi slt, %iota3A_707, %lt3A_787 : vector<1x128xi32>
    %convert_element_type3A_789 = arith.extui %lt3A_788 : vector<1x128xi1> to vector<1x128xi32>
    %broadcast_in_dim3A_790 = arith.constant 0 : i32
    %broadcast_in_dim3A_791 = vector.broadcast %broadcast_in_dim3A_790 : i32 to vector<1x128xi32>
    %concatenate3A = tpu.concatenate %min3A_782, %min3A_786, %convert_element_type3A_789, %broadcast_in_dim3A_791, %broadcast_in_dim3A_791, %broadcast_in_dim3A_791, %broadcast_in_dim3A_791, %broadcast_in_dim3A_791 in 0 : vector<1x128xi32>, vector<1x128xi32>, vector<1x128xi32>, vector<1x128xi32>, vector<1x128xi32>, vector<1x128xi32>, vector<1x128xi32>, vector<1x128xi32> -> vector<8x128xi32>
    %swap3A_792 = arith.constant 0 : index
    %swap3A_793 = arith.constant 0 : index
    %swap3A_794 = vector.load %arg4[%swap3A_792, %swap3A_793] : memref<8x128xi32, #tpu.memory_space<vmem>>, vector<8x128xi32>
    tpu.vector_store %arg4[%swap3A_792, %swap3A_793], %concatenate3A {strides = array<i32>} : memref<8x128xi32, #tpu.memory_space<vmem>>, vector<8x128xi32>,
    return
  }
  func.func @transform_0(%arg0: i32) -> (i32, i32) {
    %c0_i32 = arith.constant 0 : i32
    %c0_i32_0 = arith.constant 0 : i32
    %c0_i32_1 = arith.constant 0 : i32
    return %c0_i32, %c0_i32_0 : i32, i32
  }
  func.func @transform_1(%arg0: i32) -> (i32, i32) {
    %c0_i32 = arith.constant 0 : i32
    %c0_i32_0 = arith.constant 0 : i32
    %c0_i32_1 = arith.constant 0 : i32
    return %c0_i32, %c0_i32_0 : i32, i32
  }
  func.func @transform_2(%arg0: i32) -> (i32, i32) {
    %c0_i32 = arith.constant 0 : i32
    %c0_i32_0 = arith.constant 0 : i32
    %c0_i32_1 = arith.constant 0 : i32
    return %c0_i32, %c0_i32_0 : i32, i32
  }
  func.func @transform_3(%arg0: i32) -> (i32, i32) {
    %c0_i32 = arith.constant 0 : i32
    %c0_i32_0 = arith.constant 0 : i32
    %c0_i32_1 = arith.constant 0 : i32
    return %c0_i32, %c0_i32_0 : i32, i32
  }
}

</mosaic_0001>

<sc_bundles>
// kernel: kernel.6.cloned.1.call-start
scs
__scs_entry_jumppad:
0x0: {  	(pc) =	sbr.rel $0x88, $3  }
0x1: {  	(tag) =	ssettag $0x0;
	lr =	simm.s32 $0x1  }
0x2: {  	[smem:$0x3F9B] =	sst lr;
	_ =	strace $0xD0000000  }
0x3: {  	_ = 	snop  }
0x4: {  	_ = 	snop  }
0x5: {  	_ = 	snop  }
0x6: {  	_ = 	snop  }
0x7: {  	_ = 	snop  }
__scs_overlays_trampoline_lowered:
0x8: {  	[smem:$0x3FAA] =	sst s0  }
0x9: {  	[smem:$0x3FAB] =	sst s1  }
0xa: {  	[smem:$0x3FAC] =	sst s2  }
0xb: {  	[smem:$0x3FAD] =	sst s3  }
0xc: {  	[smem:$0x3FAE] =	sst s4  }
0xd: {  	[smem:$0x3FAF] =	sst s5  }
0xe: {  	[smem:$0x3FB0] =	sst s6  }
0xf: {  	[smem:$0x3FB1] =	sst s7  }
0x10: {  	[smem:$0x3FB2] =	sst s8  }
0x11: {  	[smem:$0x3FB3] =	sst s9;
	s0 =	simm.s32 @!p0 $0x0  }
0x12: {  	s1 =	sld [smem:$0x3F99];
	s0 =	simm.s32 @p0 $0x1  }
0x13: {  	[smem:$0x3FB4] =	sst s0;
	s0 =	simm.s32 @!p1 $0x0  }
0x14: {  	s2 =	sld [smem:$0x3F98];
	s0 =	simm.s32 @p1 $0x1  }
0x15: {  	[smem:$0x3FB5] =	sst s0;
	s0 =	simm.s32 @!p2 $0x0  }
0x16: {  	s3 =	sld [smem:$0x3FDB];
	s0 =	simm.s32 @p2 $0x1  }
0x17: {  	s4 =	simm.s32 $0x1BF5;
	[smem:$0x3FB7] =	sst s0  }
0x18: {  	s0 =	sld [smem:$0x3F9A];
	_ =	swait.ge [sflag:s4], $0x0  }
0x19: {  	s7 =	sld [smem:$0x3F9B]  }
0x1a: {  	s8 =	sadd.s32 $0xFFFFE003, lr  }
0x1b: {  	s9 =	sadd.s32 $0xFFFFFEF7, lr;
	s5 =	simm.s32 $0xFFFFFFFF;
	p2 =	slt.u32 s8, $0xFFFFF086  }
0x1c: {  	p1 =	slt.u32 s9, $0xF7A;
	s5 =	simm.s32 @!p2 $0x0  }
0x1d: {  	s5 =	simm.s32 @p1 $0x1;
	p0 =	seq.s32 s7, s2  }
0x1e: {  	s7 =	smul.u32 @!p0 $0xF7A, s2;
	p2 =	seq.s32 @!p0 s5, $0x0  }
0x1f: {  	s9 =	smul.u32 $0xF7A, s1;
	s8 =	simm.s32 @!p0 $0x1BF5;
	p2 =	por !p2, p0  }
0x20: {  	[sflag:s8] =	ssyncset.s32 @!p0 $0xFFFFF086;
	s6 =	sadd.s32 @!p0 s3, s7;
	s7 =	simm.s32 @!p0 $0x108  }
0x21: {  	s3 =	sadd.s32 s3, s9;
	s6 =	sadd.s32 @!p0 $0x88, s6;
	s7 =	simm.s32 @p2 $0x1082  }
0x22: {  	[simem:s7], [sflag:s8] =	dma.local @!p0 [hbm:s6], $0xF7A  }
0x23: {  	s9 =	sor.u32 $0xD0000000, s2;
	s6 =	simm.s32 $0x108;
	_ =	swait.ge @!p0 [sflag:s8], $0x0  }
0x24: {  	s3 =	sadd.s32 $0x88, s3;
	s6 =	simm.s32 @!p1 $0x1082;
	[sflag:s4] =	ssyncset.s32 $0xFFFFF086  }
0x25: {  	[simem:s6], [sflag:s4] =	dma.local [hbm:s3], $0xF7A  }
0x26: {  	[smem:$0x3F9B] =	sst s1;
	(tag) =	ssettag s2;
	_ =	strace s9  }
0x27: {  	s1 =	sld [smem:$0x3FAB]  }
0x28: {  	s2 =	sld [smem:$0x3FAC]  }
0x29: {  	s4 =	sld [smem:$0x3FAE]  }
0x2a: {  	p0 =	seq.s32 s5, $0x0;
	s5 =	sld [smem:$0x3FAF]  }
0x2b: {  	s6 =	sld [smem:$0x3FB0]  }
0x2c: {  	s7 =	sld [smem:$0x3FB1]  }
0x2d: {  	s3 =	simm.s32 $0x108;
	s8 =	sld [smem:$0x3FB2]  }
0x2e: {  	s3 =	simm.s32 @!p0 $0x1082;
	s9 =	sld [smem:$0x3FB3]  }
0x2f: {  	lr =	sadd.s32 s0, s3;
	s0 =	sld [smem:$0x3FAA]  }
0x30: {  	s3 =	sld [smem:$0x3FAD]  }
0x31: {  	[smem:$0x3FB6] =	sst s10  }
0x32: {  	s10 =	sld [smem:$0x3FB4];
	_ =	sdelay $0x3  }
0x33: {  	p0 =	seq.s32 s10, $0x1;
	s10 =	sld [smem:$0x3FB6];
	_ =	sdelay $0x3  }
0x34: {  	[smem:$0x3FB6] =	sst s10  }
0x35: {  	s10 =	sld [smem:$0x3FB5];
	_ =	sdelay $0x3  }
0x36: {  	p1 =	seq.s32 s10, $0x1;
	s10 =	sld [smem:$0x3FB6];
	_ =	sdelay $0x3  }
0x37: {  	[smem:$0x3FB6] =	sst s10  }
0x38: {  	s10 =	sld [smem:$0x3FB7]  }
0x39: {  	_ = 	snop;
	(pc) =	sbr.ind lr, $3  }
0x3a: {  	_ = 	snop  }
0x3b: {  	_ = 	snop  }
0x3c: {  	p2 =	seq.s32 s10, $0x1;
	s10 =	sld [smem:$0x3FB6]  }
0x3d: {  	_ =	shalt  }
0x3e: {  	_ =	shalt  }
0x3f: {  	_ =	shalt  }
0x40: {  	_ =	shalt  }
0x41: {  	_ =	shalt  }
0x42: {  	_ =	shalt  }
0x43: {  	_ =	shalt  }
0x44: {  	_ =	shalt  }
0x45: {  	_ =	shalt  }
0x46: {  	_ =	shalt  }
0x47: {  	_ =	shalt  }
0x48: {  	_ =	shalt  }
0x49: {  	_ =	shalt  }
0x4a: {  	_ =	shalt  }
0x4b: {  	_ =	shalt  }
0x4c: {  	_ =	shalt  }
0x4d: {  	_ =	shalt  }
0x4e: {  	_ =	shalt  }
0x4f: {  	_ =	shalt  }
0x50: {  	_ =	shalt  }
0x51: {  	_ =	shalt  }
0x52: {  	_ =	shalt  }
0x53: {  	_ =	shalt  }
0x54: {  	_ =	shalt  }
0x55: {  	_ =	shalt  }
0x56: {  	_ =	shalt  }
0x57: {  	_ =	shalt  }
0x58: {  	_ =	shalt  }
0x59: {  	_ =	shalt  }
0x5a: {  	_ =	shalt  }
0x5b: {  	_ =	shalt  }
0x5c: {  	_ =	shalt  }
0x5d: {  	_ =	shalt  }
0x5e: {  	_ =	shalt  }
0x5f: {  	_ =	shalt  }
0x60: {  	_ =	shalt  }
0x61: {  	_ =	shalt  }
0x62: {  	_ =	shalt  }
0x63: {  	_ =	shalt  }
0x64: {  	_ =	shalt  }
0x65: {  	_ =	shalt  }
0x66: {  	_ =	shalt  }
0x67: {  	_ =	shalt  }
0x68: {  	_ =	shalt  }
0x69: {  	_ =	shalt  }
0x6a: {  	_ =	shalt  }
0x6b: {  	_ =	shalt  }
0x6c: {  	_ =	shalt  }
0x6d: {  	_ =	shalt  }
0x6e: {  	_ =	shalt  }
0x6f: {  	_ =	shalt  }
0x70: {  	_ =	shalt  }
0x71: {  	_ =	shalt  }
0x72: {  	_ =	shalt  }
0x73: {  	_ =	shalt  }
0x74: {  	_ =	shalt  }
0x75: {  	_ =	shalt  }
0x76: {  	_ =	shalt  }
0x77: {  	_ =	shalt  }
0x78: {  	_ =	shalt  }
0x79: {  	_ =	shalt  }
0x7a: {  	_ =	shalt  }
0x7b: {  	_ =	shalt  }
0x7c: {  	_ =	shalt  }
0x7d: {  	_ =	shalt  }
0x7e: {  	_ =	shalt  }
0x7f: {  	_ =	shalt  }
0x80: {  	_ =	shalt  }
0x81: {  	_ =	shalt  }
0x82: {  	_ =	shalt  }
0x83: {  	_ =	shalt  }
0x84: {  	_ =	shalt  }
0x85: {  	_ =	shalt  }
0x86: {  	_ =	shalt  }
0x87: {  	_ =	shalt  }
.Lfunc_end0:
.L_simem_size_0:
called_computation_lowered:
.L_overlay_start_0:
0x88: {  	s2 =	sld [smem:$0x3FD9]  }
0x89: {  	s3 =	sld [smem:$0x3FFE];
	_ =	sdelay $0x1  }
0x8a: {  	s1 =	srdreg.scid  }
0x8b: {  	s0 =	sand.u32 $0x1, s1  }
0x8c: {  	s17 =	sshll.u32 s0, $0xA;
	s2 =	sadd.s32 s3, s2  }
0x8d: {  	s2 =	sadd.s32 s2, s17  }
0x8e: {  	[smem:$0x3FC2] =	sst s2  }
0x8f: {  	_ = 	snop  }
0x90: {  	s2 =	sld [smem:$0x3FC9];
	(tm) =	ssettm $0x1  }
0x91: {  	s18 =	sld [smem:$0x3FFB];
	_ =	sdelay $0x3  }
0x92: {  	_ =	strace s18  }
0x93: {  	s3 =	sld [smem:$0x3FFC];
	_ =	sdelay $0x3  }
0x94: {  	_ =	strace s3  }
0x95: {  	s3 =	sld [smem:$0x3FFD];
	_ =	sdelay $0x3  }
0x96: {  	_ =	strace s3  }
0x97: {  	_ =	strace $0x8FFFFFFF  }
0x98: {  	s19 =	sld [smem:$0x3FDB];
	_ =	sdelay $0x1  }
0x99: {  	s4 =	simm.s32 $_scs_section_size  }
0x9a: {  	s5 =	simm.s32 $_size__tile_overlayer_lowered;
	s6 =	simm.s32 $_tile_overlayer_lowered  }
0x9b: {  	s22 =	simm.s32 $0x1BFF;
	s21 =	sshll.u32 s6, $0x1;
	s3 =	sadd.s32 s4, s19  }
0x9c: {  	s7 =	simm.s32 $0x0;
	s20 =	sshll.u32 s5, $0x1;
	s5 =	sadd.s32 s21, s3  }
0x9d: {  	[timem:s7], [sflag:s22] =	dma.local [hbm:s5], s20  }
0x9e: {  	_ =	swait.ge [sflag:s22], s20  }
0x9f: {  	s4 =	ssub.s32 $0x0, s20;
	[sflag:s22] =	ssyncset.done $0x0  }
0xa0: {  	[sflag:s22] =	ssyncadd.s32 s4;
	_ =	sdelay $0x1  }
0xa1: {  	s23 =	simm.s32 $0x1B8B  }
0xa2: {  	_ =	swait.ge [sflag:s23], $0x1  }
0xa3: {  	[sflag:s23] =	ssyncset.done $0x0  }
0xa4: {  	s25 =	simm.s32 $0x1B8E;
	s24 =	sld [smem:$0x3FFE];
	[sflag:s23] =	ssyncadd.s32 $0xFFFFFFFF  }
0xa5: {  	s26 =	simm.s32 $execute0_lowered;
	[smem:$0x3FD2] =	sst s25  }
0xa6: {  	s5 =	sshll.u32 s26, $0x1;
	_ =	strace $0x80000046;
	[dreg:$0x1] =	wrdreg $0xFFFFFFFF  }
0xa7: {  	s28 =	simm.s32 $_size_execute0_lowered;
	s3 =	sadd.s32 s3, s5;
	[dreg:$0x0] =	wrdreg $0x0  }
0xa8: {  	s5 =	sshll.u32 s28, $0x1;
	[dreg:$0x2] =	wrdreg s3  }
0xa9: {  	[dreg:$0x3] =	wrdreg s5  }
0xaa: {  	[dreg:$0x4] =	wrdreg $0xC0  }
0xab: {  	_ =	task [dreg:s7], $0x5FFFF  }
0xac: {  	[dreg:$0x1] =	wrdreg $0xFFFFFFFF  }
0xad: {  	[dreg:$0x0] =	wrdreg $0x60  }
0xae: {  	[dreg:$0x2] =	wrdreg s2  }
0xaf: {  	[dreg:$0x3] =	wrdreg s24  }
0xb0: {  	[dreg:$0x4] =	wrdreg $0x9  }
0xb1: {  	_ =	task.clear_ibuf [dreg:s7], $0x5FFFF;
	_ =	strace $0x90000046  }
0xb2: {  	s29 =	simm.s32 $0x9;
	_ =	strace $0x80000048  }
0xb3: {  	_ =	swait.ge [sflag:s29], $0x1  }
0xb4: {  	[sflag:s29] =	ssyncadd.s32 $0xFFFFFFFF  }
0xb5: {  	_ =	strace $0x90000048  }
0xb6: {  	_ =	sfence  }
0xb7: {  	s30 =	sld [smem:$0x0];
	_ =	sdelay $0x2  }
0xb8: {  	s31 =	sshll.u32 s1, $0xD;
	s1 =	sshrl.u32 s1, $0x2  }
0xb9: {  	s3 =	sand.u32 $0x4000, s31;
	s1 =	sadd.s32 s1, s30  }
0xba: {  	s0 =	sor.u32 s3, s0;
	s1 =	sshll.u32 s1, $0x11  }
0xbb: {  	s0 =	sor.u32 s1, s0  }
0xbc: {  	s0 =	sadd.s32 $0x8F2B, s0  }
0xbd: {  	[sflag:s0] =	ssyncadd.remote.s32 $0x1  }
0xbe: {  	_ =	sfence.sel $0xFFFF  }
0xbf: {  	[dreg:$0x0] =	wrdreg $0xFFFFFFFF;
	(pc) =	sbr.abs _section_cstart, $3  }
0xc0: {  	[dreg:$0x1] =	wrdreg $0xFFFFFFFF  }
0xc1: {  	_ =	task.clear_ibuf [dreg:s7], $0x2FFFF;
	_ =	strace $0x9FFFFFFF  }
0xc2: {  	(tm) =	ssettm $0x7FFFFFFF  }
0xc3: {  	_ =	shalt  }
tec
execute0_lowered:
.L_overlay_start_1:
0x0: {  	(tag) =	ssettag $0x1  }
0x1: {  	s0 =	srdreg.scid  }
0x2: {  	s2 =	stileid.u32;
	s1 =	rddreg [dreg:$0x0]  }
0x3: {  	s5 =	rddreg [dreg:$0x1];
	s26 =	simm.s32 $0x80;
	s7 =	simm.s32 $0x4  }
0x4: {  	s11 =	simm.s32 $0x3;
	s9 =	simm.s32 $0x100;
	s14 =	simm.s32 $0x1900  }
0x5: {  	s15 =	simm.s32 $0x2100;
	s16 =	simm.s32 $0x2900;
	s17 =	simm.s32 $0x3100  }
0x6: {  	s18 =	simm.s32 $0x3900;
	s19 =	simm.s32 $0x4100;
	s20 =	simm.s32 $0x4900  }
0x7: {  	s21 =	simm.s32 $0x5100;
	s22 =	simm.s32 $0x5900;
	s23 =	simm.s32 $0x6100  }
0x8: {  	s24 =	simm.s32 $0x6900;
	s28 =	simm.s32 $0x8100;
	s29 =	simm.s32 $0x8900  }
0x9: {  	s30 =	simm.s32 $0x9100;
	s31 =	simm.s32 $0x9900;
	s8 =	simm.s32 $0xB100  }
0xa: {  	s10 =	simm.s32 $0xB900;
	s0 =	sand.u32 $0x1, s0;
	s2 =	sshll.u32 s2, $0x1  }
0xb: {  	s3 =	sor.u32 s0, s2;
	s2 =	simm.s32 $0x0;
	s0 =	ssub.s32 $0x2, s0  }
0xc: {  	s4 =	sshll.u32 s3, $0x4;
	[smem:$0x7FF] =	sst s2;
	s3 =	smul.u32 $0x1800, s3  }
0xd: {  	s25 =	sshrl.u32 s0, $0x1;
	s4 =	sadd.s32 s4, s5;
	_ =	strace $0x80000047  }
0xe: {  	s0 =	ssub.s32 s0, s25;
	[dreg:$0x6] =	wrdreg s26;
	s6 =	sadd.s32 $0x1600, s4  }
0xf: {  	s25 =	simm.s32 $0x7100;
	s4 =	sadd.s32 $0x1800, s4;
	[dreg:$0x3] =	wrdreg s6  }
0x10: {  	v2 =	vlaneseq.u32;
	s26 =	simm.s32 $0x7900;
	s1 =	sadd.s32 s1, s3;
	[dreg:$0x4] =	wrdreg s4  }
0x11: {  	vm0 =	vmmov $0xffff;
	v1 =	vshrl.u32 v2, $0x3;
	s3 =	sadd.s32 $0x1A00, s5;
	[dreg:$0x5] =	wrdreg s1;
	s4 =	sadd.s32 $0x1B00, s5  }
0x12: {  	v0 =	vand.u32 $0x7, v2;
	v2 =	vor.u32 $0x8, v2;
	v1 =	vmul.u32 $0x8, v1;
	s5 =	sadd.s32 $0x1C00, s5;
	s6 =	smax.u32 s0, $0x1;
	s1 =	simm.s32 $0xA100  }
.LBB2_1:
0x13: {  	s12 =	rddreg [dreg:$0x3]  }
0x14: {  	[tilespmem:s2], [sflag:$0x4] =	stream.linear.gather [hbm4b:s12+s2], $0x80, $0x38;
	[tilespmem:$0xC100] =	vst v63  }
0x15: {  	_ =	swait.ge [sflag:s7], $0x80  }
0x16: {  	s0 =	rddreg [dreg:$0x4];
	[sflag:s7] =	ssyncset.done $0x0  }
0x17: {  	s13 =	rddreg [dreg:$0x6];
	[sflag:s7] =	ssyncadd.s32 $0xFFFFFF80  }
0x18: {  	[tilespmem:s13], [sflag:$0x4] =	stream.linear.gather [hbm4b:s0+s2], $0x80, $0x38;
	[tilespmem:$0xC100] =	vst v63  }
0x19: {  	_ =	swait.ge [sflag:s7], $0x80  }
0x1a: {  	[sflag:s7] =	ssyncset.done $0x0  }
0x1b: {  	s0 =	rddreg [dreg:$0x5];
	[sflag:s7] =	ssyncadd.s32 $0xFFFFFF80  }
0x1c: {  	[tilespmem:s9], [sflag:$0x1] =	stream.linear.gather [hbm4b:s0+s2], $0xC000, $0x38;
	[tilespmem:$0xC100] =	vst v63  }
0x1d: {  	s0 =	simm.s32 $0x1  }
0x1e: {  	_ =	swait.ge [sflag:s0], $0xC000  }
0x1f: {  	[sflag:s0] =	ssyncset.done $0x0  }
0x20: {  	[sflag:s0] =	ssyncadd.s32 $0xFFFF4000  }
0x21: {  	v3 =	vld [tilespmem:$0x0];
	_ =	sdelay $0x4  }
0x22: {  	v4 =	vshrl.u32 v3, $0x3  }
0x23: {  	v4 =	vmul.u32 $0x30, v4  }
0x24: {  	v3 =	vand.u32 $0x7, v3  }
0x25: {  	v3 =	vor.u32 v3, v4  }
0x26: {  	v4 =	vperm.xlane v3, v0;
	_ =	sdelay $0x1  }
0x27: {  	v4 =	vadd.s32 v1, v4;
	_ =	sdelay $0x3  }
0x28: {  	v3 =	vperm.xlane v3, v2  }
0x29: {  	[hbm4b:s3+s2] =	stream.indirect_vreg.scatter [tilespmem:s9], [sflag:$0x2], $0x80, v4, vm0, $0xb8;
	[tilespmem:$0xC100] =	vst v63  }
0x2a: {  	s12 =	simm.s32 $0x900;
	v3 =	vadd.s32 v1, v3  }
0x2b: {  	[hbm4b:s4+s2] =	stream.indirect_vreg.scatter [tilespmem:s12], [sflag:$0x2], $0x80, v4, vm0, $0xb8;
	[tilespmem:$0xC100] =	vst v63  }
0x2c: {  	s13 =	simm.s32 $0x1100  }
0x2d: {  	[hbm4b:s5+s2] =	stream.indirect_vreg.scatter [tilespmem:s13], [sflag:$0x2], $0x80, v4, vm0, $0xb8;
	[tilespmem:$0xC100] =	vst v63  }
0x2e: {  	_ = 	snop  }
0x2f: {  	[hbm4b:s3+s2] =	stream.indirect_vreg.scatter [tilespmem:s14], [sflag:$0x2], $0x80, v3, vm0, $0xb8;
	[tilespmem:$0xC100] =	vst v63  }
0x30: {  	_ = 	snop  }
0x31: {  	[hbm4b:s4+s2] =	stream.indirect_vreg.scatter [tilespmem:s15], [sflag:$0x2], $0x80, v3, vm0, $0xb8;
	[tilespmem:$0xC100] =	vst v63  }
0x32: {  	_ = 	snop  }
0x33: {  	[hbm4b:s5+s2] =	stream.indirect_vreg.scatter [tilespmem:s16], [sflag:$0x2], $0x80, v3, vm0, $0xb8;
	[tilespmem:$0xC100] =	vst v63  }
0x34: {  	v3 =	vld [tilespmem:$0x10];
	_ =	sdelay $0x4  }
0x35: {  	v57 =	vshrl.u32 v3, $0x3  }
0x36: {  	v4 =	vmul.u32 $0x30, v57  }
0x37: {  	v3 =	vand.u32 $0x7, v3  }
0x38: {  	v3 =	vor.u32 v3, v4  }
0x39: {  	v4 =	vperm.xlane v3, v0;
	_ =	sdelay $0x1  }
0x3a: {  	v4 =	vadd.s32 v1, v4;
	_ =	sdelay $0x3  }
0x3b: {  	v3 =	vperm.xlane v3, v2  }
0x3c: {  	[hbm4b:s3+s2] =	stream.indirect_vreg.scatter [tilespmem:s17], [sflag:$0x2], $0x80, v4, vm0, $0xb8;
	[tilespmem:$0xC100] =	vst v63  }
0x3d: {  	v3 =	vadd.s32 v1, v3  }
0x3e: {  	[hbm4b:s4+s2] =	stream.indirect_vreg.scatter [tilespmem:s18], [sflag:$0x2], $0x80, v4, vm0, $0xb8;
	[tilespmem:$0xC100] =	vst v63  }
0x3f: {  	_ = 	snop  }
0x40: {  	[hbm4b:s5+s2] =	stream.indirect_vreg.scatter [tilespmem:s19], [sflag:$0x2], $0x80, v4, vm0, $0xb8;
	[tilespmem:$0xC100] =	vst v63  }
0x41: {  	_ = 	snop  }
0x42: {  	[hbm4b:s3+s2] =	stream.indirect_vreg.scatter [tilespmem:s20], [sflag:$0x2], $0x80, v3, vm0, $0xb8;
	[tilespmem:$0xC100] =	vst v63  }
0x43: {  	_ = 	snop  }
0x44: {  	[hbm4b:s4+s2] =	stream.indirect_vreg.scatter [tilespmem:s21], [sflag:$0x2], $0x80, v3, vm0, $0xb8;
	[tilespmem:$0xC100] =	vst v63  }
0x45: {  	_ = 	snop  }
0x46: {  	[hbm4b:s5+s2] =	stream.indirect_vreg.scatter [tilespmem:s22], [sflag:$0x2], $0x80, v3, vm0, $0xb8;
	[tilespmem:$0xC100] =	vst v63  }
0x47: {  	v3 =	vld [tilespmem:$0x20];
	_ =	sdelay $0x4  }
0x48: {  	v58 =	vshrl.u32 v3, $0x3  }
0x49: {  	v4 =	vmul.u32 $0x30, v58  }
0x4a: {  	v3 =	vand.u32 $0x7, v3  }
0x4b: {  	v3 =	vor.u32 v3, v4  }
0x4c: {  	v4 =	vperm.xlane v3, v0;
	_ =	sdelay $0x1  }
0x4d: {  	v4 =	vadd.s32 v1, v4;
	_ =	sdelay $0x3  }
0x4e: {  	v3 =	vperm.xlane v3, v2  }
0x4f: {  	[hbm4b:s3+s2] =	stream.indirect_vreg.scatter [tilespmem:s23], [sflag:$0x2], $0x80, v4, vm0, $0xb8;
	[tilespmem:$0xC100] =	vst v63  }
0x50: {  	v3 =	vadd.s32 v1, v3  }
0x51: {  	[hbm4b:s4+s2] =	stream.indirect_vreg.scatter [tilespmem:s24], [sflag:$0x2], $0x80, v4, vm0, $0xb8;
	[tilespmem:$0xC100] =	vst v63  }
0x52: {  	_ = 	snop  }
0x53: {  	[hbm4b:s5+s2] =	stream.indirect_vreg.scatter [tilespmem:s25], [sflag:$0x2], $0x80, v4, vm0, $0xb8;
	[tilespmem:$0xC100] =	vst v63  }
0x54: {  	_ = 	snop  }
0x55: {  	[hbm4b:s3+s2] =	stream.indirect_vreg.scatter [tilespmem:s26], [sflag:$0x2], $0x80, v3, vm0, $0xb8;
	[tilespmem:$0xC100] =	vst v63  }
0x56: {  	_ = 	snop  }
0x57: {  	[hbm4b:s4+s2] =	stream.indirect_vreg.scatter [tilespmem:s28], [sflag:$0x2], $0x80, v3, vm0, $0xb8;
	[tilespmem:$0xC100] =	vst v63  }
0x58: {  	_ = 	snop  }
0x59: {  	[hbm4b:s5+s2] =	stream.indirect_vreg.scatter [tilespmem:s29], [sflag:$0x2], $0x80, v3, vm0, $0xb8;
	[tilespmem:$0xC100] =	vst v63  }
0x5a: {  	v3 =	vld [tilespmem:$0x30];
	_ =	sdelay $0x4  }
0x5b: {  	v59 =	vshrl.u32 v3, $0x3  }
0x5c: {  	v4 =	vmul.u32 $0x30, v59  }
0x5d: {  	v3 =	vand.u32 $0x7, v3  }
0x5e: {  	v3 =	vor.u32 v3, v4  }
0x5f: {  	v4 =	vperm.xlane v3, v0;
	_ =	sdelay $0x1  }
0x60: {  	v4 =	vadd.s32 v1, v4;
	_ =	sdelay $0x3  }
0x61: {  	v3 =	vperm.xlane v3, v2  }
0x62: {  	[hbm4b:s3+s2] =	stream.indirect_vreg.scatter [tilespmem:s30], [sflag:$0x2], $0x80, v4, vm0, $0xb8;
	[tilespmem:$0xC100] =	vst v63  }
0x63: {  	v3 =	vadd.s32 v1, v3  }
0x64: {  	[hbm4b:s4+s2] =	stream.indirect_vreg.scatter [tilespmem:s31], [sflag:$0x2], $0x80, v4, vm0, $0xb8;
	[tilespmem:$0xC100] =	vst v63  }
0x65: {  	_ = 	snop  }
0x66: {  	[hbm4b:s5+s2] =	stream.indirect_vreg.scatter [tilespmem:s1], [sflag:$0x2], $0x80, v4, vm0, $0xb8;
	[tilespmem:$0xC100] =	vst v63  }
0x67: {  	s0 =	simm.s32 $0xA900  }
0x68: {  	[hbm4b:s3+s2] =	stream.indirect_vreg.scatter [tilespmem:s0], [sflag:$0x2], $0x80, v3, vm0, $0xb8;
	[tilespmem:$0xC100] =	vst v63  }
0x69: {  	_ = 	snop  }
0x6a: {  	[hbm4b:s4+s2] =	stream.indirect_vreg.scatter [tilespmem:s8], [sflag:$0x2], $0x80, v3, vm0, $0xb8;
	[tilespmem:$0xC100] =	vst v63  }
0x6b: {  	_ = 	snop  }
0x6c: {  	[hbm4b:s5+s2] =	stream.indirect_vreg.scatter [tilespmem:s10], [sflag:$0x2], $0x80, v3, vm0, $0xb8;
	[tilespmem:$0xC100] =	vst v63  }
0x6d: {  	v3 =	vld [tilespmem:$0x80];
	_ =	sdelay $0x4  }
0x6e: {  	v60 =	vshrl.u32 v3, $0x3  }
0x6f: {  	v4 =	vmul.u32 $0x30, v60  }
0x70: {  	v3 =	vand.u32 $0x7, v3  }
0x71: {  	v3 =	vor.u32 v3, v4  }
0x72: {  	v4 =	vperm.xlane v3, v0;
	_ =	sdelay $0x1  }
0x73: {  	v4 =	vadd.s32 v1, v4;
	_ =	sdelay $0x3  }
0x74: {  	v3 =	vperm.xlane v3, v2  }
0x75: {  	[hbm4b:s3+s2] =	stream.indirect_vreg.scatter [tilespmem:s9], [sflag:$0x3], $0x80, v4, vm0, $0xb8;
	[tilespmem:$0xC100] =	vst v63  }
0x76: {  	v3 =	vadd.s32 v1, v3  }
0x77: {  	[hbm4b:s4+s2] =	stream.indirect_vreg.scatter [tilespmem:s12], [sflag:$0x3], $0x80, v4, vm0, $0xb8;
	[tilespmem:$0xC100] =	vst v63  }
0x78: {  	_ = 	snop  }
0x79: {  	[hbm4b:s5+s2] =	stream.indirect_vreg.scatter [tilespmem:s13], [sflag:$0x3], $0x80, v4, vm0, $0xb8;
	[tilespmem:$0xC100] =	vst v63  }
0x7a: {  	_ = 	snop  }
0x7b: {  	[hbm4b:s3+s2] =	stream.indirect_vreg.scatter [tilespmem:s14], [sflag:$0x3], $0x80, v3, vm0, $0xb8;
	[tilespmem:$0xC100] =	vst v63  }
0x7c: {  	_ = 	snop  }
0x7d: {  	[hbm4b:s4+s2] =	stream.indirect_vreg.scatter [tilespmem:s15], [sflag:$0x3], $0x80, v3, vm0, $0xb8;
	[tilespmem:$0xC100] =	vst v63  }
0x7e: {  	_ = 	snop  }
0x7f: {  	[hbm4b:s5+s2] =	stream.indirect_vreg.scatter [tilespmem:s16], [sflag:$0x3], $0x80, v3, vm0, $0xb8;
	[tilespmem:$0xC100] =	vst v63  }
0x80: {  	v3 =	vld [tilespmem:$0x90];
	_ =	sdelay $0x4  }
0x81: {  	v61 =	vshrl.u32 v3, $0x3  }
0x82: {  	v4 =	vmul.u32 $0x30, v61  }
0x83: {  	v3 =	vand.u32 $0x7, v3  }
0x84: {  	v3 =	vor.u32 v3, v4  }
0x85: {  	v4 =	vperm.xlane v3, v0;
	_ =	sdelay $0x1  }
0x86: {  	v4 =	vadd.s32 v1, v4;
	_ =	sdelay $0x3  }
0x87: {  	v3 =	vperm.xlane v3, v2  }
0x88: {  	[hbm4b:s3+s2] =	stream.indirect_vreg.scatter [tilespmem:s17], [sflag:$0x3], $0x80, v4, vm0, $0xb8;
	[tilespmem:$0xC100] =	vst v63  }
0x89: {  	v3 =	vadd.s32 v1, v3  }
0x8a: {  	[hbm4b:s4+s2] =	stream.indirect_vreg.scatter [tilespmem:s18], [sflag:$0x3], $0x80, v4, vm0, $0xb8;
	[tilespmem:$0xC100] =	vst v63  }
0x8b: {  	_ = 	snop  }
0x8c: {  	[hbm4b:s5+s2] =	stream.indirect_vreg.scatter [tilespmem:s19], [sflag:$0x3], $0x80, v4, vm0, $0xb8;
	[tilespmem:$0xC100] =	vst v63  }
0x8d: {  	_ = 	snop  }
0x8e: {  	[hbm4b:s3+s2] =	stream.indirect_vreg.scatter [tilespmem:s20], [sflag:$0x3], $0x80, v3, vm0, $0xb8;
	[tilespmem:$0xC100] =	vst v63  }
0x8f: {  	_ = 	snop  }
0x90: {  	[hbm4b:s4+s2] =	stream.indirect_vreg.scatter [tilespmem:s21], [sflag:$0x3], $0x80, v3, vm0, $0xb8;
	[tilespmem:$0xC100] =	vst v63  }
0x91: {  	_ = 	snop  }
0x92: {  	[hbm4b:s5+s2] =	stream.indirect_vreg.scatter [tilespmem:s22], [sflag:$0x3], $0x80, v3, vm0, $0xb8;
	[tilespmem:$0xC100] =	vst v63  }
0x93: {  	v3 =	vld [tilespmem:$0xA0];
	_ =	sdelay $0x4  }
0x94: {  	v62 =	vshrl.u32 v3, $0x3  }
0x95: {  	v4 =	vmul.u32 $0x30, v62  }
0x96: {  	v3 =	vand.u32 $0x7, v3  }
0x97: {  	v3 =	vor.u32 v3, v4  }
0x98: {  	v4 =	vperm.xlane v3, v0;
	_ =	sdelay $0x1  }
0x99: {  	v4 =	vadd.s32 v1, v4;
	_ =	sdelay $0x3  }
0x9a: {  	v3 =	vperm.xlane v3, v2  }
0x9b: {  	[hbm4b:s3+s2] =	stream.indirect_vreg.scatter [tilespmem:s23], [sflag:$0x3], $0x80, v4, vm0, $0xb8;
	[tilespmem:$0xC100] =	vst v63  }
0x9c: {  	v3 =	vadd.s32 v1, v3  }
0x9d: {  	[hbm4b:s4+s2] =	stream.indirect_vreg.scatter [tilespmem:s24], [sflag:$0x3], $0x80, v4, vm0, $0xb8;
	[tilespmem:$0xC100] =	vst v63  }
0x9e: {  	_ = 	snop  }
0x9f: {  	[hbm4b:s5+s2] =	stream.indirect_vreg.scatter [tilespmem:s25], [sflag:$0x3], $0x80, v4, vm0, $0xb8;
	[tilespmem:$0xC100] =	vst v63  }
0xa0: {  	_ = 	snop  }
0xa1: {  	[hbm4b:s3+s2] =	stream.indirect_vreg.scatter [tilespmem:s26], [sflag:$0x3], $0x80, v3, vm0, $0xb8;
	[tilespmem:$0xC100] =	vst v63  }
0xa2: {  	_ = 	snop  }
0xa3: {  	[hbm4b:s4+s2] =	stream.indirect_vreg.scatter [tilespmem:s28], [sflag:$0x3], $0x80, v3, vm0, $0xb8;
	[tilespmem:$0xC100] =	vst v63  }
0xa4: {  	_ = 	snop  }
0xa5: {  	[hbm4b:s5+s2] =	stream.indirect_vreg.scatter [tilespmem:s29], [sflag:$0x3], $0x80, v3, vm0, $0xb8;
	[tilespmem:$0xC100] =	vst v63  }
0xa6: {  	v3 =	vld [tilespmem:$0xB0];
	_ =	sdelay $0x4  }
0xa7: {  	v63 =	vshrl.u32 v3, $0x3  }
0xa8: {  	v4 =	vmul.u32 $0x30, v63  }
0xa9: {  	v3 =	vand.u32 $0x7, v3  }
0xaa: {  	v3 =	vor.u32 v3, v4  }
0xab: {  	v4 =	vperm.xlane v3, v0;
	_ =	sdelay $0x1  }
0xac: {  	v4 =	vadd.s32 v1, v4;
	_ =	sdelay $0x3  }
0xad: {  	v3 =	vperm.xlane v3, v2  }
0xae: {  	[hbm4b:s3+s2] =	stream.indirect_vreg.scatter [tilespmem:s30], [sflag:$0x3], $0x80, v4, vm0, $0xb8;
	[tilespmem:$0xC100] =	vst v63  }
0xaf: {  	v3 =	vadd.s32 v1, v3  }
0xb0: {  	[hbm4b:s4+s2] =	stream.indirect_vreg.scatter [tilespmem:s31], [sflag:$0x3], $0x80, v4, vm0, $0xb8;
	[tilespmem:$0xC100] =	vst v63  }
0xb1: {  	_ = 	snop  }
0xb2: {  	[hbm4b:s5+s2] =	stream.indirect_vreg.scatter [tilespmem:s1], [sflag:$0x3], $0x80, v4, vm0, $0xb8;
	[tilespmem:$0xC100] =	vst v63  }
0xb3: {  	_ = 	snop  }
0xb4: {  	[hbm4b:s3+s2] =	stream.indirect_vreg.scatter [tilespmem:s0], [sflag:$0x3], $0x80, v3, vm0, $0xb8;
	[tilespmem:$0xC100] =	vst v63  }
0xb5: {  	_ = 	snop  }
0xb6: {  	[hbm4b:s4+s2] =	stream.indirect_vreg.scatter [tilespmem:s8], [sflag:$0x3], $0x80, v3, vm0, $0xb8;
	[tilespmem:$0xC100] =	vst v63  }
0xb7: {  	s13 =	simm.s32 $0x2  }
0xb8: {  	[hbm4b:s5+s2] =	stream.indirect_vreg.scatter [tilespmem:s10], [sflag:$0x3], $0x80, v3, vm0, $0xb8;
	[tilespmem:$0xC100] =	vst v63  }
0xb9: {  	p0 =	sne.s32 s6, $0x1;
	_ =	swait.ge [sflag:s13], $0xC000  }
.Ltmp0:
0xba: {  	[sflag:s13] =	ssyncset.done $0x0;
	(pc) =	sbr.rel @p0 .LBB2_1-.Ltmp0, $4  }
0xbb: {  	[sflag:s13] =	ssyncadd.s32 $0xFFFF4000  }
0xbc: {  	_ =	swait.ge [sflag:s11], $0xC000  }
0xbd: {  	[sflag:s11] =	ssyncset.done $0x0  }
0xbe: {  	s6 =	sadd.s32 $0xFFFFFFFF, s6;
	[sflag:s11] =	ssyncadd.s32 $0xFFFF4000  }
0xbf: {  	_ =	sfence.sel $0x180000  }
0xc0: {  	[bflag:$0x0] =	sbarrier.arrive $0xFFFF  }
0xc1: {  	_ =	strace $0x90000047  }
0xc2: {  	s0 =	stileid.u32;
	[bflag:$0x2] =	sbarrier.arrive $0xFFFF  }
0xc3: {  	p0 =	sne.s32 s0, $0x0;
	s0 =	rddreg [dreg:$0x2]  }
0xc4: {  	s0 =	sadd.s32 @!p0 $0x100000, s0  }
0xc5: {  	[sflag:s0] =	ssyncadd.tile.s32 @!p0 $0x1;
	_ =	shalt  }
.Lfunc_end2:
_tile_overlayer_lowered:
.L_overlay_start_2:
0xc6: {  	(tag) =	ssettag $0x2  }
0xc7: {  	s0 =	rddreg [dreg:$0x0];
	s2 =	stileid.u32  }
0xc8: {  	s1 =	rddreg [dreg:$0x1];
	p0 =	sne.s32 s2, $0x0  }
0xc9: {  	s3 =	rddreg [dreg:$0x2];
	[bflag:$0x3] =	sbarrier.arrive $0xFFFF;
	s2 =	simm.s32 @!p0 $0x1C04  }
0xca: {  	[timem:s3], [sflag:s2] =	dma.local @!p0 [hbm:s0], s1  }
0xcb: {  	s0 =	simm.s32 @!p0 $0x4  }
0xcc: {  	_ =	swait.ge @!p0 [sflag:s0], s1  }
0xcd: {  	s1 =	ssub.s32 @!p0 $0x0, s1;
	[sflag:s0] =	ssyncset.done @!p0 $0x0  }
0xce: {  	[sflag:s0] =	ssyncadd.s32 @!p0 s1  }
0xcf: {  	[bflag:$0x3] =	sbarrier.arrive $0xFFFF  }
0xd0: {  	_ =	shalt  }

// kernel: kernel.9.cloned.1.call-start
scs
__scs_entry_jumppad:
0x0: {  	(pc) =	sbr.rel $0x88, $3  }
0x1: {  	(tag) =	ssettag $0x0;
	lr =	simm.s32 $0x1  }
0x2: {  	[smem:$0x3F9B] =	sst lr;
	_ =	strace $0xD0000000  }
0x3: {  	_ = 	snop  }
0x4: {  	_ = 	snop  }
0x5: {  	_ = 	snop  }
0x6: {  	_ = 	snop  }
0x7: {  	_ = 	snop  }
__scs_overlays_trampoline_lowered:
0x8: {  	[smem:$0x3FAA] =	sst s0  }
0x9: {  	[smem:$0x3FAB] =	sst s1  }
0xa: {  	[smem:$0x3FAC] =	sst s2  }
0xb: {  	[smem:$0x3FAD] =	sst s3  }
0xc: {  	[smem:$0x3FAE] =	sst s4  }
0xd: {  	[smem:$0x3FAF] =	sst s5  }
0xe: {  	[smem:$0x3FB0] =	sst s6  }
0xf: {  	[smem:$0x3FB1] =	sst s7  }
0x10: {  	[smem:$0x3FB2] =	sst s8  }
0x11: {  	[smem:$0x3FB3] =	sst s9;
	s0 =	simm.s32 @!p0 $0x0  }
0x12: {  	s1 =	sld [smem:$0x3F99];
	s0 =	simm.s32 @p0 $0x1  }
0x13: {  	[smem:$0x3FB4] =	sst s0;
	s0 =	simm.s32 @!p1 $0x0  }
0x14: {  	s2 =	sld [smem:$0x3F98];
	s0 =	simm.s32 @p1 $0x1  }
0x15: {  	[smem:$0x3FB5] =	sst s0;
	s0 =	simm.s32 @!p2 $0x0  }
0x16: {  	s3 =	sld [smem:$0x3FDB];
	s0 =	simm.s32 @p2 $0x1  }
0x17: {  	s4 =	simm.s32 $0x1BF5;
	[smem:$0x3FB7] =	sst s0  }
0x18: {  	s0 =	sld [smem:$0x3F9A];
	_ =	swait.ge [sflag:s4], $0x0  }
0x19: {  	s7 =	sld [smem:$0x3F9B]  }
0x1a: {  	s8 =	sadd.s32 $0xFFFFE003, lr  }
0x1b: {  	s9 =	sadd.s32 $0xFFFFFEF7, lr;
	s5 =	simm.s32 $0xFFFFFFFF;
	p2 =	slt.u32 s8, $0xFFFFF086  }
0x1c: {  	p1 =	slt.u32 s9, $0xF7A;
	s5 =	simm.s32 @!p2 $0x0  }
0x1d: {  	s5 =	simm.s32 @p1 $0x1;
	p0 =	seq.s32 s7, s2  }
0x1e: {  	s7 =	smul.u32 @!p0 $0xF7A, s2;
	p2 =	seq.s32 @!p0 s5, $0x0  }
0x1f: {  	s9 =	smul.u32 $0xF7A, s1;
	s8 =	simm.s32 @!p0 $0x1BF5;
	p2 =	por !p2, p0  }
0x20: {  	[sflag:s8] =	ssyncset.s32 @!p0 $0xFFFFF086;
	s6 =	sadd.s32 @!p0 s3, s7;
	s7 =	simm.s32 @!p0 $0x108  }
0x21: {  	s3 =	sadd.s32 s3, s9;
	s6 =	sadd.s32 @!p0 $0x88, s6;
	s7 =	simm.s32 @p2 $0x1082  }
0x22: {  	[simem:s7], [sflag:s8] =	dma.local @!p0 [hbm:s6], $0xF7A  }
0x23: {  	s9 =	sor.u32 $0xD0000000, s2;
	s6 =	simm.s32 $0x108;
	_ =	swait.ge @!p0 [sflag:s8], $0x0  }
0x24: {  	s3 =	sadd.s32 $0x88, s3;
	s6 =	simm.s32 @!p1 $0x1082;
	[sflag:s4] =	ssyncset.s32 $0xFFFFF086  }
0x25: {  	[simem:s6], [sflag:s4] =	dma.local [hbm:s3], $0xF7A  }
0x26: {  	[smem:$0x3F9B] =	sst s1;
	(tag) =	ssettag s2;
	_ =	strace s9  }
0x27: {  	s1 =	sld [smem:$0x3FAB]  }
0x28: {  	s2 =	sld [smem:$0x3FAC]  }
0x29: {  	s4 =	sld [smem:$0x3FAE]  }
0x2a: {  	p0 =	seq.s32 s5, $0x0;
	s5 =	sld [smem:$0x3FAF]  }
0x2b: {  	s6 =	sld [smem:$0x3FB0]  }
0x2c: {  	s7 =	sld [smem:$0x3FB1]  }
0x2d: {  	s3 =	simm.s32 $0x108;
	s8 =	sld [smem:$0x3FB2]  }
0x2e: {  	s3 =	simm.s32 @!p0 $0x1082;
	s9 =	sld [smem:$0x3FB3]  }
0x2f: {  	lr =	sadd.s32 s0, s3;
	s0 =	sld [smem:$0x3FAA]  }
0x30: {  	s3 =	sld [smem:$0x3FAD]  }
0x31: {  	[smem:$0x3FB6] =	sst s10  }
0x32: {  	s10 =	sld [smem:$0x3FB4];
	_ =	sdelay $0x3  }
0x33: {  	p0 =	seq.s32 s10, $0x1;
	s10 =	sld [smem:$0x3FB6];
	_ =	sdelay $0x3  }
0x34: {  	[smem:$0x3FB6] =	sst s10  }
0x35: {  	s10 =	sld [smem:$0x3FB5];
	_ =	sdelay $0x3  }
0x36: {  	p1 =	seq.s32 s10, $0x1;
	s10 =	sld [smem:$0x3FB6];
	_ =	sdelay $0x3  }
0x37: {  	[smem:$0x3FB6] =	sst s10  }
0x38: {  	s10 =	sld [smem:$0x3FB7]  }
0x39: {  	_ = 	snop;
	(pc) =	sbr.ind lr, $3  }
0x3a: {  	_ = 	snop  }
0x3b: {  	_ = 	snop  }
0x3c: {  	p2 =	seq.s32 s10, $0x1;
	s10 =	sld [smem:$0x3FB6]  }
0x3d: {  	_ =	shalt  }
0x3e: {  	_ =	shalt  }
0x3f: {  	_ =	shalt  }
0x40: {  	_ =	shalt  }
0x41: {  	_ =	shalt  }
0x42: {  	_ =	shalt  }
0x43: {  	_ =	shalt  }
0x44: {  	_ =	shalt  }
0x45: {  	_ =	shalt  }
0x46: {  	_ =	shalt  }
0x47: {  	_ =	shalt  }
0x48: {  	_ =	shalt  }
0x49: {  	_ =	shalt  }
0x4a: {  	_ =	shalt  }
0x4b: {  	_ =	shalt  }
0x4c: {  	_ =	shalt  }
0x4d: {  	_ =	shalt  }
0x4e: {  	_ =	shalt  }
0x4f: {  	_ =	shalt  }
0x50: {  	_ =	shalt  }
0x51: {  	_ =	shalt  }
0x52: {  	_ =	shalt  }
0x53: {  	_ =	shalt  }
0x54: {  	_ =	shalt  }
0x55: {  	_ =	shalt  }
0x56: {  	_ =	shalt  }
0x57: {  	_ =	shalt  }
0x58: {  	_ =	shalt  }
0x59: {  	_ =	shalt  }
0x5a: {  	_ =	shalt  }
0x5b: {  	_ =	shalt  }
0x5c: {  	_ =	shalt  }
0x5d: {  	_ =	shalt  }
0x5e: {  	_ =	shalt  }
0x5f: {  	_ =	shalt  }
0x60: {  	_ =	shalt  }
0x61: {  	_ =	shalt  }
0x62: {  	_ =	shalt  }
0x63: {  	_ =	shalt  }
0x64: {  	_ =	shalt  }
0x65: {  	_ =	shalt  }
0x66: {  	_ =	shalt  }
0x67: {  	_ =	shalt  }
0x68: {  	_ =	shalt  }
0x69: {  	_ =	shalt  }
0x6a: {  	_ =	shalt  }
0x6b: {  	_ =	shalt  }
0x6c: {  	_ =	shalt  }
0x6d: {  	_ =	shalt  }
0x6e: {  	_ =	shalt  }
0x6f: {  	_ =	shalt  }
0x70: {  	_ =	shalt  }
0x71: {  	_ =	shalt  }
0x72: {  	_ =	shalt  }
0x73: {  	_ =	shalt  }
0x74: {  	_ =	shalt  }
0x75: {  	_ =	shalt  }
0x76: {  	_ =	shalt  }
0x77: {  	_ =	shalt  }
0x78: {  	_ =	shalt  }
0x79: {  	_ =	shalt  }
0x7a: {  	_ =	shalt  }
0x7b: {  	_ =	shalt  }
0x7c: {  	_ =	shalt  }
0x7d: {  	_ =	shalt  }
0x7e: {  	_ =	shalt  }
0x7f: {  	_ =	shalt  }
0x80: {  	_ =	shalt  }
0x81: {  	_ =	shalt  }
0x82: {  	_ =	shalt  }
0x83: {  	_ =	shalt  }
0x84: {  	_ =	shalt  }
0x85: {  	_ =	shalt  }
0x86: {  	_ =	shalt  }
0x87: {  	_ =	shalt  }
.Lfunc_end0:
.L_simem_size_0:
called_computation.1_lowered:
.L_overlay_start_0:
0x88: {  	s2 =	sld [smem:$0x3FD9]  }
0x89: {  	s3 =	sld [smem:$0x3FFE];
	_ =	sdelay $0x1  }
0x8a: {  	s1 =	srdreg.scid  }
0x8b: {  	s0 =	sand.u32 $0x1, s1  }
0x8c: {  	s17 =	sshll.u32 s0, $0xA;
	s2 =	sadd.s32 s3, s2  }
0x8d: {  	s2 =	sadd.s32 s2, s17  }
0x8e: {  	[smem:$0x3FC2] =	sst s2  }
0x8f: {  	_ = 	snop  }
0x90: {  	s2 =	sld [smem:$0x3FD0];
	(tm) =	ssettm $0x1  }
0x91: {  	s18 =	sld [smem:$0x3FFB];
	_ =	sdelay $0x3  }
0x92: {  	_ =	strace s18  }
0x93: {  	s3 =	sld [smem:$0x3FFC];
	_ =	sdelay $0x3  }
0x94: {  	_ =	strace s3  }
0x95: {  	s3 =	sld [smem:$0x3FFD];
	_ =	sdelay $0x3  }
0x96: {  	_ =	strace s3  }
0x97: {  	_ =	strace $0x8FFFFFFF  }
0x98: {  	s19 =	sld [smem:$0x3FDB];
	_ =	sdelay $0x1  }
0x99: {  	s4 =	simm.s32 $_scs_section_size  }
0x9a: {  	s5 =	simm.s32 $_size__tile_overlayer_lowered;
	s6 =	simm.s32 $_tile_overlayer_lowered  }
0x9b: {  	s22 =	simm.s32 $0x1BFF;
	s21 =	sshll.u32 s6, $0x1;
	s3 =	sadd.s32 s4, s19  }
0x9c: {  	s7 =	simm.s32 $0x0;
	s20 =	sshll.u32 s5, $0x1;
	s5 =	sadd.s32 s21, s3  }
0x9d: {  	[timem:s7], [sflag:s22] =	dma.local [hbm:s5], s20  }
0x9e: {  	_ =	swait.ge [sflag:s22], s20  }
0x9f: {  	s4 =	ssub.s32 $0x0, s20;
	[sflag:s22] =	ssyncset.done $0x0  }
0xa0: {  	[sflag:s22] =	ssyncadd.s32 s4;
	_ =	sdelay $0x1  }
0xa1: {  	s23 =	simm.s32 $0x1B8B  }
0xa2: {  	_ =	swait.ge [sflag:s23], $0x1  }
0xa3: {  	[sflag:s23] =	ssyncset.done $0x0  }
0xa4: {  	s25 =	simm.s32 $0x1B8E;
	s24 =	sld [smem:$0x3FFE];
	[sflag:s23] =	ssyncadd.s32 $0xFFFFFFFF  }
0xa5: {  	s26 =	simm.s32 $execute0_lowered;
	[smem:$0x3FD2] =	sst s25  }
0xa6: {  	s5 =	sshll.u32 s26, $0x1;
	_ =	strace $0x80000049;
	[dreg:$0x1] =	wrdreg $0xFFFFFFFF  }
0xa7: {  	s28 =	simm.s32 $_size_execute0_lowered;
	s3 =	sadd.s32 s3, s5;
	[dreg:$0x0] =	wrdreg $0x0  }
0xa8: {  	s5 =	sshll.u32 s28, $0x1;
	[dreg:$0x2] =	wrdreg s3  }
0xa9: {  	[dreg:$0x3] =	wrdreg s5  }
0xaa: {  	[dreg:$0x4] =	wrdreg $0xC0  }
0xab: {  	_ =	task [dreg:s7], $0x5FFFF  }
0xac: {  	[dreg:$0x1] =	wrdreg $0xFFFFFFFF  }
0xad: {  	[dreg:$0x0] =	wrdreg $0x60  }
0xae: {  	[dreg:$0x2] =	wrdreg s24  }
0xaf: {  	[dreg:$0x3] =	wrdreg s2  }
0xb0: {  	[dreg:$0x4] =	wrdreg $0x9  }
0xb1: {  	_ =	task.clear_ibuf [dreg:s7], $0x5FFFF;
	_ =	strace $0x90000049  }
0xb2: {  	s29 =	simm.s32 $0x9;
	_ =	strace $0x8000004B  }
0xb3: {  	_ =	swait.ge [sflag:s29], $0x1  }
0xb4: {  	[sflag:s29] =	ssyncadd.s32 $0xFFFFFFFF  }
0xb5: {  	_ =	strace $0x9000004B  }
0xb6: {  	_ =	sfence  }
0xb7: {  	s30 =	sld [smem:$0x0];
	_ =	sdelay $0x2  }
0xb8: {  	s31 =	sshll.u32 s1, $0xD;
	s1 =	sshrl.u32 s1, $0x2  }
0xb9: {  	s3 =	sand.u32 $0x4000, s31;
	s1 =	sadd.s32 s1, s30  }
0xba: {  	s0 =	sor.u32 s3, s0;
	s1 =	sshll.u32 s1, $0x11  }
0xbb: {  	s0 =	sor.u32 s1, s0  }
0xbc: {  	s0 =	sadd.s32 $0x8F2B, s0  }
0xbd: {  	[sflag:s0] =	ssyncadd.remote.s32 $0x1  }
0xbe: {  	_ =	sfence.sel $0xFFFF  }
0xbf: {  	[dreg:$0x0] =	wrdreg $0xFFFFFFFF;
	(pc) =	sbr.abs _section_cstart, $3  }
0xc0: {  	[dreg:$0x1] =	wrdreg $0xFFFFFFFF  }
0xc1: {  	_ =	task.clear_ibuf [dreg:s7], $0x2FFFF;
	_ =	strace $0x9FFFFFFF  }
0xc2: {  	(tm) =	ssettm $0x7FFFFFFF  }
0xc3: {  	_ =	shalt  }
tec
execute0_lowered:
.L_overlay_start_1:
0x0: {  	(tag) =	ssettag $0x1  }
0x1: {  	s0 =	rddreg [dreg:$0x0]  }
0x2: {  	s2 =	rddreg [dreg:$0x1];
	s1 =	simm.s32 $0x0  }
0x3: {  	s4 =	srdreg.scid;
	s5 =	stileid.u32;
	s17 =	simm.s32 $0x6  }
0x4: {  	s23 =	simm.s32 $0x200;
	s18 =	simm.s32 $0xC200;
	s31 =	simm.s32 $0x1  }
0x5: {  	s19 =	simm.s32 $0x4;
	s20 =	simm.s32 $0x5;
	s21 =	simm.s32 $0x0  }
0x6: {  	[smem:$0x7FF] =	sst s1;
	s3 =	sadd.s32 $0x91A00, s0;
	s8 =	sadd.s32 $0x1600, s0  }
0x7: {  	s9 =	sadd.s32 $0x1800, s0;
	s4 =	sand.u32 $0x1, s4;
	s5 =	sshll.u32 s5, $0x1  }
0x8: {  	s10 =	sadd.s32 $0x1A00, s0;
	s11 =	sadd.s32 $0x9A00, s0;
	s6 =	ssub.s32 $0x2, s4  }
0x9: {  	_ =	strace $0x8000004A;
	s12 =	sor.u32 s4, s5;
	s28 =	sshrl.u32 s6, $0x1  }
0xa: {  	s13 =	sshll.u32 s12, $0x4;
	s14 =	sshll.u32 s12, $0xA;
	s15 =	smul.u32 $0xC000, s12  }
0xb: {  	s29 =	smul.u32 $0x1800, s12;
	s12 =	sadd.s32 $0x91B00, s0;
	s16 =	ssub.s32 s6, s28  }
0xc: {  	s4 =	sadd.s32 s8, s13;
	s5 =	sadd.s32 s9, s13;
	s6 =	sadd.s32 s10, s14  }
0xd: {  	s7 =	sadd.s32 s11, s14;
	s13 =	sor.u32 $0x4, s13;
	s14 =	sor.u32 $0x200, s14  }
0xe: {  	s8 =	sadd.s32 s8, s13;
	s9 =	sadd.s32 s9, s13;
	s10 =	sadd.s32 s10, s14  }
0xf: {  	v2 =	vlaneseq.u32;
	s11 =	sadd.s32 s11, s14;
	s15 =	sshrl.u32 s15, $0x3;
	s13 =	sadd.s32 $0x91C00, s0  }
0x10: {  	vm0 =	vmmov $0xffff;
	v1 =	vshrl.u32 v2, $0x3;
	s14 =	sadd.s32 s2, s29;
	s16 =	smax.u32 s16, $0x1;
	s30 =	sadd.s32 s2, s15  }
0x11: {  	v0 =	vand.u32 $0x7, v2;
	v2 =	vor.u32 $0x8, v2;
	v1 =	vmul.u32 $0x8, v1;
	s0 =	simm.s32 $0x2;
	s2 =	simm.s32 $0x3;
	s15 =	sadd.s32 $0xC00, s30  }
.LBB2_1:
0x12: {  	[tilespmem:s1], [sflag:$0x6] =	stream.linear.gather [hbm4b:s4+s1], $0x20, $0x38;
	[tilespmem:$0x1C200] =	vst v63  }
0x13: {  	_ =	swait.ge [sflag:s17], $0x20  }
0x14: {  	[sflag:s17] =	ssyncset.done $0x0  }
0x15: {  	s22 =	simm.s32 $0x80;
	[sflag:s17] =	ssyncadd.s32 $0xFFFFFFE0  }
0x16: {  	[tilespmem:s22], [sflag:$0x6] =	stream.linear.gather [hbm4b:s5+s1], $0x20, $0x38;
	[tilespmem:$0x1C200] =	vst v63  }
0x17: {  	_ =	swait.ge [sflag:s17], $0x20  }
0x18: {  	[sflag:s17] =	ssyncset.done $0x0  }
0x19: {  	s22 =	simm.s32 $0x18200;
	[sflag:s17] =	ssyncadd.s32 $0xFFFFFFE0  }
0x1a: {  	[tilespmem:s22], [sflag:$0x6] =	stream.linear.gather [hbm4b:s6+s1], $0x1000, $0x38;
	[tilespmem:$0x1C200] =	vst v63  }
0x1b: {  	_ =	swait.ge [sflag:s17], $0x1000  }
0x1c: {  	[sflag:s17] =	ssyncset.done $0x0  }
0x1d: {  	s24 =	simm.s32 $0x19200;
	[sflag:s17] =	ssyncadd.s32 $0xFFFFF000  }
0x1e: {  	[tilespmem:s24], [sflag:$0x6] =	stream.linear.gather [hbm4b:s7+s1], $0x1000, $0x38;
	[tilespmem:$0x1C200] =	vst v63  }
0x1f: {  	_ =	swait.ge [sflag:s17], $0x1000  }
0x20: {  	[sflag:s17] =	ssyncset.done $0x0  }
0x21: {  	s25 =	simm.s32 $0x100;
	[sflag:s17] =	ssyncadd.s32 $0xFFFFF000  }
0x22: {  	[tilespmem:s25], [sflag:$0x6] =	stream.linear.gather [hbm4b:s8+s1], $0x20, $0x38;
	[tilespmem:$0x1C200] =	vst v63  }
0x23: {  	_ =	swait.ge [sflag:s17], $0x20  }
0x24: {  	[sflag:s17] =	ssyncset.done $0x0  }
0x25: {  	s26 =	simm.s32 $0x180;
	[sflag:s17] =	ssyncadd.s32 $0xFFFFFFE0  }
0x26: {  	[tilespmem:s26], [sflag:$0x6] =	stream.linear.gather [hbm4b:s9+s1], $0x20, $0x38;
	[tilespmem:$0x1C200] =	vst v63  }
0x27: {  	_ =	swait.ge [sflag:s17], $0x20  }
0x28: {  	[sflag:s17] =	ssyncset.done $0x0  }
0x29: {  	s29 =	simm.s32 $0x1A200;
	[sflag:s17] =	ssyncadd.s32 $0xFFFFFFE0  }
0x2a: {  	[tilespmem:s29], [sflag:$0x6] =	stream.linear.gather [hbm4b:s10+s1], $0x1000, $0x38;
	[tilespmem:$0x1C200] =	vst v63  }
0x2b: {  	_ =	swait.ge [sflag:s17], $0x1000  }
0x2c: {  	[sflag:s17] =	ssyncset.done $0x0  }
0x2d: {  	s30 =	simm.s32 $0x1B200;
	[sflag:s17] =	ssyncadd.s32 $0xFFFFF000  }
0x2e: {  	[tilespmem:s30], [sflag:$0x6] =	stream.linear.gather [hbm4b:s11+s1], $0x1000, $0x38;
	[tilespmem:$0x1C200] =	vst v63  }
0x2f: {  	_ =	swait.ge [sflag:s17], $0x1000  }
0x30: {  	[sflag:s17] =	ssyncset.done $0x0  }
0x31: {  	[sflag:s17] =	ssyncadd.s32 $0xFFFFF000  }
0x32: {  	v3 =	vld [tilespmem:$0x0];
	_ =	sdelay $0x4  }
0x33: {  	v4 =	vshrl.u32 v3, $0x3  }
0x34: {  	v4 =	vmul.u32 $0x30, v4  }
0x35: {  	v3 =	vand.u32 $0x7, v3  }
0x36: {  	v3 =	vor.u32 v3, v4  }
0x37: {  	v4 =	vperm.xlane v3, v0;
	_ =	sdelay $0x1  }
0x38: {  	v4 =	vadd.s32 v1, v4;
	_ =	sdelay $0x3  }
0x39: {  	v3 =	vperm.xlane v3, v2  }
0x3a: {  	[tilespmem:s23], [sflag:$0x1] =	stream.indirect_vreg.gather [hbm4b:s3+s1], $0x80, v4, vm0, $0xb8;
	[tilespmem:$0x1C200] =	vst v63  }
0x3b: {  	s26 =	simm.s32 $0xA00;
	v3 =	vadd.s32 v1, v3  }
0x3c: {  	[tilespmem:s26], [sflag:$0x1] =	stream.indirect_vreg.gather [hbm4b:s12+s1], $0x80, v4, vm0, $0xb8;
	[tilespmem:$0x1C200] =	vst v63  }
0x3d: {  	s29 =	simm.s32 $0x1200  }
0x3e: {  	[tilespmem:s29], [sflag:$0x1] =	stream.indirect_vreg.gather [hbm4b:s13+s1], $0x80, v4, vm0, $0xb8;
	[tilespmem:$0x1C200] =	vst v63  }
0x3f: {  	s30 =	simm.s32 $0x1A00  }
0x40: {  	[tilespmem:s30], [sflag:$0x1] =	stream.indirect_vreg.gather [hbm4b:s3+s1], $0x80, v3, vm0, $0xb8;
	[tilespmem:$0x1C200] =	vst v63  }
0x41: {  	s26 =	simm.s32 $0x2200  }
0x42: {  	[tilespmem:s26], [sflag:$0x1] =	stream.indirect_vreg.gather [hbm4b:s12+s1], $0x80, v3, vm0, $0xb8;
	[tilespmem:$0x1C200] =	vst v63  }
0x43: {  	s29 =	simm.s32 $0x2A00  }
0x44: {  	[tilespmem:s29], [sflag:$0x1] =	stream.indirect_vreg.gather [hbm4b:s13+s1], $0x80, v3, vm0, $0xb8;
	[tilespmem:$0x1C200] =	vst v63  }
0x45: {  	v3 =	vld [tilespmem:$0x10];
	_ =	sdelay $0x4  }
0x46: {  	v4 =	vshrl.u32 v3, $0x3  }
0x47: {  	v4 =	vmul.u32 $0x30, v4  }
0x48: {  	v3 =	vand.u32 $0x7, v3  }
0x49: {  	v3 =	vor.u32 v3, v4  }
0x4a: {  	v4 =	vperm.xlane v3, v0;
	_ =	sdelay $0x1  }
0x4b: {  	v4 =	vadd.s32 v1, v4;
	_ =	sdelay $0x3  }
0x4c: {  	s30 =	simm.s32 $0x3200;
	v3 =	vperm.xlane v3, v2  }
0x4d: {  	[tilespmem:s30], [sflag:$0x1] =	stream.indirect_vreg.gather [hbm4b:s3+s1], $0x80, v4, vm0, $0xb8;
	[tilespmem:$0x1C200] =	vst v63  }
0x4e: {  	s26 =	simm.s32 $0x3A00;
	v3 =	vadd.s32 v1, v3  }
0x4f: {  	[tilespmem:s26], [sflag:$0x1] =	stream.indirect_vreg.gather [hbm4b:s12+s1], $0x80, v4, vm0, $0xb8;
	[tilespmem:$0x1C200] =	vst v63  }
0x50: {  	s29 =	simm.s32 $0x4200  }
0x51: {  	[tilespmem:s29], [sflag:$0x1] =	stream.indirect_vreg.gather [hbm4b:s13+s1], $0x80, v4, vm0, $0xb8;
	[tilespmem:$0x1C200] =	vst v63  }
0x52: {  	s30 =	simm.s32 $0x4A00  }
0x53: {  	[tilespmem:s30], [sflag:$0x1] =	stream.indirect_vreg.gather [hbm4b:s3+s1], $0x80, v3, vm0, $0xb8;
	[tilespmem:$0x1C200] =	vst v63  }
0x54: {  	s26 =	simm.s32 $0x5200  }
0x55: {  	[tilespmem:s26], [sflag:$0x1] =	stream.indirect_vreg.gather [hbm4b:s12+s1], $0x80, v3, vm0, $0xb8;
	[tilespmem:$0x1C200] =	vst v63  }
0x56: {  	s29 =	simm.s32 $0x5A00  }
0x57: {  	[tilespmem:s29], [sflag:$0x1] =	stream.indirect_vreg.gather [hbm4b:s13+s1], $0x80, v3, vm0, $0xb8;
	[tilespmem:$0x1C200] =	vst v63  }
0x58: {  	v3 =	vld [tilespmem:$0x80];
	_ =	sdelay $0x4  }
0x59: {  	v4 =	vshrl.u32 v3, $0x3  }
0x5a: {  	v4 =	vmul.u32 $0x30, v4  }
0x5b: {  	v3 =	vand.u32 $0x7, v3  }
0x5c: {  	v3 =	vor.u32 v3, v4  }
0x5d: {  	v4 =	vperm.xlane v3, v0;
	_ =	sdelay $0x1  }
0x5e: {  	v4 =	vadd.s32 v1, v4;
	_ =	sdelay $0x3  }
0x5f: {  	s30 =	simm.s32 $0x6200;
	v3 =	vperm.xlane v3, v2  }
0x60: {  	[tilespmem:s30], [sflag:$0x2] =	stream.indirect_vreg.gather [hbm4b:s3+s1], $0x80, v4, vm0, $0xb8;
	[tilespmem:$0x1C200] =	vst v63  }
0x61: {  	s26 =	simm.s32 $0x6A00;
	v3 =	vadd.s32 v1, v3  }
0x62: {  	[tilespmem:s26], [sflag:$0x2] =	stream.indirect_vreg.gather [hbm4b:s12+s1], $0x80, v4, vm0, $0xb8;
	[tilespmem:$0x1C200] =	vst v63  }
0x63: {  	s29 =	simm.s32 $0x7200  }
0x64: {  	[tilespmem:s29], [sflag:$0x2] =	stream.indirect_vreg.gather [hbm4b:s13+s1], $0x80, v4, vm0, $0xb8;
	[tilespmem:$0x1C200] =	vst v63  }
0x65: {  	s30 =	simm.s32 $0x7A00  }
0x66: {  	[tilespmem:s30], [sflag:$0x2] =	stream.indirect_vreg.gather [hbm4b:s3+s1], $0x80, v3, vm0, $0xb8;
	[tilespmem:$0x1C200] =	vst v63  }
0x67: {  	s26 =	simm.s32 $0x8200  }
0x68: {  	[tilespmem:s26], [sflag:$0x2] =	stream.indirect_vreg.gather [hbm4b:s12+s1], $0x80, v3, vm0, $0xb8;
	[tilespmem:$0x1C200] =	vst v63  }
0x69: {  	s29 =	simm.s32 $0x8A00  }
0x6a: {  	[tilespmem:s29], [sflag:$0x2] =	stream.indirect_vreg.gather [hbm4b:s13+s1], $0x80, v3, vm0, $0xb8;
	[tilespmem:$0x1C200] =	vst v63  }
0x6b: {  	v3 =	vld [tilespmem:$0x90];
	_ =	sdelay $0x4  }
0x6c: {  	v4 =	vshrl.u32 v3, $0x3  }
0x6d: {  	v4 =	vmul.u32 $0x30, v4  }
0x6e: {  	v3 =	vand.u32 $0x7, v3  }
0x6f: {  	v3 =	vor.u32 v3, v4  }
0x70: {  	v4 =	vperm.xlane v3, v0;
	_ =	sdelay $0x1  }
0x71: {  	v4 =	vadd.s32 v1, v4;
	_ =	sdelay $0x3  }
0x72: {  	s30 =	simm.s32 $0x9200;
	v3 =	vperm.xlane v3, v2  }
0x73: {  	[tilespmem:s30], [sflag:$0x2] =	stream.indirect_vreg.gather [hbm4b:s3+s1], $0x80, v4, vm0, $0xb8;
	[tilespmem:$0x1C200] =	vst v63  }
0x74: {  	s26 =	simm.s32 $0x9A00;
	v3 =	vadd.s32 v1, v3  }
0x75: {  	[tilespmem:s26], [sflag:$0x2] =	stream.indirect_vreg.gather [hbm4b:s12+s1], $0x80, v4, vm0, $0xb8;
	[tilespmem:$0x1C200] =	vst v63  }
0x76: {  	s29 =	simm.s32 $0xA200  }
0x77: {  	[tilespmem:s29], [sflag:$0x2] =	stream.indirect_vreg.gather [hbm4b:s13+s1], $0x80, v4, vm0, $0xb8;
	[tilespmem:$0x1C200] =	vst v63  }
0x78: {  	s30 =	simm.s32 $0xAA00  }
0x79: {  	[tilespmem:s30], [sflag:$0x2] =	stream.indirect_vreg.gather [hbm4b:s3+s1], $0x80, v3, vm0, $0xb8;
	[tilespmem:$0x1C200] =	vst v63  }
0x7a: {  	s26 =	simm.s32 $0xB200  }
0x7b: {  	[tilespmem:s26], [sflag:$0x2] =	stream.indirect_vreg.gather [hbm4b:s12+s1], $0x80, v3, vm0, $0xb8;
	[tilespmem:$0x1C200] =	vst v63  }
0x7c: {  	s29 =	simm.s32 $0xBA00  }
0x7d: {  	[tilespmem:s29], [sflag:$0x2] =	stream.indirect_vreg.gather [hbm4b:s13+s1], $0x80, v3, vm0, $0xb8;
	[tilespmem:$0x1C200] =	vst v63  }
0x7e: {  	v3 =	vld [tilespmem:$0x100];
	_ =	sdelay $0x4  }
0x7f: {  	v4 =	vshrl.u32 v3, $0x3  }
0x80: {  	v4 =	vmul.u32 $0x30, v4  }
0x81: {  	v3 =	vand.u32 $0x7, v3  }
0x82: {  	v3 =	vor.u32 v3, v4  }
0x83: {  	v4 =	vperm.xlane v3, v0;
	_ =	sdelay $0x1  }
0x84: {  	v4 =	vadd.s32 v1, v4;
	_ =	sdelay $0x3  }
0x85: {  	v3 =	vperm.xlane v3, v2  }
0x86: {  	[tilespmem:s18], [sflag:$0x3] =	stream.indirect_vreg.gather [hbm4b:s3+s1], $0x80, v4, vm0, $0xb8;
	[tilespmem:$0x1C200] =	vst v63  }
0x87: {  	s30 =	simm.s32 $0xCA00;
	v3 =	vadd.s32 v1, v3  }
0x88: {  	[tilespmem:s30], [sflag:$0x3] =	stream.indirect_vreg.gather [hbm4b:s12+s1], $0x80, v4, vm0, $0xb8;
	[tilespmem:$0x1C200] =	vst v63  }
0x89: {  	s26 =	simm.s32 $0xD200  }
0x8a: {  	[tilespmem:s26], [sflag:$0x3] =	stream.indirect_vreg.gather [hbm4b:s13+s1], $0x80, v4, vm0, $0xb8;
	[tilespmem:$0x1C200] =	vst v63  }
0x8b: {  	s29 =	simm.s32 $0xDA00  }
0x8c: {  	[tilespmem:s29], [sflag:$0x3] =	stream.indirect_vreg.gather [hbm4b:s3+s1], $0x80, v3, vm0, $0xb8;
	[tilespmem:$0x1C200] =	vst v63  }
0x8d: {  	s30 =	simm.s32 $0xE200  }
0x8e: {  	[tilespmem:s30], [sflag:$0x3] =	stream.indirect_vreg.gather [hbm4b:s12+s1], $0x80, v3, vm0, $0xb8;
	[tilespmem:$0x1C200] =	vst v63  }
0x8f: {  	s26 =	simm.s32 $0xEA00  }
0x90: {  	[tilespmem:s26], [sflag:$0x3] =	stream.indirect_vreg.gather [hbm4b:s13+s1], $0x80, v3, vm0, $0xb8;
	[tilespmem:$0x1C200] =	vst v63  }
0x91: {  	v3 =	vld [tilespmem:$0x110];
	_ =	sdelay $0x4  }
0x92: {  	v4 =	vshrl.u32 v3, $0x3  }
0x93: {  	v4 =	vmul.u32 $0x30, v4  }
0x94: {  	v3 =	vand.u32 $0x7, v3  }
0x95: {  	v3 =	vor.u32 v3, v4  }
0x96: {  	v4 =	vperm.xlane v3, v0;
	_ =	sdelay $0x1  }
0x97: {  	v4 =	vadd.s32 v1, v4;
	_ =	sdelay $0x3  }
0x98: {  	s29 =	simm.s32 $0xF200;
	v3 =	vperm.xlane v3, v2  }
0x99: {  	[tilespmem:s29], [sflag:$0x3] =	stream.indirect_vreg.gather [hbm4b:s3+s1], $0x80, v4, vm0, $0xb8;
	[tilespmem:$0x1C200] =	vst v63  }
0x9a: {  	s30 =	simm.s32 $0xFA00;
	v3 =	vadd.s32 v1, v3  }
0x9b: {  	[tilespmem:s30], [sflag:$0x3] =	stream.indirect_vreg.gather [hbm4b:s12+s1], $0x80, v4, vm0, $0xb8;
	[tilespmem:$0x1C200] =	vst v63  }
0x9c: {  	s26 =	simm.s32 $0x10200  }
0x9d: {  	[tilespmem:s26], [sflag:$0x3] =	stream.indirect_vreg.gather [hbm4b:s13+s1], $0x80, v4, vm0, $0xb8;
	[tilespmem:$0x1C200] =	vst v63  }
0x9e: {  	s29 =	simm.s32 $0x10A00  }
0x9f: {  	[tilespmem:s29], [sflag:$0x3] =	stream.indirect_vreg.gather [hbm4b:s3+s1], $0x80, v3, vm0, $0xb8;
	[tilespmem:$0x1C200] =	vst v63  }
0xa0: {  	s30 =	simm.s32 $0x11200  }
0xa1: {  	[tilespmem:s30], [sflag:$0x3] =	stream.indirect_vreg.gather [hbm4b:s12+s1], $0x80, v3, vm0, $0xb8;
	[tilespmem:$0x1C200] =	vst v63  }
0xa2: {  	s26 =	simm.s32 $0x11A00  }
0xa3: {  	[tilespmem:s26], [sflag:$0x3] =	stream.indirect_vreg.gather [hbm4b:s13+s1], $0x80, v3, vm0, $0xb8;
	[tilespmem:$0x1C200] =	vst v63  }
0xa4: {  	v3 =	vld [tilespmem:$0x180];
	_ =	sdelay $0x4  }
0xa5: {  	v4 =	vshrl.u32 v3, $0x3  }
0xa6: {  	v4 =	vmul.u32 $0x30, v4  }
0xa7: {  	v3 =	vand.u32 $0x7, v3  }
0xa8: {  	v3 =	vor.u32 v3, v4  }
0xa9: {  	v4 =	vperm.xlane v3, v0;
	_ =	sdelay $0x1  }
0xaa: {  	v4 =	vadd.s32 v1, v4;
	_ =	sdelay $0x3  }
0xab: {  	s29 =	simm.s32 $0x12200;
	v3 =	vperm.xlane v3, v2  }
0xac: {  	[tilespmem:s29], [sflag:$0x4] =	stream.indirect_vreg.gather [hbm4b:s3+s1], $0x80, v4, vm0, $0xb8;
	[tilespmem:$0x1C200] =	vst v63  }
0xad: {  	s30 =	simm.s32 $0x12A00;
	v3 =	vadd.s32 v1, v3  }
0xae: {  	[tilespmem:s30], [sflag:$0x4] =	stream.indirect_vreg.gather [hbm4b:s12+s1], $0x80, v4, vm0, $0xb8;
	[tilespmem:$0x1C200] =	vst v63  }
0xaf: {  	s26 =	simm.s32 $0x13200  }
0xb0: {  	[tilespmem:s26], [sflag:$0x4] =	stream.indirect_vreg.gather [hbm4b:s13+s1], $0x80, v4, vm0, $0xb8;
	[tilespmem:$0x1C200] =	vst v63  }
0xb1: {  	s29 =	simm.s32 $0x13A00  }
0xb2: {  	[tilespmem:s29], [sflag:$0x4] =	stream.indirect_vreg.gather [hbm4b:s3+s1], $0x80, v3, vm0, $0xb8;
	[tilespmem:$0x1C200] =	vst v63  }
0xb3: {  	s30 =	simm.s32 $0x14200  }
0xb4: {  	[tilespmem:s30], [sflag:$0x4] =	stream.indirect_vreg.gather [hbm4b:s12+s1], $0x80, v3, vm0, $0xb8;
	[tilespmem:$0x1C200] =	vst v63  }
0xb5: {  	s26 =	simm.s32 $0x14A00  }
0xb6: {  	[tilespmem:s26], [sflag:$0x4] =	stream.indirect_vreg.gather [hbm4b:s13+s1], $0x80, v3, vm0, $0xb8;
	[tilespmem:$0x1C200] =	vst v63  }
0xb7: {  	v3 =	vld [tilespmem:$0x190];
	_ =	sdelay $0x4  }
0xb8: {  	v4 =	vshrl.u32 v3, $0x3  }
0xb9: {  	v4 =	vmul.u32 $0x30, v4  }
0xba: {  	v3 =	vand.u32 $0x7, v3  }
0xbb: {  	v3 =	vor.u32 v3, v4  }
0xbc: {  	v4 =	vperm.xlane v3, v0;
	_ =	sdelay $0x1  }
0xbd: {  	v4 =	vadd.s32 v1, v4;
	_ =	sdelay $0x3  }
0xbe: {  	s29 =	simm.s32 $0x15200;
	v3 =	vperm.xlane v3, v2  }
0xbf: {  	[tilespmem:s29], [sflag:$0x4] =	stream.indirect_vreg.gather [hbm4b:s3+s1], $0x80, v4, vm0, $0xb8;
	[tilespmem:$0x1C200] =	vst v63  }
0xc0: {  	s30 =	simm.s32 $0x15A00;
	v3 =	vadd.s32 v1, v3  }
0xc1: {  	[tilespmem:s30], [sflag:$0x4] =	stream.indirect_vreg.gather [hbm4b:s12+s1], $0x80, v4, vm0, $0xb8;
	[tilespmem:$0x1C200] =	vst v63  }
0xc2: {  	s26 =	simm.s32 $0x16200  }
0xc3: {  	[tilespmem:s26], [sflag:$0x4] =	stream.indirect_vreg.gather [hbm4b:s13+s1], $0x80, v4, vm0, $0xb8;
	[tilespmem:$0x1C200] =	vst v63  }
0xc4: {  	s29 =	simm.s32 $0x16A00  }
0xc5: {  	[tilespmem:s29], [sflag:$0x4] =	stream.indirect_vreg.gather [hbm4b:s3+s1], $0x80, v3, vm0, $0xb8;
	[tilespmem:$0x1C200] =	vst v63  }
0xc6: {  	s30 =	simm.s32 $0x17200  }
0xc7: {  	[tilespmem:s30], [sflag:$0x4] =	stream.indirect_vreg.gather [hbm4b:s12+s1], $0x80, v3, vm0, $0xb8;
	[tilespmem:$0x1C200] =	vst v63  }
0xc8: {  	s26 =	simm.s32 $0x17A00  }
0xc9: {  	[tilespmem:s26], [sflag:$0x4] =	stream.indirect_vreg.gather [hbm4b:s13+s1], $0x80, v3, vm0, $0xb8;
	[tilespmem:$0x1C200] =	vst v63  }
0xca: {  	_ =	swait.ge [sflag:s31], $0x6000  }
0xcb: {  	[sflag:s31] =	ssyncset.done $0x0  }
0xcc: {  	s29 =	simm.s32 $0x0;
	[sflag:s31] =	ssyncadd.s32 $0xFFFFA000  }
0xcd: {  	s25 =	smul.u32 $0x1800, s29;
	_ =	swait.ge [sflag:s0], $0x6000  }
0xce: {  	s26 =	sand.u32 $0x380, s1;
	[sflag:s0] =	ssyncset.done $0x0  }
0xcf: {  	s28 =	sor.u32 s26, s25;
	[sflag:s0] =	ssyncadd.s32 $0xFFFFA000  }
0xd0: {  	v4 =	vld [tilespmem:s28+$0x210]  }
0xd1: {  	v3 =	vld [tilespmem:s28+$0x6210]  }
0xd2: {  	v6 =	vld [tilespmem:s28+$0x220]  }
0xd3: {  	v5 =	vld [tilespmem:s28+$0x6220]  }
0xd4: {  	v10 =	vld [tilespmem:s28+$0x230]  }
0xd5: {  	v9 =	vld [tilespmem:s28+$0x6230]  }
0xd6: {  	v12 =	vld [tilespmem:s28+$0x240]  }
0xd7: {  	v11 =	vld [tilespmem:s28+$0x6240]  }
0xd8: {  	v13 =	vld [tilespmem:s28+$0x260]  }
0xd9: {  	v14 =	vld [tilespmem:s28+$0x270]  }
0xda: {  	v15 =	vld [tilespmem:s28+$0x600]  }
0xdb: {  	v16 =	vld [tilespmem:s28+$0x610]  }
0xdc: {  	v17 =	vld [tilespmem:s28+$0x620]  }
0xdd: {  	v18 =	vld [tilespmem:s28+$0x630]  }
0xde: {  	v19 =	vld [tilespmem:s28+$0x640]  }
0xdf: {  	v20 =	vld [tilespmem:s28+$0x650]  }
0xe0: {  	v21 =	vld [tilespmem:s28+$0x660]  }
0xe1: {  	v22 =	vld [tilespmem:s28+$0x670]  }
0xe2: {  	v23 =	vld [tilespmem:s28+$0xA00]  }
0xe3: {  	v24 =	vld [tilespmem:s28+$0xA10]  }
0xe4: {  	v25 =	vld [tilespmem:s28+$0xA20]  }
0xe5: {  	v26 =	vld [tilespmem:s28+$0xA30]  }
0xe6: {  	v27 =	vld [tilespmem:s28+$0xA40]  }
0xe7: {  	v28 =	vld [tilespmem:s28+$0xA50]  }
0xe8: {  	v29 =	vld [tilespmem:s28+$0xA60]  }
0xe9: {  	v30 =	vld [tilespmem:s28+$0xA70]  }
0xea: {  	v31 =	vld [tilespmem:s28+$0xE00]  }
0xeb: {  	v32 =	vld [tilespmem:s28+$0xE10]  }
0xec: {  	v33 =	vld [tilespmem:s28+$0xE20]  }
0xed: {  	v34 =	vld [tilespmem:s28+$0xE30]  }
0xee: {  	v35 =	vld [tilespmem:s28+$0xE40]  }
0xef: {  	v36 =	vld [tilespmem:s28+$0xE50]  }
0xf0: {  	v37 =	vld [tilespmem:s28+$0xE60]  }
0xf1: {  	v38 =	vld [tilespmem:s28+$0xE70]  }
0xf2: {  	v39 =	vld [tilespmem:s28+$0x1200]  }
0xf3: {  	v40 =	vld [tilespmem:s28+$0x1210]  }
0xf4: {  	v41 =	vld [tilespmem:s28+$0x1220]  }
0xf5: {  	v42 =	vld [tilespmem:s28+$0x1230]  }
0xf6: {  	v43 =	vld [tilespmem:s28+$0x1240]  }
0xf7: {  	v44 =	vld [tilespmem:s28+$0x1250]  }
0xf8: {  	v45 =	vld [tilespmem:s28+$0x1260]  }
0xf9: {  	v46 =	vld [tilespmem:s28+$0x1600]  }
0xfa: {  	v47 =	vld [tilespmem:s28+$0x1610]  }
0xfb: {  	v48 =	vld [tilespmem:s28+$0x7610]  }
0xfc: {  	v49 =	vld [tilespmem:s28+$0x7630]  }
0xfd: {  	v50 =	vld [tilespmem:s28+$0x1630]  }
0xfe: {  	v51 =	vld [tilespmem:s28+$0x1620]  }
0xff: {  	v7 =	vld [tilespmem:s22+$0x0]  }
0x100: {  	v8 =	vld [tilespmem:s24+$0x0]  }
0x101: {  	v52 =	vld [tilespmem:s28+$0x7620]  }
0x102: {  	v53 =	vld [tilespmem:s28+$0x7600]  }
0x103: {  	v54 =	vld [tilespmem:s28+$0x1270]  }
0x104: {  	v55 =	vld [tilespmem:s28+$0x7270];
	v50 =	vmul.f32 v50, v7  }
0x105: {  	v56 =	vld [tilespmem:s28+$0x7260];
	v49 =	vmul.f32 v49, v8;
	v51 =	vmul.f32 v51, v7  }
0x106: {  	v57 =	vld [tilespmem:s28+$0x7250];
	v52 =	vmul.f32 v52, v8;
	v47 =	vmul.f32 v47, v7  }
0x107: {  	v61 =	vld [tilespmem:s28+$0x7200];
	v48 =	vmul.f32 v48, v8;
	v46 =	vmul.f32 v46, v7  }
0x108: {  	v58 =	vld [tilespmem:s28+$0x7240];
	v62 =	vmul.f32 v53, v8;
	v63 =	vmul.f32 v54, v7;
	v49 =	vadd.f32 v49, v50  }
0x109: {  	v53 =	vld [tilespmem:s28+$0x7230];
	v59 =	vmul.f32 v55, v8;
	v45 =	vmul.f32 v45, v7;
	v51 =	vadd.f32 v52, v51  }
0x10a: {  	v60 =	vmul.f32 v56, v8;
	v44 =	vmul.f32 v44, v7;
	v56 =	vld [tilespmem:s28+$0x6E60];
	v47 =	vadd.f32 v48, v47;
	[tilespmem:s28+$0x1630] =	vst v49  }
0x10b: {  	v43 =	vmul.f32 v43, v7;
	v39 =	vmul.f32 v39, v7;
	v55 =	vld [tilespmem:s28+$0x6A70];
	v46 =	vadd.f32 v62, v46;
	[tilespmem:s28+$0x1620] =	vst v51  }
0x10c: {  	v61 =	vmul.f32 v61, v8;
	v12 =	vmul.f32 v12, v7;
	v48 =	vld [tilespmem:s28+$0x7220];
	v52 =	vadd.f32 v59, v63;
	[tilespmem:s28+$0x1610] =	vst v47  }
0x10d: {  	v11 =	vmul.f32 v11, v8;
	v63 =	vmul.f32 v58, v8;
	v45 =	vadd.f32 v60, v45;
	v58 =	vld [tilespmem:s28+$0x6E50];
	[tilespmem:s28+$0x1600] =	vst v46  }
0x10e: {  	v42 =	vmul.f32 v42, v7;
	v62 =	vmul.f32 v57, v8;
	v59 =	vld [tilespmem:s28+$0x6E40];
	v39 =	vadd.f32 v61, v39;
	[tilespmem:s28+$0x1270] =	vst v52  }
0x10f: {  	v41 =	vmul.f32 v41, v7;
	v40 =	vmul.f32 v40, v7;
	v60 =	vld [tilespmem:s28+$0x6E30];
	v11 =	vadd.f32 v11, v12;
	[tilespmem:s28+$0x1260] =	vst v45  }
0x110: {  	v38 =	vmul.f32 v38, v7;
	v61 =	vld [tilespmem:s28+$0x6A10];
	v44 =	vadd.f32 v62, v44;
	[tilespmem:s28+$0x1200] =	vst v39;
	v57 =	vmul.f32 v53, v8  }
0x111: {  	v37 =	vmul.f32 v37, v7;
	v49 =	vld [tilespmem:s28+$0x7210];
	v43 =	vadd.f32 v63, v43;
	[tilespmem:s28+$0x240] =	vst v11;
	v46 =	vmul.f32 v56, v8  }
0x112: {  	v36 =	vmul.f32 v36, v7;
	v47 =	vld [tilespmem:s28+$0x6E70];
	[tilespmem:s28+$0x1250] =	vst v44;
	v48 =	vmul.f32 v48, v8;
	v42 =	vadd.f32 v57, v42  }
0x113: {  	v35 =	vmul.f32 v35, v7;
	v62 =	vld [tilespmem:s28+$0x6E20];
	[tilespmem:s28+$0x1240] =	vst v43;
	v54 =	vmul.f32 v58, v8;
	v37 =	vadd.f32 v46, v37  }
0x114: {  	v34 =	vmul.f32 v34, v7;
	v63 =	vld [tilespmem:s28+$0x6E10];
	v45 =	vmul.f32 v59, v8;
	v41 =	vadd.f32 v48, v41;
	[tilespmem:s28+$0x1230] =	vst v42  }
0x115: {  	v33 =	vmul.f32 v33, v7;
	v56 =	vld [tilespmem:s28+$0x6A60];
	v44 =	vmul.f32 v60, v8;
	v36 =	vadd.f32 v54, v36;
	[tilespmem:s28+$0xE60] =	vst v37  }
0x116: {  	v32 =	vmul.f32 v32, v7;
	v53 =	vld [tilespmem:s28+$0x6E00];
	v49 =	vmul.f32 v49, v8;
	v35 =	vadd.f32 v45, v35;
	[tilespmem:s28+$0x1220] =	vst v41  }
0x117: {  	v6 =	vmul.f32 v6, v7;
	v12 =	vld [tilespmem:s28+$0x1660];
	v47 =	vmul.f32 v47, v8;
	v34 =	vadd.f32 v44, v34;
	[tilespmem:s28+$0xE50] =	vst v36  }
0x118: {  	v5 =	vmul.f32 v5, v8;
	v58 =	vld [tilespmem:s28+$0x6A40];
	v43 =	vmul.f32 v62, v8;
	v40 =	vadd.f32 v49, v40;
	[tilespmem:s28+$0xE40] =	vst v35  }
0x119: {  	v29 =	vmul.f32 v29, v7;
	v59 =	vld [tilespmem:s28+$0x6A30];
	v42 =	vmul.f32 v63, v8;
	v38 =	vadd.f32 v47, v38;
	[tilespmem:s28+$0xE30] =	vst v34  }
0x11a: {  	v5 =	vadd.f32 v5, v6;
	v6 =	vld [tilespmem:s28+$0x200];
	v39 =	vmul.f32 v56, v8;
	v33 =	vadd.f32 v43, v33;
	[tilespmem:s28+$0x1210] =	vst v40  }
0x11b: {  	v31 =	vmul.f32 v31, v7;
	v60 =	vld [tilespmem:s28+$0x6A20];
	v41 =	vmul.f32 v53, v8;
	v32 =	vadd.f32 v42, v32;
	[tilespmem:s28+$0xE70] =	vst v38  }
0x11c: {  	v24 =	vmul.f32 v24, v7;
	v57 =	vld [tilespmem:s28+$0x6A50];
	v34 =	vmul.f32 v61, v8;
	v29 =	vadd.f32 v39, v29;
	[tilespmem:s28+$0xE20] =	vst v33  }
0x11d: {  	v27 =	vmul.f32 v27, v7;
	v62 =	vld [tilespmem:s28+$0x6A00];
	v37 =	vmul.f32 v58, v8;
	v31 =	vadd.f32 v41, v31;
	[tilespmem:s28+$0xE10] =	vst v32  }
0x11e: {  	v26 =	vmul.f32 v26, v7;
	v63 =	vld [tilespmem:s28+$0x6670];
	v36 =	vmul.f32 v59, v8;
	v24 =	vadd.f32 v34, v24;
	[tilespmem:s28+$0xA60] =	vst v29  }
0x11f: {  	v30 =	vmul.f32 v30, v7;
	v40 =	vmul.f32 v55, v8;
	v27 =	vadd.f32 v37, v27;
	v29 =	vld [tilespmem:s28+$0x6640];
	[tilespmem:s28+$0xE00] =	vst v31  }
0x120: {  	v25 =	vmul.f32 v25, v7;
	v35 =	vmul.f32 v60, v8;
	v26 =	vadd.f32 v36, v26;
	v31 =	vld [tilespmem:s28+$0x6660];
	[tilespmem:s28+$0xA10] =	vst v24  }
0x121: {  	v28 =	vmul.f32 v28, v7;
	v38 =	vmul.f32 v57, v8;
	v30 =	vadd.f32 v40, v30;
	v24 =	vld [tilespmem:s28+$0x6270];
	[tilespmem:s28+$0xA40] =	vst v27  }
0x122: {  	v23 =	vmul.f32 v23, v7;
	v33 =	vmul.f32 v62, v8;
	v25 =	vadd.f32 v35, v25;
	v27 =	vld [tilespmem:s28+$0x6620];
	[tilespmem:s28+$0xA30] =	vst v26  }
0x123: {  	v22 =	vmul.f32 v22, v7;
	v32 =	vmul.f32 v63, v8;
	v28 =	vadd.f32 v38, v28;
	[tilespmem:s28+$0xA70] =	vst v30;
	v30 =	vld [tilespmem:s28+$0x6650]  }
0x124: {  	v19 =	vmul.f32 v19, v7;
	v23 =	vadd.f32 v33, v23;
	[tilespmem:s28+$0xA20] =	vst v25;
	v25 =	vld [tilespmem:s28+$0x6600];
	v29 =	vmul.f32 v29, v8  }
0x125: {  	v21 =	vmul.f32 v21, v7;
	v22 =	vadd.f32 v32, v22;
	[tilespmem:s28+$0xA50] =	vst v28;
	v28 =	vld [tilespmem:s28+$0x6630];
	v31 =	vmul.f32 v31, v8  }
0x126: {  	v14 =	vmul.f32 v14, v7;
	[tilespmem:s28+$0xA00] =	vst v23;
	v23 =	vld [tilespmem:s28+$0x6260];
	v24 =	vmul.f32 v24, v8;
	v19 =	vadd.f32 v29, v19  }
0x127: {  	v17 =	vmul.f32 v17, v7;
	v26 =	vld [tilespmem:s28+$0x6610];
	[tilespmem:s28+$0x670] =	vst v22;
	v27 =	vmul.f32 v27, v8;
	v21 =	vadd.f32 v31, v21  }
0x128: {  	v20 =	vmul.f32 v20, v7;
	v22 =	vld [tilespmem:s28+$0x250];
	v30 =	vmul.f32 v30, v8;
	v14 =	vadd.f32 v24, v14;
	[tilespmem:s28+$0x640] =	vst v19  }
0x129: {  	v15 =	vmul.f32 v15, v7;
	v25 =	vmul.f32 v25, v8;
	v17 =	vadd.f32 v27, v17;
	v19 =	vld [tilespmem:s28+$0x7650];
	[tilespmem:s28+$0x660] =	vst v21  }
0x12a: {  	v18 =	vmul.f32 v18, v7;
	v28 =	vmul.f32 v28, v8;
	v20 =	vadd.f32 v30, v20;
	v21 =	vld [tilespmem:s28+$0x6250];
	[tilespmem:s28+$0x270] =	vst v14  }
0x12b: {  	v13 =	vmul.f32 v13, v7;
	v23 =	vmul.f32 v23, v8;
	v15 =	vadd.f32 v25, v15;
	[tilespmem:s28+$0x620] =	vst v17;
	v17 =	vld [tilespmem:s28+$0x1640]  }
0x12c: {  	v16 =	vmul.f32 v16, v7;
	v26 =	vmul.f32 v26, v8;
	v18 =	vadd.f32 v28, v18;
	[tilespmem:s28+$0x650] =	vst v20;
	v20 =	vld [tilespmem:s28+$0x7640]  }
0x12d: {  	v10 =	vmul.f32 v10, v7;
	v9 =	vmul.f32 v9, v8;
	v13 =	vadd.f32 v23, v13;
	[tilespmem:s28+$0x600] =	vst v15;
	v15 =	vld [tilespmem:s28+$0x1650]  }
0x12e: {  	v4 =	vmul.f32 v4, v7;
	v3 =	vmul.f32 v3, v8;
	v16 =	vadd.f32 v26, v16;
	[tilespmem:s28+$0x630] =	vst v18;
	v18 =	vld [tilespmem:s28+$0x7660]  }
0x12f: {  	v9 =	vadd.f32 v9, v10;
	v10 =	vmul.f32 v22, v7;
	v14 =	vld [tilespmem:s28+$0x1670];
	[tilespmem:s28+$0x260] =	vst v13;
	v13 =	vmul.f32 v21, v8  }
0x130: {  	v3 =	vadd.f32 v3, v4;
	[tilespmem:s28+$0x610] =	vst v16;
	v16 =	vld [tilespmem:s28+$0x7670]  }
0x131: {  	s30 =	simm.s32 $0x0;
	[tilespmem:s28+$0x230] =	vst v9;
	v9 =	vld [tilespmem:s28+$0x6200];
	v11 =	vmul.f32 v17, v7;
	v17 =	vmul.f32 v20, v8;
	v4 =	vadd.f32 v13, v10  }
0x132: {  	s25 =	smul.u32 $0x1800, s30;
	s26 =	simm.s32 $0x80;
	[tilespmem:s28+$0x220] =	vst v5;
	v5 =	vmul.f32 v15, v7;
	v10 =	vmul.f32 v19, v8  }
0x133: {  	s29 =	sand.u32 $0x380, s26;
	v11 =	vadd.f32 v17, v11;
	[tilespmem:s28+$0x250] =	vst v4;
	v4 =	vmul.f32 v12, v7;
	v12 =	vmul.f32 v18, v8  }
0x134: {  	s25 =	sor.u32 s29, s25;
	[tilespmem:s28+$0x210] =	vst v3;
	v5 =	vadd.f32 v10, v5  }
0x135: {  	v3 =	vld [tilespmem:s25+$0x210];
	v10 =	vmul.f32 v14, v7;
	[tilespmem:s28+$0x1640] =	vst v11;
	v11 =	vmul.f32 v16, v8;
	v12 =	vadd.f32 v12, v4  }
0x136: {  	v7 =	vmul.f32 v6, v7;
	v8 =	vmul.f32 v9, v8;
	v4 =	vld [tilespmem:s25+$0x6210];
	[tilespmem:s28+$0x1650] =	vst v5  }
0x137: {  	v9 =	vadd.f32 v11, v10;
	v6 =	vld [tilespmem:s25+$0x220];
	[tilespmem:s28+$0x1660] =	vst v12  }
0x138: {  	v7 =	vadd.f32 v8, v7;
	v5 =	vld [tilespmem:s25+$0x6220]  }
0x139: {  	v8 =	vld [tilespmem:s25+$0x230];
	[tilespmem:s28+$0x1670] =	vst v9  }
0x13a: {  	v18 =	vld [tilespmem:s25+$0x630];
	[tilespmem:s28+$0x200] =	vst v7  }
0x13b: {  	v7 =	vld [tilespmem:s25+$0x6230]  }
0x13c: {  	v10 =	vld [tilespmem:s25+$0x240]  }
0x13d: {  	v9 =	vld [tilespmem:s25+$0x6240]  }
0x13e: {  	v12 =	vld [tilespmem:s25+$0x250]  }
0x13f: {  	v11 =	vld [tilespmem:s25+$0x6250]  }
0x140: {  	v13 =	vld [tilespmem:s25+$0x260]  }
0x141: {  	v14 =	vld [tilespmem:s25+$0x270]  }
0x142: {  	v15 =	vld [tilespmem:s25+$0x600]  }
0x143: {  	v16 =	vld [tilespmem:s25+$0x610]  }
0x144: {  	v17 =	vld [tilespmem:s25+$0x620]  }
0x145: {  	v19 =	vld [tilespmem:s25+$0x640]  }
0x146: {  	v20 =	vld [tilespmem:s25+$0x650]  }
0x147: {  	v21 =	vld [tilespmem:s25+$0x660]  }
0x148: {  	v22 =	vld [tilespmem:s25+$0x670]  }
0x149: {  	v23 =	vld [tilespmem:s25+$0xA00]  }
0x14a: {  	v24 =	vld [tilespmem:s25+$0xA10]  }
0x14b: {  	v25 =	vld [tilespmem:s25+$0xA20]  }
0x14c: {  	v26 =	vld [tilespmem:s25+$0xA30]  }
0x14d: {  	v27 =	vld [tilespmem:s25+$0xA40]  }
0x14e: {  	v28 =	vld [tilespmem:s25+$0xA50]  }
0x14f: {  	v29 =	vld [tilespmem:s25+$0xA60]  }
0x150: {  	v30 =	vld [tilespmem:s25+$0xA70]  }
0x151: {  	v31 =	vld [tilespmem:s25+$0xE00]  }
0x152: {  	v34 =	vld [tilespmem:s25+$0xE10]  }
0x153: {  	v35 =	vld [tilespmem:s25+$0xE20]  }
0x154: {  	v36 =	vld [tilespmem:s25+$0xE30]  }
0x155: {  	v37 =	vld [tilespmem:s25+$0xE40]  }
0x156: {  	v38 =	vld [tilespmem:s25+$0xE50]  }
0x157: {  	v39 =	vld [tilespmem:s25+$0xE60]  }
0x158: {  	v40 =	vld [tilespmem:s25+$0xE70]  }
0x159: {  	v41 =	vld [tilespmem:s25+$0x1200]  }
0x15a: {  	v42 =	vld [tilespmem:s25+$0x1210]  }
0x15b: {  	v43 =	vld [tilespmem:s25+$0x1220]  }
0x15c: {  	v44 =	vld [tilespmem:s25+$0x1230]  }
0x15d: {  	v45 =	vld [tilespmem:s25+$0x1240]  }
0x15e: {  	v46 =	vld [tilespmem:s25+$0x1250]  }
0x15f: {  	v47 =	vld [tilespmem:s25+$0x1260]  }
0x160: {  	v48 =	vld [tilespmem:s25+$0x1600]  }
0x161: {  	v50 =	vld [tilespmem:s25+$0x1610]  }
0x162: {  	v49 =	vld [tilespmem:s25+$0x7610]  }
0x163: {  	s28 =	simm.s32 $0x2;
	v51 =	vld [tilespmem:s25+$0x7630]  }
.LBB2_2:
0x164: {  	p0 =	sne.s32 s28, $0x1F;
	v52 =	vld [tilespmem:s25+$0x1630]  }
0x165: {  	s22 =	sadd.s32 $0x80, s22;
	v53 =	vld [tilespmem:s25+$0x1620]  }
0x166: {  	s24 =	sadd.s32 $0x80, s24;
	v33 =	vld [tilespmem:s22+$0x0]  }
0x167: {  	v32 =	vld [tilespmem:s24+$0x0]  }
0x168: {  	v54 =	vld [tilespmem:s25+$0x7620]  }
0x169: {  	v55 =	vld [tilespmem:s25+$0x7600]  }
0x16a: {  	v56 =	vld [tilespmem:s25+$0x1270]  }
0x16b: {  	v57 =	vld [tilespmem:s25+$0x7270];
	v50 =	vmul.f32 v50, v33;
	v53 =	vmul.f32 v53, v33  }
0x16c: {  	v52 =	vmul.f32 v52, v33;
	v58 =	vld [tilespmem:s25+$0x7260];
	v51 =	vmul.f32 v51, v32  }
0x16d: {  	v49 =	vmul.f32 v49, v32;
	v59 =	vld [tilespmem:s25+$0x7250];
	v54 =	vmul.f32 v54, v32  }
0x16e: {  	v48 =	vmul.f32 v48, v33;
	v60 =	vld [tilespmem:s25+$0x7240];
	v55 =	vmul.f32 v55, v32;
	v51 =	vadd.f32 v51, v52  }
0x16f: {  	v49 =	vadd.f32 v49, v50;
	v52 =	vld [tilespmem:s25+$0x7230];
	v56 =	vmul.f32 v56, v33;
	v50 =	vadd.f32 v54, v53  }
0x170: {  	v47 =	vmul.f32 v47, v33;
	v53 =	vld [tilespmem:s25+$0x7220];
	v54 =	vmul.f32 v57, v32;
	v48 =	vadd.f32 v55, v48;
	[tilespmem:s25+$0x1630] =	vst v51  }
0x171: {  	v46 =	vmul.f32 v46, v33;
	v51 =	vld [tilespmem:s25+$0x7210];
	v55 =	vmul.f32 v58, v32;
	[tilespmem:s25+$0x1620] =	vst v50  }
0x172: {  	v45 =	vmul.f32 v45, v33;
	v50 =	vld [tilespmem:s25+$0x7200];
	v57 =	vmul.f32 v59, v32;
	v54 =	vadd.f32 v54, v56;
	[tilespmem:s25+$0x1610] =	vst v49  }
0x173: {  	v44 =	vmul.f32 v44, v33;
	v49 =	vld [tilespmem:s25+$0x6E70];
	v56 =	vmul.f32 v60, v32;
	v47 =	vadd.f32 v55, v47;
	[tilespmem:s25+$0x1600] =	vst v48  }
0x174: {  	v43 =	vmul.f32 v43, v33;
	v48 =	vld [tilespmem:s25+$0x6E60];
	v52 =	vmul.f32 v52, v32;
	v46 =	vadd.f32 v57, v46;
	[tilespmem:s25+$0x1270] =	vst v54  }
0x175: {  	v42 =	vmul.f32 v42, v33;
	v54 =	vld [tilespmem:s25+$0x6E50];
	v53 =	vmul.f32 v53, v32;
	v45 =	vadd.f32 v56, v45;
	[tilespmem:s25+$0x1260] =	vst v47  }
0x176: {  	v41 =	vmul.f32 v41, v33;
	v47 =	vld [tilespmem:s25+$0x6E40];
	v51 =	vmul.f32 v51, v32;
	v44 =	vadd.f32 v52, v44;
	[tilespmem:s25+$0x1250] =	vst v46  }
0x177: {  	v40 =	vmul.f32 v40, v33;
	v46 =	vld [tilespmem:s25+$0x6E30];
	v50 =	vmul.f32 v50, v32;
	v43 =	vadd.f32 v53, v43;
	[tilespmem:s25+$0x1240] =	vst v45  }
0x178: {  	v39 =	vmul.f32 v39, v33;
	v45 =	vld [tilespmem:s25+$0x6E20];
	v49 =	vmul.f32 v49, v32;
	v42 =	vadd.f32 v51, v42;
	[tilespmem:s25+$0x1230] =	vst v44  }
0x179: {  	v38 =	vmul.f32 v38, v33;
	v44 =	vld [tilespmem:s25+$0x6E10];
	v48 =	vmul.f32 v48, v32;
	v41 =	vadd.f32 v50, v41;
	[tilespmem:s25+$0x1220] =	vst v43  }
0x17a: {  	v37 =	vmul.f32 v37, v33;
	v43 =	vld [tilespmem:s25+$0x6E00];
	v50 =	vmul.f32 v54, v32;
	v40 =	vadd.f32 v49, v40;
	[tilespmem:s25+$0x1210] =	vst v42  }
0x17b: {  	v36 =	vmul.f32 v36, v33;
	v42 =	vld [tilespmem:s25+$0x6A70];
	v47 =	vmul.f32 v47, v32;
	v39 =	vadd.f32 v48, v39;
	[tilespmem:s25+$0x1200] =	vst v41  }
0x17c: {  	v35 =	vmul.f32 v35, v33;
	v41 =	vld [tilespmem:s25+$0x6A60];
	v46 =	vmul.f32 v46, v32;
	v38 =	vadd.f32 v50, v38;
	[tilespmem:s25+$0xE70] =	vst v40  }
0x17d: {  	v34 =	vmul.f32 v34, v33;
	v40 =	vld [tilespmem:s25+$0x6A50];
	v45 =	vmul.f32 v45, v32;
	v37 =	vadd.f32 v47, v37;
	[tilespmem:s25+$0xE60] =	vst v39  }
0x17e: {  	v31 =	vmul.f32 v31, v33;
	v39 =	vld [tilespmem:s25+$0x6A40];
	v44 =	vmul.f32 v44, v32;
	v36 =	vadd.f32 v46, v36;
	[tilespmem:s25+$0xE50] =	vst v38  }
0x17f: {  	v30 =	vmul.f32 v30, v33;
	v38 =	vld [tilespmem:s25+$0x6A30];
	v43 =	vmul.f32 v43, v32;
	v35 =	vadd.f32 v45, v35;
	[tilespmem:s25+$0xE40] =	vst v37  }
0x180: {  	v29 =	vmul.f32 v29, v33;
	v37 =	vld [tilespmem:s25+$0x6A20];
	v42 =	vmul.f32 v42, v32;
	v34 =	vadd.f32 v44, v34;
	[tilespmem:s25+$0xE30] =	vst v36  }
0x181: {  	v28 =	vmul.f32 v28, v33;
	v36 =	vld [tilespmem:s25+$0x6A10];
	v41 =	vmul.f32 v41, v32;
	v31 =	vadd.f32 v43, v31;
	[tilespmem:s25+$0xE20] =	vst v35  }
0x182: {  	v27 =	vmul.f32 v27, v33;
	v35 =	vld [tilespmem:s25+$0x6A00];
	v40 =	vmul.f32 v40, v32;
	v30 =	vadd.f32 v42, v30;
	[tilespmem:s25+$0xE10] =	vst v34  }
0x183: {  	v26 =	vmul.f32 v26, v33;
	v34 =	vld [tilespmem:s25+$0x6670];
	v39 =	vmul.f32 v39, v32;
	v29 =	vadd.f32 v41, v29;
	[tilespmem:s25+$0xE00] =	vst v31  }
0x184: {  	v25 =	vmul.f32 v25, v33;
	v31 =	vld [tilespmem:s25+$0x6660];
	v38 =	vmul.f32 v38, v32;
	v28 =	vadd.f32 v40, v28;
	[tilespmem:s25+$0xA70] =	vst v30  }
0x185: {  	v24 =	vmul.f32 v24, v33;
	v30 =	vld [tilespmem:s25+$0x6650];
	v37 =	vmul.f32 v37, v32;
	v27 =	vadd.f32 v39, v27;
	[tilespmem:s25+$0xA60] =	vst v29  }
0x186: {  	v23 =	vmul.f32 v23, v33;
	v29 =	vld [tilespmem:s25+$0x6640];
	v36 =	vmul.f32 v36, v32;
	v26 =	vadd.f32 v38, v26;
	[tilespmem:s25+$0xA50] =	vst v28  }
0x187: {  	v22 =	vmul.f32 v22, v33;
	v28 =	vld [tilespmem:s25+$0x6630];
	v35 =	vmul.f32 v35, v32;
	v25 =	vadd.f32 v37, v25;
	[tilespmem:s25+$0xA40] =	vst v27  }
0x188: {  	v21 =	vmul.f32 v21, v33;
	v27 =	vld [tilespmem:s25+$0x6620];
	v34 =	vmul.f32 v34, v32;
	v24 =	vadd.f32 v36, v24;
	[tilespmem:s25+$0xA30] =	vst v26  }
0x189: {  	v20 =	vmul.f32 v20, v33;
	v26 =	vld [tilespmem:s25+$0x6610];
	v31 =	vmul.f32 v31, v32;
	v23 =	vadd.f32 v35, v23;
	[tilespmem:s25+$0xA20] =	vst v25  }
0x18a: {  	v19 =	vmul.f32 v19, v33;
	v25 =	vld [tilespmem:s25+$0x6600];
	v30 =	vmul.f32 v30, v32;
	v22 =	vadd.f32 v34, v22;
	[tilespmem:s25+$0xA10] =	vst v24  }
0x18b: {  	v18 =	vmul.f32 v18, v33;
	v24 =	vld [tilespmem:s25+$0x6270];
	v29 =	vmul.f32 v29, v32;
	v21 =	vadd.f32 v31, v21;
	[tilespmem:s25+$0xA00] =	vst v23  }
0x18c: {  	v17 =	vmul.f32 v17, v33;
	v23 =	vld [tilespmem:s25+$0x6260];
	v28 =	vmul.f32 v28, v32;
	v20 =	vadd.f32 v30, v20;
	[tilespmem:s25+$0x670] =	vst v22  }
0x18d: {  	v16 =	vmul.f32 v16, v33;
	v22 =	vmul.f32 v27, v32;
	v19 =	vadd.f32 v29, v19;
	[tilespmem:s25+$0x660] =	vst v21;
	v21 =	vld [tilespmem:s25+$0x7640]  }
0x18e: {  	v15 =	vmul.f32 v15, v33;
	v26 =	vmul.f32 v26, v32;
	v18 =	vadd.f32 v28, v18;
	[tilespmem:s25+$0x650] =	vst v20;
	v20 =	vld [tilespmem:s25+$0x7650]  }
0x18f: {  	v14 =	vmul.f32 v14, v33;
	v25 =	vmul.f32 v25, v32;
	v17 =	vadd.f32 v22, v17;
	[tilespmem:s25+$0x640] =	vst v19;
	v19 =	vld [tilespmem:s25+$0x7660]  }
0x190: {  	v13 =	vmul.f32 v13, v33;
	v22 =	vmul.f32 v24, v32;
	v16 =	vadd.f32 v26, v16;
	[tilespmem:s25+$0x630] =	vst v18;
	v18 =	vld [tilespmem:s25+$0x7670]  }
0x191: {  	v12 =	vmul.f32 v12, v33;
	v23 =	vmul.f32 v23, v32;
	v15 =	vadd.f32 v25, v15;
	[tilespmem:s25+$0x620] =	vst v17;
	v17 =	vld [tilespmem:s25+$0x1640]  }
0x192: {  	v10 =	vmul.f32 v10, v33;
	v11 =	vmul.f32 v11, v32;
	v14 =	vadd.f32 v22, v14;
	[tilespmem:s25+$0x610] =	vst v16;
	v16 =	vld [tilespmem:s25+$0x1650]  }
0x193: {  	v8 =	vmul.f32 v8, v33;
	v9 =	vmul.f32 v9, v32;
	v13 =	vadd.f32 v23, v13;
	[tilespmem:s25+$0x600] =	vst v15;
	v15 =	vld [tilespmem:s25+$0x1660]  }
0x194: {  	v6 =	vmul.f32 v6, v33;
	v7 =	vmul.f32 v7, v32;
	v11 =	vadd.f32 v11, v12;
	[tilespmem:s25+$0x270] =	vst v14;
	v12 =	vld [tilespmem:s25+$0x1670]  }
0x195: {  	v3 =	vmul.f32 v3, v33;
	v5 =	vmul.f32 v5, v32;
	v9 =	vadd.f32 v9, v10;
	v14 =	vld [tilespmem:s25+$0x200];
	[tilespmem:s25+$0x260] =	vst v13  }
0x196: {  	v4 =	vmul.f32 v4, v32;
	v7 =	vadd.f32 v7, v8;
	v10 =	vld [tilespmem:s25+$0x6200];
	[tilespmem:s25+$0x250] =	vst v11;
	v8 =	vmul.f32 v17, v33  }
0x197: {  	s29 =	sshrl.u32 s28, $0x3;
	v5 =	vadd.f32 v5, v6;
	v6 =	vmul.f32 v21, v32;
	[tilespmem:s25+$0x240] =	vst v9;
	v9 =	vmul.f32 v16, v33  }
0x198: {  	s26 =	sadd.s32 $0x80, s26;
	s29 =	smul.u32 $0x1800, s29;
	v3 =	vadd.f32 v4, v3;
	v4 =	vmul.f32 v20, v32;
	[tilespmem:s25+$0x230] =	vst v7;
	v7 =	vmul.f32 v15, v33  }
0x199: {  	s30 =	sand.u32 $0x380, s26;
	[tilespmem:s25+$0x220] =	vst v5;
	v5 =	vadd.f32 v6, v8;
	v6 =	vmul.f32 v19, v32;
	v8 =	vmul.f32 v12, v33  }
0x19a: {  	s29 =	sor.u32 s30, s29;
	v9 =	vadd.f32 v4, v9;
	v12 =	vmul.f32 v18, v32;
	v11 =	vmul.f32 v14, v33;
	[tilespmem:s25+$0x210] =	vst v3  }
0x19b: {  	v3 =	vld [tilespmem:s29+$0x210];
	v10 =	vmul.f32 v10, v32;
	[tilespmem:s25+$0x1640] =	vst v5;
	v5 =	vadd.f32 v6, v7  }
0x19c: {  	v7 =	vadd.f32 v12, v8;
	v4 =	vld [tilespmem:s29+$0x6210];
	[tilespmem:s25+$0x1650] =	vst v9  }
0x19d: {  	v6 =	vld [tilespmem:s29+$0x220];
	v9 =	vadd.f32 v10, v11;
	[tilespmem:s25+$0x1660] =	vst v5  }
0x19e: {  	v5 =	vld [tilespmem:s29+$0x6220];
	[tilespmem:s25+$0x1670] =	vst v7  }
0x19f: {  	v8 =	vld [tilespmem:s29+$0x230];
	[tilespmem:s25+$0x200] =	vst v9;
	s25 =	smov.u32 s29  }
0x1a0: {  	v7 =	vld [tilespmem:s25+$0x6230]  }
0x1a1: {  	v10 =	vld [tilespmem:s25+$0x240]  }
0x1a2: {  	v9 =	vld [tilespmem:s25+$0x6240]  }
0x1a3: {  	v12 =	vld [tilespmem:s25+$0x250]  }
0x1a4: {  	v11 =	vld [tilespmem:s25+$0x6250]  }
0x1a5: {  	v13 =	vld [tilespmem:s25+$0x260]  }
0x1a6: {  	v14 =	vld [tilespmem:s25+$0x270]  }
0x1a7: {  	v15 =	vld [tilespmem:s25+$0x600]  }
0x1a8: {  	v16 =	vld [tilespmem:s25+$0x610]  }
0x1a9: {  	v17 =	vld [tilespmem:s25+$0x620]  }
0x1aa: {  	v18 =	vld [tilespmem:s25+$0x630]  }
0x1ab: {  	v19 =	vld [tilespmem:s25+$0x640]  }
0x1ac: {  	v20 =	vld [tilespmem:s25+$0x650]  }
0x1ad: {  	v21 =	vld [tilespmem:s25+$0x660]  }
0x1ae: {  	v22 =	vld [tilespmem:s25+$0x670]  }
0x1af: {  	v23 =	vld [tilespmem:s25+$0xA00]  }
0x1b0: {  	v24 =	vld [tilespmem:s25+$0xA10]  }
0x1b1: {  	v25 =	vld [tilespmem:s25+$0xA20]  }
0x1b2: {  	v26 =	vld [tilespmem:s25+$0xA30]  }
0x1b3: {  	v27 =	vld [tilespmem:s25+$0xA40]  }
0x1b4: {  	v28 =	vld [tilespmem:s25+$0xA50]  }
0x1b5: {  	v29 =	vld [tilespmem:s25+$0xA60]  }
0x1b6: {  	v30 =	vld [tilespmem:s25+$0xA70]  }
0x1b7: {  	v31 =	vld [tilespmem:s25+$0xE00]  }
0x1b8: {  	v34 =	vld [tilespmem:s25+$0xE10]  }
0x1b9: {  	v35 =	vld [tilespmem:s25+$0xE20]  }
0x1ba: {  	v36 =	vld [tilespmem:s25+$0xE30]  }
0x1bb: {  	v37 =	vld [tilespmem:s25+$0xE40]  }
0x1bc: {  	v38 =	vld [tilespmem:s25+$0xE50]  }
0x1bd: {  	v39 =	vld [tilespmem:s25+$0xE60]  }
0x1be: {  	v40 =	vld [tilespmem:s25+$0xE70]  }
0x1bf: {  	v41 =	vld [tilespmem:s25+$0x1200]  }
0x1c0: {  	v42 =	vld [tilespmem:s25+$0x1210]  }
0x1c1: {  	v43 =	vld [tilespmem:s25+$0x1220]  }
0x1c2: {  	v44 =	vld [tilespmem:s25+$0x1230]  }
0x1c3: {  	v45 =	vld [tilespmem:s25+$0x1240]  }
0x1c4: {  	v46 =	vld [tilespmem:s25+$0x1250]  }
.Ltmp0:
0x1c5: {  	v47 =	vld [tilespmem:s25+$0x1260];
	(pc) =	sbr.rel @p0 .LBB2_2-.Ltmp0, $4  }
0x1c6: {  	v48 =	vld [tilespmem:s25+$0x1600]  }
0x1c7: {  	v50 =	vld [tilespmem:s25+$0x1610]  }
0x1c8: {  	v49 =	vld [tilespmem:s25+$0x7610]  }
0x1c9: {  	s28 =	sadd.s32 $0x1, s28;
	v51 =	vld [tilespmem:s25+$0x7630]  }
0x1ca: {  	v52 =	vld [tilespmem:s25+$0x1630]  }
0x1cb: {  	v53 =	vld [tilespmem:s25+$0x1620];
	s22 =	sadd.s32 $0x80, s22  }
0x1cc: {  	s24 =	sadd.s32 $0x80, s24;
	v32 =	vld [tilespmem:s22+$0x0]  }
0x1cd: {  	v33 =	vld [tilespmem:s24+$0x0]  }
0x1ce: {  	v54 =	vld [tilespmem:s25+$0x7620]  }
0x1cf: {  	v55 =	vld [tilespmem:s25+$0x7600]  }
0x1d0: {  	v56 =	vld [tilespmem:s25+$0x1270]  }
0x1d1: {  	v57 =	vld [tilespmem:s25+$0x7270]  }
0x1d2: {  	v58 =	vld [tilespmem:s25+$0x7260];
	v52 =	vmul.f32 v52, v32;
	v51 =	vmul.f32 v51, v33  }
0x1d3: {  	v53 =	vmul.f32 v53, v32;
	v54 =	vmul.f32 v54, v33  }
0x1d4: {  	v59 =	vld [tilespmem:s25+$0x7250];
	v50 =	vmul.f32 v50, v32;
	v49 =	vmul.f32 v49, v33  }
0x1d5: {  	v61 =	vld [tilespmem:s25+$0x7220];
	v48 =	vmul.f32 v48, v32;
	v62 =	vmul.f32 v55, v33;
	v51 =	vadd.f32 v51, v52  }
0x1d6: {  	v60 =	vld [tilespmem:s25+$0x7240];
	v63 =	vmul.f32 v56, v32;
	v57 =	vmul.f32 v57, v33;
	v53 =	vadd.f32 v54, v53  }
0x1d7: {  	v47 =	vmul.f32 v47, v32;
	v58 =	vmul.f32 v58, v33;
	v52 =	vld [tilespmem:s25+$0x7230];
	v49 =	vadd.f32 v49, v50;
	[tilespmem:s25+$0x1630] =	vst v51  }
0x1d8: {  	v46 =	vmul.f32 v46, v32;
	v45 =	vmul.f32 v45, v32;
	v50 =	vld [tilespmem:s25+$0x7200];
	v48 =	vadd.f32 v62, v48;
	[tilespmem:s25+$0x1620] =	vst v53  }
0x1d9: {  	v44 =	vmul.f32 v44, v32;
	v62 =	vmul.f32 v59, v33;
	v47 =	vadd.f32 v58, v47;
	v58 =	vld [tilespmem:s25+$0x6E30];
	[tilespmem:s25+$0x1610] =	vst v49  }
0x1da: {  	v43 =	vmul.f32 v43, v32;
	v59 =	vmul.f32 v61, v33;
	v51 =	vld [tilespmem:s25+$0x7210];
	v53 =	vadd.f32 v57, v63;
	[tilespmem:s25+$0x1600] =	vst v48  }
0x1db: {  	v42 =	vmul.f32 v42, v32;
	v49 =	vld [tilespmem:s25+$0x6E70];
	v63 =	vmul.f32 v60, v33;
	v46 =	vadd.f32 v62, v46;
	[tilespmem:s25+$0x1260] =	vst v47  }
0x1dc: {  	v41 =	vmul.f32 v41, v32;
	v48 =	vld [tilespmem:s25+$0x6E60];
	v43 =	vadd.f32 v59, v43;
	[tilespmem:s25+$0x1270] =	vst v53;
	v52 =	vmul.f32 v52, v33  }
0x1dd: {  	v40 =	vmul.f32 v40, v32;
	v57 =	vld [tilespmem:s25+$0x6E40];
	v45 =	vadd.f32 v63, v45;
	[tilespmem:s25+$0x1250] =	vst v46;
	v50 =	vmul.f32 v50, v33  }
0x1de: {  	v36 =	vmul.f32 v36, v32;
	v60 =	vld [tilespmem:s25+$0x6E20];
	[tilespmem:s25+$0x1220] =	vst v43;
	v46 =	vmul.f32 v58, v33;
	v44 =	vadd.f32 v52, v44  }
0x1df: {  	v39 =	vmul.f32 v39, v32;
	v62 =	vld [tilespmem:s25+$0x6E00];
	[tilespmem:s25+$0x1240] =	vst v45;
	v51 =	vmul.f32 v51, v33;
	v41 =	vadd.f32 v50, v41  }
0x1e0: {  	v38 =	vmul.f32 v38, v32;
	v53 =	vld [tilespmem:s25+$0x6E50];
	v49 =	vmul.f32 v49, v33;
	v36 =	vadd.f32 v46, v36;
	[tilespmem:s25+$0x1230] =	vst v44  }
0x1e1: {  	v37 =	vmul.f32 v37, v32;
	v61 =	vld [tilespmem:s25+$0x6E10];
	v48 =	vmul.f32 v48, v33;
	v42 =	vadd.f32 v51, v42;
	[tilespmem:s25+$0x1200] =	vst v41  }
0x1e2: {  	v35 =	vmul.f32 v35, v32;
	v59 =	vld [tilespmem:s25+$0x6A10];
	v47 =	vmul.f32 v57, v33;
	v40 =	vadd.f32 v49, v40;
	[tilespmem:s25+$0xE30] =	vst v36  }
0x1e3: {  	v34 =	vmul.f32 v34, v32;
	v63 =	vld [tilespmem:s25+$0x6A70];
	v45 =	vmul.f32 v60, v33;
	v39 =	vadd.f32 v48, v39;
	[tilespmem:s25+$0x1210] =	vst v42  }
0x1e4: {  	v55 =	vld [tilespmem:s25+$0x6A50];
	v31 =	vmul.f32 v31, v32;
	v43 =	vmul.f32 v62, v33;
	v37 =	vadd.f32 v47, v37;
	[tilespmem:s25+$0xE70] =	vst v40  }
0x1e5: {  	v30 =	vmul.f32 v30, v32;
	v52 =	vld [tilespmem:s25+$0x6A60];
	v54 =	vmul.f32 v53, v33;
	v35 =	vadd.f32 v45, v35;
	[tilespmem:s25+$0xE60] =	vst v39  }
0x1e6: {  	v56 =	vld [tilespmem:s25+$0x6A40];
	v29 =	vmul.f32 v29, v32;
	v44 =	vmul.f32 v61, v33;
	v31 =	vadd.f32 v43, v31;
	[tilespmem:s25+$0xE40] =	vst v37  }
0x1e7: {  	v24 =	vmul.f32 v24, v32;
	v58 =	vld [tilespmem:s25+$0x6A20];
	v36 =	vmul.f32 v59, v33;
	v38 =	vadd.f32 v54, v38;
	[tilespmem:s25+$0xE20] =	vst v35  }
0x1e8: {  	v28 =	vmul.f32 v28, v32;
	v60 =	vld [tilespmem:s25+$0x6A00];
	v34 =	vadd.f32 v44, v34;
	v42 =	vmul.f32 v63, v33;
	[tilespmem:s25+$0xE00] =	vst v31  }
0x1e9: {  	v27 =	vmul.f32 v27, v32;
	v57 =	vld [tilespmem:s25+$0x6A30];
	v40 =	vmul.f32 v55, v33;
	v24 =	vadd.f32 v36, v24;
	[tilespmem:s25+$0xE50] =	vst v38  }
0x1ea: {  	v26 =	vmul.f32 v26, v32;
	v61 =	vld [tilespmem:s25+$0x6670];
	v41 =	vmul.f32 v52, v33;
	[tilespmem:s25+$0xE10] =	vst v34;
	v30 =	vadd.f32 v42, v30  }
0x1eb: {  	v25 =	vmul.f32 v25, v32;
	v39 =	vmul.f32 v56, v33;
	v28 =	vadd.f32 v40, v28;
	[tilespmem:s25+$0xA10] =	vst v24  }
0x1ec: {  	v23 =	vmul.f32 v23, v32;
	v31 =	vld [tilespmem:s25+$0x6660];
	v37 =	vmul.f32 v58, v33;
	v29 =	vadd.f32 v41, v29;
	[tilespmem:s25+$0xA70] =	vst v30  }
0x1ed: {  	v22 =	vmul.f32 v22, v32;
	v35 =	vmul.f32 v60, v33;
	v27 =	vadd.f32 v39, v27;
	v30 =	vld [tilespmem:s25+$0x6650];
	[tilespmem:s25+$0xA50] =	vst v28  }
0x1ee: {  	v10 =	vmul.f32 v10, v32;
	v38 =	vmul.f32 v57, v33;
	v25 =	vadd.f32 v37, v25;
	[tilespmem:s25+$0xA60] =	vst v29;
	v29 =	vld [tilespmem:s25+$0x6640]  }
0x1ef: {  	v9 =	vmul.f32 v9, v33;
	v34 =	vmul.f32 v61, v33;
	v23 =	vadd.f32 v35, v23;
	v28 =	vld [tilespmem:s25+$0x6630];
	[tilespmem:s25+$0xA40] =	vst v27  }
0x1f0: {  	v21 =	vmul.f32 v21, v32;
	v26 =	vadd.f32 v38, v26;
	v27 =	vld [tilespmem:s25+$0x6620];
	[tilespmem:s25+$0xA20] =	vst v25  }
0x1f1: {  	v9 =	vadd.f32 v9, v10;
	v10 =	vld [tilespmem:s25+$0x6200];
	v24 =	vmul.f32 v31, v33;
	v22 =	vadd.f32 v34, v22;
	[tilespmem:s25+$0xA00] =	vst v23  }
0x1f2: {  	v20 =	vmul.f32 v20, v32;
	[tilespmem:s25+$0xA30] =	vst v26;
	v26 =	vld [tilespmem:s25+$0x6610];
	v23 =	vmul.f32 v30, v33  }
0x1f3: {  	v19 =	vmul.f32 v19, v32;
	v25 =	vld [tilespmem:s25+$0x6600];
	v21 =	vadd.f32 v24, v21;
	[tilespmem:s25+$0x670] =	vst v22;
	v22 =	vmul.f32 v29, v33  }
0x1f4: {  	v18 =	vmul.f32 v18, v32;
	v31 =	vld [tilespmem:s25+$0x6270];
	v20 =	vadd.f32 v23, v20;
	v23 =	vmul.f32 v28, v33  }
0x1f5: {  	v17 =	vmul.f32 v17, v32;
	v24 =	vld [tilespmem:s25+$0x6260];
	[tilespmem:s25+$0x660] =	vst v21;
	v19 =	vadd.f32 v22, v19;
	v22 =	vmul.f32 v27, v33  }
0x1f6: {  	v12 =	vmul.f32 v12, v32;
	v11 =	vmul.f32 v11, v33;
	v21 =	vld [tilespmem:s25+$0x7640];
	[tilespmem:s25+$0x650] =	vst v20;
	v18 =	vadd.f32 v23, v18  }
0x1f7: {  	v16 =	vmul.f32 v16, v32;
	v20 =	vld [tilespmem:s25+$0x7650];
	v23 =	vmul.f32 v26, v33;
	[tilespmem:s25+$0x640] =	vst v19;
	v17 =	vadd.f32 v22, v17  }
0x1f8: {  	v15 =	vmul.f32 v15, v32;
	v11 =	vadd.f32 v11, v12;
	v19 =	vld [tilespmem:s25+$0x7660];
	[tilespmem:s25+$0x630] =	vst v18;
	v18 =	vmul.f32 v25, v33  }
0x1f9: {  	v14 =	vmul.f32 v14, v32;
	v22 =	vld [tilespmem:s25+$0x7670];
	v16 =	vadd.f32 v23, v16;
	[tilespmem:s25+$0x620] =	vst v17;
	v17 =	vmul.f32 v31, v33  }
0x1fa: {  	[tilespmem:s25+$0x250] =	vst v11;
	v15 =	vadd.f32 v18, v15;
	v18 =	vld [tilespmem:s25+$0x1640]  }
0x1fb: {  	v8 =	vmul.f32 v8, v32;
	v7 =	vmul.f32 v7, v33;
	[tilespmem:s25+$0x610] =	vst v16;
	v16 =	vld [tilespmem:s25+$0x1650];
	v14 =	vadd.f32 v17, v14  }
0x1fc: {  	v6 =	vmul.f32 v6, v32;
	v5 =	vmul.f32 v5, v33;
	[tilespmem:s25+$0x600] =	vst v15;
	v15 =	vld [tilespmem:s25+$0x1660]  }
0x1fd: {  	v3 =	vmul.f32 v3, v32;
	v4 =	vmul.f32 v4, v33;
	v7 =	vadd.f32 v7, v8;
	[tilespmem:s25+$0x270] =	vst v14;
	v14 =	vld [tilespmem:s25+$0x1670]  }
0x1fe: {  	v13 =	vmul.f32 v13, v32;
	v12 =	vld [tilespmem:s25+$0x200];
	v5 =	vadd.f32 v5, v6;
	[tilespmem:s25+$0x240] =	vst v9;
	v23 =	vmul.f32 v24, v33  }
0x1ff: {  	v3 =	vadd.f32 v4, v3;
	[tilespmem:s25+$0x230] =	vst v7;
	v6 =	vmul.f32 v21, v33;
	v8 =	vmul.f32 v18, v32  }
0x200: {  	[tilespmem:s25+$0x220] =	vst v5;
	v13 =	vadd.f32 v23, v13;
	v4 =	vmul.f32 v20, v33;
	v9 =	vmul.f32 v16, v32  }
0x201: {  	[tilespmem:s25+$0x210] =	vst v3;
	v7 =	vmul.f32 v15, v32;
	v5 =	vadd.f32 v6, v8;
	v6 =	vmul.f32 v19, v33  }
0x202: {  	[tilespmem:s25+$0x260] =	vst v13;
	v3 =	vadd.f32 v4, v9;
	v4 =	vmul.f32 v22, v33;
	v8 =	vmul.f32 v14, v32  }
0x203: {  	v10 =	vmul.f32 v10, v33;
	v9 =	vmul.f32 v12, v32;
	[tilespmem:s25+$0x1640] =	vst v5;
	v5 =	vadd.f32 v6, v7  }
0x204: {  	[tilespmem:s25+$0x1650] =	vst v3;
	v3 =	vadd.f32 v4, v8  }
0x205: {  	v4 =	vadd.f32 v10, v9;
	[tilespmem:s25+$0x1660] =	vst v5  }
0x206: {  	[tilespmem:s25+$0x1670] =	vst v3  }
0x207: {  	s26 =	simm.s32 $0x0;
	[tilespmem:s25+$0x200] =	vst v4  }
0x208: {  	[hbm4b:s14+s26] =	stream.linear.scatter [tilespmem:s23], [sflag:$0x5], $0x6000, $0x38;
	[tilespmem:$0x1C200] =	vst v63  }
0x209: {  	_ =	swait.ge [sflag:s2], $0x6000  }
0x20a: {  	[sflag:s2] =	ssyncset.done $0x0  }
0x20b: {  	s29 =	simm.s32 $0x0;
	[sflag:s2] =	ssyncadd.s32 $0xFFFFA000  }
0x20c: {  	s24 =	smul.u32 $0x1800, s29;
	_ =	swait.ge [sflag:s19], $0x6000  }
0x20d: {  	s22 =	sand.u32 $0x380, s26;
	[sflag:s19] =	ssyncset.done $0x0  }
0x20e: {  	s28 =	sor.u32 s22, s24;
	[sflag:s19] =	ssyncadd.s32 $0xFFFFA000  }
0x20f: {  	v4 =	vld [tilespmem:s28+$0xC210]  }
0x210: {  	v3 =	vld [tilespmem:s28+$0x12210]  }
0x211: {  	v6 =	vld [tilespmem:s28+$0xC220]  }
0x212: {  	v5 =	vld [tilespmem:s28+$0x12220]  }
0x213: {  	v10 =	vld [tilespmem:s28+$0xC230]  }
0x214: {  	v7 =	vld [tilespmem:s28+$0x12230]  }
0x215: {  	v12 =	vld [tilespmem:s28+$0xC240]  }
0x216: {  	v11 =	vld [tilespmem:s28+$0x12240]  }
0x217: {  	v13 =	vld [tilespmem:s28+$0xC260]  }
0x218: {  	v14 =	vld [tilespmem:s28+$0xC270]  }
0x219: {  	v15 =	vld [tilespmem:s28+$0xC600]  }
0x21a: {  	v16 =	vld [tilespmem:s28+$0xC610]  }
0x21b: {  	v17 =	vld [tilespmem:s28+$0xC620]  }
0x21c: {  	v18 =	vld [tilespmem:s28+$0xC630]  }
0x21d: {  	v19 =	vld [tilespmem:s28+$0xC640]  }
0x21e: {  	v20 =	vld [tilespmem:s28+$0xC650]  }
0x21f: {  	v21 =	vld [tilespmem:s28+$0xC660]  }
0x220: {  	v22 =	vld [tilespmem:s28+$0xC670]  }
0x221: {  	v23 =	vld [tilespmem:s28+$0xCA00]  }
0x222: {  	v24 =	vld [tilespmem:s28+$0xCA10]  }
0x223: {  	v25 =	vld [tilespmem:s28+$0xCA20]  }
0x224: {  	v26 =	vld [tilespmem:s28+$0xCA30]  }
0x225: {  	v27 =	vld [tilespmem:s28+$0xCA40]  }
0x226: {  	v28 =	vld [tilespmem:s28+$0xCA50]  }
0x227: {  	v29 =	vld [tilespmem:s28+$0xCA60]  }
0x228: {  	v30 =	vld [tilespmem:s28+$0xCA70]  }
0x229: {  	v31 =	vld [tilespmem:s28+$0xCE00]  }
0x22a: {  	v32 =	vld [tilespmem:s28+$0xCE10]  }
0x22b: {  	v33 =	vld [tilespmem:s28+$0xCE20]  }
0x22c: {  	v34 =	vld [tilespmem:s28+$0xCE30]  }
0x22d: {  	v35 =	vld [tilespmem:s28+$0xCE40]  }
0x22e: {  	v36 =	vld [tilespmem:s28+$0xCE50]  }
0x22f: {  	v37 =	vld [tilespmem:s28+$0xCE60]  }
0x230: {  	v38 =	vld [tilespmem:s28+$0xCE70]  }
0x231: {  	v39 =	vld [tilespmem:s28+$0xD200]  }
0x232: {  	v40 =	vld [tilespmem:s28+$0xD210]  }
0x233: {  	v41 =	vld [tilespmem:s28+$0xD220]  }
0x234: {  	v42 =	vld [tilespmem:s28+$0xD230]  }
0x235: {  	v43 =	vld [tilespmem:s28+$0xD240]  }
0x236: {  	v44 =	vld [tilespmem:s28+$0xD250]  }
0x237: {  	v45 =	vld [tilespmem:s28+$0xD260]  }
0x238: {  	v46 =	vld [tilespmem:s28+$0xD600]  }
0x239: {  	v47 =	vld [tilespmem:s28+$0xD610]  }
0x23a: {  	v48 =	vld [tilespmem:s28+$0x13610]  }
0x23b: {  	v49 =	vld [tilespmem:s28+$0x13630]  }
0x23c: {  	v50 =	vld [tilespmem:s28+$0xD630]  }
0x23d: {  	s24 =	simm.s32 $0x1A200;
	v51 =	vld [tilespmem:s28+$0xD620]  }
0x23e: {  	s25 =	simm.s32 $0x1B200;
	v8 =	vld [tilespmem:s24+$0x0]  }
0x23f: {  	v9 =	vld [tilespmem:s25+$0x0]  }
0x240: {  	v52 =	vld [tilespmem:s28+$0x13620]  }
0x241: {  	v62 =	vld [tilespmem:s28+$0x13600]  }
0x242: {  	v63 =	vld [tilespmem:s28+$0xD270]  }
0x243: {  	v60 =	vld [tilespmem:s28+$0x13270];
	v50 =	vmul.f32 v50, v8  }
0x244: {  	v61 =	vld [tilespmem:s28+$0x13260];
	v49 =	vmul.f32 v49, v9;
	v51 =	vmul.f32 v51, v8  }
0x245: {  	v57 =	vld [tilespmem:s28+$0x13250];
	v52 =	vmul.f32 v52, v9;
	v47 =	vmul.f32 v47, v8  }
0x246: {  	v58 =	vld [tilespmem:s28+$0x13240];
	v48 =	vmul.f32 v48, v9;
	v46 =	vmul.f32 v46, v8;
	v49 =	vadd.f32 v49, v50  }
0x247: {  	v53 =	vld [tilespmem:s28+$0x13230];
	v62 =	vmul.f32 v62, v9;
	v63 =	vmul.f32 v63, v8;
	v51 =	vadd.f32 v52, v51  }
0x248: {  	v56 =	vld [tilespmem:s28+$0x12E60];
	v59 =	vmul.f32 v60, v9;
	v45 =	vmul.f32 v45, v8;
	v47 =	vadd.f32 v48, v47;
	[tilespmem:s28+$0xD630] =	vst v49  }
0x249: {  	v55 =	vld [tilespmem:s28+$0x12A70];
	v60 =	vmul.f32 v61, v9;
	v44 =	vmul.f32 v44, v8;
	v46 =	vadd.f32 v62, v46;
	[tilespmem:s28+$0xD620] =	vst v51  }
0x24a: {  	v61 =	vld [tilespmem:s28+$0x13200];
	v12 =	vmul.f32 v12, v8;
	v11 =	vmul.f32 v11, v9;
	v52 =	vadd.f32 v59, v63;
	[tilespmem:s28+$0xD610] =	vst v47  }
0x24b: {  	v10 =	vmul.f32 v10, v8;
	v7 =	vmul.f32 v7, v9;
	v48 =	vld [tilespmem:s28+$0x13220];
	v45 =	vadd.f32 v60, v45;
	[tilespmem:s28+$0xD600] =	vst v46  }
0x24c: {  	v62 =	vmul.f32 v57, v9;
	v63 =	vmul.f32 v58, v9;
	v58 =	vld [tilespmem:s28+$0x12E50];
	v11 =	vadd.f32 v11, v12;
	[tilespmem:s28+$0xD270] =	vst v52  }
0x24d: {  	v43 =	vmul.f32 v43, v8;
	v59 =	vld [tilespmem:s28+$0x12E40];
	v7 =	vadd.f32 v7, v10;
	[tilespmem:s28+$0xD260] =	vst v45  }
0x24e: {  	v42 =	vmul.f32 v42, v8;
	v57 =	vmul.f32 v53, v9;
	v60 =	vld [tilespmem:s28+$0x12E30];
	v44 =	vadd.f32 v62, v44;
	[tilespmem:s28+$0xC240] =	vst v11  }
0x24f: {  	v37 =	vmul.f32 v37, v8;
	v53 =	vld [tilespmem:s28+$0x12E00];
	v43 =	vadd.f32 v63, v43;
	v46 =	vmul.f32 v56, v9;
	[tilespmem:s28+$0xC230] =	vst v7  }
0x250: {  	v39 =	vmul.f32 v39, v8;
	v49 =	vld [tilespmem:s28+$0x13210];
	v42 =	vadd.f32 v57, v42;
	v61 =	vmul.f32 v61, v9;
	[tilespmem:s28+$0xD250] =	vst v44  }
0x251: {  	v41 =	vmul.f32 v41, v8;
	v47 =	vld [tilespmem:s28+$0x12E70];
	[tilespmem:s28+$0xD240] =	vst v43;
	v37 =	vadd.f32 v46, v37;
	v48 =	vmul.f32 v48, v9  }
0x252: {  	v36 =	vmul.f32 v36, v8;
	v62 =	vld [tilespmem:s28+$0x12E20];
	[tilespmem:s28+$0xD230] =	vst v42;
	v39 =	vadd.f32 v61, v39;
	v54 =	vmul.f32 v58, v9  }
0x253: {  	v35 =	vmul.f32 v35, v8;
	v63 =	vld [tilespmem:s28+$0x12E10];
	v45 =	vmul.f32 v59, v9;
	[tilespmem:s28+$0xCE60] =	vst v37;
	v41 =	vadd.f32 v48, v41  }
0x254: {  	v34 =	vmul.f32 v34, v8;
	v56 =	vld [tilespmem:s28+$0x12A60];
	v44 =	vmul.f32 v60, v9;
	[tilespmem:s28+$0xD200] =	vst v39;
	v36 =	vadd.f32 v54, v36  }
0x255: {  	v40 =	vmul.f32 v40, v8;
	v12 =	vld [tilespmem:s28+$0xD660];
	v49 =	vmul.f32 v49, v9;
	v35 =	vadd.f32 v45, v35;
	[tilespmem:s28+$0xD220] =	vst v41  }
0x256: {  	v38 =	vmul.f32 v38, v8;
	v58 =	vld [tilespmem:s28+$0x12A40];
	v47 =	vmul.f32 v47, v9;
	v34 =	vadd.f32 v44, v34;
	[tilespmem:s28+$0xCE50] =	vst v36  }
0x257: {  	v33 =	vmul.f32 v33, v8;
	v59 =	vld [tilespmem:s28+$0x12A30];
	v43 =	vmul.f32 v62, v9;
	v40 =	vadd.f32 v49, v40;
	[tilespmem:s28+$0xCE40] =	vst v35  }
0x258: {  	v32 =	vmul.f32 v32, v8;
	v57 =	vld [tilespmem:s28+$0x12A50];
	v42 =	vmul.f32 v63, v9;
	v38 =	vadd.f32 v47, v38;
	[tilespmem:s28+$0xCE30] =	vst v34  }
0x259: {  	v29 =	vmul.f32 v29, v8;
	v60 =	vld [tilespmem:s28+$0x12A20];
	v39 =	vmul.f32 v56, v9;
	v33 =	vadd.f32 v43, v33;
	[tilespmem:s28+$0xD210] =	vst v40  }
0x25a: {  	v31 =	vmul.f32 v31, v8;
	v61 =	vld [tilespmem:s28+$0x12A10];
	v41 =	vmul.f32 v53, v9;
	v32 =	vadd.f32 v42, v32;
	[tilespmem:s28+$0xCE70] =	vst v38  }
0x25b: {  	v27 =	vmul.f32 v27, v8;
	v62 =	vld [tilespmem:s28+$0x12A00];
	v29 =	vadd.f32 v39, v29;
	v37 =	vmul.f32 v58, v9;
	[tilespmem:s28+$0xCE20] =	vst v33  }
0x25c: {  	v26 =	vmul.f32 v26, v8;
	v63 =	vld [tilespmem:s28+$0x12670];
	v36 =	vmul.f32 v59, v9;
	v31 =	vadd.f32 v41, v31;
	[tilespmem:s28+$0xCE10] =	vst v32  }
0x25d: {  	v30 =	vmul.f32 v30, v8;
	v40 =	vmul.f32 v55, v9;
	[tilespmem:s28+$0xCA60] =	vst v29;
	v29 =	vld [tilespmem:s28+$0x12640];
	v27 =	vadd.f32 v37, v27  }
0x25e: {  	v25 =	vmul.f32 v25, v8;
	v35 =	vmul.f32 v60, v9;
	v26 =	vadd.f32 v36, v26;
	[tilespmem:s28+$0xCE00] =	vst v31;
	v31 =	vld [tilespmem:s28+$0x12660]  }
0x25f: {  	v28 =	vmul.f32 v28, v8;
	v38 =	vmul.f32 v57, v9;
	v30 =	vadd.f32 v40, v30;
	[tilespmem:s28+$0xCA40] =	vst v27;
	v27 =	vld [tilespmem:s28+$0x12620]  }
0x260: {  	v23 =	vmul.f32 v23, v8;
	v33 =	vmul.f32 v62, v9;
	v25 =	vadd.f32 v35, v25;
	[tilespmem:s28+$0xCA30] =	vst v26;
	v26 =	vld [tilespmem:s28+$0x12610]  }
0x261: {  	v24 =	vmul.f32 v24, v8;
	v34 =	vmul.f32 v61, v9;
	v28 =	vadd.f32 v38, v28;
	[tilespmem:s28+$0xCA70] =	vst v30;
	v30 =	vld [tilespmem:s28+$0x12650]  }
0x262: {  	v22 =	vmul.f32 v22, v8;
	v32 =	vmul.f32 v63, v9;
	v23 =	vadd.f32 v33, v23;
	[tilespmem:s28+$0xCA20] =	vst v25;
	v25 =	vld [tilespmem:s28+$0x12600]  }
0x263: {  	v19 =	vmul.f32 v19, v8;
	v24 =	vadd.f32 v34, v24;
	[tilespmem:s28+$0xCA50] =	vst v28;
	v28 =	vld [tilespmem:s28+$0x12630];
	v29 =	vmul.f32 v29, v9  }
0x264: {  	v21 =	vmul.f32 v21, v8;
	v22 =	vadd.f32 v32, v22;
	[tilespmem:s28+$0xCA00] =	vst v23;
	v23 =	vld [tilespmem:s28+$0x12260];
	v31 =	vmul.f32 v31, v9  }
0x265: {  	v17 =	vmul.f32 v17, v8;
	[tilespmem:s28+$0xCA10] =	vst v24;
	v24 =	vld [tilespmem:s28+$0x12270];
	v19 =	vadd.f32 v29, v19;
	v27 =	vmul.f32 v27, v9  }
0x266: {  	v20 =	vmul.f32 v20, v8;
	[tilespmem:s28+$0xC670] =	vst v22;
	v22 =	vld [tilespmem:s28+$0xC250];
	v30 =	vmul.f32 v30, v9;
	v21 =	vadd.f32 v31, v21  }
0x267: {  	v15 =	vmul.f32 v15, v8;
	v25 =	vmul.f32 v25, v9;
	[tilespmem:s28+$0xC640] =	vst v19;
	v19 =	vld [tilespmem:s28+$0x13650];
	v17 =	vadd.f32 v27, v17  }
0x268: {  	v18 =	vmul.f32 v18, v8;
	v28 =	vmul.f32 v28, v9;
	v20 =	vadd.f32 v30, v20;
	[tilespmem:s28+$0xC660] =	vst v21;
	v21 =	vld [tilespmem:s28+$0x12250]  }
0x269: {  	v13 =	vmul.f32 v13, v8;
	v23 =	vmul.f32 v23, v9;
	v15 =	vadd.f32 v25, v15;
	[tilespmem:s28+$0xC620] =	vst v17;
	v17 =	vld [tilespmem:s28+$0xD640]  }
0x26a: {  	v6 =	vmul.f32 v6, v8;
	v5 =	vmul.f32 v5, v9;
	v18 =	vadd.f32 v28, v18;
	[tilespmem:s28+$0xC650] =	vst v20;
	v20 =	vld [tilespmem:s28+$0x13640]  }
0x26b: {  	v14 =	vmul.f32 v14, v8;
	v24 =	vmul.f32 v24, v9;
	v13 =	vadd.f32 v23, v13;
	[tilespmem:s28+$0xC600] =	vst v15;
	v15 =	vld [tilespmem:s28+$0xD650]  }
0x26c: {  	v4 =	vmul.f32 v4, v8;
	v3 =	vmul.f32 v3, v9;
	v5 =	vadd.f32 v5, v6;
	[tilespmem:s28+$0xC630] =	vst v18;
	v18 =	vld [tilespmem:s28+$0x13660]  }
0x26d: {  	v6 =	vld [tilespmem:s28+$0xC200];
	v14 =	vadd.f32 v24, v14;
	v10 =	vmul.f32 v22, v8;
	[tilespmem:s28+$0xC260] =	vst v13;
	v13 =	vmul.f32 v21, v9  }
0x26e: {  	s30 =	simm.s32 $0x0;
	v16 =	vmul.f32 v16, v8;
	v3 =	vadd.f32 v3, v4;
	v7 =	vld [tilespmem:s28+$0x12200];
	[tilespmem:s28+$0xC220] =	vst v5;
	v26 =	vmul.f32 v26, v9  }
0x26f: {  	s22 =	smul.u32 $0x1800, s30;
	s26 =	simm.s32 $0x80;
	[tilespmem:s28+$0xC270] =	vst v14;
	v14 =	vld [tilespmem:s28+$0xD670];
	v11 =	vmul.f32 v17, v8;
	v17 =	vmul.f32 v20, v9;
	v4 =	vadd.f32 v13, v10  }
0x270: {  	s29 =	sand.u32 $0x380, s26;
	[tilespmem:s28+$0xC210] =	vst v3;
	v16 =	vadd.f32 v26, v16;
	v5 =	vmul.f32 v15, v8;
	v10 =	vmul.f32 v19, v9  }
0x271: {  	s22 =	sor.u32 s29, s22;
	v11 =	vadd.f32 v17, v11;
	[tilespmem:s28+$0xC250] =	vst v4;
	v4 =	vmul.f32 v12, v8;
	v12 =	vmul.f32 v18, v9  }
0x272: {  	v3 =	vld [tilespmem:s22+$0xC210];
	[tilespmem:s28+$0xC610] =	vst v16;
	v5 =	vadd.f32 v10, v5  }
0x273: {  	v7 =	vmul.f32 v7, v9;
	v16 =	vld [tilespmem:s28+$0x13670];
	[tilespmem:s28+$0xD640] =	vst v11;
	v12 =	vadd.f32 v12, v4  }
0x274: {  	v10 =	vmul.f32 v14, v8;
	v8 =	vmul.f32 v6, v8;
	v4 =	vld [tilespmem:s22+$0x12210];
	[tilespmem:s28+$0xD650] =	vst v5  }
0x275: {  	v6 =	vld [tilespmem:s22+$0xC220];
	[tilespmem:s28+$0xD660] =	vst v12  }
0x276: {  	v7 =	vadd.f32 v7, v8;
	v5 =	vld [tilespmem:s22+$0x12220]  }
0x277: {  	v8 =	vld [tilespmem:s22+$0xC230]  }
0x278: {  	[tilespmem:s28+$0xC200] =	vst v7;
	v18 =	vld [tilespmem:s22+$0xC630]  }
0x279: {  	v11 =	vmul.f32 v16, v9;
	v26 =	vld [tilespmem:s22+$0xCA30]  }
0x27a: {  	v36 =	vld [tilespmem:s22+$0xCE30]  }
0x27b: {  	v9 =	vadd.f32 v11, v10;
	v44 =	vld [tilespmem:s22+$0xD230]  }
0x27c: {  	v48 =	vld [tilespmem:s22+$0xD600]  }
0x27d: {  	[tilespmem:s28+$0xD670] =	vst v9;
	v50 =	vld [tilespmem:s22+$0xD610]  }
0x27e: {  	v7 =	vld [tilespmem:s22+$0x12230]  }
0x27f: {  	v10 =	vld [tilespmem:s22+$0xC240]  }
0x280: {  	v9 =	vld [tilespmem:s22+$0x12240]  }
0x281: {  	v12 =	vld [tilespmem:s22+$0xC250]  }
0x282: {  	v11 =	vld [tilespmem:s22+$0x12250]  }
0x283: {  	v13 =	vld [tilespmem:s22+$0xC260]  }
0x284: {  	v14 =	vld [tilespmem:s22+$0xC270]  }
0x285: {  	v15 =	vld [tilespmem:s22+$0xC600]  }
0x286: {  	v16 =	vld [tilespmem:s22+$0xC610]  }
0x287: {  	v17 =	vld [tilespmem:s22+$0xC620]  }
0x288: {  	v19 =	vld [tilespmem:s22+$0xC640]  }
0x289: {  	v20 =	vld [tilespmem:s22+$0xC650]  }
0x28a: {  	v21 =	vld [tilespmem:s22+$0xC660]  }
0x28b: {  	v22 =	vld [tilespmem:s22+$0xC670]  }
0x28c: {  	v23 =	vld [tilespmem:s22+$0xCA00]  }
0x28d: {  	v24 =	vld [tilespmem:s22+$0xCA10]  }
0x28e: {  	v25 =	vld [tilespmem:s22+$0xCA20]  }
0x28f: {  	v27 =	vld [tilespmem:s22+$0xCA40]  }
0x290: {  	v28 =	vld [tilespmem:s22+$0xCA50]  }
0x291: {  	v29 =	vld [tilespmem:s22+$0xCA60]  }
0x292: {  	v30 =	vld [tilespmem:s22+$0xCA70]  }
0x293: {  	v31 =	vld [tilespmem:s22+$0xCE00]  }
0x294: {  	v34 =	vld [tilespmem:s22+$0xCE10]  }
0x295: {  	v35 =	vld [tilespmem:s22+$0xCE20]  }
0x296: {  	v37 =	vld [tilespmem:s22+$0xCE40]  }
0x297: {  	v38 =	vld [tilespmem:s22+$0xCE50]  }
0x298: {  	v39 =	vld [tilespmem:s22+$0xCE60]  }
0x299: {  	v40 =	vld [tilespmem:s22+$0xCE70]  }
0x29a: {  	v41 =	vld [tilespmem:s22+$0xD200]  }
0x29b: {  	v42 =	vld [tilespmem:s22+$0xD210]  }
0x29c: {  	v43 =	vld [tilespmem:s22+$0xD220]  }
0x29d: {  	v45 =	vld [tilespmem:s22+$0xD240]  }
0x29e: {  	v46 =	vld [tilespmem:s22+$0xD250]  }
0x29f: {  	v47 =	vld [tilespmem:s22+$0xD260]  }
0x2a0: {  	v49 =	vld [tilespmem:s22+$0x13610]  }
0x2a1: {  	s28 =	simm.s32 $0x2;
	v51 =	vld [tilespmem:s22+$0x13630]  }
.LBB2_4:
0x2a2: {  	p0 =	sne.s32 s28, $0x1F;
	v52 =	vld [tilespmem:s22+$0xD630]  }
0x2a3: {  	s24 =	sadd.s32 $0x80, s24;
	v53 =	vld [tilespmem:s22+$0xD620]  }
0x2a4: {  	s25 =	sadd.s32 $0x80, s25;
	v33 =	vld [tilespmem:s24+$0x0]  }
0x2a5: {  	v32 =	vld [tilespmem:s25+$0x0]  }
0x2a6: {  	v54 =	vld [tilespmem:s22+$0x13620]  }
0x2a7: {  	v55 =	vld [tilespmem:s22+$0x13600]  }
0x2a8: {  	v56 =	vld [tilespmem:s22+$0xD270]  }
0x2a9: {  	v57 =	vld [tilespmem:s22+$0x13270];
	v50 =	vmul.f32 v50, v33;
	v53 =	vmul.f32 v53, v33  }
0x2aa: {  	v52 =	vmul.f32 v52, v33;
	v58 =	vld [tilespmem:s22+$0x13260];
	v51 =	vmul.f32 v51, v32  }
0x2ab: {  	v49 =	vmul.f32 v49, v32;
	v59 =	vld [tilespmem:s22+$0x13250];
	v54 =	vmul.f32 v54, v32  }
0x2ac: {  	v48 =	vmul.f32 v48, v33;
	v60 =	vld [tilespmem:s22+$0x13240];
	v55 =	vmul.f32 v55, v32;
	v51 =	vadd.f32 v51, v52  }
0x2ad: {  	v49 =	vadd.f32 v49, v50;
	v52 =	vld [tilespmem:s22+$0x13230];
	v56 =	vmul.f32 v56, v33;
	v50 =	vadd.f32 v54, v53  }
0x2ae: {  	v47 =	vmul.f32 v47, v33;
	v53 =	vld [tilespmem:s22+$0x13220];
	v54 =	vmul.f32 v57, v32;
	v48 =	vadd.f32 v55, v48;
	[tilespmem:s22+$0xD630] =	vst v51  }
0x2af: {  	v46 =	vmul.f32 v46, v33;
	v51 =	vld [tilespmem:s22+$0x13210];
	v55 =	vmul.f32 v58, v32;
	[tilespmem:s22+$0xD620] =	vst v50  }
0x2b0: {  	v45 =	vmul.f32 v45, v33;
	v50 =	vld [tilespmem:s22+$0x13200];
	v57 =	vmul.f32 v59, v32;
	v54 =	vadd.f32 v54, v56;
	[tilespmem:s22+$0xD610] =	vst v49  }
0x2b1: {  	v44 =	vmul.f32 v44, v33;
	v49 =	vld [tilespmem:s22+$0x12E70];
	v56 =	vmul.f32 v60, v32;
	v47 =	vadd.f32 v55, v47;
	[tilespmem:s22+$0xD600] =	vst v48  }
0x2b2: {  	v43 =	vmul.f32 v43, v33;
	v48 =	vld [tilespmem:s22+$0x12E60];
	v52 =	vmul.f32 v52, v32;
	v46 =	vadd.f32 v57, v46;
	[tilespmem:s22+$0xD270] =	vst v54  }
0x2b3: {  	v42 =	vmul.f32 v42, v33;
	v54 =	vld [tilespmem:s22+$0x12E50];
	v53 =	vmul.f32 v53, v32;
	v45 =	vadd.f32 v56, v45;
	[tilespmem:s22+$0xD260] =	vst v47  }
0x2b4: {  	v41 =	vmul.f32 v41, v33;
	v47 =	vld [tilespmem:s22+$0x12E40];
	v51 =	vmul.f32 v51, v32;
	v44 =	vadd.f32 v52, v44;
	[tilespmem:s22+$0xD250] =	vst v46  }
0x2b5: {  	v40 =	vmul.f32 v40, v33;
	v46 =	vld [tilespmem:s22+$0x12E30];
	v50 =	vmul.f32 v50, v32;
	v43 =	vadd.f32 v53, v43;
	[tilespmem:s22+$0xD240] =	vst v45  }
0x2b6: {  	v39 =	vmul.f32 v39, v33;
	v45 =	vld [tilespmem:s22+$0x12E20];
	v49 =	vmul.f32 v49, v32;
	v42 =	vadd.f32 v51, v42;
	[tilespmem:s22+$0xD230] =	vst v44  }
0x2b7: {  	v38 =	vmul.f32 v38, v33;
	v44 =	vld [tilespmem:s22+$0x12E10];
	v48 =	vmul.f32 v48, v32;
	v41 =	vadd.f32 v50, v41;
	[tilespmem:s22+$0xD220] =	vst v43  }
0x2b8: {  	v37 =	vmul.f32 v37, v33;
	v43 =	vld [tilespmem:s22+$0x12E00];
	v50 =	vmul.f32 v54, v32;
	v40 =	vadd.f32 v49, v40;
	[tilespmem:s22+$0xD210] =	vst v42  }
0x2b9: {  	v36 =	vmul.f32 v36, v33;
	v42 =	vld [tilespmem:s22+$0x12A70];
	v47 =	vmul.f32 v47, v32;
	v39 =	vadd.f32 v48, v39;
	[tilespmem:s22+$0xD200] =	vst v41  }
0x2ba: {  	v35 =	vmul.f32 v35, v33;
	v41 =	vld [tilespmem:s22+$0x12A60];
	v46 =	vmul.f32 v46, v32;
	v38 =	vadd.f32 v50, v38;
	[tilespmem:s22+$0xCE70] =	vst v40  }
0x2bb: {  	v34 =	vmul.f32 v34, v33;
	v40 =	vld [tilespmem:s22+$0x12A50];
	v45 =	vmul.f32 v45, v32;
	v37 =	vadd.f32 v47, v37;
	[tilespmem:s22+$0xCE60] =	vst v39  }
0x2bc: {  	v31 =	vmul.f32 v31, v33;
	v39 =	vld [tilespmem:s22+$0x12A40];
	v44 =	vmul.f32 v44, v32;
	v36 =	vadd.f32 v46, v36;
	[tilespmem:s22+$0xCE50] =	vst v38  }
0x2bd: {  	v30 =	vmul.f32 v30, v33;
	v38 =	vld [tilespmem:s22+$0x12A30];
	v43 =	vmul.f32 v43, v32;
	v35 =	vadd.f32 v45, v35;
	[tilespmem:s22+$0xCE40] =	vst v37  }
0x2be: {  	v29 =	vmul.f32 v29, v33;
	v37 =	vld [tilespmem:s22+$0x12A20];
	v42 =	vmul.f32 v42, v32;
	v34 =	vadd.f32 v44, v34;
	[tilespmem:s22+$0xCE30] =	vst v36  }
0x2bf: {  	v28 =	vmul.f32 v28, v33;
	v36 =	vld [tilespmem:s22+$0x12A10];
	v41 =	vmul.f32 v41, v32;
	v31 =	vadd.f32 v43, v31;
	[tilespmem:s22+$0xCE20] =	vst v35  }
0x2c0: {  	v27 =	vmul.f32 v27, v33;
	v35 =	vld [tilespmem:s22+$0x12A00];
	v40 =	vmul.f32 v40, v32;
	v30 =	vadd.f32 v42, v30;
	[tilespmem:s22+$0xCE10] =	vst v34  }
0x2c1: {  	v26 =	vmul.f32 v26, v33;
	v34 =	vld [tilespmem:s22+$0x12670];
	v39 =	vmul.f32 v39, v32;
	v29 =	vadd.f32 v41, v29;
	[tilespmem:s22+$0xCE00] =	vst v31  }
0x2c2: {  	v25 =	vmul.f32 v25, v33;
	v31 =	vld [tilespmem:s22+$0x12660];
	v38 =	vmul.f32 v38, v32;
	v28 =	vadd.f32 v40, v28;
	[tilespmem:s22+$0xCA70] =	vst v30  }
0x2c3: {  	v24 =	vmul.f32 v24, v33;
	v30 =	vld [tilespmem:s22+$0x12650];
	v37 =	vmul.f32 v37, v32;
	v27 =	vadd.f32 v39, v27;
	[tilespmem:s22+$0xCA60] =	vst v29  }
0x2c4: {  	v23 =	vmul.f32 v23, v33;
	v29 =	vld [tilespmem:s22+$0x12640];
	v36 =	vmul.f32 v36, v32;
	v26 =	vadd.f32 v38, v26;
	[tilespmem:s22+$0xCA50] =	vst v28  }
0x2c5: {  	v22 =	vmul.f32 v22, v33;
	v28 =	vld [tilespmem:s22+$0x12630];
	v35 =	vmul.f32 v35, v32;
	v25 =	vadd.f32 v37, v25;
	[tilespmem:s22+$0xCA40] =	vst v27  }
0x2c6: {  	v21 =	vmul.f32 v21, v33;
	v27 =	vld [tilespmem:s22+$0x12620];
	v34 =	vmul.f32 v34, v32;
	v24 =	vadd.f32 v36, v24;
	[tilespmem:s22+$0xCA30] =	vst v26  }
0x2c7: {  	v20 =	vmul.f32 v20, v33;
	v26 =	vld [tilespmem:s22+$0x12610];
	v31 =	vmul.f32 v31, v32;
	v23 =	vadd.f32 v35, v23;
	[tilespmem:s22+$0xCA20] =	vst v25  }
0x2c8: {  	v19 =	vmul.f32 v19, v33;
	v25 =	vld [tilespmem:s22+$0x12600];
	v30 =	vmul.f32 v30, v32;
	v22 =	vadd.f32 v34, v22;
	[tilespmem:s22+$0xCA10] =	vst v24  }
0x2c9: {  	v18 =	vmul.f32 v18, v33;
	v24 =	vld [tilespmem:s22+$0x12270];
	v29 =	vmul.f32 v29, v32;
	v21 =	vadd.f32 v31, v21;
	[tilespmem:s22+$0xCA00] =	vst v23  }
0x2ca: {  	v17 =	vmul.f32 v17, v33;
	v23 =	vld [tilespmem:s22+$0x12260];
	v28 =	vmul.f32 v28, v32;
	v20 =	vadd.f32 v30, v20;
	[tilespmem:s22+$0xC670] =	vst v22  }
0x2cb: {  	v16 =	vmul.f32 v16, v33;
	v22 =	vmul.f32 v27, v32;
	v19 =	vadd.f32 v29, v19;
	[tilespmem:s22+$0xC660] =	vst v21;
	v21 =	vld [tilespmem:s22+$0x13640]  }
0x2cc: {  	v15 =	vmul.f32 v15, v33;
	v26 =	vmul.f32 v26, v32;
	v18 =	vadd.f32 v28, v18;
	[tilespmem:s22+$0xC650] =	vst v20;
	v20 =	vld [tilespmem:s22+$0x13650]  }
0x2cd: {  	v14 =	vmul.f32 v14, v33;
	v25 =	vmul.f32 v25, v32;
	v17 =	vadd.f32 v22, v17;
	[tilespmem:s22+$0xC640] =	vst v19;
	v19 =	vld [tilespmem:s22+$0x13660]  }
0x2ce: {  	v13 =	vmul.f32 v13, v33;
	v22 =	vmul.f32 v24, v32;
	v16 =	vadd.f32 v26, v16;
	[tilespmem:s22+$0xC630] =	vst v18;
	v18 =	vld [tilespmem:s22+$0x13670]  }
0x2cf: {  	v12 =	vmul.f32 v12, v33;
	v23 =	vmul.f32 v23, v32;
	v15 =	vadd.f32 v25, v15;
	[tilespmem:s22+$0xC620] =	vst v17;
	v17 =	vld [tilespmem:s22+$0xD640]  }
0x2d0: {  	v10 =	vmul.f32 v10, v33;
	v11 =	vmul.f32 v11, v32;
	v14 =	vadd.f32 v22, v14;
	[tilespmem:s22+$0xC610] =	vst v16;
	v16 =	vld [tilespmem:s22+$0xD650]  }
0x2d1: {  	v8 =	vmul.f32 v8, v33;
	v9 =	vmul.f32 v9, v32;
	v13 =	vadd.f32 v23, v13;
	[tilespmem:s22+$0xC600] =	vst v15;
	v15 =	vld [tilespmem:s22+$0xD660]  }
0x2d2: {  	v6 =	vmul.f32 v6, v33;
	v7 =	vmul.f32 v7, v32;
	v11 =	vadd.f32 v11, v12;
	[tilespmem:s22+$0xC270] =	vst v14;
	v12 =	vld [tilespmem:s22+$0xD670]  }
0x2d3: {  	v3 =	vmul.f32 v3, v33;
	v5 =	vmul.f32 v5, v32;
	v9 =	vadd.f32 v9, v10;
	v14 =	vld [tilespmem:s22+$0xC200];
	[tilespmem:s22+$0xC260] =	vst v13  }
0x2d4: {  	v4 =	vmul.f32 v4, v32;
	v7 =	vadd.f32 v7, v8;
	v10 =	vld [tilespmem:s22+$0x12200];
	[tilespmem:s22+$0xC250] =	vst v11;
	v8 =	vmul.f32 v17, v33  }
0x2d5: {  	s29 =	sshrl.u32 s28, $0x3;
	v5 =	vadd.f32 v5, v6;
	v6 =	vmul.f32 v21, v32;
	[tilespmem:s22+$0xC240] =	vst v9;
	v9 =	vmul.f32 v16, v33  }
0x2d6: {  	s26 =	sadd.s32 $0x80, s26;
	s29 =	smul.u32 $0x1800, s29;
	v3 =	vadd.f32 v4, v3;
	v4 =	vmul.f32 v20, v32;
	[tilespmem:s22+$0xC230] =	vst v7;
	v7 =	vmul.f32 v15, v33  }
0x2d7: {  	s30 =	sand.u32 $0x380, s26;
	[tilespmem:s22+$0xC220] =	vst v5;
	v5 =	vadd.f32 v6, v8;
	v6 =	vmul.f32 v19, v32;
	v8 =	vmul.f32 v12, v33  }
0x2d8: {  	s29 =	sor.u32 s30, s29;
	v9 =	vadd.f32 v4, v9;
	v12 =	vmul.f32 v18, v32;
	v11 =	vmul.f32 v14, v33;
	[tilespmem:s22+$0xC210] =	vst v3  }
0x2d9: {  	v3 =	vld [tilespmem:s29+$0xC210];
	v10 =	vmul.f32 v10, v32;
	[tilespmem:s22+$0xD640] =	vst v5;
	v5 =	vadd.f32 v6, v7  }
0x2da: {  	v7 =	vadd.f32 v12, v8;
	v4 =	vld [tilespmem:s29+$0x12210];
	[tilespmem:s22+$0xD650] =	vst v9  }
0x2db: {  	v6 =	vld [tilespmem:s29+$0xC220];
	v9 =	vadd.f32 v10, v11;
	[tilespmem:s22+$0xD660] =	vst v5  }
0x2dc: {  	v5 =	vld [tilespmem:s29+$0x12220];
	[tilespmem:s22+$0xD670] =	vst v7  }
0x2dd: {  	v8 =	vld [tilespmem:s29+$0xC230];
	[tilespmem:s22+$0xC200] =	vst v9;
	s22 =	smov.u32 s29  }
0x2de: {  	v7 =	vld [tilespmem:s22+$0x12230]  }
0x2df: {  	v10 =	vld [tilespmem:s22+$0xC240]  }
0x2e0: {  	v9 =	vld [tilespmem:s22+$0x12240]  }
0x2e1: {  	v12 =	vld [tilespmem:s22+$0xC250]  }
0x2e2: {  	v11 =	vld [tilespmem:s22+$0x12250]  }
0x2e3: {  	v13 =	vld [tilespmem:s22+$0xC260]  }
0x2e4: {  	v14 =	vld [tilespmem:s22+$0xC270]  }
0x2e5: {  	v15 =	vld [tilespmem:s22+$0xC600]  }
0x2e6: {  	v16 =	vld [tilespmem:s22+$0xC610]  }
0x2e7: {  	v17 =	vld [tilespmem:s22+$0xC620]  }
0x2e8: {  	v18 =	vld [tilespmem:s22+$0xC630]  }
0x2e9: {  	v19 =	vld [tilespmem:s22+$0xC640]  }
0x2ea: {  	v20 =	vld [tilespmem:s22+$0xC650]  }
0x2eb: {  	v21 =	vld [tilespmem:s22+$0xC660]  }
0x2ec: {  	v22 =	vld [tilespmem:s22+$0xC670]  }
0x2ed: {  	v23 =	vld [tilespmem:s22+$0xCA00]  }
0x2ee: {  	v24 =	vld [tilespmem:s22+$0xCA10]  }
0x2ef: {  	v25 =	vld [tilespmem:s22+$0xCA20]  }
0x2f0: {  	v26 =	vld [tilespmem:s22+$0xCA30]  }
0x2f1: {  	v27 =	vld [tilespmem:s22+$0xCA40]  }
0x2f2: {  	v28 =	vld [tilespmem:s22+$0xCA50]  }
0x2f3: {  	v29 =	vld [tilespmem:s22+$0xCA60]  }
0x2f4: {  	v30 =	vld [tilespmem:s22+$0xCA70]  }
0x2f5: {  	v31 =	vld [tilespmem:s22+$0xCE00]  }
0x2f6: {  	v34 =	vld [tilespmem:s22+$0xCE10]  }
0x2f7: {  	v35 =	vld [tilespmem:s22+$0xCE20]  }
0x2f8: {  	v36 =	vld [tilespmem:s22+$0xCE30]  }
0x2f9: {  	v37 =	vld [tilespmem:s22+$0xCE40]  }
0x2fa: {  	v38 =	vld [tilespmem:s22+$0xCE50]  }
0x2fb: {  	v39 =	vld [tilespmem:s22+$0xCE60]  }
0x2fc: {  	v40 =	vld [tilespmem:s22+$0xCE70]  }
0x2fd: {  	v41 =	vld [tilespmem:s22+$0xD200]  }
0x2fe: {  	v42 =	vld [tilespmem:s22+$0xD210]  }
0x2ff: {  	v43 =	vld [tilespmem:s22+$0xD220]  }
0x300: {  	v44 =	vld [tilespmem:s22+$0xD230]  }
0x301: {  	v45 =	vld [tilespmem:s22+$0xD240]  }
0x302: {  	v46 =	vld [tilespmem:s22+$0xD250]  }
.Ltmp1:
0x303: {  	v47 =	vld [tilespmem:s22+$0xD260];
	(pc) =	sbr.rel @p0 .LBB2_4-.Ltmp1, $4  }
0x304: {  	v48 =	vld [tilespmem:s22+$0xD600]  }
0x305: {  	v50 =	vld [tilespmem:s22+$0xD610]  }
0x306: {  	v49 =	vld [tilespmem:s22+$0x13610]  }
0x307: {  	s28 =	sadd.s32 $0x1, s28;
	v51 =	vld [tilespmem:s22+$0x13630]  }
0x308: {  	v52 =	vld [tilespmem:s22+$0xD630]  }
0x309: {  	v53 =	vld [tilespmem:s22+$0xD620];
	s24 =	sadd.s32 $0x80, s24  }
0x30a: {  	s30 =	sadd.s32 $0x80, s25;
	v32 =	vld [tilespmem:s24+$0x0]  }
0x30b: {  	v33 =	vld [tilespmem:s30+$0x0]  }
0x30c: {  	v54 =	vld [tilespmem:s22+$0x13620];
	_ =	sdelay $0x1  }
0x30d: {  	v55 =	vld [tilespmem:s22+$0x13600]  }
0x30e: {  	v56 =	vld [tilespmem:s22+$0xD270]  }
0x30f: {  	v58 =	vld [tilespmem:s22+$0x13260];
	v52 =	vmul.f32 v52, v32;
	v51 =	vmul.f32 v51, v33  }
0x310: {  	v57 =	vld [tilespmem:s22+$0x13270];
	v53 =	vmul.f32 v53, v32;
	v54 =	vmul.f32 v54, v33  }
0x311: {  	v59 =	vld [tilespmem:s22+$0x13250];
	v50 =	vmul.f32 v50, v32;
	v49 =	vmul.f32 v49, v33  }
0x312: {  	v60 =	vld [tilespmem:s22+$0x13240];
	v48 =	vmul.f32 v48, v32;
	v62 =	vmul.f32 v55, v33;
	v51 =	vadd.f32 v51, v52  }
0x313: {  	v61 =	vld [tilespmem:s22+$0x13220];
	v63 =	vmul.f32 v56, v32;
	v47 =	vmul.f32 v47, v32;
	v53 =	vadd.f32 v54, v53  }
0x314: {  	v58 =	vmul.f32 v58, v33;
	v55 =	vld [tilespmem:s22+$0x12660];
	v12 =	vmul.f32 v12, v32;
	v49 =	vadd.f32 v49, v50;
	[tilespmem:s22+$0xD630] =	vst v51  }
0x315: {  	v56 =	vld [tilespmem:s22+$0x12650];
	v11 =	vmul.f32 v11, v33;
	v10 =	vmul.f32 v10, v32;
	v48 =	vadd.f32 v62, v48;
	[tilespmem:s22+$0xD620] =	vst v53  }
0x316: {  	v9 =	vmul.f32 v9, v33;
	v8 =	vmul.f32 v8, v32;
	v52 =	vld [tilespmem:s22+$0x13230];
	v47 =	vadd.f32 v58, v47;
	[tilespmem:s22+$0xD610] =	vst v49  }
0x317: {  	v7 =	vmul.f32 v7, v33;
	v6 =	vmul.f32 v6, v32;
	v50 =	vld [tilespmem:s22+$0x13200];
	v11 =	vadd.f32 v11, v12;
	[tilespmem:s22+$0xD600] =	vst v48  }
0x318: {  	v5 =	vmul.f32 v5, v33;
	v3 =	vmul.f32 v3, v32;
	v58 =	vld [tilespmem:s22+$0x12E20];
	v9 =	vadd.f32 v9, v10;
	[tilespmem:s22+$0xD260] =	vst v47  }
0x319: {  	v4 =	vmul.f32 v4, v33;
	v62 =	vmul.f32 v59, v33;
	v59 =	vld [tilespmem:s22+$0x12E10];
	v7 =	vadd.f32 v7, v8;
	[tilespmem:s22+$0xC250] =	vst v11  }
0x31a: {  	v57 =	vmul.f32 v57, v33;
	v54 =	vld [tilespmem:s22+$0x12670];
	v5 =	vadd.f32 v5, v6;
	[tilespmem:s22+$0xC240] =	vst v9  }
0x31b: {  	v46 =	vmul.f32 v46, v32;
	v3 =	vadd.f32 v4, v3;
	v51 =	vld [tilespmem:s22+$0x13210];
	[tilespmem:s22+$0xC230] =	vst v7  }
0x31c: {  	v45 =	vmul.f32 v45, v32;
	v49 =	vld [tilespmem:s22+$0x12E70];
	v53 =	vadd.f32 v57, v63;
	v63 =	vmul.f32 v60, v33;
	[tilespmem:s22+$0xC220] =	vst v5  }
0x31d: {  	v43 =	vmul.f32 v43, v32;
	v48 =	vld [tilespmem:s22+$0x12E60];
	v46 =	vadd.f32 v62, v46;
	v57 =	vmul.f32 v61, v33;
	[tilespmem:s22+$0xC210] =	vst v3  }
0x31e: {  	v44 =	vmul.f32 v44, v32;
	v47 =	vld [tilespmem:s22+$0x12E40];
	[tilespmem:s22+$0xD270] =	vst v53;
	v45 =	vadd.f32 v63, v45;
	v52 =	vmul.f32 v52, v33  }
0x31f: {  	v41 =	vmul.f32 v41, v32;
	v60 =	vld [tilespmem:s22+$0x12E00];
	[tilespmem:s22+$0xD250] =	vst v46;
	v43 =	vadd.f32 v57, v43;
	v50 =	vmul.f32 v50, v33  }
0x320: {  	v35 =	vmul.f32 v35, v32;
	v61 =	vld [tilespmem:s22+$0x12A70];
	[tilespmem:s22+$0xD240] =	vst v45;
	v45 =	vmul.f32 v58, v33;
	v44 =	vadd.f32 v52, v44  }
0x321: {  	v42 =	vmul.f32 v42, v32;
	v53 =	vld [tilespmem:s22+$0x12E50];
	[tilespmem:s22+$0xD220] =	vst v43;
	v51 =	vmul.f32 v51, v33;
	v41 =	vadd.f32 v50, v41  }
0x322: {  	v40 =	vmul.f32 v40, v32;
	v46 =	vld [tilespmem:s22+$0x12E30];
	v49 =	vmul.f32 v49, v33;
	v35 =	vadd.f32 v45, v35;
	[tilespmem:s22+$0xD230] =	vst v44  }
0x323: {  	v39 =	vmul.f32 v39, v32;
	v62 =	vld [tilespmem:s22+$0x12A60];
	v48 =	vmul.f32 v48, v33;
	v42 =	vadd.f32 v51, v42;
	[tilespmem:s22+$0xD200] =	vst v41  }
0x324: {  	v37 =	vmul.f32 v37, v32;
	v57 =	vld [tilespmem:s22+$0x12640];
	v47 =	vmul.f32 v47, v33;
	v40 =	vadd.f32 v49, v40;
	[tilespmem:s22+$0xCE20] =	vst v35  }
0x325: {  	v31 =	vmul.f32 v31, v32;
	v58 =	vld [tilespmem:s22+$0x12630];
	v43 =	vmul.f32 v60, v33;
	v39 =	vadd.f32 v48, v39;
	[tilespmem:s22+$0xD210] =	vst v42  }
0x326: {  	v38 =	vmul.f32 v38, v32;
	v50 =	vld [tilespmem:s22+$0x12A30];
	v63 =	vmul.f32 v53, v33;
	v37 =	vadd.f32 v47, v37;
	[tilespmem:s22+$0xCE70] =	vst v40  }
0x327: {  	v36 =	vmul.f32 v36, v32;
	v60 =	vld [tilespmem:s22+$0x12610];
	v46 =	vmul.f32 v46, v33;
	v31 =	vadd.f32 v43, v31;
	[tilespmem:s22+$0xCE60] =	vst v39  }
0x328: {  	v34 =	vmul.f32 v34, v32;
	v52 =	vld [tilespmem:s22+$0x12A10];
	v44 =	vmul.f32 v59, v33;
	v38 =	vadd.f32 v63, v38;
	[tilespmem:s22+$0xCE40] =	vst v37  }
0x329: {  	v29 =	vmul.f32 v29, v32;
	v45 =	vld [tilespmem:s22+$0xD640];
	v41 =	vmul.f32 v62, v33;
	v36 =	vadd.f32 v46, v36;
	[tilespmem:s22+$0xCE00] =	vst v31  }
0x32a: {  	v21 =	vmul.f32 v21, v32;
	v48 =	vld [tilespmem:s22+$0x12A50];
	v62 =	vmul.f32 v55, v33;
	v34 =	vadd.f32 v44, v34;
	[tilespmem:s22+$0xCE50] =	vst v38  }
0x32b: {  	v30 =	vmul.f32 v30, v32;
	v49 =	vld [tilespmem:s22+$0x12A40];
	v42 =	vmul.f32 v61, v33;
	v29 =	vadd.f32 v41, v29;
	[tilespmem:s22+$0xCE30] =	vst v36  }
0x32c: {  	v16 =	vmul.f32 v16, v32;
	v51 =	vld [tilespmem:s22+$0x12A20];
	v21 =	vadd.f32 v62, v21;
	v41 =	vmul.f32 v60, v33;
	[tilespmem:s22+$0xCE10] =	vst v34  }
0x32d: {  	v26 =	vmul.f32 v26, v32;
	v53 =	vld [tilespmem:s22+$0x12A00];
	v30 =	vadd.f32 v42, v30;
	[tilespmem:s22+$0xCA60] =	vst v29;
	v38 =	vmul.f32 v50, v33  }
0x32e: {  	v24 =	vmul.f32 v24, v32;
	v59 =	vld [tilespmem:s22+$0x12620];
	v36 =	vmul.f32 v52, v33;
	[tilespmem:s22+$0xC660] =	vst v21;
	v16 =	vadd.f32 v41, v16  }
0x32f: {  	v22 =	vmul.f32 v22, v32;
	v43 =	vld [tilespmem:s22+$0x13670];
	v34 =	vmul.f32 v54, v33;
	[tilespmem:s22+$0xCA70] =	vst v30;
	v26 =	vadd.f32 v38, v26  }
0x330: {  	v28 =	vmul.f32 v28, v32;
	v61 =	vld [tilespmem:s22+$0x12600];
	v40 =	vmul.f32 v48, v33;
	v24 =	vadd.f32 v36, v24;
	[tilespmem:s22+$0xC610] =	vst v16  }
0x331: {  	v27 =	vmul.f32 v27, v32;
	v63 =	vld [tilespmem:s22+$0x12270];
	v39 =	vmul.f32 v49, v33;
	v22 =	vadd.f32 v34, v22;
	[tilespmem:s22+$0xCA30] =	vst v26  }
0x332: {  	v25 =	vmul.f32 v25, v32;
	v46 =	vld [tilespmem:s22+$0xD650];
	v37 =	vmul.f32 v51, v33;
	v28 =	vadd.f32 v40, v28;
	[tilespmem:s22+$0xCA10] =	vst v24  }
0x333: {  	v23 =	vmul.f32 v23, v32;
	v50 =	vld [tilespmem:s22+$0x12200];
	v35 =	vmul.f32 v53, v33;
	v27 =	vadd.f32 v39, v27;
	[tilespmem:s22+$0xC670] =	vst v22  }
0x334: {  	v20 =	vmul.f32 v20, v32;
	v48 =	vld [tilespmem:s22+$0xD660];
	v30 =	vmul.f32 v56, v33;
	v25 =	vadd.f32 v37, v25;
	[tilespmem:s22+$0xCA50] =	vst v28  }
0x335: {  	v19 =	vmul.f32 v19, v32;
	v51 =	vld [tilespmem:s22+$0xC200];
	v23 =	vadd.f32 v35, v23;
	v35 =	vmul.f32 v57, v33;
	[tilespmem:s22+$0xCA40] =	vst v27  }
0x336: {  	v18 =	vmul.f32 v18, v32;
	v34 =	vld [tilespmem:s22+$0x12260];
	v37 =	vmul.f32 v58, v33;
	v20 =	vadd.f32 v30, v20;
	[tilespmem:s22+$0xCA20] =	vst v25  }
0x337: {  	v17 =	vmul.f32 v17, v32;
	v36 =	vld [tilespmem:s22+$0x13640];
	v39 =	vmul.f32 v59, v33;
	[tilespmem:s22+$0xCA00] =	vst v23;
	v19 =	vadd.f32 v35, v19  }
0x338: {  	v15 =	vmul.f32 v15, v32;
	v38 =	vld [tilespmem:s22+$0x13650];
	v42 =	vmul.f32 v61, v33;
	v18 =	vadd.f32 v37, v18;
	[tilespmem:s22+$0xC650] =	vst v20  }
0x339: {  	v14 =	vmul.f32 v14, v32;
	v40 =	vld [tilespmem:s22+$0x13660];
	v44 =	vmul.f32 v63, v33;
	v17 =	vadd.f32 v39, v17;
	[tilespmem:s22+$0xC640] =	vst v19  }
0x33a: {  	v49 =	vld [tilespmem:s22+$0xD670];
	v15 =	vadd.f32 v42, v15;
	v10 =	vmul.f32 v50, v33;
	v61 =	vmul.f32 v51, v32;
	[tilespmem:s22+$0xC630] =	vst v18  }
0x33b: {  	v13 =	vmul.f32 v13, v32;
	v14 =	vadd.f32 v44, v14;
	[tilespmem:s22+$0xC620] =	vst v17;
	v47 =	vmul.f32 v34, v33  }
0x33c: {  	v52 =	vmul.f32 v45, v32;
	[tilespmem:s22+$0xC600] =	vst v15;
	v53 =	vmul.f32 v36, v33;
	v63 =	vadd.f32 v10, v61  }
0x33d: {  	v54 =	vmul.f32 v46, v32;
	[tilespmem:s22+$0xC270] =	vst v14;
	v55 =	vmul.f32 v38, v33;
	v13 =	vadd.f32 v47, v13  }
0x33e: {  	v56 =	vmul.f32 v48, v32;
	v58 =	vmul.f32 v40, v33;
	v57 =	vadd.f32 v53, v52;
	[tilespmem:s22+$0xC200] =	vst v63  }
0x33f: {  	v60 =	vmul.f32 v43, v33;
	v59 =	vmul.f32 v49, v32;
	v3 =	vadd.f32 v55, v54;
	[tilespmem:s22+$0xC260] =	vst v13  }
0x340: {  	v62 =	vadd.f32 v58, v56;
	[tilespmem:s22+$0xD640] =	vst v57  }
0x341: {  	[tilespmem:s22+$0xD650] =	vst v3;
	v3 =	vadd.f32 v60, v59  }
0x342: {  	[tilespmem:s22+$0xD660] =	vst v62  }
0x343: {  	s21 =	sadd.s32 $0x1, s21;
	[tilespmem:s22+$0xD670] =	vst v3  }
0x344: {  	[hbm4b:s15+s1] =	stream.linear.scatter [tilespmem:s18], [sflag:$0x5], $0x6000, $0x38;
	[tilespmem:$0x1C200] =	vst v63  }
0x345: {  	p0 =	sne.s32 s21, s16;
	_ =	swait.ge [sflag:s20], $0x6000  }
.Ltmp2:
0x346: {  	[sflag:s20] =	ssyncset.done $0x0;
	(pc) =	sbr.rel @p0 .LBB2_1-.Ltmp2, $4  }
0x347: {  	[sflag:s20] =	ssyncadd.s32 $0xFFFFA000  }
0x348: {  	_ =	swait.ge [sflag:s20], $0x6000  }
0x349: {  	[sflag:s20] =	ssyncset.done $0x0  }
0x34a: {  	[sflag:s20] =	ssyncadd.s32 $0xFFFFA000  }
0x34b: {  	_ =	sfence.sel $0x180000  }
0x34c: {  	[bflag:$0x0] =	sbarrier.arrive $0xFFFF  }
0x34d: {  	_ =	strace $0x9000004A  }
0x34e: {  	s0 =	stileid.u32;
	[bflag:$0x2] =	sbarrier.arrive $0xFFFF  }
0x34f: {  	p0 =	sne.s32 s0, $0x0;
	s0 =	rddreg [dreg:$0x2]  }
0x350: {  	s0 =	sadd.s32 @!p0 $0x100000, s0  }
0x351: {  	[sflag:s0] =	ssyncadd.tile.s32 @!p0 $0x1;
	_ =	shalt  }
.Lfunc_end2:
_tile_overlayer_lowered:
.L_overlay_start_2:
0x352: {  	(tag) =	ssettag $0x2  }
0x353: {  	s0 =	rddreg [dreg:$0x0];
	s2 =	stileid.u32  }
0x354: {  	s1 =	rddreg [dreg:$0x1];
	p0 =	sne.s32 s2, $0x0  }
0x355: {  	s3 =	rddreg [dreg:$0x2];
	[bflag:$0x3] =	sbarrier.arrive $0xFFFF;
	s2 =	simm.s32 @!p0 $0x1C06  }
0x356: {  	[timem:s3], [sflag:s2] =	dma.local @!p0 [hbm:s0], s1  }
0x357: {  	s0 =	simm.s32 @!p0 $0x6  }
0x358: {  	_ =	swait.ge @!p0 [sflag:s0], s1  }
0x359: {  	s1 =	ssub.s32 @!p0 $0x0, s1;
	[sflag:s0] =	ssyncset.done @!p0 $0x0  }
0x35a: {  	[sflag:s0] =	ssyncadd.s32 @!p0 s1  }
0x35b: {  	[bflag:$0x3] =	sbarrier.arrive $0xFFFF  }
0x35c: {  	_ =	shalt  }

</sc_bundles>
